<compile_context>
chip_gen: v7x
topology: tpu7x:2x2x1
jax: 0.10.2.dev20260603
libtpu: 0.0.44.dev20260713+nightly
codegen_flags: <defaults>
</compile_context>

<pallas_src>
import functools

import jax
import jax.numpy as jnp
from jax import lax
from jax.experimental import pallas as pl
from jax.experimental.pallas import tpu as pltpu
from jax.experimental.pallas import tpu_sc as plsc

B, L, DIM, S = 1024, 20, 64, 12
N_NODES = 1000000
PAD = 128
NW = 32
N_ITEMS = B * L
N_NBR = B * L * S
CHUNK = 128


EMB_C = 8192


def _emb_repack_body(in_ref, out_ref):
    x = in_ref[...]
    eye = (lax.broadcasted_iota(jnp.int32, (DIM, DIM), 0)
           == lax.broadcasted_iota(jnp.int32, (DIM, DIM), 1)).astype(jnp.float32)
    y = lax.dot_general(x, eye, (((0,), (0,)), ((), ())),
                        preferred_element_type=jnp.float32)
    y3 = y.reshape(EMB_C // 2, 2, DIM)
    out_ref[...] = jnp.concatenate([y3[:, 0, :], y3[:, 1, :]], axis=1)


def _emb_repack(emb_t):
    n = emb_t.shape[1]
    grid = (n + EMB_C - 1) // EMB_C
    return pl.pallas_call(
        _emb_repack_body,
        grid=(grid,),
        in_specs=[pl.BlockSpec((DIM, EMB_C), lambda i: (0, i))],
        out_specs=pl.BlockSpec((EMB_C // 2, 2 * DIM), lambda i: (i, 0)),
        out_shape=jax.ShapeDtypeStruct((n // 2, 2 * DIM), jnp.float32),
    )(emb_t)


def _worker_id():
    return lax.axis_index("s") * 2 + lax.axis_index("c")


def _stage1(items_flat, input_flat, emb_lin):
    per = N_ITEMS // NW
    nchunk = per // CHUNK
    mesh = plsc.VectorSubcoreMesh(core_axis_name="c", subcore_axis_name="s")

    @functools.partial(
        pl.kernel,
        out_type=(
            jax.ShapeDtypeStruct((N_ITEMS, PAD), jnp.float32),
            jax.ShapeDtypeStruct((N_ITEMS, PAD), jnp.float32),
        ),
        mesh=mesh,
        compiler_params=pltpu.CompilerParams(use_tc_tiling_on_sc=False, needs_layout_passes=False),
        scratch_types=[
            pltpu.VMEM((per,), jnp.int32),
            pltpu.VMEM((per,), jnp.int32),
            pltpu.VMEM((per, DIM), jnp.float32),
            pltpu.VMEM((per, DIM), jnp.float32),
            pltpu.SemaphoreType.DMA,
        ],
    )
    def k(items_hbm, input_hbm, emb_hbm,
          h_out, ie_out,
          idx_v, idx2_v, h_v, ie_v, sem):
        wid = _worker_id()
        base = pl.multiple_of(wid * per, 8)
        pltpu.sync_copy(items_hbm.at[pl.ds(base, per)], idx_v)
        pltpu.sync_copy(input_hbm.at[pl.ds(base, per)], idx2_v)
        copies = []
        for j in range(nchunk):
            sl = pl.ds(j * CHUNK, CHUNK)
            copies.append(pltpu.async_copy(emb_hbm.at[idx_v.at[sl]], h_v.at[sl], sem))
            copies.append(pltpu.async_copy(emb_hbm.at[idx2_v.at[sl]], ie_v.at[sl], sem))
        for c in copies:
            c.wait()
        osl = pl.ds(base, per)
        csl = pl.ds(0, DIM)
        pltpu.sync_copy(h_v, h_out.at[osl, csl])
        pltpu.sync_copy(ie_v, ie_out.at[osl, csl])

    return k(items_flat, input_flat, emb_lin)


def _stage2(nbr_idx2d, emb_lin):
    per = N_NBR // NW
    ni_per = N_ITEMS // NW
    rows_per_buf = 640
    nchunk = rows_per_buf // CHUNK
    nbuf_steps = per // rows_per_buf
    mesh = plsc.VectorSubcoreMesh(core_axis_name="c", subcore_axis_name="s")

    @functools.partial(
        pl.kernel,
        out_type=jax.ShapeDtypeStruct((N_NBR, PAD), jnp.float32),
        mesh=mesh,
        compiler_params=pltpu.CompilerParams(use_tc_tiling_on_sc=False, needs_layout_passes=False),
        scratch_types=[
            pltpu.VMEM((ni_per, S), jnp.int32),
            pltpu.VMEM((per,), jnp.int32),
            pltpu.VMEM((rows_per_buf, DIM), jnp.float32),
            pltpu.VMEM((rows_per_buf, DIM), jnp.float32),
            pltpu.SemaphoreType.DMA,
            pltpu.SemaphoreType.DMA,
        ],
    )
    def k(idx_hbm, emb_hbm, out_hbm, idx2d_v, idx_v, b0, b1, s0, s1):
        wid = _worker_id()
        base = pl.multiple_of(wid * per, 8)
        isl = pl.ds(pl.multiple_of(wid * ni_per, 8), ni_per)
        pltpu.sync_copy(idx_hbm.at[isl], idx2d_v)

        lane = jnp.arange(16, dtype=jnp.int32)

        def flatten_body(v, carry):
            fl = lane + v * 16
            ri = (fl * 2731) >> 15
            ci = fl - ri * S
            plsc.store_scatter(idx_v, [fl], plsc.load_gather(idx2d_v, [ri, ci]))
            return carry

        lax.fori_loop(0, per // 16, flatten_body, 0)
        csl = pl.ds(0, DIM)

        def body(i, carry):
            t0 = 2 * i
            t1 = 2 * i + 1
            o0 = pl.multiple_of(t0 * rows_per_buf, 8)
            o1 = pl.multiple_of(t1 * rows_per_buf, 8)
            c0 = []
            c1 = []
            for j in range(nchunk):
                sl = pl.ds(j * CHUNK, CHUNK)
                c0.append(pltpu.async_copy(
                    emb_hbm.at[idx_v.at[pl.ds(o0 + j * CHUNK, CHUNK)]], b0.at[sl], s0))
            for j in range(nchunk):
                sl = pl.ds(j * CHUNK, CHUNK)
                c1.append(pltpu.async_copy(
                    emb_hbm.at[idx_v.at[pl.ds(o1 + j * CHUNK, CHUNK)]], b1.at[sl], s1))
            for c in c0:
                c.wait()
            r0 = pl.ds(pl.multiple_of(base + o0, 8), rows_per_buf)
            pltpu.sync_copy(b0, out_hbm.at[r0, csl])
            for c in c1:
                c.wait()
            r1 = pl.ds(pl.multiple_of(base + o1, 8), rows_per_buf)
            pltpu.sync_copy(b1, out_hbm.at[r1, csl])
            return carry

        lax.fori_loop(0, nbuf_steps // 2, body, 0)

    return k(nbr_idx2d, emb_lin)


def _leaky(x):
    return jnp.where(x >= 0, x, 0.2 * x)


BB = 32


def _tc_body(h_ref, ie_ref, nv_ref, nw_ref, adj_ref, mf_ref, al_ref,
             a4_ref, w1a_ref, w1b_ref, w2_ref, w3a_ref, w3b_ref, bias_ref,
             out_ref):
    a4 = a4_ref[...]
    BL = BB * L
    h2 = h_ref[...][:, :DIM]

    neg = jnp.full((L, L), -9e15, jnp.float32)
    att_rows = []
    for b in range(BB):
        hb = h2[b * L:(b + 1) * L]
        adjb = adj_ref[b]
        m4 = (a4[:, None, :] * hb[None, :, :]).reshape(4 * L, DIM)
        e_all = _leaky(lax.dot_general(m4, hb, (((1,), (1,)), ((), ())),
                                       preferred_element_type=jnp.float32))
        att = jnp.where(adjb == 1, e_all[0:L], neg)
        att = jnp.where(adjb == 2, e_all[L:2 * L], att)
        att = jnp.where(adjb == 3, e_all[2 * L:3 * L], att)
        att = jnp.where(adjb == 4, e_all[3 * L:4 * L], att)
        mx = jnp.max(att, axis=-1, keepdims=True)
        p = jnp.exp(att - mx)
        att = p / jnp.sum(p, axis=-1, keepdims=True)
        if b == 0:
            row = jnp.concatenate([att, jnp.zeros((L, BL - L), jnp.float32)], axis=1)
        elif b == BB - 1:
            row = jnp.concatenate([jnp.zeros((L, BL - L), jnp.float32), att], axis=1)
        else:
            row = jnp.concatenate([jnp.zeros((L, b * L), jnp.float32), att,
                                   jnp.zeros((L, BL - (b + 1) * L), jnp.float32)], axis=1)
        att_rows.append(row)
    att_bd = jnp.concatenate(att_rows, axis=0)
    h_local = jnp.dot(att_bd, h2, preferred_element_type=jnp.float32)

    mf = mf_ref[...]
    ie3 = ie_ref[...][:, :DIM].reshape(BB, L, DIM)
    sess = jnp.sum(mf.reshape(BB, L, 1) * ie3, axis=1)
    sess = sess / jnp.sum(mf, axis=-1)

    nv = nv_ref[...][:, :DIM]
    q = (nv.reshape(BB, L * S, DIM) * sess[:, None, :]).reshape(BB * L * S, DIM)
    nw2 = nw_ref[...].reshape(BB * L * S, 1)
    t = _leaky(jnp.dot(q, w1a_ref[...], preferred_element_type=jnp.float32)
               + nw2 * w1b_ref[...])
    t3 = t.reshape(BL, S, DIM)
    nv3 = nv.reshape(BL, S, DIM)
    w2 = w2_ref[...]
    ag_cols = [jnp.sum(t3[:, s, :] * w2, axis=-1, keepdims=True)
               for s in range(S)]
    ag = jnp.concatenate(ag_cols, axis=1)
    mx2 = jnp.max(ag, axis=-1, keepdims=True)
    p2 = jnp.exp(ag - mx2)
    ag = p2 / jnp.sum(p2, axis=-1, keepdims=True)
    nbr_agg = ag[:, 0:1] * nv3[:, 0, :]
    for s in range(1, S):
        nbr_agg = nbr_agg + ag[:, s:s + 1] * nv3[:, s, :]

    out = (jnp.dot(h2, w3a_ref[...], preferred_element_type=jnp.float32)
           + jnp.dot(nbr_agg, w3b_ref[...], preferred_element_type=jnp.float32)
           + bias_ref[...])
    h_global = jnp.maximum(out, 0.0)
    comb = h_local + h_global

    al2 = al_ref[...].reshape(BL, 1)
    rows = lax.broadcasted_iota(jnp.int32, (BL, 1), 0)
    tgt = al2 + (rows // L) * L
    oh = (tgt == lax.broadcasted_iota(jnp.int32, (BL, BL), 1)).astype(jnp.float32)
    final = jnp.dot(oh, comb, preferred_element_type=jnp.float32)
    out_ref[...] = final.reshape(BB, L, DIM)


def _tc_compute(h, ie, nv, nw, adj, mf, al, a4, w1a, w1b, w2, w3a, w3b, bias,
                interpret=False):
    row2 = lambda i: (i, 0)
    row3 = lambda i: (i, 0, 0)
    zero2 = lambda i: (0, 0)
    return pl.pallas_call(
        _tc_body,
        grid=(B // BB,),
        in_specs=[
            pl.BlockSpec((BB * L, PAD), row2),
            pl.BlockSpec((BB * L, PAD), row2),
            pl.BlockSpec((BB * L * S, PAD), row2),
            pl.BlockSpec((BB, L * S, 1), row3),
            pl.BlockSpec((BB, L, L), row3),
            pl.BlockSpec((BB, 1, L), row3),
            pl.BlockSpec((BB, L, 1), row3),
            pl.BlockSpec((4, DIM), zero2),
            pl.BlockSpec((DIM, DIM), zero2),
            pl.BlockSpec((1, DIM), zero2),
            pl.BlockSpec((1, DIM), zero2),
            pl.BlockSpec((DIM, DIM), zero2),
            pl.BlockSpec((DIM, DIM), zero2),
            pl.BlockSpec((1, DIM), zero2),
        ],
        out_specs=pl.BlockSpec((BB, L, DIM), row3),
        out_shape=jax.ShapeDtypeStruct((B, L, DIM), jnp.float32),
        interpret=interpret,
    )(h, ie, nv, nw, adj, mf, al, a4, w1a, w1b, w2, w3a, w3b, bias)


def kernel(input_seq, mask, items_seq, adj_seq, alias_seq, emb_table,
           adj_global, num_global, a0, a1, a2, a3, g_w1, g_w2, g_w3, g_bias):
    idx = items_seq.reshape(N_ITEMS)
    emb_lin = _emb_repack(emb_table.T).reshape(N_NODES, DIM)
    h_pad, ie_pad = _stage1(idx, input_seq.reshape(N_ITEMS), emb_lin)
    nbr_items = jnp.take(adj_global, idx, axis=0, mode="clip")
    nbr_w = jnp.take(num_global, idx, axis=0, mode="clip")
    nv_pad = _stage2(nbr_items, emb_lin)

    nw = nbr_w.reshape(B, L * S, 1)
    mf = mask.astype(jnp.float32).reshape(B, 1, L)
    al = alias_seq.reshape(B, L, 1)
    a4 = jnp.concatenate([a0, a1, a2, a3], axis=1).T
    w1a = g_w1[:DIM]
    w1b = g_w1[DIM:DIM + 1]
    w2 = g_w2.T
    w3a = g_w3[:DIM]
    w3b = g_w3[DIM:]
    bias = g_bias.reshape(1, DIM)
    return _tc_compute(h_pad, ie_pad, nv_pad, nw, adj_seq, mf, al,
                       a4, w1a, w1b, w2, w3a, w3b, bias)

# --- scband reference (transcript-rebuilt; emitter-appended) ---
"""Pipeline reference for scband-gcegnn-72129680769645 (READ-ONLY COPY).

The authoritative reference and input builder live on the scoring server;
editing this copy changes nothing except your own understanding.
"""

import jax, jax.numpy as jnp
import numpy as np

B, L, DIM = 1024, 20, 64
N_NODES = 1000000
SAMPLE_NUM = 12


def _leaky(x):
    return jnp.where(x >= 0, x, 0.2 * x)


def _forward(emb_table, num_global, a0, a1, a2, a3, g_w1, g_w2, g_w3, g_bias,
             input_seq, items_seq, adj_seq, alias_seq, mask, adj_global):
    maskf = mask.astype(jnp.float32)
    # h_graph: single key (SEQUENCE) -> mean over one embedding = itself
    h = jnp.take(emb_table, items_seq, axis=0)  # [B, L, DIM]
    # LocalAggregator (GAT-style with 4 relation types encoded in adj values 1..4)
    a_input = h[:, :, None, :] * h[:, None, :, :]  # [B, L, L, DIM]
    e0 = _leaky(jnp.squeeze(a_input @ a0, -1))
    e1 = _leaky(jnp.squeeze(a_input @ a1, -1))
    e2 = _leaky(jnp.squeeze(a_input @ a2, -1))
    e3 = _leaky(jnp.squeeze(a_input @ a3, -1))
    neg = jnp.full_like(e0, -9e15)
    att = jnp.where(adj_seq == 1, e0, neg)
    att = jnp.where(adj_seq == 2, e1, att)
    att = jnp.where(adj_seq == 3, e2, att)
    att = jnp.where(adj_seq == 4, e3, att)
    att = jax.nn.softmax(att, axis=-1)
    h_local = att @ h  # dropout_local = 0 / eval mode
    # Global path: sample_neighbors = deterministic gather from precomputed tables
    idx = items_seq.reshape(-1)
    nbr_items = jnp.take(adj_global, idx, axis=0)[:, :SAMPLE_NUM].reshape(B, L * SAMPLE_NUM)
    nbr_weight = jnp.take(num_global, idx, axis=0)[:, :SAMPLE_NUM].reshape(B, L, SAMPLE_NUM)
    self_vec = h
    nbr_vec = jnp.take(emb_table, nbr_items, axis=0).reshape(B, L, SAMPLE_NUM, DIM)
    # session info
    item_emb = jnp.take(emb_table, input_seq, axis=0) * maskf[..., None]
    sess = jnp.sum(item_emb, axis=1) / jnp.sum(maskf, axis=-1, keepdims=True)
    extra = jnp.broadcast_to(sess[:, None, :], (B, L, DIM))
    # GlobalAggregator (n_iter = 1 hop)
    cat = jnp.concatenate([extra[:, :, None, :] * nbr_vec, nbr_weight[..., None]], axis=-1)  # [B,L,S,DIM+1]
    ag = _leaky(cat @ g_w1)
    ag = jnp.squeeze(ag @ g_w2, -1)  # [B,L,S]
    ag = jax.nn.softmax(ag, axis=-1)
    nbr_agg = jnp.sum(ag[..., None] * nbr_vec, axis=-2)  # [B,L,DIM]
    out = jnp.concatenate([self_vec, nbr_agg], axis=-1) @ g_w3
    h_global = jnp.maximum(out + g_bias, 0.0)  # act=relu, dropout_global = 0 / eval mode
    combine = h_local + h_global
    # alias re-indexing
    offset = L * jnp.arange(B, dtype=alias_seq.dtype)[:, None]
    flat = combine.reshape(B * L, DIM)
    return jnp.take(flat, (alias_seq + offset).reshape(-1), axis=0).reshape(B, L, DIM)


def setup_inputs(seed: int = 0):
    key = jax.random.key(seed)
    ks = jax.random.split(key, 16)
    stdv = 1.0 / np.sqrt(DIM)

    def unif(k, shape):
        return jax.random.uniform(k, shape, jnp.float32, -stdv, stdv)

    inp = {}
    inp['input_seq'] = jax.random.randint(ks[0], (B, L), 1, N_NODES)
    inp['mask'] = jnp.ones((B, L), dtype=bool)
    inp['items_seq'] = jax.random.randint(ks[1], (B, L), 1, N_NODES)
    inp['adj_seq'] = jax.random.randint(ks[2], (B, L, L), 0, 5)
    inp['alias_seq'] = jax.random.randint(ks[3], (B, L), 0, L)
    inp['emb_table'] = unif(ks[4], (N_NODES, DIM)).at[0].set(0.0)  # padding_idx=0
    inp['adj_global'] = jax.random.randint(ks[5], (N_NODES, SAMPLE_NUM), 0, N_NODES)
    inp['num_global'] = jax.random.uniform(ks[6], (N_NODES, SAMPLE_NUM), jnp.float32, 0.0, 1.0)
    inp['a0'] = unif(ks[7], (DIM, 1))
    inp['a1'] = unif(ks[8], (DIM, 1))
    inp['a2'] = unif(ks[9], (DIM, 1))
    inp['a3'] = unif(ks[10], (DIM, 1))
    inp['g_w1'] = unif(ks[11], (DIM + 1, DIM))
    inp['g_w2'] = unif(ks[12], (DIM, 1))
    inp['g_w3'] = unif(ks[13], (2 * DIM, DIM))
    inp['g_bias'] = jnp.zeros((DIM,), jnp.float32)
    return inp


def reference(input_seq, mask, items_seq, adj_seq, alias_seq, emb_table, adj_global, num_global, a0, a1, a2, a3, g_w1, g_w2, g_w3, g_bias):
    return _forward(emb_table, num_global, a0, a1, a2, a3, g_w1, g_w2, g_w3, g_bias,
                    input_seq, items_seq, adj_seq, alias_seq, mask, adj_global)

if __name__ == "__main__":
    import jax
    _d = setup_inputs()
    print(jax.jit(kernel)(*tuple(_d.values())))

</pallas_src>

<mosaic_0001>
#map = affine_map<(d0, d1) -> (0)>
#map1 = affine_map<(d0, d1) -> (0, 0)>
module attributes {stable_mosaic.version = 14 : i64} {
  func.func @k(%arg0: i32, %arg1: i32, %arg2: memref<20480xi32, #tpu.memory_space<hbm>>, %arg3: memref<20480xi32, #tpu.memory_space<hbm>>, %arg4: memref<1000000x64xf32, #tpu.memory_space<hbm>>, %arg5: memref<20480x128xf32, #tpu.memory_space<hbm>>, %arg6: memref<20480x128xf32, #tpu.memory_space<hbm>>, %arg7: memref<640xi32, #tpu.memory_space<vmem>>, %arg8: memref<640xi32, #tpu.memory_space<vmem>>, %arg9: memref<640x64xf32, #tpu.memory_space<vmem>>, %arg10: memref<640x64xf32, #tpu.memory_space<vmem>>, %arg11: memref<!tpu.dma_semaphore, #tpu.memory_space<semaphore_mem>>) attributes {dimension_semantics = [#tpu.dimension_semantics<core_parallel>, #tpu.dimension_semantics<subcore_parallel>], iteration_bounds = array<i64: 2, 16>, scalar_prefetch = 0 : i64, scratch_operands = 5 : i64, tpu.core_type = #tpu.core_type<sc_vector_subcore>, window_params = [{transform_indices = #map}, {transform_indices = #map}, {transform_indices = #map1}, {transform_indices = #map1}, {transform_indices = #map1}]} {
    %mul3A = arith.constant 2 : i32
    %mul3A_0 = arith.muli %arg1, %mul3A : i32
    %add3A = arith.addi %mul3A_0, %arg0 : i32
    %mul3A_1 = arith.constant 640 : i32
    %mul3A_2 = arith.muli %add3A, %mul3A_1 : i32
    %multiple_of3A = tpu.assume_multiple %mul3A_2, 8 : i32
    "tpu.region"() ({
      %run_scoped3A = tpu.sem_alloc : memref<!tpu.dma_semaphore, #tpu.memory_space<semaphore_mem>>
      %dma_start3A_161 = tpu.memref_slice %arg2[%multiple_of3A] : memref<20480xi32, #tpu.memory_space<hbm>> -> memref<640xi32, #tpu.memory_space<hbm>>
      %dma_start3A_162 = tpu.memref_slice %arg2[%multiple_of3A] : memref<20480xi32, #tpu.memory_space<hbm>> -> memref<640xi32, #tpu.memory_space<hbm>>
      tpu.enqueue_dma source(%dma_start3A_162 : memref<640xi32, #tpu.memory_space<hbm>>) target(%arg7 : memref<640xi32, #tpu.memory_space<vmem>>) target_semaphore(%run_scoped3A : memref<!tpu.dma_semaphore, #tpu.memory_space<semaphore_mem>>)
      %dma_wait3A_163 = tpu.memref_slice %arg2[%multiple_of3A] : memref<20480xi32, #tpu.memory_space<hbm>> -> memref<640xi32, #tpu.memory_space<hbm>>
      %dma_wait3A_164 = tpu.memref_slice %arg2[%multiple_of3A] : memref<20480xi32, #tpu.memory_space<hbm>> -> memref<640xi32, #tpu.memory_space<hbm>>
      tpu.wait_dma2 semaphore(%run_scoped3A : memref<!tpu.dma_semaphore, #tpu.memory_space<semaphore_mem>>) src(%dma_wait3A_164 : memref<640xi32, #tpu.memory_space<hbm>>) dst(%arg7 : memref<640xi32, #tpu.memory_space<vmem>>)
      tpu.yield
    }) : () -> ()
    "tpu.region"() ({
      %run_scoped3A = tpu.sem_alloc : memref<!tpu.dma_semaphore, #tpu.memory_space<semaphore_mem>>
      %dma_start3A_161 = tpu.memref_slice %arg3[%multiple_of3A] : memref<20480xi32, #tpu.memory_space<hbm>> -> memref<640xi32, #tpu.memory_space<hbm>>
      %dma_start3A_162 = tpu.memref_slice %arg3[%multiple_of3A] : memref<20480xi32, #tpu.memory_space<hbm>> -> memref<640xi32, #tpu.memory_space<hbm>>
      tpu.enqueue_dma source(%dma_start3A_162 : memref<640xi32, #tpu.memory_space<hbm>>) target(%arg8 : memref<640xi32, #tpu.memory_space<vmem>>) target_semaphore(%run_scoped3A : memref<!tpu.dma_semaphore, #tpu.memory_space<semaphore_mem>>)
      %dma_wait3A_163 = tpu.memref_slice %arg3[%multiple_of3A] : memref<20480xi32, #tpu.memory_space<hbm>> -> memref<640xi32, #tpu.memory_space<hbm>>
      %dma_wait3A_164 = tpu.memref_slice %arg3[%multiple_of3A] : memref<20480xi32, #tpu.memory_space<hbm>> -> memref<640xi32, #tpu.memory_space<hbm>>
      tpu.wait_dma2 semaphore(%run_scoped3A : memref<!tpu.dma_semaphore, #tpu.memory_space<semaphore_mem>>) src(%dma_wait3A_164 : memref<640xi32, #tpu.memory_space<hbm>>) dst(%arg8 : memref<640xi32, #tpu.memory_space<vmem>>)
      tpu.yield
    }) : () -> ()
    %dma_start3A = arith.constant 0 : i32
    %dma_start3A_3 = arith.constant 0 : i32
    %dma_start3A_4 = tpu.memref_slice %arg9[%dma_start3A, %dma_start3A_3] : memref<640x64xf32, #tpu.memory_space<vmem>> -> memref<128x64xf32, #tpu.memory_space<vmem>>
    %dma_start3A_5 = arith.constant 0 : i32
    %dma_start3A_6 = tpu.memref_slice %arg7[%dma_start3A_5] : memref<640xi32, #tpu.memory_space<vmem>> -> memref<128xi32, #tpu.memory_space<vmem>>
    %dma_start3A_7 = arith.constant 0 : i32
    %dma_start3A_8 = arith.constant 0 : i32
    %dma_start3A_9 = tpu.memref_slice %arg4[%dma_start3A_7, %dma_start3A_8] : memref<1000000x64xf32, #tpu.memory_space<hbm>> -> memref<1000000x64xf32, #tpu.memory_space<hbm>>
    tpu.enqueue_indirect_dma source(%dma_start3A_9 : memref<1000000x64xf32, #tpu.memory_space<hbm>>) target(%dma_start3A_4 : memref<128x64xf32, #tpu.memory_space<vmem>>) offsets(%dma_start3A_6 : memref<128xi32, #tpu.memory_space<vmem>>) semaphore(%arg11 : memref<!tpu.dma_semaphore, #tpu.memory_space<semaphore_mem>>)
    %dma_start3A_10 = arith.constant 0 : i32
    %dma_start3A_11 = arith.constant 0 : i32
    %dma_start3A_12 = tpu.memref_slice %arg10[%dma_start3A_10, %dma_start3A_11] : memref<640x64xf32, #tpu.memory_space<vmem>> -> memref<128x64xf32, #tpu.memory_space<vmem>>
    %dma_start3A_13 = arith.constant 0 : i32
    %dma_start3A_14 = tpu.memref_slice %arg8[%dma_start3A_13] : memref<640xi32, #tpu.memory_space<vmem>> -> memref<128xi32, #tpu.memory_space<vmem>>
    %dma_start3A_15 = arith.constant 0 : i32
    %dma_start3A_16 = arith.constant 0 : i32
    %dma_start3A_17 = tpu.memref_slice %arg4[%dma_start3A_15, %dma_start3A_16] : memref<1000000x64xf32, #tpu.memory_space<hbm>> -> memref<1000000x64xf32, #tpu.memory_space<hbm>>
    tpu.enqueue_indirect_dma source(%dma_start3A_17 : memref<1000000x64xf32, #tpu.memory_space<hbm>>) target(%dma_start3A_12 : memref<128x64xf32, #tpu.memory_space<vmem>>) offsets(%dma_start3A_14 : memref<128xi32, #tpu.memory_space<vmem>>) semaphore(%arg11 : memref<!tpu.dma_semaphore, #tpu.memory_space<semaphore_mem>>)
    %dma_start3A_18 = arith.constant 128 : i32
    %dma_start3A_19 = arith.constant 0 : i32
    %dma_start3A_20 = tpu.memref_slice %arg9[%dma_start3A_18, %dma_start3A_19] : memref<640x64xf32, #tpu.memory_space<vmem>> -> memref<128x64xf32, #tpu.memory_space<vmem>>
    %dma_start3A_21 = arith.constant 128 : i32
    %dma_start3A_22 = tpu.memref_slice %arg7[%dma_start3A_21] : memref<640xi32, #tpu.memory_space<vmem>> -> memref<128xi32, #tpu.memory_space<vmem>>
    %dma_start3A_23 = arith.constant 0 : i32
    %dma_start3A_24 = arith.constant 0 : i32
    %dma_start3A_25 = tpu.memref_slice %arg4[%dma_start3A_23, %dma_start3A_24] : memref<1000000x64xf32, #tpu.memory_space<hbm>> -> memref<1000000x64xf32, #tpu.memory_space<hbm>>
    tpu.enqueue_indirect_dma source(%dma_start3A_25 : memref<1000000x64xf32, #tpu.memory_space<hbm>>) target(%dma_start3A_20 : memref<128x64xf32, #tpu.memory_space<vmem>>) offsets(%dma_start3A_22 : memref<128xi32, #tpu.memory_space<vmem>>) semaphore(%arg11 : memref<!tpu.dma_semaphore, #tpu.memory_space<semaphore_mem>>)
    %dma_start3A_26 = arith.constant 128 : i32
    %dma_start3A_27 = arith.constant 0 : i32
    %dma_start3A_28 = tpu.memref_slice %arg10[%dma_start3A_26, %dma_start3A_27] : memref<640x64xf32, #tpu.memory_space<vmem>> -> memref<128x64xf32, #tpu.memory_space<vmem>>
    %dma_start3A_29 = arith.constant 128 : i32
    %dma_start3A_30 = tpu.memref_slice %arg8[%dma_start3A_29] : memref<640xi32, #tpu.memory_space<vmem>> -> memref<128xi32, #tpu.memory_space<vmem>>
    %dma_start3A_31 = arith.constant 0 : i32
    %dma_start3A_32 = arith.constant 0 : i32
    %dma_start3A_33 = tpu.memref_slice %arg4[%dma_start3A_31, %dma_start3A_32] : memref<1000000x64xf32, #tpu.memory_space<hbm>> -> memref<1000000x64xf32, #tpu.memory_space<hbm>>
    tpu.enqueue_indirect_dma source(%dma_start3A_33 : memref<1000000x64xf32, #tpu.memory_space<hbm>>) target(%dma_start3A_28 : memref<128x64xf32, #tpu.memory_space<vmem>>) offsets(%dma_start3A_30 : memref<128xi32, #tpu.memory_space<vmem>>) semaphore(%arg11 : memref<!tpu.dma_semaphore, #tpu.memory_space<semaphore_mem>>)
    %dma_start3A_34 = arith.constant 256 : i32
    %dma_start3A_35 = arith.constant 0 : i32
    %dma_start3A_36 = tpu.memref_slice %arg9[%dma_start3A_34, %dma_start3A_35] : memref<640x64xf32, #tpu.memory_space<vmem>> -> memref<128x64xf32, #tpu.memory_space<vmem>>
    %dma_start3A_37 = arith.constant 256 : i32
    %dma_start3A_38 = tpu.memref_slice %arg7[%dma_start3A_37] : memref<640xi32, #tpu.memory_space<vmem>> -> memref<128xi32, #tpu.memory_space<vmem>>
    %dma_start3A_39 = arith.constant 0 : i32
    %dma_start3A_40 = arith.constant 0 : i32
    %dma_start3A_41 = tpu.memref_slice %arg4[%dma_start3A_39, %dma_start3A_40] : memref<1000000x64xf32, #tpu.memory_space<hbm>> -> memref<1000000x64xf32, #tpu.memory_space<hbm>>
    tpu.enqueue_indirect_dma source(%dma_start3A_41 : memref<1000000x64xf32, #tpu.memory_space<hbm>>) target(%dma_start3A_36 : memref<128x64xf32, #tpu.memory_space<vmem>>) offsets(%dma_start3A_38 : memref<128xi32, #tpu.memory_space<vmem>>) semaphore(%arg11 : memref<!tpu.dma_semaphore, #tpu.memory_space<semaphore_mem>>)
    %dma_start3A_42 = arith.constant 256 : i32
    %dma_start3A_43 = arith.constant 0 : i32
    %dma_start3A_44 = tpu.memref_slice %arg10[%dma_start3A_42, %dma_start3A_43] : memref<640x64xf32, #tpu.memory_space<vmem>> -> memref<128x64xf32, #tpu.memory_space<vmem>>
    %dma_start3A_45 = arith.constant 256 : i32
    %dma_start3A_46 = tpu.memref_slice %arg8[%dma_start3A_45] : memref<640xi32, #tpu.memory_space<vmem>> -> memref<128xi32, #tpu.memory_space<vmem>>
    %dma_start3A_47 = arith.constant 0 : i32
    %dma_start3A_48 = arith.constant 0 : i32
    %dma_start3A_49 = tpu.memref_slice %arg4[%dma_start3A_47, %dma_start3A_48] : memref<1000000x64xf32, #tpu.memory_space<hbm>> -> memref<1000000x64xf32, #tpu.memory_space<hbm>>
    tpu.enqueue_indirect_dma source(%dma_start3A_49 : memref<1000000x64xf32, #tpu.memory_space<hbm>>) target(%dma_start3A_44 : memref<128x64xf32, #tpu.memory_space<vmem>>) offsets(%dma_start3A_46 : memref<128xi32, #tpu.memory_space<vmem>>) semaphore(%arg11 : memref<!tpu.dma_semaphore, #tpu.memory_space<semaphore_mem>>)
    %dma_start3A_50 = arith.constant 384 : i32
    %dma_start3A_51 = arith.constant 0 : i32
    %dma_start3A_52 = tpu.memref_slice %arg9[%dma_start3A_50, %dma_start3A_51] : memref<640x64xf32, #tpu.memory_space<vmem>> -> memref<128x64xf32, #tpu.memory_space<vmem>>
    %dma_start3A_53 = arith.constant 384 : i32
    %dma_start3A_54 = tpu.memref_slice %arg7[%dma_start3A_53] : memref<640xi32, #tpu.memory_space<vmem>> -> memref<128xi32, #tpu.memory_space<vmem>>
    %dma_start3A_55 = arith.constant 0 : i32
    %dma_start3A_56 = arith.constant 0 : i32
    %dma_start3A_57 = tpu.memref_slice %arg4[%dma_start3A_55, %dma_start3A_56] : memref<1000000x64xf32, #tpu.memory_space<hbm>> -> memref<1000000x64xf32, #tpu.memory_space<hbm>>
    tpu.enqueue_indirect_dma source(%dma_start3A_57 : memref<1000000x64xf32, #tpu.memory_space<hbm>>) target(%dma_start3A_52 : memref<128x64xf32, #tpu.memory_space<vmem>>) offsets(%dma_start3A_54 : memref<128xi32, #tpu.memory_space<vmem>>) semaphore(%arg11 : memref<!tpu.dma_semaphore, #tpu.memory_space<semaphore_mem>>)
    %dma_start3A_58 = arith.constant 384 : i32
    %dma_start3A_59 = arith.constant 0 : i32
    %dma_start3A_60 = tpu.memref_slice %arg10[%dma_start3A_58, %dma_start3A_59] : memref<640x64xf32, #tpu.memory_space<vmem>> -> memref<128x64xf32, #tpu.memory_space<vmem>>
    %dma_start3A_61 = arith.constant 384 : i32
    %dma_start3A_62 = tpu.memref_slice %arg8[%dma_start3A_61] : memref<640xi32, #tpu.memory_space<vmem>> -> memref<128xi32, #tpu.memory_space<vmem>>
    %dma_start3A_63 = arith.constant 0 : i32
    %dma_start3A_64 = arith.constant 0 : i32
    %dma_start3A_65 = tpu.memref_slice %arg4[%dma_start3A_63, %dma_start3A_64] : memref<1000000x64xf32, #tpu.memory_space<hbm>> -> memref<1000000x64xf32, #tpu.memory_space<hbm>>
    tpu.enqueue_indirect_dma source(%dma_start3A_65 : memref<1000000x64xf32, #tpu.memory_space<hbm>>) target(%dma_start3A_60 : memref<128x64xf32, #tpu.memory_space<vmem>>) offsets(%dma_start3A_62 : memref<128xi32, #tpu.memory_space<vmem>>) semaphore(%arg11 : memref<!tpu.dma_semaphore, #tpu.memory_space<semaphore_mem>>)
    %dma_start3A_66 = arith.constant 512 : i32
    %dma_start3A_67 = arith.constant 0 : i32
    %dma_start3A_68 = tpu.memref_slice %arg9[%dma_start3A_66, %dma_start3A_67] : memref<640x64xf32, #tpu.memory_space<vmem>> -> memref<128x64xf32, #tpu.memory_space<vmem>>
    %dma_start3A_69 = arith.constant 512 : i32
    %dma_start3A_70 = tpu.memref_slice %arg7[%dma_start3A_69] : memref<640xi32, #tpu.memory_space<vmem>> -> memref<128xi32, #tpu.memory_space<vmem>>
    %dma_start3A_71 = arith.constant 0 : i32
    %dma_start3A_72 = arith.constant 0 : i32
    %dma_start3A_73 = tpu.memref_slice %arg4[%dma_start3A_71, %dma_start3A_72] : memref<1000000x64xf32, #tpu.memory_space<hbm>> -> memref<1000000x64xf32, #tpu.memory_space<hbm>>
    tpu.enqueue_indirect_dma source(%dma_start3A_73 : memref<1000000x64xf32, #tpu.memory_space<hbm>>) target(%dma_start3A_68 : memref<128x64xf32, #tpu.memory_space<vmem>>) offsets(%dma_start3A_70 : memref<128xi32, #tpu.memory_space<vmem>>) semaphore(%arg11 : memref<!tpu.dma_semaphore, #tpu.memory_space<semaphore_mem>>)
    %dma_start3A_74 = arith.constant 512 : i32
    %dma_start3A_75 = arith.constant 0 : i32
    %dma_start3A_76 = tpu.memref_slice %arg10[%dma_start3A_74, %dma_start3A_75] : memref<640x64xf32, #tpu.memory_space<vmem>> -> memref<128x64xf32, #tpu.memory_space<vmem>>
    %dma_start3A_77 = arith.constant 512 : i32
    %dma_start3A_78 = tpu.memref_slice %arg8[%dma_start3A_77] : memref<640xi32, #tpu.memory_space<vmem>> -> memref<128xi32, #tpu.memory_space<vmem>>
    %dma_start3A_79 = arith.constant 0 : i32
    %dma_start3A_80 = arith.constant 0 : i32
    %dma_start3A_81 = tpu.memref_slice %arg4[%dma_start3A_79, %dma_start3A_80] : memref<1000000x64xf32, #tpu.memory_space<hbm>> -> memref<1000000x64xf32, #tpu.memory_space<hbm>>
    tpu.enqueue_indirect_dma source(%dma_start3A_81 : memref<1000000x64xf32, #tpu.memory_space<hbm>>) target(%dma_start3A_76 : memref<128x64xf32, #tpu.memory_space<vmem>>) offsets(%dma_start3A_78 : memref<128xi32, #tpu.memory_space<vmem>>) semaphore(%arg11 : memref<!tpu.dma_semaphore, #tpu.memory_space<semaphore_mem>>)
    %dma_wait3A = arith.constant 0 : i32
    %dma_wait3A_82 = arith.constant 0 : i32
    %dma_wait3A_83 = tpu.memref_slice %arg9[%dma_wait3A, %dma_wait3A_82] : memref<640x64xf32, #tpu.memory_space<vmem>> -> memref<128x64xf32, #tpu.memory_space<vmem>>
    %dma_wait3A_84 = arith.constant 0 : i32
    %dma_wait3A_85 = tpu.memref_slice %arg7[%dma_wait3A_84] : memref<640xi32, #tpu.memory_space<vmem>> -> memref<128xi32, #tpu.memory_space<vmem>>
    %dma_wait3A_86 = arith.constant 0 : i32
    %dma_wait3A_87 = arith.constant 0 : i32
    %dma_wait3A_88 = tpu.memref_slice %arg4[%dma_wait3A_86, %dma_wait3A_87] : memref<1000000x64xf32, #tpu.memory_space<hbm>> -> memref<1000000x64xf32, #tpu.memory_space<hbm>>
    tpu.wait_indirect_dma semaphore(%arg11 : memref<!tpu.dma_semaphore, #tpu.memory_space<semaphore_mem>>) src(%dma_wait3A_88 : memref<1000000x64xf32, #tpu.memory_space<hbm>>) dst(%dma_wait3A_83 : memref<128x64xf32, #tpu.memory_space<vmem>>)
    %dma_wait3A_89 = arith.constant 0 : i32
    %dma_wait3A_90 = arith.constant 0 : i32
    %dma_wait3A_91 = tpu.memref_slice %arg10[%dma_wait3A_89, %dma_wait3A_90] : memref<640x64xf32, #tpu.memory_space<vmem>> -> memref<128x64xf32, #tpu.memory_space<vmem>>
    %dma_wait3A_92 = arith.constant 0 : i32
    %dma_wait3A_93 = tpu.memref_slice %arg8[%dma_wait3A_92] : memref<640xi32, #tpu.memory_space<vmem>> -> memref<128xi32, #tpu.memory_space<vmem>>
    %dma_wait3A_94 = arith.constant 0 : i32
    %dma_wait3A_95 = arith.constant 0 : i32
    %dma_wait3A_96 = tpu.memref_slice %arg4[%dma_wait3A_94, %dma_wait3A_95] : memref<1000000x64xf32, #tpu.memory_space<hbm>> -> memref<1000000x64xf32, #tpu.memory_space<hbm>>
    tpu.wait_indirect_dma semaphore(%arg11 : memref<!tpu.dma_semaphore, #tpu.memory_space<semaphore_mem>>) src(%dma_wait3A_96 : memref<1000000x64xf32, #tpu.memory_space<hbm>>) dst(%dma_wait3A_91 : memref<128x64xf32, #tpu.memory_space<vmem>>)
    %dma_wait3A_97 = arith.constant 128 : i32
    %dma_wait3A_98 = arith.constant 0 : i32
    %dma_wait3A_99 = tpu.memref_slice %arg9[%dma_wait3A_97, %dma_wait3A_98] : memref<640x64xf32, #tpu.memory_space<vmem>> -> memref<128x64xf32, #tpu.memory_space<vmem>>
    %dma_wait3A_100 = arith.constant 128 : i32
    %dma_wait3A_101 = tpu.memref_slice %arg7[%dma_wait3A_100] : memref<640xi32, #tpu.memory_space<vmem>> -> memref<128xi32, #tpu.memory_space<vmem>>
    %dma_wait3A_102 = arith.constant 0 : i32
    %dma_wait3A_103 = arith.constant 0 : i32
    %dma_wait3A_104 = tpu.memref_slice %arg4[%dma_wait3A_102, %dma_wait3A_103] : memref<1000000x64xf32, #tpu.memory_space<hbm>> -> memref<1000000x64xf32, #tpu.memory_space<hbm>>
    tpu.wait_indirect_dma semaphore(%arg11 : memref<!tpu.dma_semaphore, #tpu.memory_space<semaphore_mem>>) src(%dma_wait3A_104 : memref<1000000x64xf32, #tpu.memory_space<hbm>>) dst(%dma_wait3A_99 : memref<128x64xf32, #tpu.memory_space<vmem>>)
    %dma_wait3A_105 = arith.constant 128 : i32
    %dma_wait3A_106 = arith.constant 0 : i32
    %dma_wait3A_107 = tpu.memref_slice %arg10[%dma_wait3A_105, %dma_wait3A_106] : memref<640x64xf32, #tpu.memory_space<vmem>> -> memref<128x64xf32, #tpu.memory_space<vmem>>
    %dma_wait3A_108 = arith.constant 128 : i32
    %dma_wait3A_109 = tpu.memref_slice %arg8[%dma_wait3A_108] : memref<640xi32, #tpu.memory_space<vmem>> -> memref<128xi32, #tpu.memory_space<vmem>>
    %dma_wait3A_110 = arith.constant 0 : i32
    %dma_wait3A_111 = arith.constant 0 : i32
    %dma_wait3A_112 = tpu.memref_slice %arg4[%dma_wait3A_110, %dma_wait3A_111] : memref<1000000x64xf32, #tpu.memory_space<hbm>> -> memref<1000000x64xf32, #tpu.memory_space<hbm>>
    tpu.wait_indirect_dma semaphore(%arg11 : memref<!tpu.dma_semaphore, #tpu.memory_space<semaphore_mem>>) src(%dma_wait3A_112 : memref<1000000x64xf32, #tpu.memory_space<hbm>>) dst(%dma_wait3A_107 : memref<128x64xf32, #tpu.memory_space<vmem>>)
    %dma_wait3A_113 = arith.constant 256 : i32
    %dma_wait3A_114 = arith.constant 0 : i32
    %dma_wait3A_115 = tpu.memref_slice %arg9[%dma_wait3A_113, %dma_wait3A_114] : memref<640x64xf32, #tpu.memory_space<vmem>> -> memref<128x64xf32, #tpu.memory_space<vmem>>
    %dma_wait3A_116 = arith.constant 256 : i32
    %dma_wait3A_117 = tpu.memref_slice %arg7[%dma_wait3A_116] : memref<640xi32, #tpu.memory_space<vmem>> -> memref<128xi32, #tpu.memory_space<vmem>>
    %dma_wait3A_118 = arith.constant 0 : i32
    %dma_wait3A_119 = arith.constant 0 : i32
    %dma_wait3A_120 = tpu.memref_slice %arg4[%dma_wait3A_118, %dma_wait3A_119] : memref<1000000x64xf32, #tpu.memory_space<hbm>> -> memref<1000000x64xf32, #tpu.memory_space<hbm>>
    tpu.wait_indirect_dma semaphore(%arg11 : memref<!tpu.dma_semaphore, #tpu.memory_space<semaphore_mem>>) src(%dma_wait3A_120 : memref<1000000x64xf32, #tpu.memory_space<hbm>>) dst(%dma_wait3A_115 : memref<128x64xf32, #tpu.memory_space<vmem>>)
    %dma_wait3A_121 = arith.constant 256 : i32
    %dma_wait3A_122 = arith.constant 0 : i32
    %dma_wait3A_123 = tpu.memref_slice %arg10[%dma_wait3A_121, %dma_wait3A_122] : memref<640x64xf32, #tpu.memory_space<vmem>> -> memref<128x64xf32, #tpu.memory_space<vmem>>
    %dma_wait3A_124 = arith.constant 256 : i32
    %dma_wait3A_125 = tpu.memref_slice %arg8[%dma_wait3A_124] : memref<640xi32, #tpu.memory_space<vmem>> -> memref<128xi32, #tpu.memory_space<vmem>>
    %dma_wait3A_126 = arith.constant 0 : i32
    %dma_wait3A_127 = arith.constant 0 : i32
    %dma_wait3A_128 = tpu.memref_slice %arg4[%dma_wait3A_126, %dma_wait3A_127] : memref<1000000x64xf32, #tpu.memory_space<hbm>> -> memref<1000000x64xf32, #tpu.memory_space<hbm>>
    tpu.wait_indirect_dma semaphore(%arg11 : memref<!tpu.dma_semaphore, #tpu.memory_space<semaphore_mem>>) src(%dma_wait3A_128 : memref<1000000x64xf32, #tpu.memory_space<hbm>>) dst(%dma_wait3A_123 : memref<128x64xf32, #tpu.memory_space<vmem>>)
    %dma_wait3A_129 = arith.constant 384 : i32
    %dma_wait3A_130 = arith.constant 0 : i32
    %dma_wait3A_131 = tpu.memref_slice %arg9[%dma_wait3A_129, %dma_wait3A_130] : memref<640x64xf32, #tpu.memory_space<vmem>> -> memref<128x64xf32, #tpu.memory_space<vmem>>
    %dma_wait3A_132 = arith.constant 384 : i32
    %dma_wait3A_133 = tpu.memref_slice %arg7[%dma_wait3A_132] : memref<640xi32, #tpu.memory_space<vmem>> -> memref<128xi32, #tpu.memory_space<vmem>>
    %dma_wait3A_134 = arith.constant 0 : i32
    %dma_wait3A_135 = arith.constant 0 : i32
    %dma_wait3A_136 = tpu.memref_slice %arg4[%dma_wait3A_134, %dma_wait3A_135] : memref<1000000x64xf32, #tpu.memory_space<hbm>> -> memref<1000000x64xf32, #tpu.memory_space<hbm>>
    tpu.wait_indirect_dma semaphore(%arg11 : memref<!tpu.dma_semaphore, #tpu.memory_space<semaphore_mem>>) src(%dma_wait3A_136 : memref<1000000x64xf32, #tpu.memory_space<hbm>>) dst(%dma_wait3A_131 : memref<128x64xf32, #tpu.memory_space<vmem>>)
    %dma_wait3A_137 = arith.constant 384 : i32
    %dma_wait3A_138 = arith.constant 0 : i32
    %dma_wait3A_139 = tpu.memref_slice %arg10[%dma_wait3A_137, %dma_wait3A_138] : memref<640x64xf32, #tpu.memory_space<vmem>> -> memref<128x64xf32, #tpu.memory_space<vmem>>
    %dma_wait3A_140 = arith.constant 384 : i32
    %dma_wait3A_141 = tpu.memref_slice %arg8[%dma_wait3A_140] : memref<640xi32, #tpu.memory_space<vmem>> -> memref<128xi32, #tpu.memory_space<vmem>>
    %dma_wait3A_142 = arith.constant 0 : i32
    %dma_wait3A_143 = arith.constant 0 : i32
    %dma_wait3A_144 = tpu.memref_slice %arg4[%dma_wait3A_142, %dma_wait3A_143] : memref<1000000x64xf32, #tpu.memory_space<hbm>> -> memref<1000000x64xf32, #tpu.memory_space<hbm>>
    tpu.wait_indirect_dma semaphore(%arg11 : memref<!tpu.dma_semaphore, #tpu.memory_space<semaphore_mem>>) src(%dma_wait3A_144 : memref<1000000x64xf32, #tpu.memory_space<hbm>>) dst(%dma_wait3A_139 : memref<128x64xf32, #tpu.memory_space<vmem>>)
    %dma_wait3A_145 = arith.constant 512 : i32
    %dma_wait3A_146 = arith.constant 0 : i32
    %dma_wait3A_147 = tpu.memref_slice %arg9[%dma_wait3A_145, %dma_wait3A_146] : memref<640x64xf32, #tpu.memory_space<vmem>> -> memref<128x64xf32, #tpu.memory_space<vmem>>
    %dma_wait3A_148 = arith.constant 512 : i32
    %dma_wait3A_149 = tpu.memref_slice %arg7[%dma_wait3A_148] : memref<640xi32, #tpu.memory_space<vmem>> -> memref<128xi32, #tpu.memory_space<vmem>>
    %dma_wait3A_150 = arith.constant 0 : i32
    %dma_wait3A_151 = arith.constant 0 : i32
    %dma_wait3A_152 = tpu.memref_slice %arg4[%dma_wait3A_150, %dma_wait3A_151] : memref<1000000x64xf32, #tpu.memory_space<hbm>> -> memref<1000000x64xf32, #tpu.memory_space<hbm>>
    tpu.wait_indirect_dma semaphore(%arg11 : memref<!tpu.dma_semaphore, #tpu.memory_space<semaphore_mem>>) src(%dma_wait3A_152 : memref<1000000x64xf32, #tpu.memory_space<hbm>>) dst(%dma_wait3A_147 : memref<128x64xf32, #tpu.memory_space<vmem>>)
    %dma_wait3A_153 = arith.constant 512 : i32
    %dma_wait3A_154 = arith.constant 0 : i32
    %dma_wait3A_155 = tpu.memref_slice %arg10[%dma_wait3A_153, %dma_wait3A_154] : memref<640x64xf32, #tpu.memory_space<vmem>> -> memref<128x64xf32, #tpu.memory_space<vmem>>
    %dma_wait3A_156 = arith.constant 512 : i32
    %dma_wait3A_157 = tpu.memref_slice %arg8[%dma_wait3A_156] : memref<640xi32, #tpu.memory_space<vmem>> -> memref<128xi32, #tpu.memory_space<vmem>>
    %dma_wait3A_158 = arith.constant 0 : i32
    %dma_wait3A_159 = arith.constant 0 : i32
    %dma_wait3A_160 = tpu.memref_slice %arg4[%dma_wait3A_158, %dma_wait3A_159] : memref<1000000x64xf32, #tpu.memory_space<hbm>> -> memref<1000000x64xf32, #tpu.memory_space<hbm>>
    tpu.wait_indirect_dma semaphore(%arg11 : memref<!tpu.dma_semaphore, #tpu.memory_space<semaphore_mem>>) src(%dma_wait3A_160 : memref<1000000x64xf32, #tpu.memory_space<hbm>>) dst(%dma_wait3A_155 : memref<128x64xf32, #tpu.memory_space<vmem>>)
    "tpu.region"() ({
      %run_scoped3A = tpu.sem_alloc : memref<!tpu.dma_semaphore, #tpu.memory_space<semaphore_mem>>
      %dma_start3A_161 = arith.constant 0 : i32
      %dma_start3A_162 = tpu.memref_slice %arg5[%multiple_of3A, %dma_start3A_161] : memref<20480x128xf32, #tpu.memory_space<hbm>> -> memref<640x64xf32, #tpu.memory_space<hbm>>
      %dma_start3A_163 = arith.constant 0 : i32
      %dma_start3A_164 = tpu.memref_slice %arg5[%multiple_of3A, %dma_start3A_163] : memref<20480x128xf32, #tpu.memory_space<hbm>> -> memref<640x64xf32, #tpu.memory_space<hbm>>
      tpu.enqueue_dma source(%arg9 : memref<640x64xf32, #tpu.memory_space<vmem>>) target(%dma_start3A_164 : memref<640x64xf32, #tpu.memory_space<hbm>>) target_semaphore(%run_scoped3A : memref<!tpu.dma_semaphore, #tpu.memory_space<semaphore_mem>>)
      %dma_wait3A_165 = arith.constant 0 : i32
      %dma_wait3A_166 = tpu.memref_slice %arg5[%multiple_of3A, %dma_wait3A_165] : memref<20480x128xf32, #tpu.memory_space<hbm>> -> memref<640x64xf32, #tpu.memory_space<hbm>>
      %dma_wait3A_167 = arith.constant 0 : i32
      %dma_wait3A_168 = tpu.memref_slice %arg5[%multiple_of3A, %dma_wait3A_167] : memref<20480x128xf32, #tpu.memory_space<hbm>> -> memref<640x64xf32, #tpu.memory_space<hbm>>
      tpu.wait_dma2 semaphore(%run_scoped3A : memref<!tpu.dma_semaphore, #tpu.memory_space<semaphore_mem>>) src(%arg9 : memref<640x64xf32, #tpu.memory_space<vmem>>) dst(%dma_wait3A_168 : memref<640x64xf32, #tpu.memory_space<hbm>>)
      tpu.yield
    }) : () -> ()
    "tpu.region"() ({
      %run_scoped3A = tpu.sem_alloc : memref<!tpu.dma_semaphore, #tpu.memory_space<semaphore_mem>>
      %dma_start3A_161 = arith.constant 0 : i32
      %dma_start3A_162 = tpu.memref_slice %arg6[%multiple_of3A, %dma_start3A_161] : memref<20480x128xf32, #tpu.memory_space<hbm>> -> memref<640x64xf32, #tpu.memory_space<hbm>>
      %dma_start3A_163 = arith.constant 0 : i32
      %dma_start3A_164 = tpu.memref_slice %arg6[%multiple_of3A, %dma_start3A_163] : memref<20480x128xf32, #tpu.memory_space<hbm>> -> memref<640x64xf32, #tpu.memory_space<hbm>>
      tpu.enqueue_dma source(%arg10 : memref<640x64xf32, #tpu.memory_space<vmem>>) target(%dma_start3A_164 : memref<640x64xf32, #tpu.memory_space<hbm>>) target_semaphore(%run_scoped3A : memref<!tpu.dma_semaphore, #tpu.memory_space<semaphore_mem>>)
      %dma_wait3A_165 = arith.constant 0 : i32
      %dma_wait3A_166 = tpu.memref_slice %arg6[%multiple_of3A, %dma_wait3A_165] : memref<20480x128xf32, #tpu.memory_space<hbm>> -> memref<640x64xf32, #tpu.memory_space<hbm>>
      %dma_wait3A_167 = arith.constant 0 : i32
      %dma_wait3A_168 = tpu.memref_slice %arg6[%multiple_of3A, %dma_wait3A_167] : memref<20480x128xf32, #tpu.memory_space<hbm>> -> memref<640x64xf32, #tpu.memory_space<hbm>>
      tpu.wait_dma2 semaphore(%run_scoped3A : memref<!tpu.dma_semaphore, #tpu.memory_space<semaphore_mem>>) src(%arg10 : memref<640x64xf32, #tpu.memory_space<vmem>>) dst(%dma_wait3A_168 : memref<640x64xf32, #tpu.memory_space<hbm>>)
      tpu.yield
    }) : () -> ()
    return
  }
}

#map = affine_map<(d0, d1) -> (0, 0)>
module attributes {stable_mosaic.version = 14 : i64} {
  func.func @k(%arg0: i32, %arg1: i32, %arg2: memref<20480x12xi32, #tpu.memory_space<hbm>>, %arg3: memref<1000000x64xf32, #tpu.memory_space<hbm>>, %arg4: memref<245760x128xf32, #tpu.memory_space<hbm>>, %arg5: memref<640x12xi32, #tpu.memory_space<vmem>>, %arg6: memref<7680xi32, #tpu.memory_space<vmem>>, %arg7: memref<640x64xf32, #tpu.memory_space<vmem>>, %arg8: memref<640x64xf32, #tpu.memory_space<vmem>>, %arg9: memref<!tpu.dma_semaphore, #tpu.memory_space<semaphore_mem>>, %arg10: memref<!tpu.dma_semaphore, #tpu.memory_space<semaphore_mem>>) attributes {dimension_semantics = [#tpu.dimension_semantics<core_parallel>, #tpu.dimension_semantics<subcore_parallel>], iteration_bounds = array<i64: 2, 16>, scalar_prefetch = 0 : i64, scratch_operands = 6 : i64, tpu.core_type = #tpu.core_type<sc_vector_subcore>, window_params = [{transform_indices = #map}, {transform_indices = #map}, {transform_indices = #map}]} {
    %mul3A = arith.constant 2 : i32
    %mul3A_0 = arith.muli %arg1, %mul3A : i32
    %add3A = arith.addi %mul3A_0, %arg0 : i32
    %mul3A_1 = arith.constant 7680 : i32
    %mul3A_2 = arith.muli %add3A, %mul3A_1 : i32
    %multiple_of3A = tpu.assume_multiple %mul3A_2, 8 : i32
    %mul3A_3 = arith.constant 640 : i32
    %mul3A_4 = arith.muli %add3A, %mul3A_3 : i32
    %multiple_of3A_5 = tpu.assume_multiple %mul3A_4, 8 : i32
    "tpu.region"() ({
      %run_scoped3A = tpu.sem_alloc : memref<!tpu.dma_semaphore, #tpu.memory_space<semaphore_mem>>
      %dma_start3A = arith.constant 0 : i32
      %dma_start3A_17 = tpu.memref_slice %arg2[%multiple_of3A_5, %dma_start3A] : memref<20480x12xi32, #tpu.memory_space<hbm>> -> memref<640x12xi32, #tpu.memory_space<hbm>>
      %dma_start3A_18 = arith.constant 0 : i32
      %dma_start3A_19 = tpu.memref_slice %arg2[%multiple_of3A_5, %dma_start3A_18] : memref<20480x12xi32, #tpu.memory_space<hbm>> -> memref<640x12xi32, #tpu.memory_space<hbm>>
      tpu.enqueue_dma source(%dma_start3A_19 : memref<640x12xi32, #tpu.memory_space<hbm>>) target(%arg5 : memref<640x12xi32, #tpu.memory_space<vmem>>) target_semaphore(%run_scoped3A : memref<!tpu.dma_semaphore, #tpu.memory_space<semaphore_mem>>)
      %dma_wait3A = arith.constant 0 : i32
      %dma_wait3A_20 = tpu.memref_slice %arg2[%multiple_of3A_5, %dma_wait3A] : memref<20480x12xi32, #tpu.memory_space<hbm>> -> memref<640x12xi32, #tpu.memory_space<hbm>>
      %dma_wait3A_21 = arith.constant 0 : i32
      %dma_wait3A_22 = tpu.memref_slice %arg2[%multiple_of3A_5, %dma_wait3A_21] : memref<20480x12xi32, #tpu.memory_space<hbm>> -> memref<640x12xi32, #tpu.memory_space<hbm>>
      tpu.wait_dma2 semaphore(%run_scoped3A : memref<!tpu.dma_semaphore, #tpu.memory_space<semaphore_mem>>) src(%dma_wait3A_22 : memref<640x12xi32, #tpu.memory_space<hbm>>) dst(%arg5 : memref<640x12xi32, #tpu.memory_space<vmem>>)
      tpu.yield
    }) : () -> ()
    %iota3A = tpu.iota {dimensions = array<i32: 0>} : vector<16xi32>
    %scan3A = arith.constant 0 : i32
    %scan3A_6 = arith.constant 0 : i32
    %scan3A_7 = arith.constant 480 : i32
    %scan3A_8 = arith.addi %scan3A_6, %scan3A_7 : i32
    %scan3A_9 = arith.constant 1 : i32
    scf.for %scan3A_17 = %scan3A_6 to %scan3A_8 step %scan3A_9  : i32 {
      %mul3A_18 = arith.constant 16 : i32
      %mul3A_19 = arith.muli %scan3A_17, %mul3A_18 : i32
      %add3A_20 = vector.broadcast %mul3A_19 : i32 to vector<16xi32>
      %add3A_21 = arith.addi %iota3A, %add3A_20 : vector<16xi32>
      %mul3A_22 = arith.constant 2731 : i32
      %mul3A_23 = vector.broadcast %mul3A_22 : i32 to vector<16xi32>
      %mul3A_24 = arith.muli %add3A_21, %mul3A_23 : vector<16xi32>
      %shift_right_arithmetic3A = arith.constant 15 : i32
      %shift_right_arithmetic3A_25 = vector.broadcast %shift_right_arithmetic3A : i32 to vector<16xi32>
      %shift_right_arithmetic3A_26 = arith.shrsi %mul3A_24, %shift_right_arithmetic3A_25 : vector<16xi32>
      %mul3A_27 = arith.constant 12 : i32
      %mul3A_28 = vector.broadcast %mul3A_27 : i32 to vector<16xi32>
      %mul3A_29 = arith.muli %shift_right_arithmetic3A_26, %mul3A_28 : vector<16xi32>
      %sub3A = arith.subi %add3A_21, %mul3A_29 : vector<16xi32>
      %gather3A = tpu.vector_load_idx %arg5[%shift_right_arithmetic3A_26, %sub3A] : memref<640x12xi32, #tpu.memory_space<vmem>>[vector<16xi32>, vector<16xi32>], vector<16xi32>,
      tpu.vector_store_idx %arg6[%add3A_21], %gather3A : memref<7680xi32, #tpu.memory_space<vmem>>[vector<16xi32>], vector<16xi32>,
    }
    %scan3A_10 = arith.constant 480 : i32
    %scan3A_11 = arith.constant 0 : i32
    %scan3A_12 = arith.constant 0 : i32
    %scan3A_13 = arith.constant 6 : i32
    %scan3A_14 = arith.addi %scan3A_12, %scan3A_13 : i32
    %scan3A_15 = arith.constant 1 : i32
    scf.for %scan3A_17 = %scan3A_12 to %scan3A_14 step %scan3A_15  : i32 {
      %mul3A_18 = arith.constant 2 : i32
      %mul3A_19 = arith.muli %mul3A_18, %scan3A_17 : i32
      %mul3A_20 = arith.constant 2 : i32
      %mul3A_21 = arith.muli %mul3A_20, %scan3A_17 : i32
      %add3A_22 = arith.constant 1 : i32
      %add3A_23 = arith.addi %mul3A_21, %add3A_22 : i32
      %mul3A_24 = arith.constant 640 : i32
      %mul3A_25 = arith.muli %mul3A_19, %mul3A_24 : i32
      %multiple_of3A_26 = tpu.assume_multiple %mul3A_25, 8 : i32
      %mul3A_27 = arith.constant 640 : i32
      %mul3A_28 = arith.muli %add3A_23, %mul3A_27 : i32
      %multiple_of3A_29 = tpu.assume_multiple %mul3A_28, 8 : i32
      %add3A_30 = arith.constant 0 : i32
      %add3A_31 = arith.addi %multiple_of3A_26, %add3A_30 : i32
      %dma_start3A = arith.constant 0 : i32
      %dma_start3A_32 = arith.constant 0 : i32
      %dma_start3A_33 = tpu.memref_slice %arg7[%dma_start3A, %dma_start3A_32] : memref<640x64xf32, #tpu.memory_space<vmem>> -> memref<128x64xf32, #tpu.memory_space<vmem>>
      %dma_start3A_34 = tpu.memref_slice %arg6[%add3A_31] : memref<7680xi32, #tpu.memory_space<vmem>> -> memref<128xi32, #tpu.memory_space<vmem>>
      %dma_start3A_35 = arith.constant 0 : i32
      %dma_start3A_36 = arith.constant 0 : i32
      %dma_start3A_37 = tpu.memref_slice %arg3[%dma_start3A_35, %dma_start3A_36] : memref<1000000x64xf32, #tpu.memory_space<hbm>> -> memref<1000000x64xf32, #tpu.memory_space<hbm>>
      tpu.enqueue_indirect_dma source(%dma_start3A_37 : memref<1000000x64xf32, #tpu.memory_space<hbm>>) target(%dma_start3A_33 : memref<128x64xf32, #tpu.memory_space<vmem>>) offsets(%dma_start3A_34 : memref<128xi32, #tpu.memory_space<vmem>>) semaphore(%arg9 : memref<!tpu.dma_semaphore, #tpu.memory_space<semaphore_mem>>)
      %add3A_38 = arith.constant 128 : i32
      %add3A_39 = arith.addi %multiple_of3A_26, %add3A_38 : i32
      %dma_start3A_40 = arith.constant 128 : i32
      %dma_start3A_41 = arith.constant 0 : i32
      %dma_start3A_42 = tpu.memref_slice %arg7[%dma_start3A_40, %dma_start3A_41] : memref<640x64xf32, #tpu.memory_space<vmem>> -> memref<128x64xf32, #tpu.memory_space<vmem>>
      %dma_start3A_43 = tpu.memref_slice %arg6[%add3A_39] : memref<7680xi32, #tpu.memory_space<vmem>> -> memref<128xi32, #tpu.memory_space<vmem>>
      %dma_start3A_44 = arith.constant 0 : i32
      %dma_start3A_45 = arith.constant 0 : i32
      %dma_start3A_46 = tpu.memref_slice %arg3[%dma_start3A_44, %dma_start3A_45] : memref<1000000x64xf32, #tpu.memory_space<hbm>> -> memref<1000000x64xf32, #tpu.memory_space<hbm>>
      tpu.enqueue_indirect_dma source(%dma_start3A_46 : memref<1000000x64xf32, #tpu.memory_space<hbm>>) target(%dma_start3A_42 : memref<128x64xf32, #tpu.memory_space<vmem>>) offsets(%dma_start3A_43 : memref<128xi32, #tpu.memory_space<vmem>>) semaphore(%arg9 : memref<!tpu.dma_semaphore, #tpu.memory_space<semaphore_mem>>)
      %add3A_47 = arith.constant 256 : i32
      %add3A_48 = arith.addi %multiple_of3A_26, %add3A_47 : i32
      %dma_start3A_49 = arith.constant 256 : i32
      %dma_start3A_50 = arith.constant 0 : i32
      %dma_start3A_51 = tpu.memref_slice %arg7[%dma_start3A_49, %dma_start3A_50] : memref<640x64xf32, #tpu.memory_space<vmem>> -> memref<128x64xf32, #tpu.memory_space<vmem>>
      %dma_start3A_52 = tpu.memref_slice %arg6[%add3A_48] : memref<7680xi32, #tpu.memory_space<vmem>> -> memref<128xi32, #tpu.memory_space<vmem>>
      %dma_start3A_53 = arith.constant 0 : i32
      %dma_start3A_54 = arith.constant 0 : i32
      %dma_start3A_55 = tpu.memref_slice %arg3[%dma_start3A_53, %dma_start3A_54] : memref<1000000x64xf32, #tpu.memory_space<hbm>> -> memref<1000000x64xf32, #tpu.memory_space<hbm>>
      tpu.enqueue_indirect_dma source(%dma_start3A_55 : memref<1000000x64xf32, #tpu.memory_space<hbm>>) target(%dma_start3A_51 : memref<128x64xf32, #tpu.memory_space<vmem>>) offsets(%dma_start3A_52 : memref<128xi32, #tpu.memory_space<vmem>>) semaphore(%arg9 : memref<!tpu.dma_semaphore, #tpu.memory_space<semaphore_mem>>)
      %add3A_56 = arith.constant 384 : i32
      %add3A_57 = arith.addi %multiple_of3A_26, %add3A_56 : i32
      %dma_start3A_58 = arith.constant 384 : i32
      %dma_start3A_59 = arith.constant 0 : i32
      %dma_start3A_60 = tpu.memref_slice %arg7[%dma_start3A_58, %dma_start3A_59] : memref<640x64xf32, #tpu.memory_space<vmem>> -> memref<128x64xf32, #tpu.memory_space<vmem>>
      %dma_start3A_61 = tpu.memref_slice %arg6[%add3A_57] : memref<7680xi32, #tpu.memory_space<vmem>> -> memref<128xi32, #tpu.memory_space<vmem>>
      %dma_start3A_62 = arith.constant 0 : i32
      %dma_start3A_63 = arith.constant 0 : i32
      %dma_start3A_64 = tpu.memref_slice %arg3[%dma_start3A_62, %dma_start3A_63] : memref<1000000x64xf32, #tpu.memory_space<hbm>> -> memref<1000000x64xf32, #tpu.memory_space<hbm>>
      tpu.enqueue_indirect_dma source(%dma_start3A_64 : memref<1000000x64xf32, #tpu.memory_space<hbm>>) target(%dma_start3A_60 : memref<128x64xf32, #tpu.memory_space<vmem>>) offsets(%dma_start3A_61 : memref<128xi32, #tpu.memory_space<vmem>>) semaphore(%arg9 : memref<!tpu.dma_semaphore, #tpu.memory_space<semaphore_mem>>)
      %add3A_65 = arith.constant 512 : i32
      %add3A_66 = arith.addi %multiple_of3A_26, %add3A_65 : i32
      %dma_start3A_67 = arith.constant 512 : i32
      %dma_start3A_68 = arith.constant 0 : i32
      %dma_start3A_69 = tpu.memref_slice %arg7[%dma_start3A_67, %dma_start3A_68] : memref<640x64xf32, #tpu.memory_space<vmem>> -> memref<128x64xf32, #tpu.memory_space<vmem>>
      %dma_start3A_70 = tpu.memref_slice %arg6[%add3A_66] : memref<7680xi32, #tpu.memory_space<vmem>> -> memref<128xi32, #tpu.memory_space<vmem>>
      %dma_start3A_71 = arith.constant 0 : i32
      %dma_start3A_72 = arith.constant 0 : i32
      %dma_start3A_73 = tpu.memref_slice %arg3[%dma_start3A_71, %dma_start3A_72] : memref<1000000x64xf32, #tpu.memory_space<hbm>> -> memref<1000000x64xf32, #tpu.memory_space<hbm>>
      tpu.enqueue_indirect_dma source(%dma_start3A_73 : memref<1000000x64xf32, #tpu.memory_space<hbm>>) target(%dma_start3A_69 : memref<128x64xf32, #tpu.memory_space<vmem>>) offsets(%dma_start3A_70 : memref<128xi32, #tpu.memory_space<vmem>>) semaphore(%arg9 : memref<!tpu.dma_semaphore, #tpu.memory_space<semaphore_mem>>)
      %add3A_74 = arith.constant 0 : i32
      %add3A_75 = arith.addi %multiple_of3A_29, %add3A_74 : i32
      %dma_start3A_76 = arith.constant 0 : i32
      %dma_start3A_77 = arith.constant 0 : i32
      %dma_start3A_78 = tpu.memref_slice %arg8[%dma_start3A_76, %dma_start3A_77] : memref<640x64xf32, #tpu.memory_space<vmem>> -> memref<128x64xf32, #tpu.memory_space<vmem>>
      %dma_start3A_79 = tpu.memref_slice %arg6[%add3A_75] : memref<7680xi32, #tpu.memory_space<vmem>> -> memref<128xi32, #tpu.memory_space<vmem>>
      %dma_start3A_80 = arith.constant 0 : i32
      %dma_start3A_81 = arith.constant 0 : i32
      %dma_start3A_82 = tpu.memref_slice %arg3[%dma_start3A_80, %dma_start3A_81] : memref<1000000x64xf32, #tpu.memory_space<hbm>> -> memref<1000000x64xf32, #tpu.memory_space<hbm>>
      tpu.enqueue_indirect_dma source(%dma_start3A_82 : memref<1000000x64xf32, #tpu.memory_space<hbm>>) target(%dma_start3A_78 : memref<128x64xf32, #tpu.memory_space<vmem>>) offsets(%dma_start3A_79 : memref<128xi32, #tpu.memory_space<vmem>>) semaphore(%arg10 : memref<!tpu.dma_semaphore, #tpu.memory_space<semaphore_mem>>)
      %add3A_83 = arith.constant 128 : i32
      %add3A_84 = arith.addi %multiple_of3A_29, %add3A_83 : i32
      %dma_start3A_85 = arith.constant 128 : i32
      %dma_start3A_86 = arith.constant 0 : i32
      %dma_start3A_87 = tpu.memref_slice %arg8[%dma_start3A_85, %dma_start3A_86] : memref<640x64xf32, #tpu.memory_space<vmem>> -> memref<128x64xf32, #tpu.memory_space<vmem>>
      %dma_start3A_88 = tpu.memref_slice %arg6[%add3A_84] : memref<7680xi32, #tpu.memory_space<vmem>> -> memref<128xi32, #tpu.memory_space<vmem>>
      %dma_start3A_89 = arith.constant 0 : i32
      %dma_start3A_90 = arith.constant 0 : i32
      %dma_start3A_91 = tpu.memref_slice %arg3[%dma_start3A_89, %dma_start3A_90] : memref<1000000x64xf32, #tpu.memory_space<hbm>> -> memref<1000000x64xf32, #tpu.memory_space<hbm>>
      tpu.enqueue_indirect_dma source(%dma_start3A_91 : memref<1000000x64xf32, #tpu.memory_space<hbm>>) target(%dma_start3A_87 : memref<128x64xf32, #tpu.memory_space<vmem>>) offsets(%dma_start3A_88 : memref<128xi32, #tpu.memory_space<vmem>>) semaphore(%arg10 : memref<!tpu.dma_semaphore, #tpu.memory_space<semaphore_mem>>)
      %add3A_92 = arith.constant 256 : i32
      %add3A_93 = arith.addi %multiple_of3A_29, %add3A_92 : i32
      %dma_start3A_94 = arith.constant 256 : i32
      %dma_start3A_95 = arith.constant 0 : i32
      %dma_start3A_96 = tpu.memref_slice %arg8[%dma_start3A_94, %dma_start3A_95] : memref<640x64xf32, #tpu.memory_space<vmem>> -> memref<128x64xf32, #tpu.memory_space<vmem>>
      %dma_start3A_97 = tpu.memref_slice %arg6[%add3A_93] : memref<7680xi32, #tpu.memory_space<vmem>> -> memref<128xi32, #tpu.memory_space<vmem>>
      %dma_start3A_98 = arith.constant 0 : i32
      %dma_start3A_99 = arith.constant 0 : i32
      %dma_start3A_100 = tpu.memref_slice %arg3[%dma_start3A_98, %dma_start3A_99] : memref<1000000x64xf32, #tpu.memory_space<hbm>> -> memref<1000000x64xf32, #tpu.memory_space<hbm>>
      tpu.enqueue_indirect_dma source(%dma_start3A_100 : memref<1000000x64xf32, #tpu.memory_space<hbm>>) target(%dma_start3A_96 : memref<128x64xf32, #tpu.memory_space<vmem>>) offsets(%dma_start3A_97 : memref<128xi32, #tpu.memory_space<vmem>>) semaphore(%arg10 : memref<!tpu.dma_semaphore, #tpu.memory_space<semaphore_mem>>)
      %add3A_101 = arith.constant 384 : i32
      %add3A_102 = arith.addi %multiple_of3A_29, %add3A_101 : i32
      %dma_start3A_103 = arith.constant 384 : i32
      %dma_start3A_104 = arith.constant 0 : i32
      %dma_start3A_105 = tpu.memref_slice %arg8[%dma_start3A_103, %dma_start3A_104] : memref<640x64xf32, #tpu.memory_space<vmem>> -> memref<128x64xf32, #tpu.memory_space<vmem>>
      %dma_start3A_106 = tpu.memref_slice %arg6[%add3A_102] : memref<7680xi32, #tpu.memory_space<vmem>> -> memref<128xi32, #tpu.memory_space<vmem>>
      %dma_start3A_107 = arith.constant 0 : i32
      %dma_start3A_108 = arith.constant 0 : i32
      %dma_start3A_109 = tpu.memref_slice %arg3[%dma_start3A_107, %dma_start3A_108] : memref<1000000x64xf32, #tpu.memory_space<hbm>> -> memref<1000000x64xf32, #tpu.memory_space<hbm>>
      tpu.enqueue_indirect_dma source(%dma_start3A_109 : memref<1000000x64xf32, #tpu.memory_space<hbm>>) target(%dma_start3A_105 : memref<128x64xf32, #tpu.memory_space<vmem>>) offsets(%dma_start3A_106 : memref<128xi32, #tpu.memory_space<vmem>>) semaphore(%arg10 : memref<!tpu.dma_semaphore, #tpu.memory_space<semaphore_mem>>)
      %add3A_110 = arith.constant 512 : i32
      %add3A_111 = arith.addi %multiple_of3A_29, %add3A_110 : i32
      %dma_start3A_112 = arith.constant 512 : i32
      %dma_start3A_113 = arith.constant 0 : i32
      %dma_start3A_114 = tpu.memref_slice %arg8[%dma_start3A_112, %dma_start3A_113] : memref<640x64xf32, #tpu.memory_space<vmem>> -> memref<128x64xf32, #tpu.memory_space<vmem>>
      %dma_start3A_115 = tpu.memref_slice %arg6[%add3A_111] : memref<7680xi32, #tpu.memory_space<vmem>> -> memref<128xi32, #tpu.memory_space<vmem>>
      %dma_start3A_116 = arith.constant 0 : i32
      %dma_start3A_117 = arith.constant 0 : i32
      %dma_start3A_118 = tpu.memref_slice %arg3[%dma_start3A_116, %dma_start3A_117] : memref<1000000x64xf32, #tpu.memory_space<hbm>> -> memref<1000000x64xf32, #tpu.memory_space<hbm>>
      tpu.enqueue_indirect_dma source(%dma_start3A_118 : memref<1000000x64xf32, #tpu.memory_space<hbm>>) target(%dma_start3A_114 : memref<128x64xf32, #tpu.memory_space<vmem>>) offsets(%dma_start3A_115 : memref<128xi32, #tpu.memory_space<vmem>>) semaphore(%arg10 : memref<!tpu.dma_semaphore, #tpu.memory_space<semaphore_mem>>)
      %dma_wait3A = arith.constant 0 : i32
      %dma_wait3A_119 = arith.constant 0 : i32
      %dma_wait3A_120 = tpu.memref_slice %arg7[%dma_wait3A, %dma_wait3A_119] : memref<640x64xf32, #tpu.memory_space<vmem>> -> memref<128x64xf32, #tpu.memory_space<vmem>>
      %dma_wait3A_121 = tpu.memref_slice %arg6[%add3A_31] : memref<7680xi32, #tpu.memory_space<vmem>> -> memref<128xi32, #tpu.memory_space<vmem>>
      %dma_wait3A_122 = arith.constant 0 : i32
      %dma_wait3A_123 = arith.constant 0 : i32
      %dma_wait3A_124 = tpu.memref_slice %arg3[%dma_wait3A_122, %dma_wait3A_123] : memref<1000000x64xf32, #tpu.memory_space<hbm>> -> memref<1000000x64xf32, #tpu.memory_space<hbm>>
      tpu.wait_indirect_dma semaphore(%arg9 : memref<!tpu.dma_semaphore, #tpu.memory_space<semaphore_mem>>) src(%dma_wait3A_124 : memref<1000000x64xf32, #tpu.memory_space<hbm>>) dst(%dma_wait3A_120 : memref<128x64xf32, #tpu.memory_space<vmem>>)
      %dma_wait3A_125 = arith.constant 128 : i32
      %dma_wait3A_126 = arith.constant 0 : i32
      %dma_wait3A_127 = tpu.memref_slice %arg7[%dma_wait3A_125, %dma_wait3A_126] : memref<640x64xf32, #tpu.memory_space<vmem>> -> memref<128x64xf32, #tpu.memory_space<vmem>>
      %dma_wait3A_128 = tpu.memref_slice %arg6[%add3A_39] : memref<7680xi32, #tpu.memory_space<vmem>> -> memref<128xi32, #tpu.memory_space<vmem>>
      %dma_wait3A_129 = arith.constant 0 : i32
      %dma_wait3A_130 = arith.constant 0 : i32
      %dma_wait3A_131 = tpu.memref_slice %arg3[%dma_wait3A_129, %dma_wait3A_130] : memref<1000000x64xf32, #tpu.memory_space<hbm>> -> memref<1000000x64xf32, #tpu.memory_space<hbm>>
      tpu.wait_indirect_dma semaphore(%arg9 : memref<!tpu.dma_semaphore, #tpu.memory_space<semaphore_mem>>) src(%dma_wait3A_131 : memref<1000000x64xf32, #tpu.memory_space<hbm>>) dst(%dma_wait3A_127 : memref<128x64xf32, #tpu.memory_space<vmem>>)
      %dma_wait3A_132 = arith.constant 256 : i32
      %dma_wait3A_133 = arith.constant 0 : i32
      %dma_wait3A_134 = tpu.memref_slice %arg7[%dma_wait3A_132, %dma_wait3A_133] : memref<640x64xf32, #tpu.memory_space<vmem>> -> memref<128x64xf32, #tpu.memory_space<vmem>>
      %dma_wait3A_135 = tpu.memref_slice %arg6[%add3A_48] : memref<7680xi32, #tpu.memory_space<vmem>> -> memref<128xi32, #tpu.memory_space<vmem>>
      %dma_wait3A_136 = arith.constant 0 : i32
      %dma_wait3A_137 = arith.constant 0 : i32
      %dma_wait3A_138 = tpu.memref_slice %arg3[%dma_wait3A_136, %dma_wait3A_137] : memref<1000000x64xf32, #tpu.memory_space<hbm>> -> memref<1000000x64xf32, #tpu.memory_space<hbm>>
      tpu.wait_indirect_dma semaphore(%arg9 : memref<!tpu.dma_semaphore, #tpu.memory_space<semaphore_mem>>) src(%dma_wait3A_138 : memref<1000000x64xf32, #tpu.memory_space<hbm>>) dst(%dma_wait3A_134 : memref<128x64xf32, #tpu.memory_space<vmem>>)
      %dma_wait3A_139 = arith.constant 384 : i32
      %dma_wait3A_140 = arith.constant 0 : i32
      %dma_wait3A_141 = tpu.memref_slice %arg7[%dma_wait3A_139, %dma_wait3A_140] : memref<640x64xf32, #tpu.memory_space<vmem>> -> memref<128x64xf32, #tpu.memory_space<vmem>>
      %dma_wait3A_142 = tpu.memref_slice %arg6[%add3A_57] : memref<7680xi32, #tpu.memory_space<vmem>> -> memref<128xi32, #tpu.memory_space<vmem>>
      %dma_wait3A_143 = arith.constant 0 : i32
      %dma_wait3A_144 = arith.constant 0 : i32
      %dma_wait3A_145 = tpu.memref_slice %arg3[%dma_wait3A_143, %dma_wait3A_144] : memref<1000000x64xf32, #tpu.memory_space<hbm>> -> memref<1000000x64xf32, #tpu.memory_space<hbm>>
      tpu.wait_indirect_dma semaphore(%arg9 : memref<!tpu.dma_semaphore, #tpu.memory_space<semaphore_mem>>) src(%dma_wait3A_145 : memref<1000000x64xf32, #tpu.memory_space<hbm>>) dst(%dma_wait3A_141 : memref<128x64xf32, #tpu.memory_space<vmem>>)
      %dma_wait3A_146 = arith.constant 512 : i32
      %dma_wait3A_147 = arith.constant 0 : i32
      %dma_wait3A_148 = tpu.memref_slice %arg7[%dma_wait3A_146, %dma_wait3A_147] : memref<640x64xf32, #tpu.memory_space<vmem>> -> memref<128x64xf32, #tpu.memory_space<vmem>>
      %dma_wait3A_149 = tpu.memref_slice %arg6[%add3A_66] : memref<7680xi32, #tpu.memory_space<vmem>> -> memref<128xi32, #tpu.memory_space<vmem>>
      %dma_wait3A_150 = arith.constant 0 : i32
      %dma_wait3A_151 = arith.constant 0 : i32
      %dma_wait3A_152 = tpu.memref_slice %arg3[%dma_wait3A_150, %dma_wait3A_151] : memref<1000000x64xf32, #tpu.memory_space<hbm>> -> memref<1000000x64xf32, #tpu.memory_space<hbm>>
      tpu.wait_indirect_dma semaphore(%arg9 : memref<!tpu.dma_semaphore, #tpu.memory_space<semaphore_mem>>) src(%dma_wait3A_152 : memref<1000000x64xf32, #tpu.memory_space<hbm>>) dst(%dma_wait3A_148 : memref<128x64xf32, #tpu.memory_space<vmem>>)
      %add3A_153 = arith.addi %multiple_of3A, %multiple_of3A_26 : i32
      %multiple_of3A_154 = tpu.assume_multiple %add3A_153, 8 : i32
      "tpu.region"() ({
        %run_scoped3A = tpu.sem_alloc : memref<!tpu.dma_semaphore, #tpu.memory_space<semaphore_mem>>
        %dma_start3A_192 = arith.constant 0 : i32
        %dma_start3A_193 = tpu.memref_slice %arg4[%multiple_of3A_154, %dma_start3A_192] : memref<245760x128xf32, #tpu.memory_space<hbm>> -> memref<640x64xf32, #tpu.memory_space<hbm>>
        %dma_start3A_194 = arith.constant 0 : i32
        %dma_start3A_195 = tpu.memref_slice %arg4[%multiple_of3A_154, %dma_start3A_194] : memref<245760x128xf32, #tpu.memory_space<hbm>> -> memref<640x64xf32, #tpu.memory_space<hbm>>
        tpu.enqueue_dma source(%arg7 : memref<640x64xf32, #tpu.memory_space<vmem>>) target(%dma_start3A_195 : memref<640x64xf32, #tpu.memory_space<hbm>>) target_semaphore(%run_scoped3A : memref<!tpu.dma_semaphore, #tpu.memory_space<semaphore_mem>>)
        %dma_wait3A_196 = arith.constant 0 : i32
        %dma_wait3A_197 = tpu.memref_slice %arg4[%multiple_of3A_154, %dma_wait3A_196] : memref<245760x128xf32, #tpu.memory_space<hbm>> -> memref<640x64xf32, #tpu.memory_space<hbm>>
        %dma_wait3A_198 = arith.constant 0 : i32
        %dma_wait3A_199 = tpu.memref_slice %arg4[%multiple_of3A_154, %dma_wait3A_198] : memref<245760x128xf32, #tpu.memory_space<hbm>> -> memref<640x64xf32, #tpu.memory_space<hbm>>
        tpu.wait_dma2 semaphore(%run_scoped3A : memref<!tpu.dma_semaphore, #tpu.memory_space<semaphore_mem>>) src(%arg7 : memref<640x64xf32, #tpu.memory_space<vmem>>) dst(%dma_wait3A_199 : memref<640x64xf32, #tpu.memory_space<hbm>>)
        tpu.yield
      }) : () -> ()
      %dma_wait3A_155 = arith.constant 0 : i32
      %dma_wait3A_156 = arith.constant 0 : i32
      %dma_wait3A_157 = tpu.memref_slice %arg8[%dma_wait3A_155, %dma_wait3A_156] : memref<640x64xf32, #tpu.memory_space<vmem>> -> memref<128x64xf32, #tpu.memory_space<vmem>>
      %dma_wait3A_158 = tpu.memref_slice %arg6[%add3A_75] : memref<7680xi32, #tpu.memory_space<vmem>> -> memref<128xi32, #tpu.memory_space<vmem>>
      %dma_wait3A_159 = arith.constant 0 : i32
      %dma_wait3A_160 = arith.constant 0 : i32
      %dma_wait3A_161 = tpu.memref_slice %arg3[%dma_wait3A_159, %dma_wait3A_160] : memref<1000000x64xf32, #tpu.memory_space<hbm>> -> memref<1000000x64xf32, #tpu.memory_space<hbm>>
      tpu.wait_indirect_dma semaphore(%arg10 : memref<!tpu.dma_semaphore, #tpu.memory_space<semaphore_mem>>) src(%dma_wait3A_161 : memref<1000000x64xf32, #tpu.memory_space<hbm>>) dst(%dma_wait3A_157 : memref<128x64xf32, #tpu.memory_space<vmem>>)
      %dma_wait3A_162 = arith.constant 128 : i32
      %dma_wait3A_163 = arith.constant 0 : i32
      %dma_wait3A_164 = tpu.memref_slice %arg8[%dma_wait3A_162, %dma_wait3A_163] : memref<640x64xf32, #tpu.memory_space<vmem>> -> memref<128x64xf32, #tpu.memory_space<vmem>>
      %dma_wait3A_165 = tpu.memref_slice %arg6[%add3A_84] : memref<7680xi32, #tpu.memory_space<vmem>> -> memref<128xi32, #tpu.memory_space<vmem>>
      %dma_wait3A_166 = arith.constant 0 : i32
      %dma_wait3A_167 = arith.constant 0 : i32
      %dma_wait3A_168 = tpu.memref_slice %arg3[%dma_wait3A_166, %dma_wait3A_167] : memref<1000000x64xf32, #tpu.memory_space<hbm>> -> memref<1000000x64xf32, #tpu.memory_space<hbm>>
      tpu.wait_indirect_dma semaphore(%arg10 : memref<!tpu.dma_semaphore, #tpu.memory_space<semaphore_mem>>) src(%dma_wait3A_168 : memref<1000000x64xf32, #tpu.memory_space<hbm>>) dst(%dma_wait3A_164 : memref<128x64xf32, #tpu.memory_space<vmem>>)
      %dma_wait3A_169 = arith.constant 256 : i32
      %dma_wait3A_170 = arith.constant 0 : i32
      %dma_wait3A_171 = tpu.memref_slice %arg8[%dma_wait3A_169, %dma_wait3A_170] : memref<640x64xf32, #tpu.memory_space<vmem>> -> memref<128x64xf32, #tpu.memory_space<vmem>>
      %dma_wait3A_172 = tpu.memref_slice %arg6[%add3A_93] : memref<7680xi32, #tpu.memory_space<vmem>> -> memref<128xi32, #tpu.memory_space<vmem>>
      %dma_wait3A_173 = arith.constant 0 : i32
      %dma_wait3A_174 = arith.constant 0 : i32
      %dma_wait3A_175 = tpu.memref_slice %arg3[%dma_wait3A_173, %dma_wait3A_174] : memref<1000000x64xf32, #tpu.memory_space<hbm>> -> memref<1000000x64xf32, #tpu.memory_space<hbm>>
      tpu.wait_indirect_dma semaphore(%arg10 : memref<!tpu.dma_semaphore, #tpu.memory_space<semaphore_mem>>) src(%dma_wait3A_175 : memref<1000000x64xf32, #tpu.memory_space<hbm>>) dst(%dma_wait3A_171 : memref<128x64xf32, #tpu.memory_space<vmem>>)
      %dma_wait3A_176 = arith.constant 384 : i32
      %dma_wait3A_177 = arith.constant 0 : i32
      %dma_wait3A_178 = tpu.memref_slice %arg8[%dma_wait3A_176, %dma_wait3A_177] : memref<640x64xf32, #tpu.memory_space<vmem>> -> memref<128x64xf32, #tpu.memory_space<vmem>>
      %dma_wait3A_179 = tpu.memref_slice %arg6[%add3A_102] : memref<7680xi32, #tpu.memory_space<vmem>> -> memref<128xi32, #tpu.memory_space<vmem>>
      %dma_wait3A_180 = arith.constant 0 : i32
      %dma_wait3A_181 = arith.constant 0 : i32
      %dma_wait3A_182 = tpu.memref_slice %arg3[%dma_wait3A_180, %dma_wait3A_181] : memref<1000000x64xf32, #tpu.memory_space<hbm>> -> memref<1000000x64xf32, #tpu.memory_space<hbm>>
      tpu.wait_indirect_dma semaphore(%arg10 : memref<!tpu.dma_semaphore, #tpu.memory_space<semaphore_mem>>) src(%dma_wait3A_182 : memref<1000000x64xf32, #tpu.memory_space<hbm>>) dst(%dma_wait3A_178 : memref<128x64xf32, #tpu.memory_space<vmem>>)
      %dma_wait3A_183 = arith.constant 512 : i32
      %dma_wait3A_184 = arith.constant 0 : i32
      %dma_wait3A_185 = tpu.memref_slice %arg8[%dma_wait3A_183, %dma_wait3A_184] : memref<640x64xf32, #tpu.memory_space<vmem>> -> memref<128x64xf32, #tpu.memory_space<vmem>>
      %dma_wait3A_186 = tpu.memref_slice %arg6[%add3A_111] : memref<7680xi32, #tpu.memory_space<vmem>> -> memref<128xi32, #tpu.memory_space<vmem>>
      %dma_wait3A_187 = arith.constant 0 : i32
      %dma_wait3A_188 = arith.constant 0 : i32
      %dma_wait3A_189 = tpu.memref_slice %arg3[%dma_wait3A_187, %dma_wait3A_188] : memref<1000000x64xf32, #tpu.memory_space<hbm>> -> memref<1000000x64xf32, #tpu.memory_space<hbm>>
      tpu.wait_indirect_dma semaphore(%arg10 : memref<!tpu.dma_semaphore, #tpu.memory_space<semaphore_mem>>) src(%dma_wait3A_189 : memref<1000000x64xf32, #tpu.memory_space<hbm>>) dst(%dma_wait3A_185 : memref<128x64xf32, #tpu.memory_space<vmem>>)
      %add3A_190 = arith.addi %multiple_of3A, %multiple_of3A_29 : i32
      %multiple_of3A_191 = tpu.assume_multiple %add3A_190, 8 : i32
      "tpu.region"() ({
        %run_scoped3A = tpu.sem_alloc : memref<!tpu.dma_semaphore, #tpu.memory_space<semaphore_mem>>
        %dma_start3A_192 = arith.constant 0 : i32
        %dma_start3A_193 = tpu.memref_slice %arg4[%multiple_of3A_191, %dma_start3A_192] : memref<245760x128xf32, #tpu.memory_space<hbm>> -> memref<640x64xf32, #tpu.memory_space<hbm>>
        %dma_start3A_194 = arith.constant 0 : i32
        %dma_start3A_195 = tpu.memref_slice %arg4[%multiple_of3A_191, %dma_start3A_194] : memref<245760x128xf32, #tpu.memory_space<hbm>> -> memref<640x64xf32, #tpu.memory_space<hbm>>
        tpu.enqueue_dma source(%arg8 : memref<640x64xf32, #tpu.memory_space<vmem>>) target(%dma_start3A_195 : memref<640x64xf32, #tpu.memory_space<hbm>>) target_semaphore(%run_scoped3A : memref<!tpu.dma_semaphore, #tpu.memory_space<semaphore_mem>>)
        %dma_wait3A_196 = arith.constant 0 : i32
        %dma_wait3A_197 = tpu.memref_slice %arg4[%multiple_of3A_191, %dma_wait3A_196] : memref<245760x128xf32, #tpu.memory_space<hbm>> -> memref<640x64xf32, #tpu.memory_space<hbm>>
        %dma_wait3A_198 = arith.constant 0 : i32
        %dma_wait3A_199 = tpu.memref_slice %arg4[%multiple_of3A_191, %dma_wait3A_198] : memref<245760x128xf32, #tpu.memory_space<hbm>> -> memref<640x64xf32, #tpu.memory_space<hbm>>
        tpu.wait_dma2 semaphore(%run_scoped3A : memref<!tpu.dma_semaphore, #tpu.memory_space<semaphore_mem>>) src(%arg8 : memref<640x64xf32, #tpu.memory_space<vmem>>) dst(%dma_wait3A_199 : memref<640x64xf32, #tpu.memory_space<hbm>>)
        tpu.yield
      }) : () -> ()
    }
    %scan3A_16 = arith.constant 6 : i32
    return
  }
}

module attributes {stable_mosaic.version = 14 : i64} {
  func.func @_emb_repack_body(%arg0: i32, %arg1: memref<64x8192xf32, #tpu.memory_space<vmem>>, %arg2: memref<4096x128xf32, #tpu.memory_space<vmem>>) attributes {dimension_semantics = [#tpu.dimension_semantics<arbitrary>], iteration_bounds = array<i64: 123>, scalar_prefetch = 0 : i64, scratch_operands = 0 : i64, tpu.core_type = #tpu.core_type<tc>, window_params = [{transform_indices = @transform_0, window_bounds = array<i64: 64, 8192>}, {transform_indices = @transform_1, window_bounds = array<i64: 4096, 128>}]} {
    %get3A = arith.constant 0 : index
    %get3A_0 = arith.constant 0 : index
    %get3A_1 = vector.load %arg1[%get3A, %get3A_0] : memref<64x8192xf32, #tpu.memory_space<vmem>>, vector<64x8192xf32>
    %iota3A = tpu.iota {dimensions = array<i32: 0>} : vector<64x64xi32>
    %iota3A_2 = tpu.iota {dimensions = array<i32: 1>} : vector<64x64xi32>
    %eq3A = arith.cmpi eq, %iota3A, %iota3A_2 : vector<64x64xi32>
    %convert_element_type3A = arith.extui %eq3A : vector<64x64xi1> to vector<64x64xi32>
    %convert_element_type3A_3 = arith.sitofp %convert_element_type3A : vector<64x64xi32> to vector<64x64xf32>
    %dot_general3A = arith.constant dense<0.000000e+00> : vector<8192x64xf32>
    %dot_general3A_4 = tpu.matmul %get3A_1, %convert_element_type3A_3, %dot_general3A {dimension_numbers = #tpu.dot_dimension_numbers<[0], [0], [1], [1], [0, 1, 1, 1], [], []>, transpose_lhs_hint = false} : vector<64x8192xf32>, vector<64x64xf32>, vector<8192x64xf32> -> vector<8192x64xf32>
    %reshape3A = vector.shape_cast %dot_general3A_4 : vector<8192x64xf32> to vector<4096x2x64xf32>
    %slice3A = vector.extract_strided_slice %reshape3A {offsets = [0, 0, 0], sizes = [4096, 1, 64], strides = [1, 1, 1]} : vector<4096x2x64xf32> to vector<4096x1x64xf32>
    %squeeze3A = vector.shape_cast %slice3A : vector<4096x1x64xf32> to vector<4096x64xf32>
    %slice3A_5 = vector.extract_strided_slice %reshape3A {offsets = [0, 1, 0], sizes = [4096, 1, 64], strides = [1, 1, 1]} : vector<4096x2x64xf32> to vector<4096x1x64xf32>
    %squeeze3A_6 = vector.shape_cast %slice3A_5 : vector<4096x1x64xf32> to vector<4096x64xf32>
    %concatenate3A = tpu.concatenate %squeeze3A, %squeeze3A_6 in 1 : vector<4096x64xf32>, vector<4096x64xf32> -> vector<4096x128xf32>
    %swap3A = arith.constant 0 : index
    %swap3A_7 = arith.constant 0 : index
    %swap3A_8 = vector.load %arg2[%swap3A, %swap3A_7] : memref<4096x128xf32, #tpu.memory_space<vmem>>, vector<4096x128xf32>
    tpu.vector_store %arg2[%swap3A, %swap3A_7], %concatenate3A {strides = array<i32>} : memref<4096x128xf32, #tpu.memory_space<vmem>>, vector<4096x128xf32>,
    return
  }
  func.func @transform_0(%arg0: i32) -> (i32, i32) {
    %c0_i32 = arith.constant 0 : i32
    %c0_i32_0 = arith.constant 0 : i32
    return %c0_i32, %arg0 : i32, i32
  }
  func.func @transform_1(%arg0: i32) -> (i32, i32) {
    %c0_i32 = arith.constant 0 : i32
    %c0_i32_0 = arith.constant 0 : i32
    return %arg0, %c0_i32 : i32, i32
  }
}

module attributes {stable_mosaic.version = 14 : i64} {
  func.func @_tc_body(%arg0: i32, %arg1: memref<640x128xf32, #tpu.memory_space<vmem>>, %arg2: memref<640x128xf32, #tpu.memory_space<vmem>>, %arg3: memref<7680x128xf32, #tpu.memory_space<vmem>>, %arg4: memref<32x240x1xf32, #tpu.memory_space<vmem>>, %arg5: memref<32x20x20xi32, #tpu.memory_space<vmem>>, %arg6: memref<32x1x20xf32, #tpu.memory_space<vmem>>, %arg7: memref<32x20x1xi32, #tpu.memory_space<vmem>>, %arg8: memref<4x64xf32, #tpu.memory_space<vmem>>, %arg9: memref<64x64xf32, #tpu.memory_space<vmem>>, %arg10: memref<1x64xf32, #tpu.memory_space<vmem>>, %arg11: memref<1x64xf32, #tpu.memory_space<vmem>>, %arg12: memref<64x64xf32, #tpu.memory_space<vmem>>, %arg13: memref<64x64xf32, #tpu.memory_space<vmem>>, %arg14: memref<1x64xf32, #tpu.memory_space<vmem>>, %arg15: memref<32x20x64xf32, #tpu.memory_space<vmem>>) attributes {dimension_semantics = [#tpu.dimension_semantics<arbitrary>], iteration_bounds = array<i64: 32>, scalar_prefetch = 0 : i64, scratch_operands = 0 : i64, tpu.core_type = #tpu.core_type<tc>, window_params = [{transform_indices = @transform_0, window_bounds = array<i64: 640, 128>}, {transform_indices = @transform_1, window_bounds = array<i64: 640, 128>}, {transform_indices = @transform_2, window_bounds = array<i64: 7680, 128>}, {transform_indices = @transform_3, window_bounds = array<i64: 32, 240, 1>}, {transform_indices = @transform_4, window_bounds = array<i64: 32, 20, 20>}, {transform_indices = @transform_5, window_bounds = array<i64: 32, 1, 20>}, {transform_indices = @transform_6, window_bounds = array<i64: 32, 20, 1>}, {pipeline_mode = #tpu.pipeline_mode<synchronous>, transform_indices = @transform_7, window_bounds = array<i64: 4, 64>}, {pipeline_mode = #tpu.pipeline_mode<synchronous>, transform_indices = @transform_8, window_bounds = array<i64: 64, 64>}, {pipeline_mode = #tpu.pipeline_mode<synchronous>, transform_indices = @transform_9, window_bounds = array<i64: 1, 64>}, {pipeline_mode = #tpu.pipeline_mode<synchronous>, transform_indices = @transform_10, window_bounds = array<i64: 1, 64>}, {pipeline_mode = #tpu.pipeline_mode<synchronous>, transform_indices = @transform_11, window_bounds = array<i64: 64, 64>}, {pipeline_mode = #tpu.pipeline_mode<synchronous>, transform_indices = @transform_12, window_bounds = array<i64: 64, 64>}, {pipeline_mode = #tpu.pipeline_mode<synchronous>, transform_indices = @transform_13, window_bounds = array<i64: 1, 64>}, {transform_indices = @transform_14, window_bounds = array<i64: 32, 20, 64>}]} {
    %get3A = arith.constant 0 : index
    %get3A_0 = arith.constant 0 : index
    %get3A_1 = vector.load %arg8[%get3A, %get3A_0] : memref<4x64xf32, #tpu.memory_space<vmem>>, vector<4x64xf32>
    %get3A_2 = arith.constant 0 : index
    %get3A_3 = arith.constant 0 : index
    %get3A_4 = vector.load %arg1[%get3A_2, %get3A_3] : memref<640x128xf32, #tpu.memory_space<vmem>>, vector<640x128xf32>
    %slice3A = vector.extract_strided_slice %get3A_4 {offsets = [0, 0], sizes = [640, 64], strides = [1, 1]} : vector<640x128xf32> to vector<640x64xf32>
    %broadcast_in_dim3A = arith.constant -9.000000e+15 : f32
    %broadcast_in_dim3A_5 = vector.broadcast %broadcast_in_dim3A : f32 to vector<20x20xf32>
    %slice3A_6 = vector.extract_strided_slice %slice3A {offsets = [0, 0], sizes = [20, 64], strides = [1, 1]} : vector<640x64xf32> to vector<20x64xf32>
    %get3A_7 = arith.constant 0 : index
    %get3A_8 = arith.constant 0 : index
    %get3A_9 = arith.constant 0 : index
    %get3A_10 = vector.load %arg5[%get3A_7, %get3A_8, %get3A_9] : memref<32x20x20xi32, #tpu.memory_space<vmem>>, vector<1x20x20xi32>
    %get3A_11 = vector.shape_cast %get3A_10 : vector<1x20x20xi32> to vector<20x20xi32>
    %broadcast_in_dim3A_12 = vector.shape_cast %get3A_1 : vector<4x64xf32> to vector<4x1x64xf32>
    %broadcast_in_dim3A_13 = vector.shape_cast %slice3A_6 : vector<20x64xf32> to vector<1x20x64xf32>
    %mul3A = vector.broadcast %broadcast_in_dim3A_12 : vector<4x1x64xf32> to vector<4x20x64xf32>
    %mul3A_14 = vector.broadcast %broadcast_in_dim3A_13 : vector<1x20x64xf32> to vector<4x20x64xf32>
    %mul3A_15 = arith.mulf %mul3A, %mul3A_14 : vector<4x20x64xf32>
    %reshape3A = vector.shape_cast %mul3A_15 : vector<4x20x64xf32> to vector<80x64xf32>
    %dot_general3A = arith.constant dense<0.000000e+00> : vector<80x20xf32>
    %dot_general3A_16 = tpu.matmul %reshape3A, %slice3A_6, %dot_general3A {dimension_numbers = #tpu.dot_dimension_numbers<[1], [1], [0], [0], [0, 0, 1, 0], [], []>, transpose_lhs_hint = false} : vector<80x64xf32>, vector<20x64xf32>, vector<80x20xf32> -> vector<80x20xf32>
    %ge3A = arith.constant 0.000000e+00 : f32
    %ge3A_17 = vector.broadcast %ge3A : f32 to vector<80x20xf32>
    %ge3A_18 = arith.cmpf oge, %dot_general3A_16, %ge3A_17 : vector<80x20xf32>
    %mul3A_19 = arith.constant 2.000000e-01 : f32
    %mul3A_20 = vector.broadcast %mul3A_19 : f32 to vector<80x20xf32>
    %mul3A_21 = arith.mulf %mul3A_20, %dot_general3A_16 : vector<80x20xf32>
    %select_n3A = arith.select %ge3A_18, %dot_general3A_16, %mul3A_21 : vector<80x20xi1>, vector<80x20xf32>
    %eq3A = arith.constant 1 : i32
    %eq3A_22 = vector.broadcast %eq3A : i32 to vector<20x20xi32>
    %eq3A_23 = arith.cmpi eq, %get3A_11, %eq3A_22 : vector<20x20xi32>
    %slice3A_24 = vector.extract_strided_slice %select_n3A {offsets = [0, 0], sizes = [20, 20], strides = [1, 1]} : vector<80x20xf32> to vector<20x20xf32>
    %select_n3A_25 = arith.select %eq3A_23, %slice3A_24, %broadcast_in_dim3A_5 : vector<20x20xi1>, vector<20x20xf32>
    %eq3A_26 = arith.constant 2 : i32
    %eq3A_27 = vector.broadcast %eq3A_26 : i32 to vector<20x20xi32>
    %eq3A_28 = arith.cmpi eq, %get3A_11, %eq3A_27 : vector<20x20xi32>
    %slice3A_29 = vector.extract_strided_slice %select_n3A {offsets = [20, 0], sizes = [20, 20], strides = [1, 1]} : vector<80x20xf32> to vector<20x20xf32>
    %select_n3A_30 = arith.select %eq3A_28, %slice3A_29, %select_n3A_25 : vector<20x20xi1>, vector<20x20xf32>
    %eq3A_31 = arith.constant 3 : i32
    %eq3A_32 = vector.broadcast %eq3A_31 : i32 to vector<20x20xi32>
    %eq3A_33 = arith.cmpi eq, %get3A_11, %eq3A_32 : vector<20x20xi32>
    %slice3A_34 = vector.extract_strided_slice %select_n3A {offsets = [40, 0], sizes = [20, 20], strides = [1, 1]} : vector<80x20xf32> to vector<20x20xf32>
    %select_n3A_35 = arith.select %eq3A_33, %slice3A_34, %select_n3A_30 : vector<20x20xi1>, vector<20x20xf32>
    %eq3A_36 = arith.constant 4 : i32
    %eq3A_37 = vector.broadcast %eq3A_36 : i32 to vector<20x20xi32>
    %eq3A_38 = arith.cmpi eq, %get3A_11, %eq3A_37 : vector<20x20xi32>
    %slice3A_39 = vector.extract_strided_slice %select_n3A {offsets = [60, 0], sizes = [20, 20], strides = [1, 1]} : vector<80x20xf32> to vector<20x20xf32>
    %select_n3A_40 = arith.select %eq3A_38, %slice3A_39, %select_n3A_35 : vector<20x20xi1>, vector<20x20xf32>
    %reduce_max3A = arith.constant dense<0xFF800000> : vector<20xf32>
    %reduce_max3A_41 = vector.multi_reduction <maximumf>, %select_n3A_40, %reduce_max3A [1] : vector<20x20xf32> to vector<20xf32>
    %broadcast_in_dim3A_42 = vector.shape_cast %reduce_max3A_41 : vector<20xf32> to vector<20x1xf32>
    %sub3A = vector.broadcast %broadcast_in_dim3A_42 : vector<20x1xf32> to vector<20x20xf32>
    %sub3A_43 = arith.subf %select_n3A_40, %sub3A : vector<20x20xf32>
    %exp3A = math.exp %sub3A_43 : vector<20x20xf32>
    %reduce_sum3A = arith.constant dense<0.000000e+00> : vector<20xf32>
    %reduce_sum3A_44 = vector.multi_reduction <add>, %exp3A, %reduce_sum3A [1] : vector<20x20xf32> to vector<20xf32>
    %broadcast_in_dim3A_45 = vector.shape_cast %reduce_sum3A_44 : vector<20xf32> to vector<20x1xf32>
    %div3A = vector.broadcast %broadcast_in_dim3A_45 : vector<20x1xf32> to vector<20x20xf32>
    %div3A_46 = arith.divf %exp3A, %div3A : vector<20x20xf32>
    %broadcast_in_dim3A_47 = arith.constant 0.000000e+00 : f32
    %broadcast_in_dim3A_48 = vector.broadcast %broadcast_in_dim3A_47 : f32 to vector<20x620xf32>
    %concatenate3A = tpu.concatenate %div3A_46, %broadcast_in_dim3A_48 in 1 : vector<20x20xf32>, vector<20x620xf32> -> vector<20x640xf32>
    %slice3A_49 = vector.extract_strided_slice %slice3A {offsets = [20, 0], sizes = [20, 64], strides = [1, 1]} : vector<640x64xf32> to vector<20x64xf32>
    %get3A_50 = arith.constant 1 : index
    %get3A_51 = arith.constant 0 : index
    %get3A_52 = arith.constant 0 : index
    %get3A_53 = vector.load %arg5[%get3A_50, %get3A_51, %get3A_52] : memref<32x20x20xi32, #tpu.memory_space<vmem>>, vector<1x20x20xi32>
    %get3A_54 = vector.shape_cast %get3A_53 : vector<1x20x20xi32> to vector<20x20xi32>
    %broadcast_in_dim3A_55 = vector.shape_cast %get3A_1 : vector<4x64xf32> to vector<4x1x64xf32>
    %broadcast_in_dim3A_56 = vector.shape_cast %slice3A_49 : vector<20x64xf32> to vector<1x20x64xf32>
    %mul3A_57 = vector.broadcast %broadcast_in_dim3A_55 : vector<4x1x64xf32> to vector<4x20x64xf32>
    %mul3A_58 = vector.broadcast %broadcast_in_dim3A_56 : vector<1x20x64xf32> to vector<4x20x64xf32>
    %mul3A_59 = arith.mulf %mul3A_57, %mul3A_58 : vector<4x20x64xf32>
    %reshape3A_60 = vector.shape_cast %mul3A_59 : vector<4x20x64xf32> to vector<80x64xf32>
    %dot_general3A_61 = arith.constant dense<0.000000e+00> : vector<80x20xf32>
    %dot_general3A_62 = tpu.matmul %reshape3A_60, %slice3A_49, %dot_general3A_61 {dimension_numbers = #tpu.dot_dimension_numbers<[1], [1], [0], [0], [0, 0, 1, 0], [], []>, transpose_lhs_hint = false} : vector<80x64xf32>, vector<20x64xf32>, vector<80x20xf32> -> vector<80x20xf32>
    %ge3A_63 = arith.constant 0.000000e+00 : f32
    %ge3A_64 = vector.broadcast %ge3A_63 : f32 to vector<80x20xf32>
    %ge3A_65 = arith.cmpf oge, %dot_general3A_62, %ge3A_64 : vector<80x20xf32>
    %mul3A_66 = arith.constant 2.000000e-01 : f32
    %mul3A_67 = vector.broadcast %mul3A_66 : f32 to vector<80x20xf32>
    %mul3A_68 = arith.mulf %mul3A_67, %dot_general3A_62 : vector<80x20xf32>
    %select_n3A_69 = arith.select %ge3A_65, %dot_general3A_62, %mul3A_68 : vector<80x20xi1>, vector<80x20xf32>
    %eq3A_70 = arith.constant 1 : i32
    %eq3A_71 = vector.broadcast %eq3A_70 : i32 to vector<20x20xi32>
    %eq3A_72 = arith.cmpi eq, %get3A_54, %eq3A_71 : vector<20x20xi32>
    %slice3A_73 = vector.extract_strided_slice %select_n3A_69 {offsets = [0, 0], sizes = [20, 20], strides = [1, 1]} : vector<80x20xf32> to vector<20x20xf32>
    %select_n3A_74 = arith.select %eq3A_72, %slice3A_73, %broadcast_in_dim3A_5 : vector<20x20xi1>, vector<20x20xf32>
    %eq3A_75 = arith.constant 2 : i32
    %eq3A_76 = vector.broadcast %eq3A_75 : i32 to vector<20x20xi32>
    %eq3A_77 = arith.cmpi eq, %get3A_54, %eq3A_76 : vector<20x20xi32>
    %slice3A_78 = vector.extract_strided_slice %select_n3A_69 {offsets = [20, 0], sizes = [20, 20], strides = [1, 1]} : vector<80x20xf32> to vector<20x20xf32>
    %select_n3A_79 = arith.select %eq3A_77, %slice3A_78, %select_n3A_74 : vector<20x20xi1>, vector<20x20xf32>
    %eq3A_80 = arith.constant 3 : i32
    %eq3A_81 = vector.broadcast %eq3A_80 : i32 to vector<20x20xi32>
    %eq3A_82 = arith.cmpi eq, %get3A_54, %eq3A_81 : vector<20x20xi32>
    %slice3A_83 = vector.extract_strided_slice %select_n3A_69 {offsets = [40, 0], sizes = [20, 20], strides = [1, 1]} : vector<80x20xf32> to vector<20x20xf32>
    %select_n3A_84 = arith.select %eq3A_82, %slice3A_83, %select_n3A_79 : vector<20x20xi1>, vector<20x20xf32>
    %eq3A_85 = arith.constant 4 : i32
    %eq3A_86 = vector.broadcast %eq3A_85 : i32 to vector<20x20xi32>
    %eq3A_87 = arith.cmpi eq, %get3A_54, %eq3A_86 : vector<20x20xi32>
    %slice3A_88 = vector.extract_strided_slice %select_n3A_69 {offsets = [60, 0], sizes = [20, 20], strides = [1, 1]} : vector<80x20xf32> to vector<20x20xf32>
    %select_n3A_89 = arith.select %eq3A_87, %slice3A_88, %select_n3A_84 : vector<20x20xi1>, vector<20x20xf32>
    %reduce_max3A_90 = arith.constant dense<0xFF800000> : vector<20xf32>
    %reduce_max3A_91 = vector.multi_reduction <maximumf>, %select_n3A_89, %reduce_max3A_90 [1] : vector<20x20xf32> to vector<20xf32>
    %broadcast_in_dim3A_92 = vector.shape_cast %reduce_max3A_91 : vector<20xf32> to vector<20x1xf32>
    %sub3A_93 = vector.broadcast %broadcast_in_dim3A_92 : vector<20x1xf32> to vector<20x20xf32>
    %sub3A_94 = arith.subf %select_n3A_89, %sub3A_93 : vector<20x20xf32>
    %exp3A_95 = math.exp %sub3A_94 : vector<20x20xf32>
    %reduce_sum3A_96 = arith.constant dense<0.000000e+00> : vector<20xf32>
    %reduce_sum3A_97 = vector.multi_reduction <add>, %exp3A_95, %reduce_sum3A_96 [1] : vector<20x20xf32> to vector<20xf32>
    %broadcast_in_dim3A_98 = vector.shape_cast %reduce_sum3A_97 : vector<20xf32> to vector<20x1xf32>
    %div3A_99 = vector.broadcast %broadcast_in_dim3A_98 : vector<20x1xf32> to vector<20x20xf32>
    %div3A_100 = arith.divf %exp3A_95, %div3A_99 : vector<20x20xf32>
    %broadcast_in_dim3A_101 = arith.constant 0.000000e+00 : f32
    %broadcast_in_dim3A_102 = vector.broadcast %broadcast_in_dim3A_101 : f32 to vector<20x20xf32>
    %broadcast_in_dim3A_103 = arith.constant 0.000000e+00 : f32
    %broadcast_in_dim3A_104 = vector.broadcast %broadcast_in_dim3A_103 : f32 to vector<20x600xf32>
    %concatenate3A_105 = tpu.concatenate %broadcast_in_dim3A_102, %div3A_100, %broadcast_in_dim3A_104 in 1 : vector<20x20xf32>, vector<20x20xf32>, vector<20x600xf32> -> vector<20x640xf32>
    %slice3A_106 = vector.extract_strided_slice %slice3A {offsets = [40, 0], sizes = [20, 64], strides = [1, 1]} : vector<640x64xf32> to vector<20x64xf32>
    %get3A_107 = arith.constant 2 : index
    %get3A_108 = arith.constant 0 : index
    %get3A_109 = arith.constant 0 : index
    %get3A_110 = vector.load %arg5[%get3A_107, %get3A_108, %get3A_109] : memref<32x20x20xi32, #tpu.memory_space<vmem>>, vector<1x20x20xi32>
    %get3A_111 = vector.shape_cast %get3A_110 : vector<1x20x20xi32> to vector<20x20xi32>
    %broadcast_in_dim3A_112 = vector.shape_cast %get3A_1 : vector<4x64xf32> to vector<4x1x64xf32>
    %broadcast_in_dim3A_113 = vector.shape_cast %slice3A_106 : vector<20x64xf32> to vector<1x20x64xf32>
    %mul3A_114 = vector.broadcast %broadcast_in_dim3A_112 : vector<4x1x64xf32> to vector<4x20x64xf32>
    %mul3A_115 = vector.broadcast %broadcast_in_dim3A_113 : vector<1x20x64xf32> to vector<4x20x64xf32>
    %mul3A_116 = arith.mulf %mul3A_114, %mul3A_115 : vector<4x20x64xf32>
    %reshape3A_117 = vector.shape_cast %mul3A_116 : vector<4x20x64xf32> to vector<80x64xf32>
    %dot_general3A_118 = arith.constant dense<0.000000e+00> : vector<80x20xf32>
    %dot_general3A_119 = tpu.matmul %reshape3A_117, %slice3A_106, %dot_general3A_118 {dimension_numbers = #tpu.dot_dimension_numbers<[1], [1], [0], [0], [0, 0, 1, 0], [], []>, transpose_lhs_hint = false} : vector<80x64xf32>, vector<20x64xf32>, vector<80x20xf32> -> vector<80x20xf32>
    %ge3A_120 = arith.constant 0.000000e+00 : f32
    %ge3A_121 = vector.broadcast %ge3A_120 : f32 to vector<80x20xf32>
    %ge3A_122 = arith.cmpf oge, %dot_general3A_119, %ge3A_121 : vector<80x20xf32>
    %mul3A_123 = arith.constant 2.000000e-01 : f32
    %mul3A_124 = vector.broadcast %mul3A_123 : f32 to vector<80x20xf32>
    %mul3A_125 = arith.mulf %mul3A_124, %dot_general3A_119 : vector<80x20xf32>
    %select_n3A_126 = arith.select %ge3A_122, %dot_general3A_119, %mul3A_125 : vector<80x20xi1>, vector<80x20xf32>
    %eq3A_127 = arith.constant 1 : i32
    %eq3A_128 = vector.broadcast %eq3A_127 : i32 to vector<20x20xi32>
    %eq3A_129 = arith.cmpi eq, %get3A_111, %eq3A_128 : vector<20x20xi32>
    %slice3A_130 = vector.extract_strided_slice %select_n3A_126 {offsets = [0, 0], sizes = [20, 20], strides = [1, 1]} : vector<80x20xf32> to vector<20x20xf32>
    %select_n3A_131 = arith.select %eq3A_129, %slice3A_130, %broadcast_in_dim3A_5 : vector<20x20xi1>, vector<20x20xf32>
    %eq3A_132 = arith.constant 2 : i32
    %eq3A_133 = vector.broadcast %eq3A_132 : i32 to vector<20x20xi32>
    %eq3A_134 = arith.cmpi eq, %get3A_111, %eq3A_133 : vector<20x20xi32>
    %slice3A_135 = vector.extract_strided_slice %select_n3A_126 {offsets = [20, 0], sizes = [20, 20], strides = [1, 1]} : vector<80x20xf32> to vector<20x20xf32>
    %select_n3A_136 = arith.select %eq3A_134, %slice3A_135, %select_n3A_131 : vector<20x20xi1>, vector<20x20xf32>
    %eq3A_137 = arith.constant 3 : i32
    %eq3A_138 = vector.broadcast %eq3A_137 : i32 to vector<20x20xi32>
    %eq3A_139 = arith.cmpi eq, %get3A_111, %eq3A_138 : vector<20x20xi32>
    %slice3A_140 = vector.extract_strided_slice %select_n3A_126 {offsets = [40, 0], sizes = [20, 20], strides = [1, 1]} : vector<80x20xf32> to vector<20x20xf32>
    %select_n3A_141 = arith.select %eq3A_139, %slice3A_140, %select_n3A_136 : vector<20x20xi1>, vector<20x20xf32>
    %eq3A_142 = arith.constant 4 : i32
    %eq3A_143 = vector.broadcast %eq3A_142 : i32 to vector<20x20xi32>
    %eq3A_144 = arith.cmpi eq, %get3A_111, %eq3A_143 : vector<20x20xi32>
    %slice3A_145 = vector.extract_strided_slice %select_n3A_126 {offsets = [60, 0], sizes = [20, 20], strides = [1, 1]} : vector<80x20xf32> to vector<20x20xf32>
    %select_n3A_146 = arith.select %eq3A_144, %slice3A_145, %select_n3A_141 : vector<20x20xi1>, vector<20x20xf32>
    %reduce_max3A_147 = arith.constant dense<0xFF800000> : vector<20xf32>
    %reduce_max3A_148 = vector.multi_reduction <maximumf>, %select_n3A_146, %reduce_max3A_147 [1] : vector<20x20xf32> to vector<20xf32>
    %broadcast_in_dim3A_149 = vector.shape_cast %reduce_max3A_148 : vector<20xf32> to vector<20x1xf32>
    %sub3A_150 = vector.broadcast %broadcast_in_dim3A_149 : vector<20x1xf32> to vector<20x20xf32>
    %sub3A_151 = arith.subf %select_n3A_146, %sub3A_150 : vector<20x20xf32>
    %exp3A_152 = math.exp %sub3A_151 : vector<20x20xf32>
    %reduce_sum3A_153 = arith.constant dense<0.000000e+00> : vector<20xf32>
    %reduce_sum3A_154 = vector.multi_reduction <add>, %exp3A_152, %reduce_sum3A_153 [1] : vector<20x20xf32> to vector<20xf32>
    %broadcast_in_dim3A_155 = vector.shape_cast %reduce_sum3A_154 : vector<20xf32> to vector<20x1xf32>
    %div3A_156 = vector.broadcast %broadcast_in_dim3A_155 : vector<20x1xf32> to vector<20x20xf32>
    %div3A_157 = arith.divf %exp3A_152, %div3A_156 : vector<20x20xf32>
    %broadcast_in_dim3A_158 = arith.constant 0.000000e+00 : f32
    %broadcast_in_dim3A_159 = vector.broadcast %broadcast_in_dim3A_158 : f32 to vector<20x40xf32>
    %broadcast_in_dim3A_160 = arith.constant 0.000000e+00 : f32
    %broadcast_in_dim3A_161 = vector.broadcast %broadcast_in_dim3A_160 : f32 to vector<20x580xf32>
    %concatenate3A_162 = tpu.concatenate %broadcast_in_dim3A_159, %div3A_157, %broadcast_in_dim3A_161 in 1 : vector<20x40xf32>, vector<20x20xf32>, vector<20x580xf32> -> vector<20x640xf32>
    %slice3A_163 = vector.extract_strided_slice %slice3A {offsets = [60, 0], sizes = [20, 64], strides = [1, 1]} : vector<640x64xf32> to vector<20x64xf32>
    %get3A_164 = arith.constant 3 : index
    %get3A_165 = arith.constant 0 : index
    %get3A_166 = arith.constant 0 : index
    %get3A_167 = vector.load %arg5[%get3A_164, %get3A_165, %get3A_166] : memref<32x20x20xi32, #tpu.memory_space<vmem>>, vector<1x20x20xi32>
    %get3A_168 = vector.shape_cast %get3A_167 : vector<1x20x20xi32> to vector<20x20xi32>
    %broadcast_in_dim3A_169 = vector.shape_cast %get3A_1 : vector<4x64xf32> to vector<4x1x64xf32>
    %broadcast_in_dim3A_170 = vector.shape_cast %slice3A_163 : vector<20x64xf32> to vector<1x20x64xf32>
    %mul3A_171 = vector.broadcast %broadcast_in_dim3A_169 : vector<4x1x64xf32> to vector<4x20x64xf32>
    %mul3A_172 = vector.broadcast %broadcast_in_dim3A_170 : vector<1x20x64xf32> to vector<4x20x64xf32>
    %mul3A_173 = arith.mulf %mul3A_171, %mul3A_172 : vector<4x20x64xf32>
    %reshape3A_174 = vector.shape_cast %mul3A_173 : vector<4x20x64xf32> to vector<80x64xf32>
    %dot_general3A_175 = arith.constant dense<0.000000e+00> : vector<80x20xf32>
    %dot_general3A_176 = tpu.matmul %reshape3A_174, %slice3A_163, %dot_general3A_175 {dimension_numbers = #tpu.dot_dimension_numbers<[1], [1], [0], [0], [0, 0, 1, 0], [], []>, transpose_lhs_hint = false} : vector<80x64xf32>, vector<20x64xf32>, vector<80x20xf32> -> vector<80x20xf32>
    %ge3A_177 = arith.constant 0.000000e+00 : f32
    %ge3A_178 = vector.broadcast %ge3A_177 : f32 to vector<80x20xf32>
    %ge3A_179 = arith.cmpf oge, %dot_general3A_176, %ge3A_178 : vector<80x20xf32>
    %mul3A_180 = arith.constant 2.000000e-01 : f32
    %mul3A_181 = vector.broadcast %mul3A_180 : f32 to vector<80x20xf32>
    %mul3A_182 = arith.mulf %mul3A_181, %dot_general3A_176 : vector<80x20xf32>
    %select_n3A_183 = arith.select %ge3A_179, %dot_general3A_176, %mul3A_182 : vector<80x20xi1>, vector<80x20xf32>
    %eq3A_184 = arith.constant 1 : i32
    %eq3A_185 = vector.broadcast %eq3A_184 : i32 to vector<20x20xi32>
    %eq3A_186 = arith.cmpi eq, %get3A_168, %eq3A_185 : vector<20x20xi32>
    %slice3A_187 = vector.extract_strided_slice %select_n3A_183 {offsets = [0, 0], sizes = [20, 20], strides = [1, 1]} : vector<80x20xf32> to vector<20x20xf32>
    %select_n3A_188 = arith.select %eq3A_186, %slice3A_187, %broadcast_in_dim3A_5 : vector<20x20xi1>, vector<20x20xf32>
    %eq3A_189 = arith.constant 2 : i32
    %eq3A_190 = vector.broadcast %eq3A_189 : i32 to vector<20x20xi32>
    %eq3A_191 = arith.cmpi eq, %get3A_168, %eq3A_190 : vector<20x20xi32>
    %slice3A_192 = vector.extract_strided_slice %select_n3A_183 {offsets = [20, 0], sizes = [20, 20], strides = [1, 1]} : vector<80x20xf32> to vector<20x20xf32>
    %select_n3A_193 = arith.select %eq3A_191, %slice3A_192, %select_n3A_188 : vector<20x20xi1>, vector<20x20xf32>
    %eq3A_194 = arith.constant 3 : i32
    %eq3A_195 = vector.broadcast %eq3A_194 : i32 to vector<20x20xi32>
    %eq3A_196 = arith.cmpi eq, %get3A_168, %eq3A_195 : vector<20x20xi32>
    %slice3A_197 = vector.extract_strided_slice %select_n3A_183 {offsets = [40, 0], sizes = [20, 20], strides = [1, 1]} : vector<80x20xf32> to vector<20x20xf32>
    %select_n3A_198 = arith.select %eq3A_196, %slice3A_197, %select_n3A_193 : vector<20x20xi1>, vector<20x20xf32>
    %eq3A_199 = arith.constant 4 : i32
    %eq3A_200 = vector.broadcast %eq3A_199 : i32 to vector<20x20xi32>
    %eq3A_201 = arith.cmpi eq, %get3A_168, %eq3A_200 : vector<20x20xi32>
    %slice3A_202 = vector.extract_strided_slice %select_n3A_183 {offsets = [60, 0], sizes = [20, 20], strides = [1, 1]} : vector<80x20xf32> to vector<20x20xf32>
    %select_n3A_203 = arith.select %eq3A_201, %slice3A_202, %select_n3A_198 : vector<20x20xi1>, vector<20x20xf32>
    %reduce_max3A_204 = arith.constant dense<0xFF800000> : vector<20xf32>
    %reduce_max3A_205 = vector.multi_reduction <maximumf>, %select_n3A_203, %reduce_max3A_204 [1] : vector<20x20xf32> to vector<20xf32>
    %broadcast_in_dim3A_206 = vector.shape_cast %reduce_max3A_205 : vector<20xf32> to vector<20x1xf32>
    %sub3A_207 = vector.broadcast %broadcast_in_dim3A_206 : vector<20x1xf32> to vector<20x20xf32>
    %sub3A_208 = arith.subf %select_n3A_203, %sub3A_207 : vector<20x20xf32>
    %exp3A_209 = math.exp %sub3A_208 : vector<20x20xf32>
    %reduce_sum3A_210 = arith.constant dense<0.000000e+00> : vector<20xf32>
    %reduce_sum3A_211 = vector.multi_reduction <add>, %exp3A_209, %reduce_sum3A_210 [1] : vector<20x20xf32> to vector<20xf32>
    %broadcast_in_dim3A_212 = vector.shape_cast %reduce_sum3A_211 : vector<20xf32> to vector<20x1xf32>
    %div3A_213 = vector.broadcast %broadcast_in_dim3A_212 : vector<20x1xf32> to vector<20x20xf32>
    %div3A_214 = arith.divf %exp3A_209, %div3A_213 : vector<20x20xf32>
    %broadcast_in_dim3A_215 = arith.constant 0.000000e+00 : f32
    %broadcast_in_dim3A_216 = vector.broadcast %broadcast_in_dim3A_215 : f32 to vector<20x60xf32>
    %broadcast_in_dim3A_217 = arith.constant 0.000000e+00 : f32
    %broadcast_in_dim3A_218 = vector.broadcast %broadcast_in_dim3A_217 : f32 to vector<20x560xf32>
    %concatenate3A_219 = tpu.concatenate %broadcast_in_dim3A_216, %div3A_214, %broadcast_in_dim3A_218 in 1 : vector<20x60xf32>, vector<20x20xf32>, vector<20x560xf32> -> vector<20x640xf32>
    %slice3A_220 = vector.extract_strided_slice %slice3A {offsets = [80, 0], sizes = [20, 64], strides = [1, 1]} : vector<640x64xf32> to vector<20x64xf32>
    %get3A_221 = arith.constant 4 : index
    %get3A_222 = arith.constant 0 : index
    %get3A_223 = arith.constant 0 : index
    %get3A_224 = vector.load %arg5[%get3A_221, %get3A_222, %get3A_223] : memref<32x20x20xi32, #tpu.memory_space<vmem>>, vector<1x20x20xi32>
    %get3A_225 = vector.shape_cast %get3A_224 : vector<1x20x20xi32> to vector<20x20xi32>
    %broadcast_in_dim3A_226 = vector.shape_cast %get3A_1 : vector<4x64xf32> to vector<4x1x64xf32>
    %broadcast_in_dim3A_227 = vector.shape_cast %slice3A_220 : vector<20x64xf32> to vector<1x20x64xf32>
    %mul3A_228 = vector.broadcast %broadcast_in_dim3A_226 : vector<4x1x64xf32> to vector<4x20x64xf32>
    %mul3A_229 = vector.broadcast %broadcast_in_dim3A_227 : vector<1x20x64xf32> to vector<4x20x64xf32>
    %mul3A_230 = arith.mulf %mul3A_228, %mul3A_229 : vector<4x20x64xf32>
    %reshape3A_231 = vector.shape_cast %mul3A_230 : vector<4x20x64xf32> to vector<80x64xf32>
    %dot_general3A_232 = arith.constant dense<0.000000e+00> : vector<80x20xf32>
    %dot_general3A_233 = tpu.matmul %reshape3A_231, %slice3A_220, %dot_general3A_232 {dimension_numbers = #tpu.dot_dimension_numbers<[1], [1], [0], [0], [0, 0, 1, 0], [], []>, transpose_lhs_hint = false} : vector<80x64xf32>, vector<20x64xf32>, vector<80x20xf32> -> vector<80x20xf32>
    %ge3A_234 = arith.constant 0.000000e+00 : f32
    %ge3A_235 = vector.broadcast %ge3A_234 : f32 to vector<80x20xf32>
    %ge3A_236 = arith.cmpf oge, %dot_general3A_233, %ge3A_235 : vector<80x20xf32>
    %mul3A_237 = arith.constant 2.000000e-01 : f32
    %mul3A_238 = vector.broadcast %mul3A_237 : f32 to vector<80x20xf32>
    %mul3A_239 = arith.mulf %mul3A_238, %dot_general3A_233 : vector<80x20xf32>
    %select_n3A_240 = arith.select %ge3A_236, %dot_general3A_233, %mul3A_239 : vector<80x20xi1>, vector<80x20xf32>
    %eq3A_241 = arith.constant 1 : i32
    %eq3A_242 = vector.broadcast %eq3A_241 : i32 to vector<20x20xi32>
    %eq3A_243 = arith.cmpi eq, %get3A_225, %eq3A_242 : vector<20x20xi32>
    %slice3A_244 = vector.extract_strided_slice %select_n3A_240 {offsets = [0, 0], sizes = [20, 20], strides = [1, 1]} : vector<80x20xf32> to vector<20x20xf32>
    %select_n3A_245 = arith.select %eq3A_243, %slice3A_244, %broadcast_in_dim3A_5 : vector<20x20xi1>, vector<20x20xf32>
    %eq3A_246 = arith.constant 2 : i32
    %eq3A_247 = vector.broadcast %eq3A_246 : i32 to vector<20x20xi32>
    %eq3A_248 = arith.cmpi eq, %get3A_225, %eq3A_247 : vector<20x20xi32>
    %slice3A_249 = vector.extract_strided_slice %select_n3A_240 {offsets = [20, 0], sizes = [20, 20], strides = [1, 1]} : vector<80x20xf32> to vector<20x20xf32>
    %select_n3A_250 = arith.select %eq3A_248, %slice3A_249, %select_n3A_245 : vector<20x20xi1>, vector<20x20xf32>
    %eq3A_251 = arith.constant 3 : i32
    %eq3A_252 = vector.broadcast %eq3A_251 : i32 to vector<20x20xi32>
    %eq3A_253 = arith.cmpi eq, %get3A_225, %eq3A_252 : vector<20x20xi32>
    %slice3A_254 = vector.extract_strided_slice %select_n3A_240 {offsets = [40, 0], sizes = [20, 20], strides = [1, 1]} : vector<80x20xf32> to vector<20x20xf32>
    %select_n3A_255 = arith.select %eq3A_253, %slice3A_254, %select_n3A_250 : vector<20x20xi1>, vector<20x20xf32>
    %eq3A_256 = arith.constant 4 : i32
    %eq3A_257 = vector.broadcast %eq3A_256 : i32 to vector<20x20xi32>
    %eq3A_258 = arith.cmpi eq, %get3A_225, %eq3A_257 : vector<20x20xi32>
    %slice3A_259 = vector.extract_strided_slice %select_n3A_240 {offsets = [60, 0], sizes = [20, 20], strides = [1, 1]} : vector<80x20xf32> to vector<20x20xf32>
    %select_n3A_260 = arith.select %eq3A_258, %slice3A_259, %select_n3A_255 : vector<20x20xi1>, vector<20x20xf32>
    %reduce_max3A_261 = arith.constant dense<0xFF800000> : vector<20xf32>
    %reduce_max3A_262 = vector.multi_reduction <maximumf>, %select_n3A_260, %reduce_max3A_261 [1] : vector<20x20xf32> to vector<20xf32>
    %broadcast_in_dim3A_263 = vector.shape_cast %reduce_max3A_262 : vector<20xf32> to vector<20x1xf32>
    %sub3A_264 = vector.broadcast %broadcast_in_dim3A_263 : vector<20x1xf32> to vector<20x20xf32>
    %sub3A_265 = arith.subf %select_n3A_260, %sub3A_264 : vector<20x20xf32>
    %exp3A_266 = math.exp %sub3A_265 : vector<20x20xf32>
    %reduce_sum3A_267 = arith.constant dense<0.000000e+00> : vector<20xf32>
    %reduce_sum3A_268 = vector.multi_reduction <add>, %exp3A_266, %reduce_sum3A_267 [1] : vector<20x20xf32> to vector<20xf32>
    %broadcast_in_dim3A_269 = vector.shape_cast %reduce_sum3A_268 : vector<20xf32> to vector<20x1xf32>
    %div3A_270 = vector.broadcast %broadcast_in_dim3A_269 : vector<20x1xf32> to vector<20x20xf32>
    %div3A_271 = arith.divf %exp3A_266, %div3A_270 : vector<20x20xf32>
    %broadcast_in_dim3A_272 = arith.constant 0.000000e+00 : f32
    %broadcast_in_dim3A_273 = vector.broadcast %broadcast_in_dim3A_272 : f32 to vector<20x80xf32>
    %broadcast_in_dim3A_274 = arith.constant 0.000000e+00 : f32
    %broadcast_in_dim3A_275 = vector.broadcast %broadcast_in_dim3A_274 : f32 to vector<20x540xf32>
    %concatenate3A_276 = tpu.concatenate %broadcast_in_dim3A_273, %div3A_271, %broadcast_in_dim3A_275 in 1 : vector<20x80xf32>, vector<20x20xf32>, vector<20x540xf32> -> vector<20x640xf32>
    %slice3A_277 = vector.extract_strided_slice %slice3A {offsets = [100, 0], sizes = [20, 64], strides = [1, 1]} : vector<640x64xf32> to vector<20x64xf32>
    %get3A_278 = arith.constant 5 : index
    %get3A_279 = arith.constant 0 : index
    %get3A_280 = arith.constant 0 : index
    %get3A_281 = vector.load %arg5[%get3A_278, %get3A_279, %get3A_280] : memref<32x20x20xi32, #tpu.memory_space<vmem>>, vector<1x20x20xi32>
    %get3A_282 = vector.shape_cast %get3A_281 : vector<1x20x20xi32> to vector<20x20xi32>
    %broadcast_in_dim3A_283 = vector.shape_cast %get3A_1 : vector<4x64xf32> to vector<4x1x64xf32>
    %broadcast_in_dim3A_284 = vector.shape_cast %slice3A_277 : vector<20x64xf32> to vector<1x20x64xf32>
    %mul3A_285 = vector.broadcast %broadcast_in_dim3A_283 : vector<4x1x64xf32> to vector<4x20x64xf32>
    %mul3A_286 = vector.broadcast %broadcast_in_dim3A_284 : vector<1x20x64xf32> to vector<4x20x64xf32>
    %mul3A_287 = arith.mulf %mul3A_285, %mul3A_286 : vector<4x20x64xf32>
    %reshape3A_288 = vector.shape_cast %mul3A_287 : vector<4x20x64xf32> to vector<80x64xf32>
    %dot_general3A_289 = arith.constant dense<0.000000e+00> : vector<80x20xf32>
    %dot_general3A_290 = tpu.matmul %reshape3A_288, %slice3A_277, %dot_general3A_289 {dimension_numbers = #tpu.dot_dimension_numbers<[1], [1], [0], [0], [0, 0, 1, 0], [], []>, transpose_lhs_hint = false} : vector<80x64xf32>, vector<20x64xf32>, vector<80x20xf32> -> vector<80x20xf32>
    %ge3A_291 = arith.constant 0.000000e+00 : f32
    %ge3A_292 = vector.broadcast %ge3A_291 : f32 to vector<80x20xf32>
    %ge3A_293 = arith.cmpf oge, %dot_general3A_290, %ge3A_292 : vector<80x20xf32>
    %mul3A_294 = arith.constant 2.000000e-01 : f32
    %mul3A_295 = vector.broadcast %mul3A_294 : f32 to vector<80x20xf32>
    %mul3A_296 = arith.mulf %mul3A_295, %dot_general3A_290 : vector<80x20xf32>
    %select_n3A_297 = arith.select %ge3A_293, %dot_general3A_290, %mul3A_296 : vector<80x20xi1>, vector<80x20xf32>
    %eq3A_298 = arith.constant 1 : i32
    %eq3A_299 = vector.broadcast %eq3A_298 : i32 to vector<20x20xi32>
    %eq3A_300 = arith.cmpi eq, %get3A_282, %eq3A_299 : vector<20x20xi32>
    %slice3A_301 = vector.extract_strided_slice %select_n3A_297 {offsets = [0, 0], sizes = [20, 20], strides = [1, 1]} : vector<80x20xf32> to vector<20x20xf32>
    %select_n3A_302 = arith.select %eq3A_300, %slice3A_301, %broadcast_in_dim3A_5 : vector<20x20xi1>, vector<20x20xf32>
    %eq3A_303 = arith.constant 2 : i32
    %eq3A_304 = vector.broadcast %eq3A_303 : i32 to vector<20x20xi32>
    %eq3A_305 = arith.cmpi eq, %get3A_282, %eq3A_304 : vector<20x20xi32>
    %slice3A_306 = vector.extract_strided_slice %select_n3A_297 {offsets = [20, 0], sizes = [20, 20], strides = [1, 1]} : vector<80x20xf32> to vector<20x20xf32>
    %select_n3A_307 = arith.select %eq3A_305, %slice3A_306, %select_n3A_302 : vector<20x20xi1>, vector<20x20xf32>
    %eq3A_308 = arith.constant 3 : i32
    %eq3A_309 = vector.broadcast %eq3A_308 : i32 to vector<20x20xi32>
    %eq3A_310 = arith.cmpi eq, %get3A_282, %eq3A_309 : vector<20x20xi32>
    %slice3A_311 = vector.extract_strided_slice %select_n3A_297 {offsets = [40, 0], sizes = [20, 20], strides = [1, 1]} : vector<80x20xf32> to vector<20x20xf32>
    %select_n3A_312 = arith.select %eq3A_310, %slice3A_311, %select_n3A_307 : vector<20x20xi1>, vector<20x20xf32>
    %eq3A_313 = arith.constant 4 : i32
    %eq3A_314 = vector.broadcast %eq3A_313 : i32 to vector<20x20xi32>
    %eq3A_315 = arith.cmpi eq, %get3A_282, %eq3A_314 : vector<20x20xi32>
    %slice3A_316 = vector.extract_strided_slice %select_n3A_297 {offsets = [60, 0], sizes = [20, 20], strides = [1, 1]} : vector<80x20xf32> to vector<20x20xf32>
    %select_n3A_317 = arith.select %eq3A_315, %slice3A_316, %select_n3A_312 : vector<20x20xi1>, vector<20x20xf32>
    %reduce_max3A_318 = arith.constant dense<0xFF800000> : vector<20xf32>
    %reduce_max3A_319 = vector.multi_reduction <maximumf>, %select_n3A_317, %reduce_max3A_318 [1] : vector<20x20xf32> to vector<20xf32>
    %broadcast_in_dim3A_320 = vector.shape_cast %reduce_max3A_319 : vector<20xf32> to vector<20x1xf32>
    %sub3A_321 = vector.broadcast %broadcast_in_dim3A_320 : vector<20x1xf32> to vector<20x20xf32>
    %sub3A_322 = arith.subf %select_n3A_317, %sub3A_321 : vector<20x20xf32>
    %exp3A_323 = math.exp %sub3A_322 : vector<20x20xf32>
    %reduce_sum3A_324 = arith.constant dense<0.000000e+00> : vector<20xf32>
    %reduce_sum3A_325 = vector.multi_reduction <add>, %exp3A_323, %reduce_sum3A_324 [1] : vector<20x20xf32> to vector<20xf32>
    %broadcast_in_dim3A_326 = vector.shape_cast %reduce_sum3A_325 : vector<20xf32> to vector<20x1xf32>
    %div3A_327 = vector.broadcast %broadcast_in_dim3A_326 : vector<20x1xf32> to vector<20x20xf32>
    %div3A_328 = arith.divf %exp3A_323, %div3A_327 : vector<20x20xf32>
    %broadcast_in_dim3A_329 = arith.constant 0.000000e+00 : f32
    %broadcast_in_dim3A_330 = vector.broadcast %broadcast_in_dim3A_329 : f32 to vector<20x100xf32>
    %broadcast_in_dim3A_331 = arith.constant 0.000000e+00 : f32
    %broadcast_in_dim3A_332 = vector.broadcast %broadcast_in_dim3A_331 : f32 to vector<20x520xf32>
    %concatenate3A_333 = tpu.concatenate %broadcast_in_dim3A_330, %div3A_328, %broadcast_in_dim3A_332 in 1 : vector<20x100xf32>, vector<20x20xf32>, vector<20x520xf32> -> vector<20x640xf32>
    %slice3A_334 = vector.extract_strided_slice %slice3A {offsets = [120, 0], sizes = [20, 64], strides = [1, 1]} : vector<640x64xf32> to vector<20x64xf32>
    %get3A_335 = arith.constant 6 : index
    %get3A_336 = arith.constant 0 : index
    %get3A_337 = arith.constant 0 : index
    %get3A_338 = vector.load %arg5[%get3A_335, %get3A_336, %get3A_337] : memref<32x20x20xi32, #tpu.memory_space<vmem>>, vector<1x20x20xi32>
    %get3A_339 = vector.shape_cast %get3A_338 : vector<1x20x20xi32> to vector<20x20xi32>
    %broadcast_in_dim3A_340 = vector.shape_cast %get3A_1 : vector<4x64xf32> to vector<4x1x64xf32>
    %broadcast_in_dim3A_341 = vector.shape_cast %slice3A_334 : vector<20x64xf32> to vector<1x20x64xf32>
    %mul3A_342 = vector.broadcast %broadcast_in_dim3A_340 : vector<4x1x64xf32> to vector<4x20x64xf32>
    %mul3A_343 = vector.broadcast %broadcast_in_dim3A_341 : vector<1x20x64xf32> to vector<4x20x64xf32>
    %mul3A_344 = arith.mulf %mul3A_342, %mul3A_343 : vector<4x20x64xf32>
    %reshape3A_345 = vector.shape_cast %mul3A_344 : vector<4x20x64xf32> to vector<80x64xf32>
    %dot_general3A_346 = arith.constant dense<0.000000e+00> : vector<80x20xf32>
    %dot_general3A_347 = tpu.matmul %reshape3A_345, %slice3A_334, %dot_general3A_346 {dimension_numbers = #tpu.dot_dimension_numbers<[1], [1], [0], [0], [0, 0, 1, 0], [], []>, transpose_lhs_hint = false} : vector<80x64xf32>, vector<20x64xf32>, vector<80x20xf32> -> vector<80x20xf32>
    %ge3A_348 = arith.constant 0.000000e+00 : f32
    %ge3A_349 = vector.broadcast %ge3A_348 : f32 to vector<80x20xf32>
    %ge3A_350 = arith.cmpf oge, %dot_general3A_347, %ge3A_349 : vector<80x20xf32>
    %mul3A_351 = arith.constant 2.000000e-01 : f32
    %mul3A_352 = vector.broadcast %mul3A_351 : f32 to vector<80x20xf32>
    %mul3A_353 = arith.mulf %mul3A_352, %dot_general3A_347 : vector<80x20xf32>
    %select_n3A_354 = arith.select %ge3A_350, %dot_general3A_347, %mul3A_353 : vector<80x20xi1>, vector<80x20xf32>
    %eq3A_355 = arith.constant 1 : i32
    %eq3A_356 = vector.broadcast %eq3A_355 : i32 to vector<20x20xi32>
    %eq3A_357 = arith.cmpi eq, %get3A_339, %eq3A_356 : vector<20x20xi32>
    %slice3A_358 = vector.extract_strided_slice %select_n3A_354 {offsets = [0, 0], sizes = [20, 20], strides = [1, 1]} : vector<80x20xf32> to vector<20x20xf32>
    %select_n3A_359 = arith.select %eq3A_357, %slice3A_358, %broadcast_in_dim3A_5 : vector<20x20xi1>, vector<20x20xf32>
    %eq3A_360 = arith.constant 2 : i32
    %eq3A_361 = vector.broadcast %eq3A_360 : i32 to vector<20x20xi32>
    %eq3A_362 = arith.cmpi eq, %get3A_339, %eq3A_361 : vector<20x20xi32>
    %slice3A_363 = vector.extract_strided_slice %select_n3A_354 {offsets = [20, 0], sizes = [20, 20], strides = [1, 1]} : vector<80x20xf32> to vector<20x20xf32>
    %select_n3A_364 = arith.select %eq3A_362, %slice3A_363, %select_n3A_359 : vector<20x20xi1>, vector<20x20xf32>
    %eq3A_365 = arith.constant 3 : i32
    %eq3A_366 = vector.broadcast %eq3A_365 : i32 to vector<20x20xi32>
    %eq3A_367 = arith.cmpi eq, %get3A_339, %eq3A_366 : vector<20x20xi32>
    %slice3A_368 = vector.extract_strided_slice %select_n3A_354 {offsets = [40, 0], sizes = [20, 20], strides = [1, 1]} : vector<80x20xf32> to vector<20x20xf32>
    %select_n3A_369 = arith.select %eq3A_367, %slice3A_368, %select_n3A_364 : vector<20x20xi1>, vector<20x20xf32>
    %eq3A_370 = arith.constant 4 : i32
    %eq3A_371 = vector.broadcast %eq3A_370 : i32 to vector<20x20xi32>
    %eq3A_372 = arith.cmpi eq, %get3A_339, %eq3A_371 : vector<20x20xi32>
    %slice3A_373 = vector.extract_strided_slice %select_n3A_354 {offsets = [60, 0], sizes = [20, 20], strides = [1, 1]} : vector<80x20xf32> to vector<20x20xf32>
    %select_n3A_374 = arith.select %eq3A_372, %slice3A_373, %select_n3A_369 : vector<20x20xi1>, vector<20x20xf32>
    %reduce_max3A_375 = arith.constant dense<0xFF800000> : vector<20xf32>
    %reduce_max3A_376 = vector.multi_reduction <maximumf>, %select_n3A_374, %reduce_max3A_375 [1] : vector<20x20xf32> to vector<20xf32>
    %broadcast_in_dim3A_377 = vector.shape_cast %reduce_max3A_376 : vector<20xf32> to vector<20x1xf32>
    %sub3A_378 = vector.broadcast %broadcast_in_dim3A_377 : vector<20x1xf32> to vector<20x20xf32>
    %sub3A_379 = arith.subf %select_n3A_374, %sub3A_378 : vector<20x20xf32>
    %exp3A_380 = math.exp %sub3A_379 : vector<20x20xf32>
    %reduce_sum3A_381 = arith.constant dense<0.000000e+00> : vector<20xf32>
    %reduce_sum3A_382 = vector.multi_reduction <add>, %exp3A_380, %reduce_sum3A_381 [1] : vector<20x20xf32> to vector<20xf32>
    %broadcast_in_dim3A_383 = vector.shape_cast %reduce_sum3A_382 : vector<20xf32> to vector<20x1xf32>
    %div3A_384 = vector.broadcast %broadcast_in_dim3A_383 : vector<20x1xf32> to vector<20x20xf32>
    %div3A_385 = arith.divf %exp3A_380, %div3A_384 : vector<20x20xf32>
    %broadcast_in_dim3A_386 = arith.constant 0.000000e+00 : f32
    %broadcast_in_dim3A_387 = vector.broadcast %broadcast_in_dim3A_386 : f32 to vector<20x120xf32>
    %broadcast_in_dim3A_388 = arith.constant 0.000000e+00 : f32
    %broadcast_in_dim3A_389 = vector.broadcast %broadcast_in_dim3A_388 : f32 to vector<20x500xf32>
    %concatenate3A_390 = tpu.concatenate %broadcast_in_dim3A_387, %div3A_385, %broadcast_in_dim3A_389 in 1 : vector<20x120xf32>, vector<20x20xf32>, vector<20x500xf32> -> vector<20x640xf32>
    %slice3A_391 = vector.extract_strided_slice %slice3A {offsets = [140, 0], sizes = [20, 64], strides = [1, 1]} : vector<640x64xf32> to vector<20x64xf32>
    %get3A_392 = arith.constant 7 : index
    %get3A_393 = arith.constant 0 : index
    %get3A_394 = arith.constant 0 : index
    %get3A_395 = vector.load %arg5[%get3A_392, %get3A_393, %get3A_394] : memref<32x20x20xi32, #tpu.memory_space<vmem>>, vector<1x20x20xi32>
    %get3A_396 = vector.shape_cast %get3A_395 : vector<1x20x20xi32> to vector<20x20xi32>
    %broadcast_in_dim3A_397 = vector.shape_cast %get3A_1 : vector<4x64xf32> to vector<4x1x64xf32>
    %broadcast_in_dim3A_398 = vector.shape_cast %slice3A_391 : vector<20x64xf32> to vector<1x20x64xf32>
    %mul3A_399 = vector.broadcast %broadcast_in_dim3A_397 : vector<4x1x64xf32> to vector<4x20x64xf32>
    %mul3A_400 = vector.broadcast %broadcast_in_dim3A_398 : vector<1x20x64xf32> to vector<4x20x64xf32>
    %mul3A_401 = arith.mulf %mul3A_399, %mul3A_400 : vector<4x20x64xf32>
    %reshape3A_402 = vector.shape_cast %mul3A_401 : vector<4x20x64xf32> to vector<80x64xf32>
    %dot_general3A_403 = arith.constant dense<0.000000e+00> : vector<80x20xf32>
    %dot_general3A_404 = tpu.matmul %reshape3A_402, %slice3A_391, %dot_general3A_403 {dimension_numbers = #tpu.dot_dimension_numbers<[1], [1], [0], [0], [0, 0, 1, 0], [], []>, transpose_lhs_hint = false} : vector<80x64xf32>, vector<20x64xf32>, vector<80x20xf32> -> vector<80x20xf32>
    %ge3A_405 = arith.constant 0.000000e+00 : f32
    %ge3A_406 = vector.broadcast %ge3A_405 : f32 to vector<80x20xf32>
    %ge3A_407 = arith.cmpf oge, %dot_general3A_404, %ge3A_406 : vector<80x20xf32>
    %mul3A_408 = arith.constant 2.000000e-01 : f32
    %mul3A_409 = vector.broadcast %mul3A_408 : f32 to vector<80x20xf32>
    %mul3A_410 = arith.mulf %mul3A_409, %dot_general3A_404 : vector<80x20xf32>
    %select_n3A_411 = arith.select %ge3A_407, %dot_general3A_404, %mul3A_410 : vector<80x20xi1>, vector<80x20xf32>
    %eq3A_412 = arith.constant 1 : i32
    %eq3A_413 = vector.broadcast %eq3A_412 : i32 to vector<20x20xi32>
    %eq3A_414 = arith.cmpi eq, %get3A_396, %eq3A_413 : vector<20x20xi32>
    %slice3A_415 = vector.extract_strided_slice %select_n3A_411 {offsets = [0, 0], sizes = [20, 20], strides = [1, 1]} : vector<80x20xf32> to vector<20x20xf32>
    %select_n3A_416 = arith.select %eq3A_414, %slice3A_415, %broadcast_in_dim3A_5 : vector<20x20xi1>, vector<20x20xf32>
    %eq3A_417 = arith.constant 2 : i32
    %eq3A_418 = vector.broadcast %eq3A_417 : i32 to vector<20x20xi32>
    %eq3A_419 = arith.cmpi eq, %get3A_396, %eq3A_418 : vector<20x20xi32>
    %slice3A_420 = vector.extract_strided_slice %select_n3A_411 {offsets = [20, 0], sizes = [20, 20], strides = [1, 1]} : vector<80x20xf32> to vector<20x20xf32>
    %select_n3A_421 = arith.select %eq3A_419, %slice3A_420, %select_n3A_416 : vector<20x20xi1>, vector<20x20xf32>
    %eq3A_422 = arith.constant 3 : i32
    %eq3A_423 = vector.broadcast %eq3A_422 : i32 to vector<20x20xi32>
    %eq3A_424 = arith.cmpi eq, %get3A_396, %eq3A_423 : vector<20x20xi32>
    %slice3A_425 = vector.extract_strided_slice %select_n3A_411 {offsets = [40, 0], sizes = [20, 20], strides = [1, 1]} : vector<80x20xf32> to vector<20x20xf32>
    %select_n3A_426 = arith.select %eq3A_424, %slice3A_425, %select_n3A_421 : vector<20x20xi1>, vector<20x20xf32>
    %eq3A_427 = arith.constant 4 : i32
    %eq3A_428 = vector.broadcast %eq3A_427 : i32 to vector<20x20xi32>
    %eq3A_429 = arith.cmpi eq, %get3A_396, %eq3A_428 : vector<20x20xi32>
    %slice3A_430 = vector.extract_strided_slice %select_n3A_411 {offsets = [60, 0], sizes = [20, 20], strides = [1, 1]} : vector<80x20xf32> to vector<20x20xf32>
    %select_n3A_431 = arith.select %eq3A_429, %slice3A_430, %select_n3A_426 : vector<20x20xi1>, vector<20x20xf32>
    %reduce_max3A_432 = arith.constant dense<0xFF800000> : vector<20xf32>
    %reduce_max3A_433 = vector.multi_reduction <maximumf>, %select_n3A_431, %reduce_max3A_432 [1] : vector<20x20xf32> to vector<20xf32>
    %broadcast_in_dim3A_434 = vector.shape_cast %reduce_max3A_433 : vector<20xf32> to vector<20x1xf32>
    %sub3A_435 = vector.broadcast %broadcast_in_dim3A_434 : vector<20x1xf32> to vector<20x20xf32>
    %sub3A_436 = arith.subf %select_n3A_431, %sub3A_435 : vector<20x20xf32>
    %exp3A_437 = math.exp %sub3A_436 : vector<20x20xf32>
    %reduce_sum3A_438 = arith.constant dense<0.000000e+00> : vector<20xf32>
    %reduce_sum3A_439 = vector.multi_reduction <add>, %exp3A_437, %reduce_sum3A_438 [1] : vector<20x20xf32> to vector<20xf32>
    %broadcast_in_dim3A_440 = vector.shape_cast %reduce_sum3A_439 : vector<20xf32> to vector<20x1xf32>
    %div3A_441 = vector.broadcast %broadcast_in_dim3A_440 : vector<20x1xf32> to vector<20x20xf32>
    %div3A_442 = arith.divf %exp3A_437, %div3A_441 : vector<20x20xf32>
    %broadcast_in_dim3A_443 = arith.constant 0.000000e+00 : f32
    %broadcast_in_dim3A_444 = vector.broadcast %broadcast_in_dim3A_443 : f32 to vector<20x140xf32>
    %broadcast_in_dim3A_445 = arith.constant 0.000000e+00 : f32
    %broadcast_in_dim3A_446 = vector.broadcast %broadcast_in_dim3A_445 : f32 to vector<20x480xf32>
    %concatenate3A_447 = tpu.concatenate %broadcast_in_dim3A_444, %div3A_442, %broadcast_in_dim3A_446 in 1 : vector<20x140xf32>, vector<20x20xf32>, vector<20x480xf32> -> vector<20x640xf32>
    %slice3A_448 = vector.extract_strided_slice %slice3A {offsets = [160, 0], sizes = [20, 64], strides = [1, 1]} : vector<640x64xf32> to vector<20x64xf32>
    %get3A_449 = arith.constant 8 : index
    %get3A_450 = arith.constant 0 : index
    %get3A_451 = arith.constant 0 : index
    %get3A_452 = vector.load %arg5[%get3A_449, %get3A_450, %get3A_451] : memref<32x20x20xi32, #tpu.memory_space<vmem>>, vector<1x20x20xi32>
    %get3A_453 = vector.shape_cast %get3A_452 : vector<1x20x20xi32> to vector<20x20xi32>
    %broadcast_in_dim3A_454 = vector.shape_cast %get3A_1 : vector<4x64xf32> to vector<4x1x64xf32>
    %broadcast_in_dim3A_455 = vector.shape_cast %slice3A_448 : vector<20x64xf32> to vector<1x20x64xf32>
    %mul3A_456 = vector.broadcast %broadcast_in_dim3A_454 : vector<4x1x64xf32> to vector<4x20x64xf32>
    %mul3A_457 = vector.broadcast %broadcast_in_dim3A_455 : vector<1x20x64xf32> to vector<4x20x64xf32>
    %mul3A_458 = arith.mulf %mul3A_456, %mul3A_457 : vector<4x20x64xf32>
    %reshape3A_459 = vector.shape_cast %mul3A_458 : vector<4x20x64xf32> to vector<80x64xf32>
    %dot_general3A_460 = arith.constant dense<0.000000e+00> : vector<80x20xf32>
    %dot_general3A_461 = tpu.matmul %reshape3A_459, %slice3A_448, %dot_general3A_460 {dimension_numbers = #tpu.dot_dimension_numbers<[1], [1], [0], [0], [0, 0, 1, 0], [], []>, transpose_lhs_hint = false} : vector<80x64xf32>, vector<20x64xf32>, vector<80x20xf32> -> vector<80x20xf32>
    %ge3A_462 = arith.constant 0.000000e+00 : f32
    %ge3A_463 = vector.broadcast %ge3A_462 : f32 to vector<80x20xf32>
    %ge3A_464 = arith.cmpf oge, %dot_general3A_461, %ge3A_463 : vector<80x20xf32>
    %mul3A_465 = arith.constant 2.000000e-01 : f32
    %mul3A_466 = vector.broadcast %mul3A_465 : f32 to vector<80x20xf32>
    %mul3A_467 = arith.mulf %mul3A_466, %dot_general3A_461 : vector<80x20xf32>
    %select_n3A_468 = arith.select %ge3A_464, %dot_general3A_461, %mul3A_467 : vector<80x20xi1>, vector<80x20xf32>
    %eq3A_469 = arith.constant 1 : i32
    %eq3A_470 = vector.broadcast %eq3A_469 : i32 to vector<20x20xi32>
    %eq3A_471 = arith.cmpi eq, %get3A_453, %eq3A_470 : vector<20x20xi32>
    %slice3A_472 = vector.extract_strided_slice %select_n3A_468 {offsets = [0, 0], sizes = [20, 20], strides = [1, 1]} : vector<80x20xf32> to vector<20x20xf32>
    %select_n3A_473 = arith.select %eq3A_471, %slice3A_472, %broadcast_in_dim3A_5 : vector<20x20xi1>, vector<20x20xf32>
    %eq3A_474 = arith.constant 2 : i32
    %eq3A_475 = vector.broadcast %eq3A_474 : i32 to vector<20x20xi32>
    %eq3A_476 = arith.cmpi eq, %get3A_453, %eq3A_475 : vector<20x20xi32>
    %slice3A_477 = vector.extract_strided_slice %select_n3A_468 {offsets = [20, 0], sizes = [20, 20], strides = [1, 1]} : vector<80x20xf32> to vector<20x20xf32>
    %select_n3A_478 = arith.select %eq3A_476, %slice3A_477, %select_n3A_473 : vector<20x20xi1>, vector<20x20xf32>
    %eq3A_479 = arith.constant 3 : i32
    %eq3A_480 = vector.broadcast %eq3A_479 : i32 to vector<20x20xi32>
    %eq3A_481 = arith.cmpi eq, %get3A_453, %eq3A_480 : vector<20x20xi32>
    %slice3A_482 = vector.extract_strided_slice %select_n3A_468 {offsets = [40, 0], sizes = [20, 20], strides = [1, 1]} : vector<80x20xf32> to vector<20x20xf32>
    %select_n3A_483 = arith.select %eq3A_481, %slice3A_482, %select_n3A_478 : vector<20x20xi1>, vector<20x20xf32>
    %eq3A_484 = arith.constant 4 : i32
    %eq3A_485 = vector.broadcast %eq3A_484 : i32 to vector<20x20xi32>
    %eq3A_486 = arith.cmpi eq, %get3A_453, %eq3A_485 : vector<20x20xi32>
    %slice3A_487 = vector.extract_strided_slice %select_n3A_468 {offsets = [60, 0], sizes = [20, 20], strides = [1, 1]} : vector<80x20xf32> to vector<20x20xf32>
    %select_n3A_488 = arith.select %eq3A_486, %slice3A_487, %select_n3A_483 : vector<20x20xi1>, vector<20x20xf32>
    %reduce_max3A_489 = arith.constant dense<0xFF800000> : vector<20xf32>
    %reduce_max3A_490 = vector.multi_reduction <maximumf>, %select_n3A_488, %reduce_max3A_489 [1] : vector<20x20xf32> to vector<20xf32>
    %broadcast_in_dim3A_491 = vector.shape_cast %reduce_max3A_490 : vector<20xf32> to vector<20x1xf32>
    %sub3A_492 = vector.broadcast %broadcast_in_dim3A_491 : vector<20x1xf32> to vector<20x20xf32>
    %sub3A_493 = arith.subf %select_n3A_488, %sub3A_492 : vector<20x20xf32>
    %exp3A_494 = math.exp %sub3A_493 : vector<20x20xf32>
    %reduce_sum3A_495 = arith.constant dense<0.000000e+00> : vector<20xf32>
    %reduce_sum3A_496 = vector.multi_reduction <add>, %exp3A_494, %reduce_sum3A_495 [1] : vector<20x20xf32> to vector<20xf32>
    %broadcast_in_dim3A_497 = vector.shape_cast %reduce_sum3A_496 : vector<20xf32> to vector<20x1xf32>
    %div3A_498 = vector.broadcast %broadcast_in_dim3A_497 : vector<20x1xf32> to vector<20x20xf32>
    %div3A_499 = arith.divf %exp3A_494, %div3A_498 : vector<20x20xf32>
    %broadcast_in_dim3A_500 = arith.constant 0.000000e+00 : f32
    %broadcast_in_dim3A_501 = vector.broadcast %broadcast_in_dim3A_500 : f32 to vector<20x160xf32>
    %broadcast_in_dim3A_502 = arith.constant 0.000000e+00 : f32
    %broadcast_in_dim3A_503 = vector.broadcast %broadcast_in_dim3A_502 : f32 to vector<20x460xf32>
    %concatenate3A_504 = tpu.concatenate %broadcast_in_dim3A_501, %div3A_499, %broadcast_in_dim3A_503 in 1 : vector<20x160xf32>, vector<20x20xf32>, vector<20x460xf32> -> vector<20x640xf32>
    %slice3A_505 = vector.extract_strided_slice %slice3A {offsets = [180, 0], sizes = [20, 64], strides = [1, 1]} : vector<640x64xf32> to vector<20x64xf32>
    %get3A_506 = arith.constant 9 : index
    %get3A_507 = arith.constant 0 : index
    %get3A_508 = arith.constant 0 : index
    %get3A_509 = vector.load %arg5[%get3A_506, %get3A_507, %get3A_508] : memref<32x20x20xi32, #tpu.memory_space<vmem>>, vector<1x20x20xi32>
    %get3A_510 = vector.shape_cast %get3A_509 : vector<1x20x20xi32> to vector<20x20xi32>
    %broadcast_in_dim3A_511 = vector.shape_cast %get3A_1 : vector<4x64xf32> to vector<4x1x64xf32>
    %broadcast_in_dim3A_512 = vector.shape_cast %slice3A_505 : vector<20x64xf32> to vector<1x20x64xf32>
    %mul3A_513 = vector.broadcast %broadcast_in_dim3A_511 : vector<4x1x64xf32> to vector<4x20x64xf32>
    %mul3A_514 = vector.broadcast %broadcast_in_dim3A_512 : vector<1x20x64xf32> to vector<4x20x64xf32>
    %mul3A_515 = arith.mulf %mul3A_513, %mul3A_514 : vector<4x20x64xf32>
    %reshape3A_516 = vector.shape_cast %mul3A_515 : vector<4x20x64xf32> to vector<80x64xf32>
    %dot_general3A_517 = arith.constant dense<0.000000e+00> : vector<80x20xf32>
    %dot_general3A_518 = tpu.matmul %reshape3A_516, %slice3A_505, %dot_general3A_517 {dimension_numbers = #tpu.dot_dimension_numbers<[1], [1], [0], [0], [0, 0, 1, 0], [], []>, transpose_lhs_hint = false} : vector<80x64xf32>, vector<20x64xf32>, vector<80x20xf32> -> vector<80x20xf32>
    %ge3A_519 = arith.constant 0.000000e+00 : f32
    %ge3A_520 = vector.broadcast %ge3A_519 : f32 to vector<80x20xf32>
    %ge3A_521 = arith.cmpf oge, %dot_general3A_518, %ge3A_520 : vector<80x20xf32>
    %mul3A_522 = arith.constant 2.000000e-01 : f32
    %mul3A_523 = vector.broadcast %mul3A_522 : f32 to vector<80x20xf32>
    %mul3A_524 = arith.mulf %mul3A_523, %dot_general3A_518 : vector<80x20xf32>
    %select_n3A_525 = arith.select %ge3A_521, %dot_general3A_518, %mul3A_524 : vector<80x20xi1>, vector<80x20xf32>
    %eq3A_526 = arith.constant 1 : i32
    %eq3A_527 = vector.broadcast %eq3A_526 : i32 to vector<20x20xi32>
    %eq3A_528 = arith.cmpi eq, %get3A_510, %eq3A_527 : vector<20x20xi32>
    %slice3A_529 = vector.extract_strided_slice %select_n3A_525 {offsets = [0, 0], sizes = [20, 20], strides = [1, 1]} : vector<80x20xf32> to vector<20x20xf32>
    %select_n3A_530 = arith.select %eq3A_528, %slice3A_529, %broadcast_in_dim3A_5 : vector<20x20xi1>, vector<20x20xf32>
    %eq3A_531 = arith.constant 2 : i32
    %eq3A_532 = vector.broadcast %eq3A_531 : i32 to vector<20x20xi32>
    %eq3A_533 = arith.cmpi eq, %get3A_510, %eq3A_532 : vector<20x20xi32>
    %slice3A_534 = vector.extract_strided_slice %select_n3A_525 {offsets = [20, 0], sizes = [20, 20], strides = [1, 1]} : vector<80x20xf32> to vector<20x20xf32>
    %select_n3A_535 = arith.select %eq3A_533, %slice3A_534, %select_n3A_530 : vector<20x20xi1>, vector<20x20xf32>
    %eq3A_536 = arith.constant 3 : i32
    %eq3A_537 = vector.broadcast %eq3A_536 : i32 to vector<20x20xi32>
    %eq3A_538 = arith.cmpi eq, %get3A_510, %eq3A_537 : vector<20x20xi32>
    %slice3A_539 = vector.extract_strided_slice %select_n3A_525 {offsets = [40, 0], sizes = [20, 20], strides = [1, 1]} : vector<80x20xf32> to vector<20x20xf32>
    %select_n3A_540 = arith.select %eq3A_538, %slice3A_539, %select_n3A_535 : vector<20x20xi1>, vector<20x20xf32>
    %eq3A_541 = arith.constant 4 : i32
    %eq3A_542 = vector.broadcast %eq3A_541 : i32 to vector<20x20xi32>
    %eq3A_543 = arith.cmpi eq, %get3A_510, %eq3A_542 : vector<20x20xi32>
    %slice3A_544 = vector.extract_strided_slice %select_n3A_525 {offsets = [60, 0], sizes = [20, 20], strides = [1, 1]} : vector<80x20xf32> to vector<20x20xf32>
    %select_n3A_545 = arith.select %eq3A_543, %slice3A_544, %select_n3A_540 : vector<20x20xi1>, vector<20x20xf32>
    %reduce_max3A_546 = arith.constant dense<0xFF800000> : vector<20xf32>
    %reduce_max3A_547 = vector.multi_reduction <maximumf>, %select_n3A_545, %reduce_max3A_546 [1] : vector<20x20xf32> to vector<20xf32>
    %broadcast_in_dim3A_548 = vector.shape_cast %reduce_max3A_547 : vector<20xf32> to vector<20x1xf32>
    %sub3A_549 = vector.broadcast %broadcast_in_dim3A_548 : vector<20x1xf32> to vector<20x20xf32>
    %sub3A_550 = arith.subf %select_n3A_545, %sub3A_549 : vector<20x20xf32>
    %exp3A_551 = math.exp %sub3A_550 : vector<20x20xf32>
    %reduce_sum3A_552 = arith.constant dense<0.000000e+00> : vector<20xf32>
    %reduce_sum3A_553 = vector.multi_reduction <add>, %exp3A_551, %reduce_sum3A_552 [1] : vector<20x20xf32> to vector<20xf32>
    %broadcast_in_dim3A_554 = vector.shape_cast %reduce_sum3A_553 : vector<20xf32> to vector<20x1xf32>
    %div3A_555 = vector.broadcast %broadcast_in_dim3A_554 : vector<20x1xf32> to vector<20x20xf32>
    %div3A_556 = arith.divf %exp3A_551, %div3A_555 : vector<20x20xf32>
    %broadcast_in_dim3A_557 = arith.constant 0.000000e+00 : f32
    %broadcast_in_dim3A_558 = vector.broadcast %broadcast_in_dim3A_557 : f32 to vector<20x180xf32>
    %broadcast_in_dim3A_559 = arith.constant 0.000000e+00 : f32
    %broadcast_in_dim3A_560 = vector.broadcast %broadcast_in_dim3A_559 : f32 to vector<20x440xf32>
    %concatenate3A_561 = tpu.concatenate %broadcast_in_dim3A_558, %div3A_556, %broadcast_in_dim3A_560 in 1 : vector<20x180xf32>, vector<20x20xf32>, vector<20x440xf32> -> vector<20x640xf32>
    %slice3A_562 = vector.extract_strided_slice %slice3A {offsets = [200, 0], sizes = [20, 64], strides = [1, 1]} : vector<640x64xf32> to vector<20x64xf32>
    %get3A_563 = arith.constant 10 : index
    %get3A_564 = arith.constant 0 : index
    %get3A_565 = arith.constant 0 : index
    %get3A_566 = vector.load %arg5[%get3A_563, %get3A_564, %get3A_565] : memref<32x20x20xi32, #tpu.memory_space<vmem>>, vector<1x20x20xi32>
    %get3A_567 = vector.shape_cast %get3A_566 : vector<1x20x20xi32> to vector<20x20xi32>
    %broadcast_in_dim3A_568 = vector.shape_cast %get3A_1 : vector<4x64xf32> to vector<4x1x64xf32>
    %broadcast_in_dim3A_569 = vector.shape_cast %slice3A_562 : vector<20x64xf32> to vector<1x20x64xf32>
    %mul3A_570 = vector.broadcast %broadcast_in_dim3A_568 : vector<4x1x64xf32> to vector<4x20x64xf32>
    %mul3A_571 = vector.broadcast %broadcast_in_dim3A_569 : vector<1x20x64xf32> to vector<4x20x64xf32>
    %mul3A_572 = arith.mulf %mul3A_570, %mul3A_571 : vector<4x20x64xf32>
    %reshape3A_573 = vector.shape_cast %mul3A_572 : vector<4x20x64xf32> to vector<80x64xf32>
    %dot_general3A_574 = arith.constant dense<0.000000e+00> : vector<80x20xf32>
    %dot_general3A_575 = tpu.matmul %reshape3A_573, %slice3A_562, %dot_general3A_574 {dimension_numbers = #tpu.dot_dimension_numbers<[1], [1], [0], [0], [0, 0, 1, 0], [], []>, transpose_lhs_hint = false} : vector<80x64xf32>, vector<20x64xf32>, vector<80x20xf32> -> vector<80x20xf32>
    %ge3A_576 = arith.constant 0.000000e+00 : f32
    %ge3A_577 = vector.broadcast %ge3A_576 : f32 to vector<80x20xf32>
    %ge3A_578 = arith.cmpf oge, %dot_general3A_575, %ge3A_577 : vector<80x20xf32>
    %mul3A_579 = arith.constant 2.000000e-01 : f32
    %mul3A_580 = vector.broadcast %mul3A_579 : f32 to vector<80x20xf32>
    %mul3A_581 = arith.mulf %mul3A_580, %dot_general3A_575 : vector<80x20xf32>
    %select_n3A_582 = arith.select %ge3A_578, %dot_general3A_575, %mul3A_581 : vector<80x20xi1>, vector<80x20xf32>
    %eq3A_583 = arith.constant 1 : i32
    %eq3A_584 = vector.broadcast %eq3A_583 : i32 to vector<20x20xi32>
    %eq3A_585 = arith.cmpi eq, %get3A_567, %eq3A_584 : vector<20x20xi32>
    %slice3A_586 = vector.extract_strided_slice %select_n3A_582 {offsets = [0, 0], sizes = [20, 20], strides = [1, 1]} : vector<80x20xf32> to vector<20x20xf32>
    %select_n3A_587 = arith.select %eq3A_585, %slice3A_586, %broadcast_in_dim3A_5 : vector<20x20xi1>, vector<20x20xf32>
    %eq3A_588 = arith.constant 2 : i32
    %eq3A_589 = vector.broadcast %eq3A_588 : i32 to vector<20x20xi32>
    %eq3A_590 = arith.cmpi eq, %get3A_567, %eq3A_589 : vector<20x20xi32>
    %slice3A_591 = vector.extract_strided_slice %select_n3A_582 {offsets = [20, 0], sizes = [20, 20], strides = [1, 1]} : vector<80x20xf32> to vector<20x20xf32>
    %select_n3A_592 = arith.select %eq3A_590, %slice3A_591, %select_n3A_587 : vector<20x20xi1>, vector<20x20xf32>
    %eq3A_593 = arith.constant 3 : i32
    %eq3A_594 = vector.broadcast %eq3A_593 : i32 to vector<20x20xi32>
    %eq3A_595 = arith.cmpi eq, %get3A_567, %eq3A_594 : vector<20x20xi32>
    %slice3A_596 = vector.extract_strided_slice %select_n3A_582 {offsets = [40, 0], sizes = [20, 20], strides = [1, 1]} : vector<80x20xf32> to vector<20x20xf32>
    %select_n3A_597 = arith.select %eq3A_595, %slice3A_596, %select_n3A_592 : vector<20x20xi1>, vector<20x20xf32>
    %eq3A_598 = arith.constant 4 : i32
    %eq3A_599 = vector.broadcast %eq3A_598 : i32 to vector<20x20xi32>
    %eq3A_600 = arith.cmpi eq, %get3A_567, %eq3A_599 : vector<20x20xi32>
    %slice3A_601 = vector.extract_strided_slice %select_n3A_582 {offsets = [60, 0], sizes = [20, 20], strides = [1, 1]} : vector<80x20xf32> to vector<20x20xf32>
    %select_n3A_602 = arith.select %eq3A_600, %slice3A_601, %select_n3A_597 : vector<20x20xi1>, vector<20x20xf32>
    %reduce_max3A_603 = arith.constant dense<0xFF800000> : vector<20xf32>
    %reduce_max3A_604 = vector.multi_reduction <maximumf>, %select_n3A_602, %reduce_max3A_603 [1] : vector<20x20xf32> to vector<20xf32>
    %broadcast_in_dim3A_605 = vector.shape_cast %reduce_max3A_604 : vector<20xf32> to vector<20x1xf32>
    %sub3A_606 = vector.broadcast %broadcast_in_dim3A_605 : vector<20x1xf32> to vector<20x20xf32>
    %sub3A_607 = arith.subf %select_n3A_602, %sub3A_606 : vector<20x20xf32>
    %exp3A_608 = math.exp %sub3A_607 : vector<20x20xf32>
    %reduce_sum3A_609 = arith.constant dense<0.000000e+00> : vector<20xf32>
    %reduce_sum3A_610 = vector.multi_reduction <add>, %exp3A_608, %reduce_sum3A_609 [1] : vector<20x20xf32> to vector<20xf32>
    %broadcast_in_dim3A_611 = vector.shape_cast %reduce_sum3A_610 : vector<20xf32> to vector<20x1xf32>
    %div3A_612 = vector.broadcast %broadcast_in_dim3A_611 : vector<20x1xf32> to vector<20x20xf32>
    %div3A_613 = arith.divf %exp3A_608, %div3A_612 : vector<20x20xf32>
    %broadcast_in_dim3A_614 = arith.constant 0.000000e+00 : f32
    %broadcast_in_dim3A_615 = vector.broadcast %broadcast_in_dim3A_614 : f32 to vector<20x200xf32>
    %broadcast_in_dim3A_616 = arith.constant 0.000000e+00 : f32
    %broadcast_in_dim3A_617 = vector.broadcast %broadcast_in_dim3A_616 : f32 to vector<20x420xf32>
    %concatenate3A_618 = tpu.concatenate %broadcast_in_dim3A_615, %div3A_613, %broadcast_in_dim3A_617 in 1 : vector<20x200xf32>, vector<20x20xf32>, vector<20x420xf32> -> vector<20x640xf32>
    %slice3A_619 = vector.extract_strided_slice %slice3A {offsets = [220, 0], sizes = [20, 64], strides = [1, 1]} : vector<640x64xf32> to vector<20x64xf32>
    %get3A_620 = arith.constant 11 : index
    %get3A_621 = arith.constant 0 : index
    %get3A_622 = arith.constant 0 : index
    %get3A_623 = vector.load %arg5[%get3A_620, %get3A_621, %get3A_622] : memref<32x20x20xi32, #tpu.memory_space<vmem>>, vector<1x20x20xi32>
    %get3A_624 = vector.shape_cast %get3A_623 : vector<1x20x20xi32> to vector<20x20xi32>
    %broadcast_in_dim3A_625 = vector.shape_cast %get3A_1 : vector<4x64xf32> to vector<4x1x64xf32>
    %broadcast_in_dim3A_626 = vector.shape_cast %slice3A_619 : vector<20x64xf32> to vector<1x20x64xf32>
    %mul3A_627 = vector.broadcast %broadcast_in_dim3A_625 : vector<4x1x64xf32> to vector<4x20x64xf32>
    %mul3A_628 = vector.broadcast %broadcast_in_dim3A_626 : vector<1x20x64xf32> to vector<4x20x64xf32>
    %mul3A_629 = arith.mulf %mul3A_627, %mul3A_628 : vector<4x20x64xf32>
    %reshape3A_630 = vector.shape_cast %mul3A_629 : vector<4x20x64xf32> to vector<80x64xf32>
    %dot_general3A_631 = arith.constant dense<0.000000e+00> : vector<80x20xf32>
    %dot_general3A_632 = tpu.matmul %reshape3A_630, %slice3A_619, %dot_general3A_631 {dimension_numbers = #tpu.dot_dimension_numbers<[1], [1], [0], [0], [0, 0, 1, 0], [], []>, transpose_lhs_hint = false} : vector<80x64xf32>, vector<20x64xf32>, vector<80x20xf32> -> vector<80x20xf32>
    %ge3A_633 = arith.constant 0.000000e+00 : f32
    %ge3A_634 = vector.broadcast %ge3A_633 : f32 to vector<80x20xf32>
    %ge3A_635 = arith.cmpf oge, %dot_general3A_632, %ge3A_634 : vector<80x20xf32>
    %mul3A_636 = arith.constant 2.000000e-01 : f32
    %mul3A_637 = vector.broadcast %mul3A_636 : f32 to vector<80x20xf32>
    %mul3A_638 = arith.mulf %mul3A_637, %dot_general3A_632 : vector<80x20xf32>
    %select_n3A_639 = arith.select %ge3A_635, %dot_general3A_632, %mul3A_638 : vector<80x20xi1>, vector<80x20xf32>
    %eq3A_640 = arith.constant 1 : i32
    %eq3A_641 = vector.broadcast %eq3A_640 : i32 to vector<20x20xi32>
    %eq3A_642 = arith.cmpi eq, %get3A_624, %eq3A_641 : vector<20x20xi32>
    %slice3A_643 = vector.extract_strided_slice %select_n3A_639 {offsets = [0, 0], sizes = [20, 20], strides = [1, 1]} : vector<80x20xf32> to vector<20x20xf32>
    %select_n3A_644 = arith.select %eq3A_642, %slice3A_643, %broadcast_in_dim3A_5 : vector<20x20xi1>, vector<20x20xf32>
    %eq3A_645 = arith.constant 2 : i32
    %eq3A_646 = vector.broadcast %eq3A_645 : i32 to vector<20x20xi32>
    %eq3A_647 = arith.cmpi eq, %get3A_624, %eq3A_646 : vector<20x20xi32>
    %slice3A_648 = vector.extract_strided_slice %select_n3A_639 {offsets = [20, 0], sizes = [20, 20], strides = [1, 1]} : vector<80x20xf32> to vector<20x20xf32>
    %select_n3A_649 = arith.select %eq3A_647, %slice3A_648, %select_n3A_644 : vector<20x20xi1>, vector<20x20xf32>
    %eq3A_650 = arith.constant 3 : i32
    %eq3A_651 = vector.broadcast %eq3A_650 : i32 to vector<20x20xi32>
    %eq3A_652 = arith.cmpi eq, %get3A_624, %eq3A_651 : vector<20x20xi32>
    %slice3A_653 = vector.extract_strided_slice %select_n3A_639 {offsets = [40, 0], sizes = [20, 20], strides = [1, 1]} : vector<80x20xf32> to vector<20x20xf32>
    %select_n3A_654 = arith.select %eq3A_652, %slice3A_653, %select_n3A_649 : vector<20x20xi1>, vector<20x20xf32>
    %eq3A_655 = arith.constant 4 : i32
    %eq3A_656 = vector.broadcast %eq3A_655 : i32 to vector<20x20xi32>
    %eq3A_657 = arith.cmpi eq, %get3A_624, %eq3A_656 : vector<20x20xi32>
    %slice3A_658 = vector.extract_strided_slice %select_n3A_639 {offsets = [60, 0], sizes = [20, 20], strides = [1, 1]} : vector<80x20xf32> to vector<20x20xf32>
    %select_n3A_659 = arith.select %eq3A_657, %slice3A_658, %select_n3A_654 : vector<20x20xi1>, vector<20x20xf32>
    %reduce_max3A_660 = arith.constant dense<0xFF800000> : vector<20xf32>
    %reduce_max3A_661 = vector.multi_reduction <maximumf>, %select_n3A_659, %reduce_max3A_660 [1] : vector<20x20xf32> to vector<20xf32>
    %broadcast_in_dim3A_662 = vector.shape_cast %reduce_max3A_661 : vector<20xf32> to vector<20x1xf32>
    %sub3A_663 = vector.broadcast %broadcast_in_dim3A_662 : vector<20x1xf32> to vector<20x20xf32>
    %sub3A_664 = arith.subf %select_n3A_659, %sub3A_663 : vector<20x20xf32>
    %exp3A_665 = math.exp %sub3A_664 : vector<20x20xf32>
    %reduce_sum3A_666 = arith.constant dense<0.000000e+00> : vector<20xf32>
    %reduce_sum3A_667 = vector.multi_reduction <add>, %exp3A_665, %reduce_sum3A_666 [1] : vector<20x20xf32> to vector<20xf32>
    %broadcast_in_dim3A_668 = vector.shape_cast %reduce_sum3A_667 : vector<20xf32> to vector<20x1xf32>
    %div3A_669 = vector.broadcast %broadcast_in_dim3A_668 : vector<20x1xf32> to vector<20x20xf32>
    %div3A_670 = arith.divf %exp3A_665, %div3A_669 : vector<20x20xf32>
    %broadcast_in_dim3A_671 = arith.constant 0.000000e+00 : f32
    %broadcast_in_dim3A_672 = vector.broadcast %broadcast_in_dim3A_671 : f32 to vector<20x220xf32>
    %broadcast_in_dim3A_673 = arith.constant 0.000000e+00 : f32
    %broadcast_in_dim3A_674 = vector.broadcast %broadcast_in_dim3A_673 : f32 to vector<20x400xf32>
    %concatenate3A_675 = tpu.concatenate %broadcast_in_dim3A_672, %div3A_670, %broadcast_in_dim3A_674 in 1 : vector<20x220xf32>, vector<20x20xf32>, vector<20x400xf32> -> vector<20x640xf32>
    %slice3A_676 = vector.extract_strided_slice %slice3A {offsets = [240, 0], sizes = [20, 64], strides = [1, 1]} : vector<640x64xf32> to vector<20x64xf32>
    %get3A_677 = arith.constant 12 : index
    %get3A_678 = arith.constant 0 : index
    %get3A_679 = arith.constant 0 : index
    %get3A_680 = vector.load %arg5[%get3A_677, %get3A_678, %get3A_679] : memref<32x20x20xi32, #tpu.memory_space<vmem>>, vector<1x20x20xi32>
    %get3A_681 = vector.shape_cast %get3A_680 : vector<1x20x20xi32> to vector<20x20xi32>
    %broadcast_in_dim3A_682 = vector.shape_cast %get3A_1 : vector<4x64xf32> to vector<4x1x64xf32>
    %broadcast_in_dim3A_683 = vector.shape_cast %slice3A_676 : vector<20x64xf32> to vector<1x20x64xf32>
    %mul3A_684 = vector.broadcast %broadcast_in_dim3A_682 : vector<4x1x64xf32> to vector<4x20x64xf32>
    %mul3A_685 = vector.broadcast %broadcast_in_dim3A_683 : vector<1x20x64xf32> to vector<4x20x64xf32>
    %mul3A_686 = arith.mulf %mul3A_684, %mul3A_685 : vector<4x20x64xf32>
    %reshape3A_687 = vector.shape_cast %mul3A_686 : vector<4x20x64xf32> to vector<80x64xf32>
    %dot_general3A_688 = arith.constant dense<0.000000e+00> : vector<80x20xf32>
    %dot_general3A_689 = tpu.matmul %reshape3A_687, %slice3A_676, %dot_general3A_688 {dimension_numbers = #tpu.dot_dimension_numbers<[1], [1], [0], [0], [0, 0, 1, 0], [], []>, transpose_lhs_hint = false} : vector<80x64xf32>, vector<20x64xf32>, vector<80x20xf32> -> vector<80x20xf32>
    %ge3A_690 = arith.constant 0.000000e+00 : f32
    %ge3A_691 = vector.broadcast %ge3A_690 : f32 to vector<80x20xf32>
    %ge3A_692 = arith.cmpf oge, %dot_general3A_689, %ge3A_691 : vector<80x20xf32>
    %mul3A_693 = arith.constant 2.000000e-01 : f32
    %mul3A_694 = vector.broadcast %mul3A_693 : f32 to vector<80x20xf32>
    %mul3A_695 = arith.mulf %mul3A_694, %dot_general3A_689 : vector<80x20xf32>
    %select_n3A_696 = arith.select %ge3A_692, %dot_general3A_689, %mul3A_695 : vector<80x20xi1>, vector<80x20xf32>
    %eq3A_697 = arith.constant 1 : i32
    %eq3A_698 = vector.broadcast %eq3A_697 : i32 to vector<20x20xi32>
    %eq3A_699 = arith.cmpi eq, %get3A_681, %eq3A_698 : vector<20x20xi32>
    %slice3A_700 = vector.extract_strided_slice %select_n3A_696 {offsets = [0, 0], sizes = [20, 20], strides = [1, 1]} : vector<80x20xf32> to vector<20x20xf32>
    %select_n3A_701 = arith.select %eq3A_699, %slice3A_700, %broadcast_in_dim3A_5 : vector<20x20xi1>, vector<20x20xf32>
    %eq3A_702 = arith.constant 2 : i32
    %eq3A_703 = vector.broadcast %eq3A_702 : i32 to vector<20x20xi32>
    %eq3A_704 = arith.cmpi eq, %get3A_681, %eq3A_703 : vector<20x20xi32>
    %slice3A_705 = vector.extract_strided_slice %select_n3A_696 {offsets = [20, 0], sizes = [20, 20], strides = [1, 1]} : vector<80x20xf32> to vector<20x20xf32>
    %select_n3A_706 = arith.select %eq3A_704, %slice3A_705, %select_n3A_701 : vector<20x20xi1>, vector<20x20xf32>
    %eq3A_707 = arith.constant 3 : i32
    %eq3A_708 = vector.broadcast %eq3A_707 : i32 to vector<20x20xi32>
    %eq3A_709 = arith.cmpi eq, %get3A_681, %eq3A_708 : vector<20x20xi32>
    %slice3A_710 = vector.extract_strided_slice %select_n3A_696 {offsets = [40, 0], sizes = [20, 20], strides = [1, 1]} : vector<80x20xf32> to vector<20x20xf32>
    %select_n3A_711 = arith.select %eq3A_709, %slice3A_710, %select_n3A_706 : vector<20x20xi1>, vector<20x20xf32>
    %eq3A_712 = arith.constant 4 : i32
    %eq3A_713 = vector.broadcast %eq3A_712 : i32 to vector<20x20xi32>
    %eq3A_714 = arith.cmpi eq, %get3A_681, %eq3A_713 : vector<20x20xi32>
    %slice3A_715 = vector.extract_strided_slice %select_n3A_696 {offsets = [60, 0], sizes = [20, 20], strides = [1, 1]} : vector<80x20xf32> to vector<20x20xf32>
    %select_n3A_716 = arith.select %eq3A_714, %slice3A_715, %select_n3A_711 : vector<20x20xi1>, vector<20x20xf32>
    %reduce_max3A_717 = arith.constant dense<0xFF800000> : vector<20xf32>
    %reduce_max3A_718 = vector.multi_reduction <maximumf>, %select_n3A_716, %reduce_max3A_717 [1] : vector<20x20xf32> to vector<20xf32>
    %broadcast_in_dim3A_719 = vector.shape_cast %reduce_max3A_718 : vector<20xf32> to vector<20x1xf32>
    %sub3A_720 = vector.broadcast %broadcast_in_dim3A_719 : vector<20x1xf32> to vector<20x20xf32>
    %sub3A_721 = arith.subf %select_n3A_716, %sub3A_720 : vector<20x20xf32>
    %exp3A_722 = math.exp %sub3A_721 : vector<20x20xf32>
    %reduce_sum3A_723 = arith.constant dense<0.000000e+00> : vector<20xf32>
    %reduce_sum3A_724 = vector.multi_reduction <add>, %exp3A_722, %reduce_sum3A_723 [1] : vector<20x20xf32> to vector<20xf32>
    %broadcast_in_dim3A_725 = vector.shape_cast %reduce_sum3A_724 : vector<20xf32> to vector<20x1xf32>
    %div3A_726 = vector.broadcast %broadcast_in_dim3A_725 : vector<20x1xf32> to vector<20x20xf32>
    %div3A_727 = arith.divf %exp3A_722, %div3A_726 : vector<20x20xf32>
    %broadcast_in_dim3A_728 = arith.constant 0.000000e+00 : f32
    %broadcast_in_dim3A_729 = vector.broadcast %broadcast_in_dim3A_728 : f32 to vector<20x240xf32>
    %broadcast_in_dim3A_730 = arith.constant 0.000000e+00 : f32
    %broadcast_in_dim3A_731 = vector.broadcast %broadcast_in_dim3A_730 : f32 to vector<20x380xf32>
    %concatenate3A_732 = tpu.concatenate %broadcast_in_dim3A_729, %div3A_727, %broadcast_in_dim3A_731 in 1 : vector<20x240xf32>, vector<20x20xf32>, vector<20x380xf32> -> vector<20x640xf32>
    %slice3A_733 = vector.extract_strided_slice %slice3A {offsets = [260, 0], sizes = [20, 64], strides = [1, 1]} : vector<640x64xf32> to vector<20x64xf32>
    %get3A_734 = arith.constant 13 : index
    %get3A_735 = arith.constant 0 : index
    %get3A_736 = arith.constant 0 : index
    %get3A_737 = vector.load %arg5[%get3A_734, %get3A_735, %get3A_736] : memref<32x20x20xi32, #tpu.memory_space<vmem>>, vector<1x20x20xi32>
    %get3A_738 = vector.shape_cast %get3A_737 : vector<1x20x20xi32> to vector<20x20xi32>
    %broadcast_in_dim3A_739 = vector.shape_cast %get3A_1 : vector<4x64xf32> to vector<4x1x64xf32>
    %broadcast_in_dim3A_740 = vector.shape_cast %slice3A_733 : vector<20x64xf32> to vector<1x20x64xf32>
    %mul3A_741 = vector.broadcast %broadcast_in_dim3A_739 : vector<4x1x64xf32> to vector<4x20x64xf32>
    %mul3A_742 = vector.broadcast %broadcast_in_dim3A_740 : vector<1x20x64xf32> to vector<4x20x64xf32>
    %mul3A_743 = arith.mulf %mul3A_741, %mul3A_742 : vector<4x20x64xf32>
    %reshape3A_744 = vector.shape_cast %mul3A_743 : vector<4x20x64xf32> to vector<80x64xf32>
    %dot_general3A_745 = arith.constant dense<0.000000e+00> : vector<80x20xf32>
    %dot_general3A_746 = tpu.matmul %reshape3A_744, %slice3A_733, %dot_general3A_745 {dimension_numbers = #tpu.dot_dimension_numbers<[1], [1], [0], [0], [0, 0, 1, 0], [], []>, transpose_lhs_hint = false} : vector<80x64xf32>, vector<20x64xf32>, vector<80x20xf32> -> vector<80x20xf32>
    %ge3A_747 = arith.constant 0.000000e+00 : f32
    %ge3A_748 = vector.broadcast %ge3A_747 : f32 to vector<80x20xf32>
    %ge3A_749 = arith.cmpf oge, %dot_general3A_746, %ge3A_748 : vector<80x20xf32>
    %mul3A_750 = arith.constant 2.000000e-01 : f32
    %mul3A_751 = vector.broadcast %mul3A_750 : f32 to vector<80x20xf32>
    %mul3A_752 = arith.mulf %mul3A_751, %dot_general3A_746 : vector<80x20xf32>
    %select_n3A_753 = arith.select %ge3A_749, %dot_general3A_746, %mul3A_752 : vector<80x20xi1>, vector<80x20xf32>
    %eq3A_754 = arith.constant 1 : i32
    %eq3A_755 = vector.broadcast %eq3A_754 : i32 to vector<20x20xi32>
    %eq3A_756 = arith.cmpi eq, %get3A_738, %eq3A_755 : vector<20x20xi32>
    %slice3A_757 = vector.extract_strided_slice %select_n3A_753 {offsets = [0, 0], sizes = [20, 20], strides = [1, 1]} : vector<80x20xf32> to vector<20x20xf32>
    %select_n3A_758 = arith.select %eq3A_756, %slice3A_757, %broadcast_in_dim3A_5 : vector<20x20xi1>, vector<20x20xf32>
    %eq3A_759 = arith.constant 2 : i32
    %eq3A_760 = vector.broadcast %eq3A_759 : i32 to vector<20x20xi32>
    %eq3A_761 = arith.cmpi eq, %get3A_738, %eq3A_760 : vector<20x20xi32>
    %slice3A_762 = vector.extract_strided_slice %select_n3A_753 {offsets = [20, 0], sizes = [20, 20], strides = [1, 1]} : vector<80x20xf32> to vector<20x20xf32>
    %select_n3A_763 = arith.select %eq3A_761, %slice3A_762, %select_n3A_758 : vector<20x20xi1>, vector<20x20xf32>
    %eq3A_764 = arith.constant 3 : i32
    %eq3A_765 = vector.broadcast %eq3A_764 : i32 to vector<20x20xi32>
    %eq3A_766 = arith.cmpi eq, %get3A_738, %eq3A_765 : vector<20x20xi32>
    %slice3A_767 = vector.extract_strided_slice %select_n3A_753 {offsets = [40, 0], sizes = [20, 20], strides = [1, 1]} : vector<80x20xf32> to vector<20x20xf32>
    %select_n3A_768 = arith.select %eq3A_766, %slice3A_767, %select_n3A_763 : vector<20x20xi1>, vector<20x20xf32>
    %eq3A_769 = arith.constant 4 : i32
    %eq3A_770 = vector.broadcast %eq3A_769 : i32 to vector<20x20xi32>
    %eq3A_771 = arith.cmpi eq, %get3A_738, %eq3A_770 : vector<20x20xi32>
    %slice3A_772 = vector.extract_strided_slice %select_n3A_753 {offsets = [60, 0], sizes = [20, 20], strides = [1, 1]} : vector<80x20xf32> to vector<20x20xf32>
    %select_n3A_773 = arith.select %eq3A_771, %slice3A_772, %select_n3A_768 : vector<20x20xi1>, vector<20x20xf32>
    %reduce_max3A_774 = arith.constant dense<0xFF800000> : vector<20xf32>
    %reduce_max3A_775 = vector.multi_reduction <maximumf>, %select_n3A_773, %reduce_max3A_774 [1] : vector<20x20xf32> to vector<20xf32>
    %broadcast_in_dim3A_776 = vector.shape_cast %reduce_max3A_775 : vector<20xf32> to vector<20x1xf32>
    %sub3A_777 = vector.broadcast %broadcast_in_dim3A_776 : vector<20x1xf32> to vector<20x20xf32>
    %sub3A_778 = arith.subf %select_n3A_773, %sub3A_777 : vector<20x20xf32>
    %exp3A_779 = math.exp %sub3A_778 : vector<20x20xf32>
    %reduce_sum3A_780 = arith.constant dense<0.000000e+00> : vector<20xf32>
    %reduce_sum3A_781 = vector.multi_reduction <add>, %exp3A_779, %reduce_sum3A_780 [1] : vector<20x20xf32> to vector<20xf32>
    %broadcast_in_dim3A_782 = vector.shape_cast %reduce_sum3A_781 : vector<20xf32> to vector<20x1xf32>
    %div3A_783 = vector.broadcast %broadcast_in_dim3A_782 : vector<20x1xf32> to vector<20x20xf32>
    %div3A_784 = arith.divf %exp3A_779, %div3A_783 : vector<20x20xf32>
    %broadcast_in_dim3A_785 = arith.constant 0.000000e+00 : f32
    %broadcast_in_dim3A_786 = vector.broadcast %broadcast_in_dim3A_785 : f32 to vector<20x260xf32>
    %broadcast_in_dim3A_787 = arith.constant 0.000000e+00 : f32
    %broadcast_in_dim3A_788 = vector.broadcast %broadcast_in_dim3A_787 : f32 to vector<20x360xf32>
    %concatenate3A_789 = tpu.concatenate %broadcast_in_dim3A_786, %div3A_784, %broadcast_in_dim3A_788 in 1 : vector<20x260xf32>, vector<20x20xf32>, vector<20x360xf32> -> vector<20x640xf32>
    %slice3A_790 = vector.extract_strided_slice %slice3A {offsets = [280, 0], sizes = [20, 64], strides = [1, 1]} : vector<640x64xf32> to vector<20x64xf32>
    %get3A_791 = arith.constant 14 : index
    %get3A_792 = arith.constant 0 : index
    %get3A_793 = arith.constant 0 : index
    %get3A_794 = vector.load %arg5[%get3A_791, %get3A_792, %get3A_793] : memref<32x20x20xi32, #tpu.memory_space<vmem>>, vector<1x20x20xi32>
    %get3A_795 = vector.shape_cast %get3A_794 : vector<1x20x20xi32> to vector<20x20xi32>
    %broadcast_in_dim3A_796 = vector.shape_cast %get3A_1 : vector<4x64xf32> to vector<4x1x64xf32>
    %broadcast_in_dim3A_797 = vector.shape_cast %slice3A_790 : vector<20x64xf32> to vector<1x20x64xf32>
    %mul3A_798 = vector.broadcast %broadcast_in_dim3A_796 : vector<4x1x64xf32> to vector<4x20x64xf32>
    %mul3A_799 = vector.broadcast %broadcast_in_dim3A_797 : vector<1x20x64xf32> to vector<4x20x64xf32>
    %mul3A_800 = arith.mulf %mul3A_798, %mul3A_799 : vector<4x20x64xf32>
    %reshape3A_801 = vector.shape_cast %mul3A_800 : vector<4x20x64xf32> to vector<80x64xf32>
    %dot_general3A_802 = arith.constant dense<0.000000e+00> : vector<80x20xf32>
    %dot_general3A_803 = tpu.matmul %reshape3A_801, %slice3A_790, %dot_general3A_802 {dimension_numbers = #tpu.dot_dimension_numbers<[1], [1], [0], [0], [0, 0, 1, 0], [], []>, transpose_lhs_hint = false} : vector<80x64xf32>, vector<20x64xf32>, vector<80x20xf32> -> vector<80x20xf32>
    %ge3A_804 = arith.constant 0.000000e+00 : f32
    %ge3A_805 = vector.broadcast %ge3A_804 : f32 to vector<80x20xf32>
    %ge3A_806 = arith.cmpf oge, %dot_general3A_803, %ge3A_805 : vector<80x20xf32>
    %mul3A_807 = arith.constant 2.000000e-01 : f32
    %mul3A_808 = vector.broadcast %mul3A_807 : f32 to vector<80x20xf32>
    %mul3A_809 = arith.mulf %mul3A_808, %dot_general3A_803 : vector<80x20xf32>
    %select_n3A_810 = arith.select %ge3A_806, %dot_general3A_803, %mul3A_809 : vector<80x20xi1>, vector<80x20xf32>
    %eq3A_811 = arith.constant 1 : i32
    %eq3A_812 = vector.broadcast %eq3A_811 : i32 to vector<20x20xi32>
    %eq3A_813 = arith.cmpi eq, %get3A_795, %eq3A_812 : vector<20x20xi32>
    %slice3A_814 = vector.extract_strided_slice %select_n3A_810 {offsets = [0, 0], sizes = [20, 20], strides = [1, 1]} : vector<80x20xf32> to vector<20x20xf32>
    %select_n3A_815 = arith.select %eq3A_813, %slice3A_814, %broadcast_in_dim3A_5 : vector<20x20xi1>, vector<20x20xf32>
    %eq3A_816 = arith.constant 2 : i32
    %eq3A_817 = vector.broadcast %eq3A_816 : i32 to vector<20x20xi32>
    %eq3A_818 = arith.cmpi eq, %get3A_795, %eq3A_817 : vector<20x20xi32>
    %slice3A_819 = vector.extract_strided_slice %select_n3A_810 {offsets = [20, 0], sizes = [20, 20], strides = [1, 1]} : vector<80x20xf32> to vector<20x20xf32>
    %select_n3A_820 = arith.select %eq3A_818, %slice3A_819, %select_n3A_815 : vector<20x20xi1>, vector<20x20xf32>
    %eq3A_821 = arith.constant 3 : i32
    %eq3A_822 = vector.broadcast %eq3A_821 : i32 to vector<20x20xi32>
    %eq3A_823 = arith.cmpi eq, %get3A_795, %eq3A_822 : vector<20x20xi32>
    %slice3A_824 = vector.extract_strided_slice %select_n3A_810 {offsets = [40, 0], sizes = [20, 20], strides = [1, 1]} : vector<80x20xf32> to vector<20x20xf32>
    %select_n3A_825 = arith.select %eq3A_823, %slice3A_824, %select_n3A_820 : vector<20x20xi1>, vector<20x20xf32>
    %eq3A_826 = arith.constant 4 : i32
    %eq3A_827 = vector.broadcast %eq3A_826 : i32 to vector<20x20xi32>
    %eq3A_828 = arith.cmpi eq, %get3A_795, %eq3A_827 : vector<20x20xi32>
    %slice3A_829 = vector.extract_strided_slice %select_n3A_810 {offsets = [60, 0], sizes = [20, 20], strides = [1, 1]} : vector<80x20xf32> to vector<20x20xf32>
    %select_n3A_830 = arith.select %eq3A_828, %slice3A_829, %select_n3A_825 : vector<20x20xi1>, vector<20x20xf32>
    %reduce_max3A_831 = arith.constant dense<0xFF800000> : vector<20xf32>
    %reduce_max3A_832 = vector.multi_reduction <maximumf>, %select_n3A_830, %reduce_max3A_831 [1] : vector<20x20xf32> to vector<20xf32>
    %broadcast_in_dim3A_833 = vector.shape_cast %reduce_max3A_832 : vector<20xf32> to vector<20x1xf32>
    %sub3A_834 = vector.broadcast %broadcast_in_dim3A_833 : vector<20x1xf32> to vector<20x20xf32>
    %sub3A_835 = arith.subf %select_n3A_830, %sub3A_834 : vector<20x20xf32>
    %exp3A_836 = math.exp %sub3A_835 : vector<20x20xf32>
    %reduce_sum3A_837 = arith.constant dense<0.000000e+00> : vector<20xf32>
    %reduce_sum3A_838 = vector.multi_reduction <add>, %exp3A_836, %reduce_sum3A_837 [1] : vector<20x20xf32> to vector<20xf32>
    %broadcast_in_dim3A_839 = vector.shape_cast %reduce_sum3A_838 : vector<20xf32> to vector<20x1xf32>
    %div3A_840 = vector.broadcast %broadcast_in_dim3A_839 : vector<20x1xf32> to vector<20x20xf32>
    %div3A_841 = arith.divf %exp3A_836, %div3A_840 : vector<20x20xf32>
    %broadcast_in_dim3A_842 = arith.constant 0.000000e+00 : f32
    %broadcast_in_dim3A_843 = vector.broadcast %broadcast_in_dim3A_842 : f32 to vector<20x280xf32>
    %broadcast_in_dim3A_844 = arith.constant 0.000000e+00 : f32
    %broadcast_in_dim3A_845 = vector.broadcast %broadcast_in_dim3A_844 : f32 to vector<20x340xf32>
    %concatenate3A_846 = tpu.concatenate %broadcast_in_dim3A_843, %div3A_841, %broadcast_in_dim3A_845 in 1 : vector<20x280xf32>, vector<20x20xf32>, vector<20x340xf32> -> vector<20x640xf32>
    %slice3A_847 = vector.extract_strided_slice %slice3A {offsets = [300, 0], sizes = [20, 64], strides = [1, 1]} : vector<640x64xf32> to vector<20x64xf32>
    %get3A_848 = arith.constant 15 : index
    %get3A_849 = arith.constant 0 : index
    %get3A_850 = arith.constant 0 : index
    %get3A_851 = vector.load %arg5[%get3A_848, %get3A_849, %get3A_850] : memref<32x20x20xi32, #tpu.memory_space<vmem>>, vector<1x20x20xi32>
    %get3A_852 = vector.shape_cast %get3A_851 : vector<1x20x20xi32> to vector<20x20xi32>
    %broadcast_in_dim3A_853 = vector.shape_cast %get3A_1 : vector<4x64xf32> to vector<4x1x64xf32>
    %broadcast_in_dim3A_854 = vector.shape_cast %slice3A_847 : vector<20x64xf32> to vector<1x20x64xf32>
    %mul3A_855 = vector.broadcast %broadcast_in_dim3A_853 : vector<4x1x64xf32> to vector<4x20x64xf32>
    %mul3A_856 = vector.broadcast %broadcast_in_dim3A_854 : vector<1x20x64xf32> to vector<4x20x64xf32>
    %mul3A_857 = arith.mulf %mul3A_855, %mul3A_856 : vector<4x20x64xf32>
    %reshape3A_858 = vector.shape_cast %mul3A_857 : vector<4x20x64xf32> to vector<80x64xf32>
    %dot_general3A_859 = arith.constant dense<0.000000e+00> : vector<80x20xf32>
    %dot_general3A_860 = tpu.matmul %reshape3A_858, %slice3A_847, %dot_general3A_859 {dimension_numbers = #tpu.dot_dimension_numbers<[1], [1], [0], [0], [0, 0, 1, 0], [], []>, transpose_lhs_hint = false} : vector<80x64xf32>, vector<20x64xf32>, vector<80x20xf32> -> vector<80x20xf32>
    %ge3A_861 = arith.constant 0.000000e+00 : f32
    %ge3A_862 = vector.broadcast %ge3A_861 : f32 to vector<80x20xf32>
    %ge3A_863 = arith.cmpf oge, %dot_general3A_860, %ge3A_862 : vector<80x20xf32>
    %mul3A_864 = arith.constant 2.000000e-01 : f32
    %mul3A_865 = vector.broadcast %mul3A_864 : f32 to vector<80x20xf32>
    %mul3A_866 = arith.mulf %mul3A_865, %dot_general3A_860 : vector<80x20xf32>
    %select_n3A_867 = arith.select %ge3A_863, %dot_general3A_860, %mul3A_866 : vector<80x20xi1>, vector<80x20xf32>
    %eq3A_868 = arith.constant 1 : i32
    %eq3A_869 = vector.broadcast %eq3A_868 : i32 to vector<20x20xi32>
    %eq3A_870 = arith.cmpi eq, %get3A_852, %eq3A_869 : vector<20x20xi32>
    %slice3A_871 = vector.extract_strided_slice %select_n3A_867 {offsets = [0, 0], sizes = [20, 20], strides = [1, 1]} : vector<80x20xf32> to vector<20x20xf32>
    %select_n3A_872 = arith.select %eq3A_870, %slice3A_871, %broadcast_in_dim3A_5 : vector<20x20xi1>, vector<20x20xf32>
    %eq3A_873 = arith.constant 2 : i32
    %eq3A_874 = vector.broadcast %eq3A_873 : i32 to vector<20x20xi32>
    %eq3A_875 = arith.cmpi eq, %get3A_852, %eq3A_874 : vector<20x20xi32>
    %slice3A_876 = vector.extract_strided_slice %select_n3A_867 {offsets = [20, 0], sizes = [20, 20], strides = [1, 1]} : vector<80x20xf32> to vector<20x20xf32>
    %select_n3A_877 = arith.select %eq3A_875, %slice3A_876, %select_n3A_872 : vector<20x20xi1>, vector<20x20xf32>
    %eq3A_878 = arith.constant 3 : i32
    %eq3A_879 = vector.broadcast %eq3A_878 : i32 to vector<20x20xi32>
    %eq3A_880 = arith.cmpi eq, %get3A_852, %eq3A_879 : vector<20x20xi32>
    %slice3A_881 = vector.extract_strided_slice %select_n3A_867 {offsets = [40, 0], sizes = [20, 20], strides = [1, 1]} : vector<80x20xf32> to vector<20x20xf32>
    %select_n3A_882 = arith.select %eq3A_880, %slice3A_881, %select_n3A_877 : vector<20x20xi1>, vector<20x20xf32>
    %eq3A_883 = arith.constant 4 : i32
    %eq3A_884 = vector.broadcast %eq3A_883 : i32 to vector<20x20xi32>
    %eq3A_885 = arith.cmpi eq, %get3A_852, %eq3A_884 : vector<20x20xi32>
    %slice3A_886 = vector.extract_strided_slice %select_n3A_867 {offsets = [60, 0], sizes = [20, 20], strides = [1, 1]} : vector<80x20xf32> to vector<20x20xf32>
    %select_n3A_887 = arith.select %eq3A_885, %slice3A_886, %select_n3A_882 : vector<20x20xi1>, vector<20x20xf32>
    %reduce_max3A_888 = arith.constant dense<0xFF800000> : vector<20xf32>
    %reduce_max3A_889 = vector.multi_reduction <maximumf>, %select_n3A_887, %reduce_max3A_888 [1] : vector<20x20xf32> to vector<20xf32>
    %broadcast_in_dim3A_890 = vector.shape_cast %reduce_max3A_889 : vector<20xf32> to vector<20x1xf32>
    %sub3A_891 = vector.broadcast %broadcast_in_dim3A_890 : vector<20x1xf32> to vector<20x20xf32>
    %sub3A_892 = arith.subf %select_n3A_887, %sub3A_891 : vector<20x20xf32>
    %exp3A_893 = math.exp %sub3A_892 : vector<20x20xf32>
    %reduce_sum3A_894 = arith.constant dense<0.000000e+00> : vector<20xf32>
    %reduce_sum3A_895 = vector.multi_reduction <add>, %exp3A_893, %reduce_sum3A_894 [1] : vector<20x20xf32> to vector<20xf32>
    %broadcast_in_dim3A_896 = vector.shape_cast %reduce_sum3A_895 : vector<20xf32> to vector<20x1xf32>
    %div3A_897 = vector.broadcast %broadcast_in_dim3A_896 : vector<20x1xf32> to vector<20x20xf32>
    %div3A_898 = arith.divf %exp3A_893, %div3A_897 : vector<20x20xf32>
    %broadcast_in_dim3A_899 = arith.constant 0.000000e+00 : f32
    %broadcast_in_dim3A_900 = vector.broadcast %broadcast_in_dim3A_899 : f32 to vector<20x300xf32>
    %broadcast_in_dim3A_901 = arith.constant 0.000000e+00 : f32
    %broadcast_in_dim3A_902 = vector.broadcast %broadcast_in_dim3A_901 : f32 to vector<20x320xf32>
    %concatenate3A_903 = tpu.concatenate %broadcast_in_dim3A_900, %div3A_898, %broadcast_in_dim3A_902 in 1 : vector<20x300xf32>, vector<20x20xf32>, vector<20x320xf32> -> vector<20x640xf32>
    %slice3A_904 = vector.extract_strided_slice %slice3A {offsets = [320, 0], sizes = [20, 64], strides = [1, 1]} : vector<640x64xf32> to vector<20x64xf32>
    %get3A_905 = arith.constant 16 : index
    %get3A_906 = arith.constant 0 : index
    %get3A_907 = arith.constant 0 : index
    %get3A_908 = vector.load %arg5[%get3A_905, %get3A_906, %get3A_907] : memref<32x20x20xi32, #tpu.memory_space<vmem>>, vector<1x20x20xi32>
    %get3A_909 = vector.shape_cast %get3A_908 : vector<1x20x20xi32> to vector<20x20xi32>
    %broadcast_in_dim3A_910 = vector.shape_cast %get3A_1 : vector<4x64xf32> to vector<4x1x64xf32>
    %broadcast_in_dim3A_911 = vector.shape_cast %slice3A_904 : vector<20x64xf32> to vector<1x20x64xf32>
    %mul3A_912 = vector.broadcast %broadcast_in_dim3A_910 : vector<4x1x64xf32> to vector<4x20x64xf32>
    %mul3A_913 = vector.broadcast %broadcast_in_dim3A_911 : vector<1x20x64xf32> to vector<4x20x64xf32>
    %mul3A_914 = arith.mulf %mul3A_912, %mul3A_913 : vector<4x20x64xf32>
    %reshape3A_915 = vector.shape_cast %mul3A_914 : vector<4x20x64xf32> to vector<80x64xf32>
    %dot_general3A_916 = arith.constant dense<0.000000e+00> : vector<80x20xf32>
    %dot_general3A_917 = tpu.matmul %reshape3A_915, %slice3A_904, %dot_general3A_916 {dimension_numbers = #tpu.dot_dimension_numbers<[1], [1], [0], [0], [0, 0, 1, 0], [], []>, transpose_lhs_hint = false} : vector<80x64xf32>, vector<20x64xf32>, vector<80x20xf32> -> vector<80x20xf32>
    %ge3A_918 = arith.constant 0.000000e+00 : f32
    %ge3A_919 = vector.broadcast %ge3A_918 : f32 to vector<80x20xf32>
    %ge3A_920 = arith.cmpf oge, %dot_general3A_917, %ge3A_919 : vector<80x20xf32>
    %mul3A_921 = arith.constant 2.000000e-01 : f32
    %mul3A_922 = vector.broadcast %mul3A_921 : f32 to vector<80x20xf32>
    %mul3A_923 = arith.mulf %mul3A_922, %dot_general3A_917 : vector<80x20xf32>
    %select_n3A_924 = arith.select %ge3A_920, %dot_general3A_917, %mul3A_923 : vector<80x20xi1>, vector<80x20xf32>
    %eq3A_925 = arith.constant 1 : i32
    %eq3A_926 = vector.broadcast %eq3A_925 : i32 to vector<20x20xi32>
    %eq3A_927 = arith.cmpi eq, %get3A_909, %eq3A_926 : vector<20x20xi32>
    %slice3A_928 = vector.extract_strided_slice %select_n3A_924 {offsets = [0, 0], sizes = [20, 20], strides = [1, 1]} : vector<80x20xf32> to vector<20x20xf32>
    %select_n3A_929 = arith.select %eq3A_927, %slice3A_928, %broadcast_in_dim3A_5 : vector<20x20xi1>, vector<20x20xf32>
    %eq3A_930 = arith.constant 2 : i32
    %eq3A_931 = vector.broadcast %eq3A_930 : i32 to vector<20x20xi32>
    %eq3A_932 = arith.cmpi eq, %get3A_909, %eq3A_931 : vector<20x20xi32>
    %slice3A_933 = vector.extract_strided_slice %select_n3A_924 {offsets = [20, 0], sizes = [20, 20], strides = [1, 1]} : vector<80x20xf32> to vector<20x20xf32>
    %select_n3A_934 = arith.select %eq3A_932, %slice3A_933, %select_n3A_929 : vector<20x20xi1>, vector<20x20xf32>
    %eq3A_935 = arith.constant 3 : i32
    %eq3A_936 = vector.broadcast %eq3A_935 : i32 to vector<20x20xi32>
    %eq3A_937 = arith.cmpi eq, %get3A_909, %eq3A_936 : vector<20x20xi32>
    %slice3A_938 = vector.extract_strided_slice %select_n3A_924 {offsets = [40, 0], sizes = [20, 20], strides = [1, 1]} : vector<80x20xf32> to vector<20x20xf32>
    %select_n3A_939 = arith.select %eq3A_937, %slice3A_938, %select_n3A_934 : vector<20x20xi1>, vector<20x20xf32>
    %eq3A_940 = arith.constant 4 : i32
    %eq3A_941 = vector.broadcast %eq3A_940 : i32 to vector<20x20xi32>
    %eq3A_942 = arith.cmpi eq, %get3A_909, %eq3A_941 : vector<20x20xi32>
    %slice3A_943 = vector.extract_strided_slice %select_n3A_924 {offsets = [60, 0], sizes = [20, 20], strides = [1, 1]} : vector<80x20xf32> to vector<20x20xf32>
    %select_n3A_944 = arith.select %eq3A_942, %slice3A_943, %select_n3A_939 : vector<20x20xi1>, vector<20x20xf32>
    %reduce_max3A_945 = arith.constant dense<0xFF800000> : vector<20xf32>
    %reduce_max3A_946 = vector.multi_reduction <maximumf>, %select_n3A_944, %reduce_max3A_945 [1] : vector<20x20xf32> to vector<20xf32>
    %broadcast_in_dim3A_947 = vector.shape_cast %reduce_max3A_946 : vector<20xf32> to vector<20x1xf32>
    %sub3A_948 = vector.broadcast %broadcast_in_dim3A_947 : vector<20x1xf32> to vector<20x20xf32>
    %sub3A_949 = arith.subf %select_n3A_944, %sub3A_948 : vector<20x20xf32>
    %exp3A_950 = math.exp %sub3A_949 : vector<20x20xf32>
    %reduce_sum3A_951 = arith.constant dense<0.000000e+00> : vector<20xf32>
    %reduce_sum3A_952 = vector.multi_reduction <add>, %exp3A_950, %reduce_sum3A_951 [1] : vector<20x20xf32> to vector<20xf32>
    %broadcast_in_dim3A_953 = vector.shape_cast %reduce_sum3A_952 : vector<20xf32> to vector<20x1xf32>
    %div3A_954 = vector.broadcast %broadcast_in_dim3A_953 : vector<20x1xf32> to vector<20x20xf32>
    %div3A_955 = arith.divf %exp3A_950, %div3A_954 : vector<20x20xf32>
    %broadcast_in_dim3A_956 = arith.constant 0.000000e+00 : f32
    %broadcast_in_dim3A_957 = vector.broadcast %broadcast_in_dim3A_956 : f32 to vector<20x320xf32>
    %broadcast_in_dim3A_958 = arith.constant 0.000000e+00 : f32
    %broadcast_in_dim3A_959 = vector.broadcast %broadcast_in_dim3A_958 : f32 to vector<20x300xf32>
    %concatenate3A_960 = tpu.concatenate %broadcast_in_dim3A_957, %div3A_955, %broadcast_in_dim3A_959 in 1 : vector<20x320xf32>, vector<20x20xf32>, vector<20x300xf32> -> vector<20x640xf32>
    %slice3A_961 = vector.extract_strided_slice %slice3A {offsets = [340, 0], sizes = [20, 64], strides = [1, 1]} : vector<640x64xf32> to vector<20x64xf32>
    %get3A_962 = arith.constant 17 : index
    %get3A_963 = arith.constant 0 : index
    %get3A_964 = arith.constant 0 : index
    %get3A_965 = vector.load %arg5[%get3A_962, %get3A_963, %get3A_964] : memref<32x20x20xi32, #tpu.memory_space<vmem>>, vector<1x20x20xi32>
    %get3A_966 = vector.shape_cast %get3A_965 : vector<1x20x20xi32> to vector<20x20xi32>
    %broadcast_in_dim3A_967 = vector.shape_cast %get3A_1 : vector<4x64xf32> to vector<4x1x64xf32>
    %broadcast_in_dim3A_968 = vector.shape_cast %slice3A_961 : vector<20x64xf32> to vector<1x20x64xf32>
    %mul3A_969 = vector.broadcast %broadcast_in_dim3A_967 : vector<4x1x64xf32> to vector<4x20x64xf32>
    %mul3A_970 = vector.broadcast %broadcast_in_dim3A_968 : vector<1x20x64xf32> to vector<4x20x64xf32>
    %mul3A_971 = arith.mulf %mul3A_969, %mul3A_970 : vector<4x20x64xf32>
    %reshape3A_972 = vector.shape_cast %mul3A_971 : vector<4x20x64xf32> to vector<80x64xf32>
    %dot_general3A_973 = arith.constant dense<0.000000e+00> : vector<80x20xf32>
    %dot_general3A_974 = tpu.matmul %reshape3A_972, %slice3A_961, %dot_general3A_973 {dimension_numbers = #tpu.dot_dimension_numbers<[1], [1], [0], [0], [0, 0, 1, 0], [], []>, transpose_lhs_hint = false} : vector<80x64xf32>, vector<20x64xf32>, vector<80x20xf32> -> vector<80x20xf32>
    %ge3A_975 = arith.constant 0.000000e+00 : f32
    %ge3A_976 = vector.broadcast %ge3A_975 : f32 to vector<80x20xf32>
    %ge3A_977 = arith.cmpf oge, %dot_general3A_974, %ge3A_976 : vector<80x20xf32>
    %mul3A_978 = arith.constant 2.000000e-01 : f32
    %mul3A_979 = vector.broadcast %mul3A_978 : f32 to vector<80x20xf32>
    %mul3A_980 = arith.mulf %mul3A_979, %dot_general3A_974 : vector<80x20xf32>
    %select_n3A_981 = arith.select %ge3A_977, %dot_general3A_974, %mul3A_980 : vector<80x20xi1>, vector<80x20xf32>
    %eq3A_982 = arith.constant 1 : i32
    %eq3A_983 = vector.broadcast %eq3A_982 : i32 to vector<20x20xi32>
    %eq3A_984 = arith.cmpi eq, %get3A_966, %eq3A_983 : vector<20x20xi32>
    %slice3A_985 = vector.extract_strided_slice %select_n3A_981 {offsets = [0, 0], sizes = [20, 20], strides = [1, 1]} : vector<80x20xf32> to vector<20x20xf32>
    %select_n3A_986 = arith.select %eq3A_984, %slice3A_985, %broadcast_in_dim3A_5 : vector<20x20xi1>, vector<20x20xf32>
    %eq3A_987 = arith.constant 2 : i32
    %eq3A_988 = vector.broadcast %eq3A_987 : i32 to vector<20x20xi32>
    %eq3A_989 = arith.cmpi eq, %get3A_966, %eq3A_988 : vector<20x20xi32>
    %slice3A_990 = vector.extract_strided_slice %select_n3A_981 {offsets = [20, 0], sizes = [20, 20], strides = [1, 1]} : vector<80x20xf32> to vector<20x20xf32>
    %select_n3A_991 = arith.select %eq3A_989, %slice3A_990, %select_n3A_986 : vector<20x20xi1>, vector<20x20xf32>
    %eq3A_992 = arith.constant 3 : i32
    %eq3A_993 = vector.broadcast %eq3A_992 : i32 to vector<20x20xi32>
    %eq3A_994 = arith.cmpi eq, %get3A_966, %eq3A_993 : vector<20x20xi32>
    %slice3A_995 = vector.extract_strided_slice %select_n3A_981 {offsets = [40, 0], sizes = [20, 20], strides = [1, 1]} : vector<80x20xf32> to vector<20x20xf32>
    %select_n3A_996 = arith.select %eq3A_994, %slice3A_995, %select_n3A_991 : vector<20x20xi1>, vector<20x20xf32>
    %eq3A_997 = arith.constant 4 : i32
    %eq3A_998 = vector.broadcast %eq3A_997 : i32 to vector<20x20xi32>
    %eq3A_999 = arith.cmpi eq, %get3A_966, %eq3A_998 : vector<20x20xi32>
    %slice3A_1000 = vector.extract_strided_slice %select_n3A_981 {offsets = [60, 0], sizes = [20, 20], strides = [1, 1]} : vector<80x20xf32> to vector<20x20xf32>
    %select_n3A_1001 = arith.select %eq3A_999, %slice3A_1000, %select_n3A_996 : vector<20x20xi1>, vector<20x20xf32>
    %reduce_max3A_1002 = arith.constant dense<0xFF800000> : vector<20xf32>
    %reduce_max3A_1003 = vector.multi_reduction <maximumf>, %select_n3A_1001, %reduce_max3A_1002 [1] : vector<20x20xf32> to vector<20xf32>
    %broadcast_in_dim3A_1004 = vector.shape_cast %reduce_max3A_1003 : vector<20xf32> to vector<20x1xf32>
    %sub3A_1005 = vector.broadcast %broadcast_in_dim3A_1004 : vector<20x1xf32> to vector<20x20xf32>
    %sub3A_1006 = arith.subf %select_n3A_1001, %sub3A_1005 : vector<20x20xf32>
    %exp3A_1007 = math.exp %sub3A_1006 : vector<20x20xf32>
    %reduce_sum3A_1008 = arith.constant dense<0.000000e+00> : vector<20xf32>
    %reduce_sum3A_1009 = vector.multi_reduction <add>, %exp3A_1007, %reduce_sum3A_1008 [1] : vector<20x20xf32> to vector<20xf32>
    %broadcast_in_dim3A_1010 = vector.shape_cast %reduce_sum3A_1009 : vector<20xf32> to vector<20x1xf32>
    %div3A_1011 = vector.broadcast %broadcast_in_dim3A_1010 : vector<20x1xf32> to vector<20x20xf32>
    %div3A_1012 = arith.divf %exp3A_1007, %div3A_1011 : vector<20x20xf32>
    %broadcast_in_dim3A_1013 = arith.constant 0.000000e+00 : f32
    %broadcast_in_dim3A_1014 = vector.broadcast %broadcast_in_dim3A_1013 : f32 to vector<20x340xf32>
    %broadcast_in_dim3A_1015 = arith.constant 0.000000e+00 : f32
    %broadcast_in_dim3A_1016 = vector.broadcast %broadcast_in_dim3A_1015 : f32 to vector<20x280xf32>
    %concatenate3A_1017 = tpu.concatenate %broadcast_in_dim3A_1014, %div3A_1012, %broadcast_in_dim3A_1016 in 1 : vector<20x340xf32>, vector<20x20xf32>, vector<20x280xf32> -> vector<20x640xf32>
    %slice3A_1018 = vector.extract_strided_slice %slice3A {offsets = [360, 0], sizes = [20, 64], strides = [1, 1]} : vector<640x64xf32> to vector<20x64xf32>
    %get3A_1019 = arith.constant 18 : index
    %get3A_1020 = arith.constant 0 : index
    %get3A_1021 = arith.constant 0 : index
    %get3A_1022 = vector.load %arg5[%get3A_1019, %get3A_1020, %get3A_1021] : memref<32x20x20xi32, #tpu.memory_space<vmem>>, vector<1x20x20xi32>
    %get3A_1023 = vector.shape_cast %get3A_1022 : vector<1x20x20xi32> to vector<20x20xi32>
    %broadcast_in_dim3A_1024 = vector.shape_cast %get3A_1 : vector<4x64xf32> to vector<4x1x64xf32>
    %broadcast_in_dim3A_1025 = vector.shape_cast %slice3A_1018 : vector<20x64xf32> to vector<1x20x64xf32>
    %mul3A_1026 = vector.broadcast %broadcast_in_dim3A_1024 : vector<4x1x64xf32> to vector<4x20x64xf32>
    %mul3A_1027 = vector.broadcast %broadcast_in_dim3A_1025 : vector<1x20x64xf32> to vector<4x20x64xf32>
    %mul3A_1028 = arith.mulf %mul3A_1026, %mul3A_1027 : vector<4x20x64xf32>
    %reshape3A_1029 = vector.shape_cast %mul3A_1028 : vector<4x20x64xf32> to vector<80x64xf32>
    %dot_general3A_1030 = arith.constant dense<0.000000e+00> : vector<80x20xf32>
    %dot_general3A_1031 = tpu.matmul %reshape3A_1029, %slice3A_1018, %dot_general3A_1030 {dimension_numbers = #tpu.dot_dimension_numbers<[1], [1], [0], [0], [0, 0, 1, 0], [], []>, transpose_lhs_hint = false} : vector<80x64xf32>, vector<20x64xf32>, vector<80x20xf32> -> vector<80x20xf32>
    %ge3A_1032 = arith.constant 0.000000e+00 : f32
    %ge3A_1033 = vector.broadcast %ge3A_1032 : f32 to vector<80x20xf32>
    %ge3A_1034 = arith.cmpf oge, %dot_general3A_1031, %ge3A_1033 : vector<80x20xf32>
    %mul3A_1035 = arith.constant 2.000000e-01 : f32
    %mul3A_1036 = vector.broadcast %mul3A_1035 : f32 to vector<80x20xf32>
    %mul3A_1037 = arith.mulf %mul3A_1036, %dot_general3A_1031 : vector<80x20xf32>
    %select_n3A_1038 = arith.select %ge3A_1034, %dot_general3A_1031, %mul3A_1037 : vector<80x20xi1>, vector<80x20xf32>
    %eq3A_1039 = arith.constant 1 : i32
    %eq3A_1040 = vector.broadcast %eq3A_1039 : i32 to vector<20x20xi32>
    %eq3A_1041 = arith.cmpi eq, %get3A_1023, %eq3A_1040 : vector<20x20xi32>
    %slice3A_1042 = vector.extract_strided_slice %select_n3A_1038 {offsets = [0, 0], sizes = [20, 20], strides = [1, 1]} : vector<80x20xf32> to vector<20x20xf32>
    %select_n3A_1043 = arith.select %eq3A_1041, %slice3A_1042, %broadcast_in_dim3A_5 : vector<20x20xi1>, vector<20x20xf32>
    %eq3A_1044 = arith.constant 2 : i32
    %eq3A_1045 = vector.broadcast %eq3A_1044 : i32 to vector<20x20xi32>
    %eq3A_1046 = arith.cmpi eq, %get3A_1023, %eq3A_1045 : vector<20x20xi32>
    %slice3A_1047 = vector.extract_strided_slice %select_n3A_1038 {offsets = [20, 0], sizes = [20, 20], strides = [1, 1]} : vector<80x20xf32> to vector<20x20xf32>
    %select_n3A_1048 = arith.select %eq3A_1046, %slice3A_1047, %select_n3A_1043 : vector<20x20xi1>, vector<20x20xf32>
    %eq3A_1049 = arith.constant 3 : i32
    %eq3A_1050 = vector.broadcast %eq3A_1049 : i32 to vector<20x20xi32>
    %eq3A_1051 = arith.cmpi eq, %get3A_1023, %eq3A_1050 : vector<20x20xi32>
    %slice3A_1052 = vector.extract_strided_slice %select_n3A_1038 {offsets = [40, 0], sizes = [20, 20], strides = [1, 1]} : vector<80x20xf32> to vector<20x20xf32>
    %select_n3A_1053 = arith.select %eq3A_1051, %slice3A_1052, %select_n3A_1048 : vector<20x20xi1>, vector<20x20xf32>
    %eq3A_1054 = arith.constant 4 : i32
    %eq3A_1055 = vector.broadcast %eq3A_1054 : i32 to vector<20x20xi32>
    %eq3A_1056 = arith.cmpi eq, %get3A_1023, %eq3A_1055 : vector<20x20xi32>
    %slice3A_1057 = vector.extract_strided_slice %select_n3A_1038 {offsets = [60, 0], sizes = [20, 20], strides = [1, 1]} : vector<80x20xf32> to vector<20x20xf32>
    %select_n3A_1058 = arith.select %eq3A_1056, %slice3A_1057, %select_n3A_1053 : vector<20x20xi1>, vector<20x20xf32>
    %reduce_max3A_1059 = arith.constant dense<0xFF800000> : vector<20xf32>
    %reduce_max3A_1060 = vector.multi_reduction <maximumf>, %select_n3A_1058, %reduce_max3A_1059 [1] : vector<20x20xf32> to vector<20xf32>
    %broadcast_in_dim3A_1061 = vector.shape_cast %reduce_max3A_1060 : vector<20xf32> to vector<20x1xf32>
    %sub3A_1062 = vector.broadcast %broadcast_in_dim3A_1061 : vector<20x1xf32> to vector<20x20xf32>
    %sub3A_1063 = arith.subf %select_n3A_1058, %sub3A_1062 : vector<20x20xf32>
    %exp3A_1064 = math.exp %sub3A_1063 : vector<20x20xf32>
    %reduce_sum3A_1065 = arith.constant dense<0.000000e+00> : vector<20xf32>
    %reduce_sum3A_1066 = vector.multi_reduction <add>, %exp3A_1064, %reduce_sum3A_1065 [1] : vector<20x20xf32> to vector<20xf32>
    %broadcast_in_dim3A_1067 = vector.shape_cast %reduce_sum3A_1066 : vector<20xf32> to vector<20x1xf32>
    %div3A_1068 = vector.broadcast %broadcast_in_dim3A_1067 : vector<20x1xf32> to vector<20x20xf32>
    %div3A_1069 = arith.divf %exp3A_1064, %div3A_1068 : vector<20x20xf32>
    %broadcast_in_dim3A_1070 = arith.constant 0.000000e+00 : f32
    %broadcast_in_dim3A_1071 = vector.broadcast %broadcast_in_dim3A_1070 : f32 to vector<20x360xf32>
    %broadcast_in_dim3A_1072 = arith.constant 0.000000e+00 : f32
    %broadcast_in_dim3A_1073 = vector.broadcast %broadcast_in_dim3A_1072 : f32 to vector<20x260xf32>
    %concatenate3A_1074 = tpu.concatenate %broadcast_in_dim3A_1071, %div3A_1069, %broadcast_in_dim3A_1073 in 1 : vector<20x360xf32>, vector<20x20xf32>, vector<20x260xf32> -> vector<20x640xf32>
    %slice3A_1075 = vector.extract_strided_slice %slice3A {offsets = [380, 0], sizes = [20, 64], strides = [1, 1]} : vector<640x64xf32> to vector<20x64xf32>
    %get3A_1076 = arith.constant 19 : index
    %get3A_1077 = arith.constant 0 : index
    %get3A_1078 = arith.constant 0 : index
    %get3A_1079 = vector.load %arg5[%get3A_1076, %get3A_1077, %get3A_1078] : memref<32x20x20xi32, #tpu.memory_space<vmem>>, vector<1x20x20xi32>
    %get3A_1080 = vector.shape_cast %get3A_1079 : vector<1x20x20xi32> to vector<20x20xi32>
    %broadcast_in_dim3A_1081 = vector.shape_cast %get3A_1 : vector<4x64xf32> to vector<4x1x64xf32>
    %broadcast_in_dim3A_1082 = vector.shape_cast %slice3A_1075 : vector<20x64xf32> to vector<1x20x64xf32>
    %mul3A_1083 = vector.broadcast %broadcast_in_dim3A_1081 : vector<4x1x64xf32> to vector<4x20x64xf32>
    %mul3A_1084 = vector.broadcast %broadcast_in_dim3A_1082 : vector<1x20x64xf32> to vector<4x20x64xf32>
    %mul3A_1085 = arith.mulf %mul3A_1083, %mul3A_1084 : vector<4x20x64xf32>
    %reshape3A_1086 = vector.shape_cast %mul3A_1085 : vector<4x20x64xf32> to vector<80x64xf32>
    %dot_general3A_1087 = arith.constant dense<0.000000e+00> : vector<80x20xf32>
    %dot_general3A_1088 = tpu.matmul %reshape3A_1086, %slice3A_1075, %dot_general3A_1087 {dimension_numbers = #tpu.dot_dimension_numbers<[1], [1], [0], [0], [0, 0, 1, 0], [], []>, transpose_lhs_hint = false} : vector<80x64xf32>, vector<20x64xf32>, vector<80x20xf32> -> vector<80x20xf32>
    %ge3A_1089 = arith.constant 0.000000e+00 : f32
    %ge3A_1090 = vector.broadcast %ge3A_1089 : f32 to vector<80x20xf32>
    %ge3A_1091 = arith.cmpf oge, %dot_general3A_1088, %ge3A_1090 : vector<80x20xf32>
    %mul3A_1092 = arith.constant 2.000000e-01 : f32
    %mul3A_1093 = vector.broadcast %mul3A_1092 : f32 to vector<80x20xf32>
    %mul3A_1094 = arith.mulf %mul3A_1093, %dot_general3A_1088 : vector<80x20xf32>
    %select_n3A_1095 = arith.select %ge3A_1091, %dot_general3A_1088, %mul3A_1094 : vector<80x20xi1>, vector<80x20xf32>
    %eq3A_1096 = arith.constant 1 : i32
    %eq3A_1097 = vector.broadcast %eq3A_1096 : i32 to vector<20x20xi32>
    %eq3A_1098 = arith.cmpi eq, %get3A_1080, %eq3A_1097 : vector<20x20xi32>
    %slice3A_1099 = vector.extract_strided_slice %select_n3A_1095 {offsets = [0, 0], sizes = [20, 20], strides = [1, 1]} : vector<80x20xf32> to vector<20x20xf32>
    %select_n3A_1100 = arith.select %eq3A_1098, %slice3A_1099, %broadcast_in_dim3A_5 : vector<20x20xi1>, vector<20x20xf32>
    %eq3A_1101 = arith.constant 2 : i32
    %eq3A_1102 = vector.broadcast %eq3A_1101 : i32 to vector<20x20xi32>
    %eq3A_1103 = arith.cmpi eq, %get3A_1080, %eq3A_1102 : vector<20x20xi32>
    %slice3A_1104 = vector.extract_strided_slice %select_n3A_1095 {offsets = [20, 0], sizes = [20, 20], strides = [1, 1]} : vector<80x20xf32> to vector<20x20xf32>
    %select_n3A_1105 = arith.select %eq3A_1103, %slice3A_1104, %select_n3A_1100 : vector<20x20xi1>, vector<20x20xf32>
    %eq3A_1106 = arith.constant 3 : i32
    %eq3A_1107 = vector.broadcast %eq3A_1106 : i32 to vector<20x20xi32>
    %eq3A_1108 = arith.cmpi eq, %get3A_1080, %eq3A_1107 : vector<20x20xi32>
    %slice3A_1109 = vector.extract_strided_slice %select_n3A_1095 {offsets = [40, 0], sizes = [20, 20], strides = [1, 1]} : vector<80x20xf32> to vector<20x20xf32>
    %select_n3A_1110 = arith.select %eq3A_1108, %slice3A_1109, %select_n3A_1105 : vector<20x20xi1>, vector<20x20xf32>
    %eq3A_1111 = arith.constant 4 : i32
    %eq3A_1112 = vector.broadcast %eq3A_1111 : i32 to vector<20x20xi32>
    %eq3A_1113 = arith.cmpi eq, %get3A_1080, %eq3A_1112 : vector<20x20xi32>
    %slice3A_1114 = vector.extract_strided_slice %select_n3A_1095 {offsets = [60, 0], sizes = [20, 20], strides = [1, 1]} : vector<80x20xf32> to vector<20x20xf32>
    %select_n3A_1115 = arith.select %eq3A_1113, %slice3A_1114, %select_n3A_1110 : vector<20x20xi1>, vector<20x20xf32>
    %reduce_max3A_1116 = arith.constant dense<0xFF800000> : vector<20xf32>
    %reduce_max3A_1117 = vector.multi_reduction <maximumf>, %select_n3A_1115, %reduce_max3A_1116 [1] : vector<20x20xf32> to vector<20xf32>
    %broadcast_in_dim3A_1118 = vector.shape_cast %reduce_max3A_1117 : vector<20xf32> to vector<20x1xf32>
    %sub3A_1119 = vector.broadcast %broadcast_in_dim3A_1118 : vector<20x1xf32> to vector<20x20xf32>
    %sub3A_1120 = arith.subf %select_n3A_1115, %sub3A_1119 : vector<20x20xf32>
    %exp3A_1121 = math.exp %sub3A_1120 : vector<20x20xf32>
    %reduce_sum3A_1122 = arith.constant dense<0.000000e+00> : vector<20xf32>
    %reduce_sum3A_1123 = vector.multi_reduction <add>, %exp3A_1121, %reduce_sum3A_1122 [1] : vector<20x20xf32> to vector<20xf32>
    %broadcast_in_dim3A_1124 = vector.shape_cast %reduce_sum3A_1123 : vector<20xf32> to vector<20x1xf32>
    %div3A_1125 = vector.broadcast %broadcast_in_dim3A_1124 : vector<20x1xf32> to vector<20x20xf32>
    %div3A_1126 = arith.divf %exp3A_1121, %div3A_1125 : vector<20x20xf32>
    %broadcast_in_dim3A_1127 = arith.constant 0.000000e+00 : f32
    %broadcast_in_dim3A_1128 = vector.broadcast %broadcast_in_dim3A_1127 : f32 to vector<20x380xf32>
    %broadcast_in_dim3A_1129 = arith.constant 0.000000e+00 : f32
    %broadcast_in_dim3A_1130 = vector.broadcast %broadcast_in_dim3A_1129 : f32 to vector<20x240xf32>
    %concatenate3A_1131 = tpu.concatenate %broadcast_in_dim3A_1128, %div3A_1126, %broadcast_in_dim3A_1130 in 1 : vector<20x380xf32>, vector<20x20xf32>, vector<20x240xf32> -> vector<20x640xf32>
    %slice3A_1132 = vector.extract_strided_slice %slice3A {offsets = [400, 0], sizes = [20, 64], strides = [1, 1]} : vector<640x64xf32> to vector<20x64xf32>
    %get3A_1133 = arith.constant 20 : index
    %get3A_1134 = arith.constant 0 : index
    %get3A_1135 = arith.constant 0 : index
    %get3A_1136 = vector.load %arg5[%get3A_1133, %get3A_1134, %get3A_1135] : memref<32x20x20xi32, #tpu.memory_space<vmem>>, vector<1x20x20xi32>
    %get3A_1137 = vector.shape_cast %get3A_1136 : vector<1x20x20xi32> to vector<20x20xi32>
    %broadcast_in_dim3A_1138 = vector.shape_cast %get3A_1 : vector<4x64xf32> to vector<4x1x64xf32>
    %broadcast_in_dim3A_1139 = vector.shape_cast %slice3A_1132 : vector<20x64xf32> to vector<1x20x64xf32>
    %mul3A_1140 = vector.broadcast %broadcast_in_dim3A_1138 : vector<4x1x64xf32> to vector<4x20x64xf32>
    %mul3A_1141 = vector.broadcast %broadcast_in_dim3A_1139 : vector<1x20x64xf32> to vector<4x20x64xf32>
    %mul3A_1142 = arith.mulf %mul3A_1140, %mul3A_1141 : vector<4x20x64xf32>
    %reshape3A_1143 = vector.shape_cast %mul3A_1142 : vector<4x20x64xf32> to vector<80x64xf32>
    %dot_general3A_1144 = arith.constant dense<0.000000e+00> : vector<80x20xf32>
    %dot_general3A_1145 = tpu.matmul %reshape3A_1143, %slice3A_1132, %dot_general3A_1144 {dimension_numbers = #tpu.dot_dimension_numbers<[1], [1], [0], [0], [0, 0, 1, 0], [], []>, transpose_lhs_hint = false} : vector<80x64xf32>, vector<20x64xf32>, vector<80x20xf32> -> vector<80x20xf32>
    %ge3A_1146 = arith.constant 0.000000e+00 : f32
    %ge3A_1147 = vector.broadcast %ge3A_1146 : f32 to vector<80x20xf32>
    %ge3A_1148 = arith.cmpf oge, %dot_general3A_1145, %ge3A_1147 : vector<80x20xf32>
    %mul3A_1149 = arith.constant 2.000000e-01 : f32
    %mul3A_1150 = vector.broadcast %mul3A_1149 : f32 to vector<80x20xf32>
    %mul3A_1151 = arith.mulf %mul3A_1150, %dot_general3A_1145 : vector<80x20xf32>
    %select_n3A_1152 = arith.select %ge3A_1148, %dot_general3A_1145, %mul3A_1151 : vector<80x20xi1>, vector<80x20xf32>
    %eq3A_1153 = arith.constant 1 : i32
    %eq3A_1154 = vector.broadcast %eq3A_1153 : i32 to vector<20x20xi32>
    %eq3A_1155 = arith.cmpi eq, %get3A_1137, %eq3A_1154 : vector<20x20xi32>
    %slice3A_1156 = vector.extract_strided_slice %select_n3A_1152 {offsets = [0, 0], sizes = [20, 20], strides = [1, 1]} : vector<80x20xf32> to vector<20x20xf32>
    %select_n3A_1157 = arith.select %eq3A_1155, %slice3A_1156, %broadcast_in_dim3A_5 : vector<20x20xi1>, vector<20x20xf32>
    %eq3A_1158 = arith.constant 2 : i32
    %eq3A_1159 = vector.broadcast %eq3A_1158 : i32 to vector<20x20xi32>
    %eq3A_1160 = arith.cmpi eq, %get3A_1137, %eq3A_1159 : vector<20x20xi32>
    %slice3A_1161 = vector.extract_strided_slice %select_n3A_1152 {offsets = [20, 0], sizes = [20, 20], strides = [1, 1]} : vector<80x20xf32> to vector<20x20xf32>
    %select_n3A_1162 = arith.select %eq3A_1160, %slice3A_1161, %select_n3A_1157 : vector<20x20xi1>, vector<20x20xf32>
    %eq3A_1163 = arith.constant 3 : i32
    %eq3A_1164 = vector.broadcast %eq3A_1163 : i32 to vector<20x20xi32>
    %eq3A_1165 = arith.cmpi eq, %get3A_1137, %eq3A_1164 : vector<20x20xi32>
    %slice3A_1166 = vector.extract_strided_slice %select_n3A_1152 {offsets = [40, 0], sizes = [20, 20], strides = [1, 1]} : vector<80x20xf32> to vector<20x20xf32>
    %select_n3A_1167 = arith.select %eq3A_1165, %slice3A_1166, %select_n3A_1162 : vector<20x20xi1>, vector<20x20xf32>
    %eq3A_1168 = arith.constant 4 : i32
    %eq3A_1169 = vector.broadcast %eq3A_1168 : i32 to vector<20x20xi32>
    %eq3A_1170 = arith.cmpi eq, %get3A_1137, %eq3A_1169 : vector<20x20xi32>
    %slice3A_1171 = vector.extract_strided_slice %select_n3A_1152 {offsets = [60, 0], sizes = [20, 20], strides = [1, 1]} : vector<80x20xf32> to vector<20x20xf32>
    %select_n3A_1172 = arith.select %eq3A_1170, %slice3A_1171, %select_n3A_1167 : vector<20x20xi1>, vector<20x20xf32>
    %reduce_max3A_1173 = arith.constant dense<0xFF800000> : vector<20xf32>
    %reduce_max3A_1174 = vector.multi_reduction <maximumf>, %select_n3A_1172, %reduce_max3A_1173 [1] : vector<20x20xf32> to vector<20xf32>
    %broadcast_in_dim3A_1175 = vector.shape_cast %reduce_max3A_1174 : vector<20xf32> to vector<20x1xf32>
    %sub3A_1176 = vector.broadcast %broadcast_in_dim3A_1175 : vector<20x1xf32> to vector<20x20xf32>
    %sub3A_1177 = arith.subf %select_n3A_1172, %sub3A_1176 : vector<20x20xf32>
    %exp3A_1178 = math.exp %sub3A_1177 : vector<20x20xf32>
    %reduce_sum3A_1179 = arith.constant dense<0.000000e+00> : vector<20xf32>
    %reduce_sum3A_1180 = vector.multi_reduction <add>, %exp3A_1178, %reduce_sum3A_1179 [1] : vector<20x20xf32> to vector<20xf32>
    %broadcast_in_dim3A_1181 = vector.shape_cast %reduce_sum3A_1180 : vector<20xf32> to vector<20x1xf32>
    %div3A_1182 = vector.broadcast %broadcast_in_dim3A_1181 : vector<20x1xf32> to vector<20x20xf32>
    %div3A_1183 = arith.divf %exp3A_1178, %div3A_1182 : vector<20x20xf32>
    %broadcast_in_dim3A_1184 = arith.constant 0.000000e+00 : f32
    %broadcast_in_dim3A_1185 = vector.broadcast %broadcast_in_dim3A_1184 : f32 to vector<20x400xf32>
    %broadcast_in_dim3A_1186 = arith.constant 0.000000e+00 : f32
    %broadcast_in_dim3A_1187 = vector.broadcast %broadcast_in_dim3A_1186 : f32 to vector<20x220xf32>
    %concatenate3A_1188 = tpu.concatenate %broadcast_in_dim3A_1185, %div3A_1183, %broadcast_in_dim3A_1187 in 1 : vector<20x400xf32>, vector<20x20xf32>, vector<20x220xf32> -> vector<20x640xf32>
    %slice3A_1189 = vector.extract_strided_slice %slice3A {offsets = [420, 0], sizes = [20, 64], strides = [1, 1]} : vector<640x64xf32> to vector<20x64xf32>
    %get3A_1190 = arith.constant 21 : index
    %get3A_1191 = arith.constant 0 : index
    %get3A_1192 = arith.constant 0 : index
    %get3A_1193 = vector.load %arg5[%get3A_1190, %get3A_1191, %get3A_1192] : memref<32x20x20xi32, #tpu.memory_space<vmem>>, vector<1x20x20xi32>
    %get3A_1194 = vector.shape_cast %get3A_1193 : vector<1x20x20xi32> to vector<20x20xi32>
    %broadcast_in_dim3A_1195 = vector.shape_cast %get3A_1 : vector<4x64xf32> to vector<4x1x64xf32>
    %broadcast_in_dim3A_1196 = vector.shape_cast %slice3A_1189 : vector<20x64xf32> to vector<1x20x64xf32>
    %mul3A_1197 = vector.broadcast %broadcast_in_dim3A_1195 : vector<4x1x64xf32> to vector<4x20x64xf32>
    %mul3A_1198 = vector.broadcast %broadcast_in_dim3A_1196 : vector<1x20x64xf32> to vector<4x20x64xf32>
    %mul3A_1199 = arith.mulf %mul3A_1197, %mul3A_1198 : vector<4x20x64xf32>
    %reshape3A_1200 = vector.shape_cast %mul3A_1199 : vector<4x20x64xf32> to vector<80x64xf32>
    %dot_general3A_1201 = arith.constant dense<0.000000e+00> : vector<80x20xf32>
    %dot_general3A_1202 = tpu.matmul %reshape3A_1200, %slice3A_1189, %dot_general3A_1201 {dimension_numbers = #tpu.dot_dimension_numbers<[1], [1], [0], [0], [0, 0, 1, 0], [], []>, transpose_lhs_hint = false} : vector<80x64xf32>, vector<20x64xf32>, vector<80x20xf32> -> vector<80x20xf32>
    %ge3A_1203 = arith.constant 0.000000e+00 : f32
    %ge3A_1204 = vector.broadcast %ge3A_1203 : f32 to vector<80x20xf32>
    %ge3A_1205 = arith.cmpf oge, %dot_general3A_1202, %ge3A_1204 : vector<80x20xf32>
    %mul3A_1206 = arith.constant 2.000000e-01 : f32
    %mul3A_1207 = vector.broadcast %mul3A_1206 : f32 to vector<80x20xf32>
    %mul3A_1208 = arith.mulf %mul3A_1207, %dot_general3A_1202 : vector<80x20xf32>
    %select_n3A_1209 = arith.select %ge3A_1205, %dot_general3A_1202, %mul3A_1208 : vector<80x20xi1>, vector<80x20xf32>
    %eq3A_1210 = arith.constant 1 : i32
    %eq3A_1211 = vector.broadcast %eq3A_1210 : i32 to vector<20x20xi32>
    %eq3A_1212 = arith.cmpi eq, %get3A_1194, %eq3A_1211 : vector<20x20xi32>
    %slice3A_1213 = vector.extract_strided_slice %select_n3A_1209 {offsets = [0, 0], sizes = [20, 20], strides = [1, 1]} : vector<80x20xf32> to vector<20x20xf32>
    %select_n3A_1214 = arith.select %eq3A_1212, %slice3A_1213, %broadcast_in_dim3A_5 : vector<20x20xi1>, vector<20x20xf32>
    %eq3A_1215 = arith.constant 2 : i32
    %eq3A_1216 = vector.broadcast %eq3A_1215 : i32 to vector<20x20xi32>
    %eq3A_1217 = arith.cmpi eq, %get3A_1194, %eq3A_1216 : vector<20x20xi32>
    %slice3A_1218 = vector.extract_strided_slice %select_n3A_1209 {offsets = [20, 0], sizes = [20, 20], strides = [1, 1]} : vector<80x20xf32> to vector<20x20xf32>
    %select_n3A_1219 = arith.select %eq3A_1217, %slice3A_1218, %select_n3A_1214 : vector<20x20xi1>, vector<20x20xf32>
    %eq3A_1220 = arith.constant 3 : i32
    %eq3A_1221 = vector.broadcast %eq3A_1220 : i32 to vector<20x20xi32>
    %eq3A_1222 = arith.cmpi eq, %get3A_1194, %eq3A_1221 : vector<20x20xi32>
    %slice3A_1223 = vector.extract_strided_slice %select_n3A_1209 {offsets = [40, 0], sizes = [20, 20], strides = [1, 1]} : vector<80x20xf32> to vector<20x20xf32>
    %select_n3A_1224 = arith.select %eq3A_1222, %slice3A_1223, %select_n3A_1219 : vector<20x20xi1>, vector<20x20xf32>
    %eq3A_1225 = arith.constant 4 : i32
    %eq3A_1226 = vector.broadcast %eq3A_1225 : i32 to vector<20x20xi32>
    %eq3A_1227 = arith.cmpi eq, %get3A_1194, %eq3A_1226 : vector<20x20xi32>
    %slice3A_1228 = vector.extract_strided_slice %select_n3A_1209 {offsets = [60, 0], sizes = [20, 20], strides = [1, 1]} : vector<80x20xf32> to vector<20x20xf32>
    %select_n3A_1229 = arith.select %eq3A_1227, %slice3A_1228, %select_n3A_1224 : vector<20x20xi1>, vector<20x20xf32>
    %reduce_max3A_1230 = arith.constant dense<0xFF800000> : vector<20xf32>
    %reduce_max3A_1231 = vector.multi_reduction <maximumf>, %select_n3A_1229, %reduce_max3A_1230 [1] : vector<20x20xf32> to vector<20xf32>
    %broadcast_in_dim3A_1232 = vector.shape_cast %reduce_max3A_1231 : vector<20xf32> to vector<20x1xf32>
    %sub3A_1233 = vector.broadcast %broadcast_in_dim3A_1232 : vector<20x1xf32> to vector<20x20xf32>
    %sub3A_1234 = arith.subf %select_n3A_1229, %sub3A_1233 : vector<20x20xf32>
    %exp3A_1235 = math.exp %sub3A_1234 : vector<20x20xf32>
    %reduce_sum3A_1236 = arith.constant dense<0.000000e+00> : vector<20xf32>
    %reduce_sum3A_1237 = vector.multi_reduction <add>, %exp3A_1235, %reduce_sum3A_1236 [1] : vector<20x20xf32> to vector<20xf32>
    %broadcast_in_dim3A_1238 = vector.shape_cast %reduce_sum3A_1237 : vector<20xf32> to vector<20x1xf32>
    %div3A_1239 = vector.broadcast %broadcast_in_dim3A_1238 : vector<20x1xf32> to vector<20x20xf32>
    %div3A_1240 = arith.divf %exp3A_1235, %div3A_1239 : vector<20x20xf32>
    %broadcast_in_dim3A_1241 = arith.constant 0.000000e+00 : f32
    %broadcast_in_dim3A_1242 = vector.broadcast %broadcast_in_dim3A_1241 : f32 to vector<20x420xf32>
    %broadcast_in_dim3A_1243 = arith.constant 0.000000e+00 : f32
    %broadcast_in_dim3A_1244 = vector.broadcast %broadcast_in_dim3A_1243 : f32 to vector<20x200xf32>
    %concatenate3A_1245 = tpu.concatenate %broadcast_in_dim3A_1242, %div3A_1240, %broadcast_in_dim3A_1244 in 1 : vector<20x420xf32>, vector<20x20xf32>, vector<20x200xf32> -> vector<20x640xf32>
    %slice3A_1246 = vector.extract_strided_slice %slice3A {offsets = [440, 0], sizes = [20, 64], strides = [1, 1]} : vector<640x64xf32> to vector<20x64xf32>
    %get3A_1247 = arith.constant 22 : index
    %get3A_1248 = arith.constant 0 : index
    %get3A_1249 = arith.constant 0 : index
    %get3A_1250 = vector.load %arg5[%get3A_1247, %get3A_1248, %get3A_1249] : memref<32x20x20xi32, #tpu.memory_space<vmem>>, vector<1x20x20xi32>
    %get3A_1251 = vector.shape_cast %get3A_1250 : vector<1x20x20xi32> to vector<20x20xi32>
    %broadcast_in_dim3A_1252 = vector.shape_cast %get3A_1 : vector<4x64xf32> to vector<4x1x64xf32>
    %broadcast_in_dim3A_1253 = vector.shape_cast %slice3A_1246 : vector<20x64xf32> to vector<1x20x64xf32>
    %mul3A_1254 = vector.broadcast %broadcast_in_dim3A_1252 : vector<4x1x64xf32> to vector<4x20x64xf32>
    %mul3A_1255 = vector.broadcast %broadcast_in_dim3A_1253 : vector<1x20x64xf32> to vector<4x20x64xf32>
    %mul3A_1256 = arith.mulf %mul3A_1254, %mul3A_1255 : vector<4x20x64xf32>
    %reshape3A_1257 = vector.shape_cast %mul3A_1256 : vector<4x20x64xf32> to vector<80x64xf32>
    %dot_general3A_1258 = arith.constant dense<0.000000e+00> : vector<80x20xf32>
    %dot_general3A_1259 = tpu.matmul %reshape3A_1257, %slice3A_1246, %dot_general3A_1258 {dimension_numbers = #tpu.dot_dimension_numbers<[1], [1], [0], [0], [0, 0, 1, 0], [], []>, transpose_lhs_hint = false} : vector<80x64xf32>, vector<20x64xf32>, vector<80x20xf32> -> vector<80x20xf32>
    %ge3A_1260 = arith.constant 0.000000e+00 : f32
    %ge3A_1261 = vector.broadcast %ge3A_1260 : f32 to vector<80x20xf32>
    %ge3A_1262 = arith.cmpf oge, %dot_general3A_1259, %ge3A_1261 : vector<80x20xf32>
    %mul3A_1263 = arith.constant 2.000000e-01 : f32
    %mul3A_1264 = vector.broadcast %mul3A_1263 : f32 to vector<80x20xf32>
    %mul3A_1265 = arith.mulf %mul3A_1264, %dot_general3A_1259 : vector<80x20xf32>
    %select_n3A_1266 = arith.select %ge3A_1262, %dot_general3A_1259, %mul3A_1265 : vector<80x20xi1>, vector<80x20xf32>
    %eq3A_1267 = arith.constant 1 : i32
    %eq3A_1268 = vector.broadcast %eq3A_1267 : i32 to vector<20x20xi32>
    %eq3A_1269 = arith.cmpi eq, %get3A_1251, %eq3A_1268 : vector<20x20xi32>
    %slice3A_1270 = vector.extract_strided_slice %select_n3A_1266 {offsets = [0, 0], sizes = [20, 20], strides = [1, 1]} : vector<80x20xf32> to vector<20x20xf32>
    %select_n3A_1271 = arith.select %eq3A_1269, %slice3A_1270, %broadcast_in_dim3A_5 : vector<20x20xi1>, vector<20x20xf32>
    %eq3A_1272 = arith.constant 2 : i32
    %eq3A_1273 = vector.broadcast %eq3A_1272 : i32 to vector<20x20xi32>
    %eq3A_1274 = arith.cmpi eq, %get3A_1251, %eq3A_1273 : vector<20x20xi32>
    %slice3A_1275 = vector.extract_strided_slice %select_n3A_1266 {offsets = [20, 0], sizes = [20, 20], strides = [1, 1]} : vector<80x20xf32> to vector<20x20xf32>
    %select_n3A_1276 = arith.select %eq3A_1274, %slice3A_1275, %select_n3A_1271 : vector<20x20xi1>, vector<20x20xf32>
    %eq3A_1277 = arith.constant 3 : i32
    %eq3A_1278 = vector.broadcast %eq3A_1277 : i32 to vector<20x20xi32>
    %eq3A_1279 = arith.cmpi eq, %get3A_1251, %eq3A_1278 : vector<20x20xi32>
    %slice3A_1280 = vector.extract_strided_slice %select_n3A_1266 {offsets = [40, 0], sizes = [20, 20], strides = [1, 1]} : vector<80x20xf32> to vector<20x20xf32>
    %select_n3A_1281 = arith.select %eq3A_1279, %slice3A_1280, %select_n3A_1276 : vector<20x20xi1>, vector<20x20xf32>
    %eq3A_1282 = arith.constant 4 : i32
    %eq3A_1283 = vector.broadcast %eq3A_1282 : i32 to vector<20x20xi32>
    %eq3A_1284 = arith.cmpi eq, %get3A_1251, %eq3A_1283 : vector<20x20xi32>
    %slice3A_1285 = vector.extract_strided_slice %select_n3A_1266 {offsets = [60, 0], sizes = [20, 20], strides = [1, 1]} : vector<80x20xf32> to vector<20x20xf32>
    %select_n3A_1286 = arith.select %eq3A_1284, %slice3A_1285, %select_n3A_1281 : vector<20x20xi1>, vector<20x20xf32>
    %reduce_max3A_1287 = arith.constant dense<0xFF800000> : vector<20xf32>
    %reduce_max3A_1288 = vector.multi_reduction <maximumf>, %select_n3A_1286, %reduce_max3A_1287 [1] : vector<20x20xf32> to vector<20xf32>
    %broadcast_in_dim3A_1289 = vector.shape_cast %reduce_max3A_1288 : vector<20xf32> to vector<20x1xf32>
    %sub3A_1290 = vector.broadcast %broadcast_in_dim3A_1289 : vector<20x1xf32> to vector<20x20xf32>
    %sub3A_1291 = arith.subf %select_n3A_1286, %sub3A_1290 : vector<20x20xf32>
    %exp3A_1292 = math.exp %sub3A_1291 : vector<20x20xf32>
    %reduce_sum3A_1293 = arith.constant dense<0.000000e+00> : vector<20xf32>
    %reduce_sum3A_1294 = vector.multi_reduction <add>, %exp3A_1292, %reduce_sum3A_1293 [1] : vector<20x20xf32> to vector<20xf32>
    %broadcast_in_dim3A_1295 = vector.shape_cast %reduce_sum3A_1294 : vector<20xf32> to vector<20x1xf32>
    %div3A_1296 = vector.broadcast %broadcast_in_dim3A_1295 : vector<20x1xf32> to vector<20x20xf32>
    %div3A_1297 = arith.divf %exp3A_1292, %div3A_1296 : vector<20x20xf32>
    %broadcast_in_dim3A_1298 = arith.constant 0.000000e+00 : f32
    %broadcast_in_dim3A_1299 = vector.broadcast %broadcast_in_dim3A_1298 : f32 to vector<20x440xf32>
    %broadcast_in_dim3A_1300 = arith.constant 0.000000e+00 : f32
    %broadcast_in_dim3A_1301 = vector.broadcast %broadcast_in_dim3A_1300 : f32 to vector<20x180xf32>
    %concatenate3A_1302 = tpu.concatenate %broadcast_in_dim3A_1299, %div3A_1297, %broadcast_in_dim3A_1301 in 1 : vector<20x440xf32>, vector<20x20xf32>, vector<20x180xf32> -> vector<20x640xf32>
    %slice3A_1303 = vector.extract_strided_slice %slice3A {offsets = [460, 0], sizes = [20, 64], strides = [1, 1]} : vector<640x64xf32> to vector<20x64xf32>
    %get3A_1304 = arith.constant 23 : index
    %get3A_1305 = arith.constant 0 : index
    %get3A_1306 = arith.constant 0 : index
    %get3A_1307 = vector.load %arg5[%get3A_1304, %get3A_1305, %get3A_1306] : memref<32x20x20xi32, #tpu.memory_space<vmem>>, vector<1x20x20xi32>
    %get3A_1308 = vector.shape_cast %get3A_1307 : vector<1x20x20xi32> to vector<20x20xi32>
    %broadcast_in_dim3A_1309 = vector.shape_cast %get3A_1 : vector<4x64xf32> to vector<4x1x64xf32>
    %broadcast_in_dim3A_1310 = vector.shape_cast %slice3A_1303 : vector<20x64xf32> to vector<1x20x64xf32>
    %mul3A_1311 = vector.broadcast %broadcast_in_dim3A_1309 : vector<4x1x64xf32> to vector<4x20x64xf32>
    %mul3A_1312 = vector.broadcast %broadcast_in_dim3A_1310 : vector<1x20x64xf32> to vector<4x20x64xf32>
    %mul3A_1313 = arith.mulf %mul3A_1311, %mul3A_1312 : vector<4x20x64xf32>
    %reshape3A_1314 = vector.shape_cast %mul3A_1313 : vector<4x20x64xf32> to vector<80x64xf32>
    %dot_general3A_1315 = arith.constant dense<0.000000e+00> : vector<80x20xf32>
    %dot_general3A_1316 = tpu.matmul %reshape3A_1314, %slice3A_1303, %dot_general3A_1315 {dimension_numbers = #tpu.dot_dimension_numbers<[1], [1], [0], [0], [0, 0, 1, 0], [], []>, transpose_lhs_hint = false} : vector<80x64xf32>, vector<20x64xf32>, vector<80x20xf32> -> vector<80x20xf32>
    %ge3A_1317 = arith.constant 0.000000e+00 : f32
    %ge3A_1318 = vector.broadcast %ge3A_1317 : f32 to vector<80x20xf32>
    %ge3A_1319 = arith.cmpf oge, %dot_general3A_1316, %ge3A_1318 : vector<80x20xf32>
    %mul3A_1320 = arith.constant 2.000000e-01 : f32
    %mul3A_1321 = vector.broadcast %mul3A_1320 : f32 to vector<80x20xf32>
    %mul3A_1322 = arith.mulf %mul3A_1321, %dot_general3A_1316 : vector<80x20xf32>
    %select_n3A_1323 = arith.select %ge3A_1319, %dot_general3A_1316, %mul3A_1322 : vector<80x20xi1>, vector<80x20xf32>
    %eq3A_1324 = arith.constant 1 : i32
    %eq3A_1325 = vector.broadcast %eq3A_1324 : i32 to vector<20x20xi32>
    %eq3A_1326 = arith.cmpi eq, %get3A_1308, %eq3A_1325 : vector<20x20xi32>
    %slice3A_1327 = vector.extract_strided_slice %select_n3A_1323 {offsets = [0, 0], sizes = [20, 20], strides = [1, 1]} : vector<80x20xf32> to vector<20x20xf32>
    %select_n3A_1328 = arith.select %eq3A_1326, %slice3A_1327, %broadcast_in_dim3A_5 : vector<20x20xi1>, vector<20x20xf32>
    %eq3A_1329 = arith.constant 2 : i32
    %eq3A_1330 = vector.broadcast %eq3A_1329 : i32 to vector<20x20xi32>
    %eq3A_1331 = arith.cmpi eq, %get3A_1308, %eq3A_1330 : vector<20x20xi32>
    %slice3A_1332 = vector.extract_strided_slice %select_n3A_1323 {offsets = [20, 0], sizes = [20, 20], strides = [1, 1]} : vector<80x20xf32> to vector<20x20xf32>
    %select_n3A_1333 = arith.select %eq3A_1331, %slice3A_1332, %select_n3A_1328 : vector<20x20xi1>, vector<20x20xf32>
    %eq3A_1334 = arith.constant 3 : i32
    %eq3A_1335 = vector.broadcast %eq3A_1334 : i32 to vector<20x20xi32>
    %eq3A_1336 = arith.cmpi eq, %get3A_1308, %eq3A_1335 : vector<20x20xi32>
    %slice3A_1337 = vector.extract_strided_slice %select_n3A_1323 {offsets = [40, 0], sizes = [20, 20], strides = [1, 1]} : vector<80x20xf32> to vector<20x20xf32>
    %select_n3A_1338 = arith.select %eq3A_1336, %slice3A_1337, %select_n3A_1333 : vector<20x20xi1>, vector<20x20xf32>
    %eq3A_1339 = arith.constant 4 : i32
    %eq3A_1340 = vector.broadcast %eq3A_1339 : i32 to vector<20x20xi32>
    %eq3A_1341 = arith.cmpi eq, %get3A_1308, %eq3A_1340 : vector<20x20xi32>
    %slice3A_1342 = vector.extract_strided_slice %select_n3A_1323 {offsets = [60, 0], sizes = [20, 20], strides = [1, 1]} : vector<80x20xf32> to vector<20x20xf32>
    %select_n3A_1343 = arith.select %eq3A_1341, %slice3A_1342, %select_n3A_1338 : vector<20x20xi1>, vector<20x20xf32>
    %reduce_max3A_1344 = arith.constant dense<0xFF800000> : vector<20xf32>
    %reduce_max3A_1345 = vector.multi_reduction <maximumf>, %select_n3A_1343, %reduce_max3A_1344 [1] : vector<20x20xf32> to vector<20xf32>
    %broadcast_in_dim3A_1346 = vector.shape_cast %reduce_max3A_1345 : vector<20xf32> to vector<20x1xf32>
    %sub3A_1347 = vector.broadcast %broadcast_in_dim3A_1346 : vector<20x1xf32> to vector<20x20xf32>
    %sub3A_1348 = arith.subf %select_n3A_1343, %sub3A_1347 : vector<20x20xf32>
    %exp3A_1349 = math.exp %sub3A_1348 : vector<20x20xf32>
    %reduce_sum3A_1350 = arith.constant dense<0.000000e+00> : vector<20xf32>
    %reduce_sum3A_1351 = vector.multi_reduction <add>, %exp3A_1349, %reduce_sum3A_1350 [1] : vector<20x20xf32> to vector<20xf32>
    %broadcast_in_dim3A_1352 = vector.shape_cast %reduce_sum3A_1351 : vector<20xf32> to vector<20x1xf32>
    %div3A_1353 = vector.broadcast %broadcast_in_dim3A_1352 : vector<20x1xf32> to vector<20x20xf32>
    %div3A_1354 = arith.divf %exp3A_1349, %div3A_1353 : vector<20x20xf32>
    %broadcast_in_dim3A_1355 = arith.constant 0.000000e+00 : f32
    %broadcast_in_dim3A_1356 = vector.broadcast %broadcast_in_dim3A_1355 : f32 to vector<20x460xf32>
    %broadcast_in_dim3A_1357 = arith.constant 0.000000e+00 : f32
    %broadcast_in_dim3A_1358 = vector.broadcast %broadcast_in_dim3A_1357 : f32 to vector<20x160xf32>
    %concatenate3A_1359 = tpu.concatenate %broadcast_in_dim3A_1356, %div3A_1354, %broadcast_in_dim3A_1358 in 1 : vector<20x460xf32>, vector<20x20xf32>, vector<20x160xf32> -> vector<20x640xf32>
    %slice3A_1360 = vector.extract_strided_slice %slice3A {offsets = [480, 0], sizes = [20, 64], strides = [1, 1]} : vector<640x64xf32> to vector<20x64xf32>
    %get3A_1361 = arith.constant 24 : index
    %get3A_1362 = arith.constant 0 : index
    %get3A_1363 = arith.constant 0 : index
    %get3A_1364 = vector.load %arg5[%get3A_1361, %get3A_1362, %get3A_1363] : memref<32x20x20xi32, #tpu.memory_space<vmem>>, vector<1x20x20xi32>
    %get3A_1365 = vector.shape_cast %get3A_1364 : vector<1x20x20xi32> to vector<20x20xi32>
    %broadcast_in_dim3A_1366 = vector.shape_cast %get3A_1 : vector<4x64xf32> to vector<4x1x64xf32>
    %broadcast_in_dim3A_1367 = vector.shape_cast %slice3A_1360 : vector<20x64xf32> to vector<1x20x64xf32>
    %mul3A_1368 = vector.broadcast %broadcast_in_dim3A_1366 : vector<4x1x64xf32> to vector<4x20x64xf32>
    %mul3A_1369 = vector.broadcast %broadcast_in_dim3A_1367 : vector<1x20x64xf32> to vector<4x20x64xf32>
    %mul3A_1370 = arith.mulf %mul3A_1368, %mul3A_1369 : vector<4x20x64xf32>
    %reshape3A_1371 = vector.shape_cast %mul3A_1370 : vector<4x20x64xf32> to vector<80x64xf32>
    %dot_general3A_1372 = arith.constant dense<0.000000e+00> : vector<80x20xf32>
    %dot_general3A_1373 = tpu.matmul %reshape3A_1371, %slice3A_1360, %dot_general3A_1372 {dimension_numbers = #tpu.dot_dimension_numbers<[1], [1], [0], [0], [0, 0, 1, 0], [], []>, transpose_lhs_hint = false} : vector<80x64xf32>, vector<20x64xf32>, vector<80x20xf32> -> vector<80x20xf32>
    %ge3A_1374 = arith.constant 0.000000e+00 : f32
    %ge3A_1375 = vector.broadcast %ge3A_1374 : f32 to vector<80x20xf32>
    %ge3A_1376 = arith.cmpf oge, %dot_general3A_1373, %ge3A_1375 : vector<80x20xf32>
    %mul3A_1377 = arith.constant 2.000000e-01 : f32
    %mul3A_1378 = vector.broadcast %mul3A_1377 : f32 to vector<80x20xf32>
    %mul3A_1379 = arith.mulf %mul3A_1378, %dot_general3A_1373 : vector<80x20xf32>
    %select_n3A_1380 = arith.select %ge3A_1376, %dot_general3A_1373, %mul3A_1379 : vector<80x20xi1>, vector<80x20xf32>
    %eq3A_1381 = arith.constant 1 : i32
    %eq3A_1382 = vector.broadcast %eq3A_1381 : i32 to vector<20x20xi32>
    %eq3A_1383 = arith.cmpi eq, %get3A_1365, %eq3A_1382 : vector<20x20xi32>
    %slice3A_1384 = vector.extract_strided_slice %select_n3A_1380 {offsets = [0, 0], sizes = [20, 20], strides = [1, 1]} : vector<80x20xf32> to vector<20x20xf32>
    %select_n3A_1385 = arith.select %eq3A_1383, %slice3A_1384, %broadcast_in_dim3A_5 : vector<20x20xi1>, vector<20x20xf32>
    %eq3A_1386 = arith.constant 2 : i32
    %eq3A_1387 = vector.broadcast %eq3A_1386 : i32 to vector<20x20xi32>
    %eq3A_1388 = arith.cmpi eq, %get3A_1365, %eq3A_1387 : vector<20x20xi32>
    %slice3A_1389 = vector.extract_strided_slice %select_n3A_1380 {offsets = [20, 0], sizes = [20, 20], strides = [1, 1]} : vector<80x20xf32> to vector<20x20xf32>
    %select_n3A_1390 = arith.select %eq3A_1388, %slice3A_1389, %select_n3A_1385 : vector<20x20xi1>, vector<20x20xf32>
    %eq3A_1391 = arith.constant 3 : i32
    %eq3A_1392 = vector.broadcast %eq3A_1391 : i32 to vector<20x20xi32>
    %eq3A_1393 = arith.cmpi eq, %get3A_1365, %eq3A_1392 : vector<20x20xi32>
    %slice3A_1394 = vector.extract_strided_slice %select_n3A_1380 {offsets = [40, 0], sizes = [20, 20], strides = [1, 1]} : vector<80x20xf32> to vector<20x20xf32>
    %select_n3A_1395 = arith.select %eq3A_1393, %slice3A_1394, %select_n3A_1390 : vector<20x20xi1>, vector<20x20xf32>
    %eq3A_1396 = arith.constant 4 : i32
    %eq3A_1397 = vector.broadcast %eq3A_1396 : i32 to vector<20x20xi32>
    %eq3A_1398 = arith.cmpi eq, %get3A_1365, %eq3A_1397 : vector<20x20xi32>
    %slice3A_1399 = vector.extract_strided_slice %select_n3A_1380 {offsets = [60, 0], sizes = [20, 20], strides = [1, 1]} : vector<80x20xf32> to vector<20x20xf32>
    %select_n3A_1400 = arith.select %eq3A_1398, %slice3A_1399, %select_n3A_1395 : vector<20x20xi1>, vector<20x20xf32>
    %reduce_max3A_1401 = arith.constant dense<0xFF800000> : vector<20xf32>
    %reduce_max3A_1402 = vector.multi_reduction <maximumf>, %select_n3A_1400, %reduce_max3A_1401 [1] : vector<20x20xf32> to vector<20xf32>
    %broadcast_in_dim3A_1403 = vector.shape_cast %reduce_max3A_1402 : vector<20xf32> to vector<20x1xf32>
    %sub3A_1404 = vector.broadcast %broadcast_in_dim3A_1403 : vector<20x1xf32> to vector<20x20xf32>
    %sub3A_1405 = arith.subf %select_n3A_1400, %sub3A_1404 : vector<20x20xf32>
    %exp3A_1406 = math.exp %sub3A_1405 : vector<20x20xf32>
    %reduce_sum3A_1407 = arith.constant dense<0.000000e+00> : vector<20xf32>
    %reduce_sum3A_1408 = vector.multi_reduction <add>, %exp3A_1406, %reduce_sum3A_1407 [1] : vector<20x20xf32> to vector<20xf32>
    %broadcast_in_dim3A_1409 = vector.shape_cast %reduce_sum3A_1408 : vector<20xf32> to vector<20x1xf32>
    %div3A_1410 = vector.broadcast %broadcast_in_dim3A_1409 : vector<20x1xf32> to vector<20x20xf32>
    %div3A_1411 = arith.divf %exp3A_1406, %div3A_1410 : vector<20x20xf32>
    %broadcast_in_dim3A_1412 = arith.constant 0.000000e+00 : f32
    %broadcast_in_dim3A_1413 = vector.broadcast %broadcast_in_dim3A_1412 : f32 to vector<20x480xf32>
    %broadcast_in_dim3A_1414 = arith.constant 0.000000e+00 : f32
    %broadcast_in_dim3A_1415 = vector.broadcast %broadcast_in_dim3A_1414 : f32 to vector<20x140xf32>
    %concatenate3A_1416 = tpu.concatenate %broadcast_in_dim3A_1413, %div3A_1411, %broadcast_in_dim3A_1415 in 1 : vector<20x480xf32>, vector<20x20xf32>, vector<20x140xf32> -> vector<20x640xf32>
    %slice3A_1417 = vector.extract_strided_slice %slice3A {offsets = [500, 0], sizes = [20, 64], strides = [1, 1]} : vector<640x64xf32> to vector<20x64xf32>
    %get3A_1418 = arith.constant 25 : index
    %get3A_1419 = arith.constant 0 : index
    %get3A_1420 = arith.constant 0 : index
    %get3A_1421 = vector.load %arg5[%get3A_1418, %get3A_1419, %get3A_1420] : memref<32x20x20xi32, #tpu.memory_space<vmem>>, vector<1x20x20xi32>
    %get3A_1422 = vector.shape_cast %get3A_1421 : vector<1x20x20xi32> to vector<20x20xi32>
    %broadcast_in_dim3A_1423 = vector.shape_cast %get3A_1 : vector<4x64xf32> to vector<4x1x64xf32>
    %broadcast_in_dim3A_1424 = vector.shape_cast %slice3A_1417 : vector<20x64xf32> to vector<1x20x64xf32>
    %mul3A_1425 = vector.broadcast %broadcast_in_dim3A_1423 : vector<4x1x64xf32> to vector<4x20x64xf32>
    %mul3A_1426 = vector.broadcast %broadcast_in_dim3A_1424 : vector<1x20x64xf32> to vector<4x20x64xf32>
    %mul3A_1427 = arith.mulf %mul3A_1425, %mul3A_1426 : vector<4x20x64xf32>
    %reshape3A_1428 = vector.shape_cast %mul3A_1427 : vector<4x20x64xf32> to vector<80x64xf32>
    %dot_general3A_1429 = arith.constant dense<0.000000e+00> : vector<80x20xf32>
    %dot_general3A_1430 = tpu.matmul %reshape3A_1428, %slice3A_1417, %dot_general3A_1429 {dimension_numbers = #tpu.dot_dimension_numbers<[1], [1], [0], [0], [0, 0, 1, 0], [], []>, transpose_lhs_hint = false} : vector<80x64xf32>, vector<20x64xf32>, vector<80x20xf32> -> vector<80x20xf32>
    %ge3A_1431 = arith.constant 0.000000e+00 : f32
    %ge3A_1432 = vector.broadcast %ge3A_1431 : f32 to vector<80x20xf32>
    %ge3A_1433 = arith.cmpf oge, %dot_general3A_1430, %ge3A_1432 : vector<80x20xf32>
    %mul3A_1434 = arith.constant 2.000000e-01 : f32
    %mul3A_1435 = vector.broadcast %mul3A_1434 : f32 to vector<80x20xf32>
    %mul3A_1436 = arith.mulf %mul3A_1435, %dot_general3A_1430 : vector<80x20xf32>
    %select_n3A_1437 = arith.select %ge3A_1433, %dot_general3A_1430, %mul3A_1436 : vector<80x20xi1>, vector<80x20xf32>
    %eq3A_1438 = arith.constant 1 : i32
    %eq3A_1439 = vector.broadcast %eq3A_1438 : i32 to vector<20x20xi32>
    %eq3A_1440 = arith.cmpi eq, %get3A_1422, %eq3A_1439 : vector<20x20xi32>
    %slice3A_1441 = vector.extract_strided_slice %select_n3A_1437 {offsets = [0, 0], sizes = [20, 20], strides = [1, 1]} : vector<80x20xf32> to vector<20x20xf32>
    %select_n3A_1442 = arith.select %eq3A_1440, %slice3A_1441, %broadcast_in_dim3A_5 : vector<20x20xi1>, vector<20x20xf32>
    %eq3A_1443 = arith.constant 2 : i32
    %eq3A_1444 = vector.broadcast %eq3A_1443 : i32 to vector<20x20xi32>
    %eq3A_1445 = arith.cmpi eq, %get3A_1422, %eq3A_1444 : vector<20x20xi32>
    %slice3A_1446 = vector.extract_strided_slice %select_n3A_1437 {offsets = [20, 0], sizes = [20, 20], strides = [1, 1]} : vector<80x20xf32> to vector<20x20xf32>
    %select_n3A_1447 = arith.select %eq3A_1445, %slice3A_1446, %select_n3A_1442 : vector<20x20xi1>, vector<20x20xf32>
    %eq3A_1448 = arith.constant 3 : i32
    %eq3A_1449 = vector.broadcast %eq3A_1448 : i32 to vector<20x20xi32>
    %eq3A_1450 = arith.cmpi eq, %get3A_1422, %eq3A_1449 : vector<20x20xi32>
    %slice3A_1451 = vector.extract_strided_slice %select_n3A_1437 {offsets = [40, 0], sizes = [20, 20], strides = [1, 1]} : vector<80x20xf32> to vector<20x20xf32>
    %select_n3A_1452 = arith.select %eq3A_1450, %slice3A_1451, %select_n3A_1447 : vector<20x20xi1>, vector<20x20xf32>
    %eq3A_1453 = arith.constant 4 : i32
    %eq3A_1454 = vector.broadcast %eq3A_1453 : i32 to vector<20x20xi32>
    %eq3A_1455 = arith.cmpi eq, %get3A_1422, %eq3A_1454 : vector<20x20xi32>
    %slice3A_1456 = vector.extract_strided_slice %select_n3A_1437 {offsets = [60, 0], sizes = [20, 20], strides = [1, 1]} : vector<80x20xf32> to vector<20x20xf32>
    %select_n3A_1457 = arith.select %eq3A_1455, %slice3A_1456, %select_n3A_1452 : vector<20x20xi1>, vector<20x20xf32>
    %reduce_max3A_1458 = arith.constant dense<0xFF800000> : vector<20xf32>
    %reduce_max3A_1459 = vector.multi_reduction <maximumf>, %select_n3A_1457, %reduce_max3A_1458 [1] : vector<20x20xf32> to vector<20xf32>
    %broadcast_in_dim3A_1460 = vector.shape_cast %reduce_max3A_1459 : vector<20xf32> to vector<20x1xf32>
    %sub3A_1461 = vector.broadcast %broadcast_in_dim3A_1460 : vector<20x1xf32> to vector<20x20xf32>
    %sub3A_1462 = arith.subf %select_n3A_1457, %sub3A_1461 : vector<20x20xf32>
    %exp3A_1463 = math.exp %sub3A_1462 : vector<20x20xf32>
    %reduce_sum3A_1464 = arith.constant dense<0.000000e+00> : vector<20xf32>
    %reduce_sum3A_1465 = vector.multi_reduction <add>, %exp3A_1463, %reduce_sum3A_1464 [1] : vector<20x20xf32> to vector<20xf32>
    %broadcast_in_dim3A_1466 = vector.shape_cast %reduce_sum3A_1465 : vector<20xf32> to vector<20x1xf32>
    %div3A_1467 = vector.broadcast %broadcast_in_dim3A_1466 : vector<20x1xf32> to vector<20x20xf32>
    %div3A_1468 = arith.divf %exp3A_1463, %div3A_1467 : vector<20x20xf32>
    %broadcast_in_dim3A_1469 = arith.constant 0.000000e+00 : f32
    %broadcast_in_dim3A_1470 = vector.broadcast %broadcast_in_dim3A_1469 : f32 to vector<20x500xf32>
    %broadcast_in_dim3A_1471 = arith.constant 0.000000e+00 : f32
    %broadcast_in_dim3A_1472 = vector.broadcast %broadcast_in_dim3A_1471 : f32 to vector<20x120xf32>
    %concatenate3A_1473 = tpu.concatenate %broadcast_in_dim3A_1470, %div3A_1468, %broadcast_in_dim3A_1472 in 1 : vector<20x500xf32>, vector<20x20xf32>, vector<20x120xf32> -> vector<20x640xf32>
    %slice3A_1474 = vector.extract_strided_slice %slice3A {offsets = [520, 0], sizes = [20, 64], strides = [1, 1]} : vector<640x64xf32> to vector<20x64xf32>
    %get3A_1475 = arith.constant 26 : index
    %get3A_1476 = arith.constant 0 : index
    %get3A_1477 = arith.constant 0 : index
    %get3A_1478 = vector.load %arg5[%get3A_1475, %get3A_1476, %get3A_1477] : memref<32x20x20xi32, #tpu.memory_space<vmem>>, vector<1x20x20xi32>
    %get3A_1479 = vector.shape_cast %get3A_1478 : vector<1x20x20xi32> to vector<20x20xi32>
    %broadcast_in_dim3A_1480 = vector.shape_cast %get3A_1 : vector<4x64xf32> to vector<4x1x64xf32>
    %broadcast_in_dim3A_1481 = vector.shape_cast %slice3A_1474 : vector<20x64xf32> to vector<1x20x64xf32>
    %mul3A_1482 = vector.broadcast %broadcast_in_dim3A_1480 : vector<4x1x64xf32> to vector<4x20x64xf32>
    %mul3A_1483 = vector.broadcast %broadcast_in_dim3A_1481 : vector<1x20x64xf32> to vector<4x20x64xf32>
    %mul3A_1484 = arith.mulf %mul3A_1482, %mul3A_1483 : vector<4x20x64xf32>
    %reshape3A_1485 = vector.shape_cast %mul3A_1484 : vector<4x20x64xf32> to vector<80x64xf32>
    %dot_general3A_1486 = arith.constant dense<0.000000e+00> : vector<80x20xf32>
    %dot_general3A_1487 = tpu.matmul %reshape3A_1485, %slice3A_1474, %dot_general3A_1486 {dimension_numbers = #tpu.dot_dimension_numbers<[1], [1], [0], [0], [0, 0, 1, 0], [], []>, transpose_lhs_hint = false} : vector<80x64xf32>, vector<20x64xf32>, vector<80x20xf32> -> vector<80x20xf32>
    %ge3A_1488 = arith.constant 0.000000e+00 : f32
    %ge3A_1489 = vector.broadcast %ge3A_1488 : f32 to vector<80x20xf32>
    %ge3A_1490 = arith.cmpf oge, %dot_general3A_1487, %ge3A_1489 : vector<80x20xf32>
    %mul3A_1491 = arith.constant 2.000000e-01 : f32
    %mul3A_1492 = vector.broadcast %mul3A_1491 : f32 to vector<80x20xf32>
    %mul3A_1493 = arith.mulf %mul3A_1492, %dot_general3A_1487 : vector<80x20xf32>
    %select_n3A_1494 = arith.select %ge3A_1490, %dot_general3A_1487, %mul3A_1493 : vector<80x20xi1>, vector<80x20xf32>
    %eq3A_1495 = arith.constant 1 : i32
    %eq3A_1496 = vector.broadcast %eq3A_1495 : i32 to vector<20x20xi32>
    %eq3A_1497 = arith.cmpi eq, %get3A_1479, %eq3A_1496 : vector<20x20xi32>
    %slice3A_1498 = vector.extract_strided_slice %select_n3A_1494 {offsets = [0, 0], sizes = [20, 20], strides = [1, 1]} : vector<80x20xf32> to vector<20x20xf32>
    %select_n3A_1499 = arith.select %eq3A_1497, %slice3A_1498, %broadcast_in_dim3A_5 : vector<20x20xi1>, vector<20x20xf32>
    %eq3A_1500 = arith.constant 2 : i32
    %eq3A_1501 = vector.broadcast %eq3A_1500 : i32 to vector<20x20xi32>
    %eq3A_1502 = arith.cmpi eq, %get3A_1479, %eq3A_1501 : vector<20x20xi32>
    %slice3A_1503 = vector.extract_strided_slice %select_n3A_1494 {offsets = [20, 0], sizes = [20, 20], strides = [1, 1]} : vector<80x20xf32> to vector<20x20xf32>
    %select_n3A_1504 = arith.select %eq3A_1502, %slice3A_1503, %select_n3A_1499 : vector<20x20xi1>, vector<20x20xf32>
    %eq3A_1505 = arith.constant 3 : i32
    %eq3A_1506 = vector.broadcast %eq3A_1505 : i32 to vector<20x20xi32>
    %eq3A_1507 = arith.cmpi eq, %get3A_1479, %eq3A_1506 : vector<20x20xi32>
    %slice3A_1508 = vector.extract_strided_slice %select_n3A_1494 {offsets = [40, 0], sizes = [20, 20], strides = [1, 1]} : vector<80x20xf32> to vector<20x20xf32>
    %select_n3A_1509 = arith.select %eq3A_1507, %slice3A_1508, %select_n3A_1504 : vector<20x20xi1>, vector<20x20xf32>
    %eq3A_1510 = arith.constant 4 : i32
    %eq3A_1511 = vector.broadcast %eq3A_1510 : i32 to vector<20x20xi32>
    %eq3A_1512 = arith.cmpi eq, %get3A_1479, %eq3A_1511 : vector<20x20xi32>
    %slice3A_1513 = vector.extract_strided_slice %select_n3A_1494 {offsets = [60, 0], sizes = [20, 20], strides = [1, 1]} : vector<80x20xf32> to vector<20x20xf32>
    %select_n3A_1514 = arith.select %eq3A_1512, %slice3A_1513, %select_n3A_1509 : vector<20x20xi1>, vector<20x20xf32>
    %reduce_max3A_1515 = arith.constant dense<0xFF800000> : vector<20xf32>
    %reduce_max3A_1516 = vector.multi_reduction <maximumf>, %select_n3A_1514, %reduce_max3A_1515 [1] : vector<20x20xf32> to vector<20xf32>
    %broadcast_in_dim3A_1517 = vector.shape_cast %reduce_max3A_1516 : vector<20xf32> to vector<20x1xf32>
    %sub3A_1518 = vector.broadcast %broadcast_in_dim3A_1517 : vector<20x1xf32> to vector<20x20xf32>
    %sub3A_1519 = arith.subf %select_n3A_1514, %sub3A_1518 : vector<20x20xf32>
    %exp3A_1520 = math.exp %sub3A_1519 : vector<20x20xf32>
    %reduce_sum3A_1521 = arith.constant dense<0.000000e+00> : vector<20xf32>
    %reduce_sum3A_1522 = vector.multi_reduction <add>, %exp3A_1520, %reduce_sum3A_1521 [1] : vector<20x20xf32> to vector<20xf32>
    %broadcast_in_dim3A_1523 = vector.shape_cast %reduce_sum3A_1522 : vector<20xf32> to vector<20x1xf32>
    %div3A_1524 = vector.broadcast %broadcast_in_dim3A_1523 : vector<20x1xf32> to vector<20x20xf32>
    %div3A_1525 = arith.divf %exp3A_1520, %div3A_1524 : vector<20x20xf32>
    %broadcast_in_dim3A_1526 = arith.constant 0.000000e+00 : f32
    %broadcast_in_dim3A_1527 = vector.broadcast %broadcast_in_dim3A_1526 : f32 to vector<20x520xf32>
    %broadcast_in_dim3A_1528 = arith.constant 0.000000e+00 : f32
    %broadcast_in_dim3A_1529 = vector.broadcast %broadcast_in_dim3A_1528 : f32 to vector<20x100xf32>
    %concatenate3A_1530 = tpu.concatenate %broadcast_in_dim3A_1527, %div3A_1525, %broadcast_in_dim3A_1529 in 1 : vector<20x520xf32>, vector<20x20xf32>, vector<20x100xf32> -> vector<20x640xf32>
    %slice3A_1531 = vector.extract_strided_slice %slice3A {offsets = [540, 0], sizes = [20, 64], strides = [1, 1]} : vector<640x64xf32> to vector<20x64xf32>
    %get3A_1532 = arith.constant 27 : index
    %get3A_1533 = arith.constant 0 : index
    %get3A_1534 = arith.constant 0 : index
    %get3A_1535 = vector.load %arg5[%get3A_1532, %get3A_1533, %get3A_1534] : memref<32x20x20xi32, #tpu.memory_space<vmem>>, vector<1x20x20xi32>
    %get3A_1536 = vector.shape_cast %get3A_1535 : vector<1x20x20xi32> to vector<20x20xi32>
    %broadcast_in_dim3A_1537 = vector.shape_cast %get3A_1 : vector<4x64xf32> to vector<4x1x64xf32>
    %broadcast_in_dim3A_1538 = vector.shape_cast %slice3A_1531 : vector<20x64xf32> to vector<1x20x64xf32>
    %mul3A_1539 = vector.broadcast %broadcast_in_dim3A_1537 : vector<4x1x64xf32> to vector<4x20x64xf32>
    %mul3A_1540 = vector.broadcast %broadcast_in_dim3A_1538 : vector<1x20x64xf32> to vector<4x20x64xf32>
    %mul3A_1541 = arith.mulf %mul3A_1539, %mul3A_1540 : vector<4x20x64xf32>
    %reshape3A_1542 = vector.shape_cast %mul3A_1541 : vector<4x20x64xf32> to vector<80x64xf32>
    %dot_general3A_1543 = arith.constant dense<0.000000e+00> : vector<80x20xf32>
    %dot_general3A_1544 = tpu.matmul %reshape3A_1542, %slice3A_1531, %dot_general3A_1543 {dimension_numbers = #tpu.dot_dimension_numbers<[1], [1], [0], [0], [0, 0, 1, 0], [], []>, transpose_lhs_hint = false} : vector<80x64xf32>, vector<20x64xf32>, vector<80x20xf32> -> vector<80x20xf32>
    %ge3A_1545 = arith.constant 0.000000e+00 : f32
    %ge3A_1546 = vector.broadcast %ge3A_1545 : f32 to vector<80x20xf32>
    %ge3A_1547 = arith.cmpf oge, %dot_general3A_1544, %ge3A_1546 : vector<80x20xf32>
    %mul3A_1548 = arith.constant 2.000000e-01 : f32
    %mul3A_1549 = vector.broadcast %mul3A_1548 : f32 to vector<80x20xf32>
    %mul3A_1550 = arith.mulf %mul3A_1549, %dot_general3A_1544 : vector<80x20xf32>
    %select_n3A_1551 = arith.select %ge3A_1547, %dot_general3A_1544, %mul3A_1550 : vector<80x20xi1>, vector<80x20xf32>
    %eq3A_1552 = arith.constant 1 : i32
    %eq3A_1553 = vector.broadcast %eq3A_1552 : i32 to vector<20x20xi32>
    %eq3A_1554 = arith.cmpi eq, %get3A_1536, %eq3A_1553 : vector<20x20xi32>
    %slice3A_1555 = vector.extract_strided_slice %select_n3A_1551 {offsets = [0, 0], sizes = [20, 20], strides = [1, 1]} : vector<80x20xf32> to vector<20x20xf32>
    %select_n3A_1556 = arith.select %eq3A_1554, %slice3A_1555, %broadcast_in_dim3A_5 : vector<20x20xi1>, vector<20x20xf32>
    %eq3A_1557 = arith.constant 2 : i32
    %eq3A_1558 = vector.broadcast %eq3A_1557 : i32 to vector<20x20xi32>
    %eq3A_1559 = arith.cmpi eq, %get3A_1536, %eq3A_1558 : vector<20x20xi32>
    %slice3A_1560 = vector.extract_strided_slice %select_n3A_1551 {offsets = [20, 0], sizes = [20, 20], strides = [1, 1]} : vector<80x20xf32> to vector<20x20xf32>
    %select_n3A_1561 = arith.select %eq3A_1559, %slice3A_1560, %select_n3A_1556 : vector<20x20xi1>, vector<20x20xf32>
    %eq3A_1562 = arith.constant 3 : i32
    %eq3A_1563 = vector.broadcast %eq3A_1562 : i32 to vector<20x20xi32>
    %eq3A_1564 = arith.cmpi eq, %get3A_1536, %eq3A_1563 : vector<20x20xi32>
    %slice3A_1565 = vector.extract_strided_slice %select_n3A_1551 {offsets = [40, 0], sizes = [20, 20], strides = [1, 1]} : vector<80x20xf32> to vector<20x20xf32>
    %select_n3A_1566 = arith.select %eq3A_1564, %slice3A_1565, %select_n3A_1561 : vector<20x20xi1>, vector<20x20xf32>
    %eq3A_1567 = arith.constant 4 : i32
    %eq3A_1568 = vector.broadcast %eq3A_1567 : i32 to vector<20x20xi32>
    %eq3A_1569 = arith.cmpi eq, %get3A_1536, %eq3A_1568 : vector<20x20xi32>
    %slice3A_1570 = vector.extract_strided_slice %select_n3A_1551 {offsets = [60, 0], sizes = [20, 20], strides = [1, 1]} : vector<80x20xf32> to vector<20x20xf32>
    %select_n3A_1571 = arith.select %eq3A_1569, %slice3A_1570, %select_n3A_1566 : vector<20x20xi1>, vector<20x20xf32>
    %reduce_max3A_1572 = arith.constant dense<0xFF800000> : vector<20xf32>
    %reduce_max3A_1573 = vector.multi_reduction <maximumf>, %select_n3A_1571, %reduce_max3A_1572 [1] : vector<20x20xf32> to vector<20xf32>
    %broadcast_in_dim3A_1574 = vector.shape_cast %reduce_max3A_1573 : vector<20xf32> to vector<20x1xf32>
    %sub3A_1575 = vector.broadcast %broadcast_in_dim3A_1574 : vector<20x1xf32> to vector<20x20xf32>
    %sub3A_1576 = arith.subf %select_n3A_1571, %sub3A_1575 : vector<20x20xf32>
    %exp3A_1577 = math.exp %sub3A_1576 : vector<20x20xf32>
    %reduce_sum3A_1578 = arith.constant dense<0.000000e+00> : vector<20xf32>
    %reduce_sum3A_1579 = vector.multi_reduction <add>, %exp3A_1577, %reduce_sum3A_1578 [1] : vector<20x20xf32> to vector<20xf32>
    %broadcast_in_dim3A_1580 = vector.shape_cast %reduce_sum3A_1579 : vector<20xf32> to vector<20x1xf32>
    %div3A_1581 = vector.broadcast %broadcast_in_dim3A_1580 : vector<20x1xf32> to vector<20x20xf32>
    %div3A_1582 = arith.divf %exp3A_1577, %div3A_1581 : vector<20x20xf32>
    %broadcast_in_dim3A_1583 = arith.constant 0.000000e+00 : f32
    %broadcast_in_dim3A_1584 = vector.broadcast %broadcast_in_dim3A_1583 : f32 to vector<20x540xf32>
    %broadcast_in_dim3A_1585 = arith.constant 0.000000e+00 : f32
    %broadcast_in_dim3A_1586 = vector.broadcast %broadcast_in_dim3A_1585 : f32 to vector<20x80xf32>
    %concatenate3A_1587 = tpu.concatenate %broadcast_in_dim3A_1584, %div3A_1582, %broadcast_in_dim3A_1586 in 1 : vector<20x540xf32>, vector<20x20xf32>, vector<20x80xf32> -> vector<20x640xf32>
    %slice3A_1588 = vector.extract_strided_slice %slice3A {offsets = [560, 0], sizes = [20, 64], strides = [1, 1]} : vector<640x64xf32> to vector<20x64xf32>
    %get3A_1589 = arith.constant 28 : index
    %get3A_1590 = arith.constant 0 : index
    %get3A_1591 = arith.constant 0 : index
    %get3A_1592 = vector.load %arg5[%get3A_1589, %get3A_1590, %get3A_1591] : memref<32x20x20xi32, #tpu.memory_space<vmem>>, vector<1x20x20xi32>
    %get3A_1593 = vector.shape_cast %get3A_1592 : vector<1x20x20xi32> to vector<20x20xi32>
    %broadcast_in_dim3A_1594 = vector.shape_cast %get3A_1 : vector<4x64xf32> to vector<4x1x64xf32>
    %broadcast_in_dim3A_1595 = vector.shape_cast %slice3A_1588 : vector<20x64xf32> to vector<1x20x64xf32>
    %mul3A_1596 = vector.broadcast %broadcast_in_dim3A_1594 : vector<4x1x64xf32> to vector<4x20x64xf32>
    %mul3A_1597 = vector.broadcast %broadcast_in_dim3A_1595 : vector<1x20x64xf32> to vector<4x20x64xf32>
    %mul3A_1598 = arith.mulf %mul3A_1596, %mul3A_1597 : vector<4x20x64xf32>
    %reshape3A_1599 = vector.shape_cast %mul3A_1598 : vector<4x20x64xf32> to vector<80x64xf32>
    %dot_general3A_1600 = arith.constant dense<0.000000e+00> : vector<80x20xf32>
    %dot_general3A_1601 = tpu.matmul %reshape3A_1599, %slice3A_1588, %dot_general3A_1600 {dimension_numbers = #tpu.dot_dimension_numbers<[1], [1], [0], [0], [0, 0, 1, 0], [], []>, transpose_lhs_hint = false} : vector<80x64xf32>, vector<20x64xf32>, vector<80x20xf32> -> vector<80x20xf32>
    %ge3A_1602 = arith.constant 0.000000e+00 : f32
    %ge3A_1603 = vector.broadcast %ge3A_1602 : f32 to vector<80x20xf32>
    %ge3A_1604 = arith.cmpf oge, %dot_general3A_1601, %ge3A_1603 : vector<80x20xf32>
    %mul3A_1605 = arith.constant 2.000000e-01 : f32
    %mul3A_1606 = vector.broadcast %mul3A_1605 : f32 to vector<80x20xf32>
    %mul3A_1607 = arith.mulf %mul3A_1606, %dot_general3A_1601 : vector<80x20xf32>
    %select_n3A_1608 = arith.select %ge3A_1604, %dot_general3A_1601, %mul3A_1607 : vector<80x20xi1>, vector<80x20xf32>
    %eq3A_1609 = arith.constant 1 : i32
    %eq3A_1610 = vector.broadcast %eq3A_1609 : i32 to vector<20x20xi32>
    %eq3A_1611 = arith.cmpi eq, %get3A_1593, %eq3A_1610 : vector<20x20xi32>
    %slice3A_1612 = vector.extract_strided_slice %select_n3A_1608 {offsets = [0, 0], sizes = [20, 20], strides = [1, 1]} : vector<80x20xf32> to vector<20x20xf32>
    %select_n3A_1613 = arith.select %eq3A_1611, %slice3A_1612, %broadcast_in_dim3A_5 : vector<20x20xi1>, vector<20x20xf32>
    %eq3A_1614 = arith.constant 2 : i32
    %eq3A_1615 = vector.broadcast %eq3A_1614 : i32 to vector<20x20xi32>
    %eq3A_1616 = arith.cmpi eq, %get3A_1593, %eq3A_1615 : vector<20x20xi32>
    %slice3A_1617 = vector.extract_strided_slice %select_n3A_1608 {offsets = [20, 0], sizes = [20, 20], strides = [1, 1]} : vector<80x20xf32> to vector<20x20xf32>
    %select_n3A_1618 = arith.select %eq3A_1616, %slice3A_1617, %select_n3A_1613 : vector<20x20xi1>, vector<20x20xf32>
    %eq3A_1619 = arith.constant 3 : i32
    %eq3A_1620 = vector.broadcast %eq3A_1619 : i32 to vector<20x20xi32>
    %eq3A_1621 = arith.cmpi eq, %get3A_1593, %eq3A_1620 : vector<20x20xi32>
    %slice3A_1622 = vector.extract_strided_slice %select_n3A_1608 {offsets = [40, 0], sizes = [20, 20], strides = [1, 1]} : vector<80x20xf32> to vector<20x20xf32>
    %select_n3A_1623 = arith.select %eq3A_1621, %slice3A_1622, %select_n3A_1618 : vector<20x20xi1>, vector<20x20xf32>
    %eq3A_1624 = arith.constant 4 : i32
    %eq3A_1625 = vector.broadcast %eq3A_1624 : i32 to vector<20x20xi32>
    %eq3A_1626 = arith.cmpi eq, %get3A_1593, %eq3A_1625 : vector<20x20xi32>
    %slice3A_1627 = vector.extract_strided_slice %select_n3A_1608 {offsets = [60, 0], sizes = [20, 20], strides = [1, 1]} : vector<80x20xf32> to vector<20x20xf32>
    %select_n3A_1628 = arith.select %eq3A_1626, %slice3A_1627, %select_n3A_1623 : vector<20x20xi1>, vector<20x20xf32>
    %reduce_max3A_1629 = arith.constant dense<0xFF800000> : vector<20xf32>
    %reduce_max3A_1630 = vector.multi_reduction <maximumf>, %select_n3A_1628, %reduce_max3A_1629 [1] : vector<20x20xf32> to vector<20xf32>
    %broadcast_in_dim3A_1631 = vector.shape_cast %reduce_max3A_1630 : vector<20xf32> to vector<20x1xf32>
    %sub3A_1632 = vector.broadcast %broadcast_in_dim3A_1631 : vector<20x1xf32> to vector<20x20xf32>
    %sub3A_1633 = arith.subf %select_n3A_1628, %sub3A_1632 : vector<20x20xf32>
    %exp3A_1634 = math.exp %sub3A_1633 : vector<20x20xf32>
    %reduce_sum3A_1635 = arith.constant dense<0.000000e+00> : vector<20xf32>
    %reduce_sum3A_1636 = vector.multi_reduction <add>, %exp3A_1634, %reduce_sum3A_1635 [1] : vector<20x20xf32> to vector<20xf32>
    %broadcast_in_dim3A_1637 = vector.shape_cast %reduce_sum3A_1636 : vector<20xf32> to vector<20x1xf32>
    %div3A_1638 = vector.broadcast %broadcast_in_dim3A_1637 : vector<20x1xf32> to vector<20x20xf32>
    %div3A_1639 = arith.divf %exp3A_1634, %div3A_1638 : vector<20x20xf32>
    %broadcast_in_dim3A_1640 = arith.constant 0.000000e+00 : f32
    %broadcast_in_dim3A_1641 = vector.broadcast %broadcast_in_dim3A_1640 : f32 to vector<20x560xf32>
    %broadcast_in_dim3A_1642 = arith.constant 0.000000e+00 : f32
    %broadcast_in_dim3A_1643 = vector.broadcast %broadcast_in_dim3A_1642 : f32 to vector<20x60xf32>
    %concatenate3A_1644 = tpu.concatenate %broadcast_in_dim3A_1641, %div3A_1639, %broadcast_in_dim3A_1643 in 1 : vector<20x560xf32>, vector<20x20xf32>, vector<20x60xf32> -> vector<20x640xf32>
    %slice3A_1645 = vector.extract_strided_slice %slice3A {offsets = [580, 0], sizes = [20, 64], strides = [1, 1]} : vector<640x64xf32> to vector<20x64xf32>
    %get3A_1646 = arith.constant 29 : index
    %get3A_1647 = arith.constant 0 : index
    %get3A_1648 = arith.constant 0 : index
    %get3A_1649 = vector.load %arg5[%get3A_1646, %get3A_1647, %get3A_1648] : memref<32x20x20xi32, #tpu.memory_space<vmem>>, vector<1x20x20xi32>
    %get3A_1650 = vector.shape_cast %get3A_1649 : vector<1x20x20xi32> to vector<20x20xi32>
    %broadcast_in_dim3A_1651 = vector.shape_cast %get3A_1 : vector<4x64xf32> to vector<4x1x64xf32>
    %broadcast_in_dim3A_1652 = vector.shape_cast %slice3A_1645 : vector<20x64xf32> to vector<1x20x64xf32>
    %mul3A_1653 = vector.broadcast %broadcast_in_dim3A_1651 : vector<4x1x64xf32> to vector<4x20x64xf32>
    %mul3A_1654 = vector.broadcast %broadcast_in_dim3A_1652 : vector<1x20x64xf32> to vector<4x20x64xf32>
    %mul3A_1655 = arith.mulf %mul3A_1653, %mul3A_1654 : vector<4x20x64xf32>
    %reshape3A_1656 = vector.shape_cast %mul3A_1655 : vector<4x20x64xf32> to vector<80x64xf32>
    %dot_general3A_1657 = arith.constant dense<0.000000e+00> : vector<80x20xf32>
    %dot_general3A_1658 = tpu.matmul %reshape3A_1656, %slice3A_1645, %dot_general3A_1657 {dimension_numbers = #tpu.dot_dimension_numbers<[1], [1], [0], [0], [0, 0, 1, 0], [], []>, transpose_lhs_hint = false} : vector<80x64xf32>, vector<20x64xf32>, vector<80x20xf32> -> vector<80x20xf32>
    %ge3A_1659 = arith.constant 0.000000e+00 : f32
    %ge3A_1660 = vector.broadcast %ge3A_1659 : f32 to vector<80x20xf32>
    %ge3A_1661 = arith.cmpf oge, %dot_general3A_1658, %ge3A_1660 : vector<80x20xf32>
    %mul3A_1662 = arith.constant 2.000000e-01 : f32
    %mul3A_1663 = vector.broadcast %mul3A_1662 : f32 to vector<80x20xf32>
    %mul3A_1664 = arith.mulf %mul3A_1663, %dot_general3A_1658 : vector<80x20xf32>
    %select_n3A_1665 = arith.select %ge3A_1661, %dot_general3A_1658, %mul3A_1664 : vector<80x20xi1>, vector<80x20xf32>
    %eq3A_1666 = arith.constant 1 : i32
    %eq3A_1667 = vector.broadcast %eq3A_1666 : i32 to vector<20x20xi32>
    %eq3A_1668 = arith.cmpi eq, %get3A_1650, %eq3A_1667 : vector<20x20xi32>
    %slice3A_1669 = vector.extract_strided_slice %select_n3A_1665 {offsets = [0, 0], sizes = [20, 20], strides = [1, 1]} : vector<80x20xf32> to vector<20x20xf32>
    %select_n3A_1670 = arith.select %eq3A_1668, %slice3A_1669, %broadcast_in_dim3A_5 : vector<20x20xi1>, vector<20x20xf32>
    %eq3A_1671 = arith.constant 2 : i32
    %eq3A_1672 = vector.broadcast %eq3A_1671 : i32 to vector<20x20xi32>
    %eq3A_1673 = arith.cmpi eq, %get3A_1650, %eq3A_1672 : vector<20x20xi32>
    %slice3A_1674 = vector.extract_strided_slice %select_n3A_1665 {offsets = [20, 0], sizes = [20, 20], strides = [1, 1]} : vector<80x20xf32> to vector<20x20xf32>
    %select_n3A_1675 = arith.select %eq3A_1673, %slice3A_1674, %select_n3A_1670 : vector<20x20xi1>, vector<20x20xf32>
    %eq3A_1676 = arith.constant 3 : i32
    %eq3A_1677 = vector.broadcast %eq3A_1676 : i32 to vector<20x20xi32>
    %eq3A_1678 = arith.cmpi eq, %get3A_1650, %eq3A_1677 : vector<20x20xi32>
    %slice3A_1679 = vector.extract_strided_slice %select_n3A_1665 {offsets = [40, 0], sizes = [20, 20], strides = [1, 1]} : vector<80x20xf32> to vector<20x20xf32>
    %select_n3A_1680 = arith.select %eq3A_1678, %slice3A_1679, %select_n3A_1675 : vector<20x20xi1>, vector<20x20xf32>
    %eq3A_1681 = arith.constant 4 : i32
    %eq3A_1682 = vector.broadcast %eq3A_1681 : i32 to vector<20x20xi32>
    %eq3A_1683 = arith.cmpi eq, %get3A_1650, %eq3A_1682 : vector<20x20xi32>
    %slice3A_1684 = vector.extract_strided_slice %select_n3A_1665 {offsets = [60, 0], sizes = [20, 20], strides = [1, 1]} : vector<80x20xf32> to vector<20x20xf32>
    %select_n3A_1685 = arith.select %eq3A_1683, %slice3A_1684, %select_n3A_1680 : vector<20x20xi1>, vector<20x20xf32>
    %reduce_max3A_1686 = arith.constant dense<0xFF800000> : vector<20xf32>
    %reduce_max3A_1687 = vector.multi_reduction <maximumf>, %select_n3A_1685, %reduce_max3A_1686 [1] : vector<20x20xf32> to vector<20xf32>
    %broadcast_in_dim3A_1688 = vector.shape_cast %reduce_max3A_1687 : vector<20xf32> to vector<20x1xf32>
    %sub3A_1689 = vector.broadcast %broadcast_in_dim3A_1688 : vector<20x1xf32> to vector<20x20xf32>
    %sub3A_1690 = arith.subf %select_n3A_1685, %sub3A_1689 : vector<20x20xf32>
    %exp3A_1691 = math.exp %sub3A_1690 : vector<20x20xf32>
    %reduce_sum3A_1692 = arith.constant dense<0.000000e+00> : vector<20xf32>
    %reduce_sum3A_1693 = vector.multi_reduction <add>, %exp3A_1691, %reduce_sum3A_1692 [1] : vector<20x20xf32> to vector<20xf32>
    %broadcast_in_dim3A_1694 = vector.shape_cast %reduce_sum3A_1693 : vector<20xf32> to vector<20x1xf32>
    %div3A_1695 = vector.broadcast %broadcast_in_dim3A_1694 : vector<20x1xf32> to vector<20x20xf32>
    %div3A_1696 = arith.divf %exp3A_1691, %div3A_1695 : vector<20x20xf32>
    %broadcast_in_dim3A_1697 = arith.constant 0.000000e+00 : f32
    %broadcast_in_dim3A_1698 = vector.broadcast %broadcast_in_dim3A_1697 : f32 to vector<20x580xf32>
    %broadcast_in_dim3A_1699 = arith.constant 0.000000e+00 : f32
    %broadcast_in_dim3A_1700 = vector.broadcast %broadcast_in_dim3A_1699 : f32 to vector<20x40xf32>
    %concatenate3A_1701 = tpu.concatenate %broadcast_in_dim3A_1698, %div3A_1696, %broadcast_in_dim3A_1700 in 1 : vector<20x580xf32>, vector<20x20xf32>, vector<20x40xf32> -> vector<20x640xf32>
    %slice3A_1702 = vector.extract_strided_slice %slice3A {offsets = [600, 0], sizes = [20, 64], strides = [1, 1]} : vector<640x64xf32> to vector<20x64xf32>
    %get3A_1703 = arith.constant 30 : index
    %get3A_1704 = arith.constant 0 : index
    %get3A_1705 = arith.constant 0 : index
    %get3A_1706 = vector.load %arg5[%get3A_1703, %get3A_1704, %get3A_1705] : memref<32x20x20xi32, #tpu.memory_space<vmem>>, vector<1x20x20xi32>
    %get3A_1707 = vector.shape_cast %get3A_1706 : vector<1x20x20xi32> to vector<20x20xi32>
    %broadcast_in_dim3A_1708 = vector.shape_cast %get3A_1 : vector<4x64xf32> to vector<4x1x64xf32>
    %broadcast_in_dim3A_1709 = vector.shape_cast %slice3A_1702 : vector<20x64xf32> to vector<1x20x64xf32>
    %mul3A_1710 = vector.broadcast %broadcast_in_dim3A_1708 : vector<4x1x64xf32> to vector<4x20x64xf32>
    %mul3A_1711 = vector.broadcast %broadcast_in_dim3A_1709 : vector<1x20x64xf32> to vector<4x20x64xf32>
    %mul3A_1712 = arith.mulf %mul3A_1710, %mul3A_1711 : vector<4x20x64xf32>
    %reshape3A_1713 = vector.shape_cast %mul3A_1712 : vector<4x20x64xf32> to vector<80x64xf32>
    %dot_general3A_1714 = arith.constant dense<0.000000e+00> : vector<80x20xf32>
    %dot_general3A_1715 = tpu.matmul %reshape3A_1713, %slice3A_1702, %dot_general3A_1714 {dimension_numbers = #tpu.dot_dimension_numbers<[1], [1], [0], [0], [0, 0, 1, 0], [], []>, transpose_lhs_hint = false} : vector<80x64xf32>, vector<20x64xf32>, vector<80x20xf32> -> vector<80x20xf32>
    %ge3A_1716 = arith.constant 0.000000e+00 : f32
    %ge3A_1717 = vector.broadcast %ge3A_1716 : f32 to vector<80x20xf32>
    %ge3A_1718 = arith.cmpf oge, %dot_general3A_1715, %ge3A_1717 : vector<80x20xf32>
    %mul3A_1719 = arith.constant 2.000000e-01 : f32
    %mul3A_1720 = vector.broadcast %mul3A_1719 : f32 to vector<80x20xf32>
    %mul3A_1721 = arith.mulf %mul3A_1720, %dot_general3A_1715 : vector<80x20xf32>
    %select_n3A_1722 = arith.select %ge3A_1718, %dot_general3A_1715, %mul3A_1721 : vector<80x20xi1>, vector<80x20xf32>
    %eq3A_1723 = arith.constant 1 : i32
    %eq3A_1724 = vector.broadcast %eq3A_1723 : i32 to vector<20x20xi32>
    %eq3A_1725 = arith.cmpi eq, %get3A_1707, %eq3A_1724 : vector<20x20xi32>
    %slice3A_1726 = vector.extract_strided_slice %select_n3A_1722 {offsets = [0, 0], sizes = [20, 20], strides = [1, 1]} : vector<80x20xf32> to vector<20x20xf32>
    %select_n3A_1727 = arith.select %eq3A_1725, %slice3A_1726, %broadcast_in_dim3A_5 : vector<20x20xi1>, vector<20x20xf32>
    %eq3A_1728 = arith.constant 2 : i32
    %eq3A_1729 = vector.broadcast %eq3A_1728 : i32 to vector<20x20xi32>
    %eq3A_1730 = arith.cmpi eq, %get3A_1707, %eq3A_1729 : vector<20x20xi32>
    %slice3A_1731 = vector.extract_strided_slice %select_n3A_1722 {offsets = [20, 0], sizes = [20, 20], strides = [1, 1]} : vector<80x20xf32> to vector<20x20xf32>
    %select_n3A_1732 = arith.select %eq3A_1730, %slice3A_1731, %select_n3A_1727 : vector<20x20xi1>, vector<20x20xf32>
    %eq3A_1733 = arith.constant 3 : i32
    %eq3A_1734 = vector.broadcast %eq3A_1733 : i32 to vector<20x20xi32>
    %eq3A_1735 = arith.cmpi eq, %get3A_1707, %eq3A_1734 : vector<20x20xi32>
    %slice3A_1736 = vector.extract_strided_slice %select_n3A_1722 {offsets = [40, 0], sizes = [20, 20], strides = [1, 1]} : vector<80x20xf32> to vector<20x20xf32>
    %select_n3A_1737 = arith.select %eq3A_1735, %slice3A_1736, %select_n3A_1732 : vector<20x20xi1>, vector<20x20xf32>
    %eq3A_1738 = arith.constant 4 : i32
    %eq3A_1739 = vector.broadcast %eq3A_1738 : i32 to vector<20x20xi32>
    %eq3A_1740 = arith.cmpi eq, %get3A_1707, %eq3A_1739 : vector<20x20xi32>
    %slice3A_1741 = vector.extract_strided_slice %select_n3A_1722 {offsets = [60, 0], sizes = [20, 20], strides = [1, 1]} : vector<80x20xf32> to vector<20x20xf32>
    %select_n3A_1742 = arith.select %eq3A_1740, %slice3A_1741, %select_n3A_1737 : vector<20x20xi1>, vector<20x20xf32>
    %reduce_max3A_1743 = arith.constant dense<0xFF800000> : vector<20xf32>
    %reduce_max3A_1744 = vector.multi_reduction <maximumf>, %select_n3A_1742, %reduce_max3A_1743 [1] : vector<20x20xf32> to vector<20xf32>
    %broadcast_in_dim3A_1745 = vector.shape_cast %reduce_max3A_1744 : vector<20xf32> to vector<20x1xf32>
    %sub3A_1746 = vector.broadcast %broadcast_in_dim3A_1745 : vector<20x1xf32> to vector<20x20xf32>
    %sub3A_1747 = arith.subf %select_n3A_1742, %sub3A_1746 : vector<20x20xf32>
    %exp3A_1748 = math.exp %sub3A_1747 : vector<20x20xf32>
    %reduce_sum3A_1749 = arith.constant dense<0.000000e+00> : vector<20xf32>
    %reduce_sum3A_1750 = vector.multi_reduction <add>, %exp3A_1748, %reduce_sum3A_1749 [1] : vector<20x20xf32> to vector<20xf32>
    %broadcast_in_dim3A_1751 = vector.shape_cast %reduce_sum3A_1750 : vector<20xf32> to vector<20x1xf32>
    %div3A_1752 = vector.broadcast %broadcast_in_dim3A_1751 : vector<20x1xf32> to vector<20x20xf32>
    %div3A_1753 = arith.divf %exp3A_1748, %div3A_1752 : vector<20x20xf32>
    %broadcast_in_dim3A_1754 = arith.constant 0.000000e+00 : f32
    %broadcast_in_dim3A_1755 = vector.broadcast %broadcast_in_dim3A_1754 : f32 to vector<20x600xf32>
    %broadcast_in_dim3A_1756 = arith.constant 0.000000e+00 : f32
    %broadcast_in_dim3A_1757 = vector.broadcast %broadcast_in_dim3A_1756 : f32 to vector<20x20xf32>
    %concatenate3A_1758 = tpu.concatenate %broadcast_in_dim3A_1755, %div3A_1753, %broadcast_in_dim3A_1757 in 1 : vector<20x600xf32>, vector<20x20xf32>, vector<20x20xf32> -> vector<20x640xf32>
    %slice3A_1759 = vector.extract_strided_slice %slice3A {offsets = [620, 0], sizes = [20, 64], strides = [1, 1]} : vector<640x64xf32> to vector<20x64xf32>
    %get3A_1760 = arith.constant 31 : index
    %get3A_1761 = arith.constant 0 : index
    %get3A_1762 = arith.constant 0 : index
    %get3A_1763 = vector.load %arg5[%get3A_1760, %get3A_1761, %get3A_1762] : memref<32x20x20xi32, #tpu.memory_space<vmem>>, vector<1x20x20xi32>
    %get3A_1764 = vector.shape_cast %get3A_1763 : vector<1x20x20xi32> to vector<20x20xi32>
    %broadcast_in_dim3A_1765 = vector.shape_cast %get3A_1 : vector<4x64xf32> to vector<4x1x64xf32>
    %broadcast_in_dim3A_1766 = vector.shape_cast %slice3A_1759 : vector<20x64xf32> to vector<1x20x64xf32>
    %mul3A_1767 = vector.broadcast %broadcast_in_dim3A_1765 : vector<4x1x64xf32> to vector<4x20x64xf32>
    %mul3A_1768 = vector.broadcast %broadcast_in_dim3A_1766 : vector<1x20x64xf32> to vector<4x20x64xf32>
    %mul3A_1769 = arith.mulf %mul3A_1767, %mul3A_1768 : vector<4x20x64xf32>
    %reshape3A_1770 = vector.shape_cast %mul3A_1769 : vector<4x20x64xf32> to vector<80x64xf32>
    %dot_general3A_1771 = arith.constant dense<0.000000e+00> : vector<80x20xf32>
    %dot_general3A_1772 = tpu.matmul %reshape3A_1770, %slice3A_1759, %dot_general3A_1771 {dimension_numbers = #tpu.dot_dimension_numbers<[1], [1], [0], [0], [0, 0, 1, 0], [], []>, transpose_lhs_hint = false} : vector<80x64xf32>, vector<20x64xf32>, vector<80x20xf32> -> vector<80x20xf32>
    %ge3A_1773 = arith.constant 0.000000e+00 : f32
    %ge3A_1774 = vector.broadcast %ge3A_1773 : f32 to vector<80x20xf32>
    %ge3A_1775 = arith.cmpf oge, %dot_general3A_1772, %ge3A_1774 : vector<80x20xf32>
    %mul3A_1776 = arith.constant 2.000000e-01 : f32
    %mul3A_1777 = vector.broadcast %mul3A_1776 : f32 to vector<80x20xf32>
    %mul3A_1778 = arith.mulf %mul3A_1777, %dot_general3A_1772 : vector<80x20xf32>
    %select_n3A_1779 = arith.select %ge3A_1775, %dot_general3A_1772, %mul3A_1778 : vector<80x20xi1>, vector<80x20xf32>
    %eq3A_1780 = arith.constant 1 : i32
    %eq3A_1781 = vector.broadcast %eq3A_1780 : i32 to vector<20x20xi32>
    %eq3A_1782 = arith.cmpi eq, %get3A_1764, %eq3A_1781 : vector<20x20xi32>
    %slice3A_1783 = vector.extract_strided_slice %select_n3A_1779 {offsets = [0, 0], sizes = [20, 20], strides = [1, 1]} : vector<80x20xf32> to vector<20x20xf32>
    %select_n3A_1784 = arith.select %eq3A_1782, %slice3A_1783, %broadcast_in_dim3A_5 : vector<20x20xi1>, vector<20x20xf32>
    %eq3A_1785 = arith.constant 2 : i32
    %eq3A_1786 = vector.broadcast %eq3A_1785 : i32 to vector<20x20xi32>
    %eq3A_1787 = arith.cmpi eq, %get3A_1764, %eq3A_1786 : vector<20x20xi32>
    %slice3A_1788 = vector.extract_strided_slice %select_n3A_1779 {offsets = [20, 0], sizes = [20, 20], strides = [1, 1]} : vector<80x20xf32> to vector<20x20xf32>
    %select_n3A_1789 = arith.select %eq3A_1787, %slice3A_1788, %select_n3A_1784 : vector<20x20xi1>, vector<20x20xf32>
    %eq3A_1790 = arith.constant 3 : i32
    %eq3A_1791 = vector.broadcast %eq3A_1790 : i32 to vector<20x20xi32>
    %eq3A_1792 = arith.cmpi eq, %get3A_1764, %eq3A_1791 : vector<20x20xi32>
    %slice3A_1793 = vector.extract_strided_slice %select_n3A_1779 {offsets = [40, 0], sizes = [20, 20], strides = [1, 1]} : vector<80x20xf32> to vector<20x20xf32>
    %select_n3A_1794 = arith.select %eq3A_1792, %slice3A_1793, %select_n3A_1789 : vector<20x20xi1>, vector<20x20xf32>
    %eq3A_1795 = arith.constant 4 : i32
    %eq3A_1796 = vector.broadcast %eq3A_1795 : i32 to vector<20x20xi32>
    %eq3A_1797 = arith.cmpi eq, %get3A_1764, %eq3A_1796 : vector<20x20xi32>
    %slice3A_1798 = vector.extract_strided_slice %select_n3A_1779 {offsets = [60, 0], sizes = [20, 20], strides = [1, 1]} : vector<80x20xf32> to vector<20x20xf32>
    %select_n3A_1799 = arith.select %eq3A_1797, %slice3A_1798, %select_n3A_1794 : vector<20x20xi1>, vector<20x20xf32>
    %reduce_max3A_1800 = arith.constant dense<0xFF800000> : vector<20xf32>
    %reduce_max3A_1801 = vector.multi_reduction <maximumf>, %select_n3A_1799, %reduce_max3A_1800 [1] : vector<20x20xf32> to vector<20xf32>
    %broadcast_in_dim3A_1802 = vector.shape_cast %reduce_max3A_1801 : vector<20xf32> to vector<20x1xf32>
    %sub3A_1803 = vector.broadcast %broadcast_in_dim3A_1802 : vector<20x1xf32> to vector<20x20xf32>
    %sub3A_1804 = arith.subf %select_n3A_1799, %sub3A_1803 : vector<20x20xf32>
    %exp3A_1805 = math.exp %sub3A_1804 : vector<20x20xf32>
    %reduce_sum3A_1806 = arith.constant dense<0.000000e+00> : vector<20xf32>
    %reduce_sum3A_1807 = vector.multi_reduction <add>, %exp3A_1805, %reduce_sum3A_1806 [1] : vector<20x20xf32> to vector<20xf32>
    %broadcast_in_dim3A_1808 = vector.shape_cast %reduce_sum3A_1807 : vector<20xf32> to vector<20x1xf32>
    %div3A_1809 = vector.broadcast %broadcast_in_dim3A_1808 : vector<20x1xf32> to vector<20x20xf32>
    %div3A_1810 = arith.divf %exp3A_1805, %div3A_1809 : vector<20x20xf32>
    %broadcast_in_dim3A_1811 = arith.constant 0.000000e+00 : f32
    %broadcast_in_dim3A_1812 = vector.broadcast %broadcast_in_dim3A_1811 : f32 to vector<20x620xf32>
    %concatenate3A_1813 = tpu.concatenate %broadcast_in_dim3A_1812, %div3A_1810 in 1 : vector<20x620xf32>, vector<20x20xf32> -> vector<20x640xf32>
    %concatenate3A_1814 = tpu.concatenate %concatenate3A, %concatenate3A_105, %concatenate3A_162, %concatenate3A_219, %concatenate3A_276, %concatenate3A_333, %concatenate3A_390, %concatenate3A_447, %concatenate3A_504, %concatenate3A_561, %concatenate3A_618, %concatenate3A_675, %concatenate3A_732, %concatenate3A_789, %concatenate3A_846, %concatenate3A_903, %concatenate3A_960, %concatenate3A_1017, %concatenate3A_1074, %concatenate3A_1131, %concatenate3A_1188, %concatenate3A_1245, %concatenate3A_1302, %concatenate3A_1359, %concatenate3A_1416, %concatenate3A_1473, %concatenate3A_1530, %concatenate3A_1587, %concatenate3A_1644, %concatenate3A_1701, %concatenate3A_1758, %concatenate3A_1813 in 0 : vector<20x640xf32>, vector<20x640xf32>, vector<20x640xf32>, vector<20x640xf32>, vector<20x640xf32>, vector<20x640xf32>, vector<20x640xf32>, vector<20x640xf32>, vector<20x640xf32>, vector<20x640xf32>, vector<20x640xf32>, vector<20x640xf32>, vector<20x640xf32>, vector<20x640xf32>, vector<20x640xf32>, vector<20x640xf32>, vector<20x640xf32>, vector<20x640xf32>, vector<20x640xf32>, vector<20x640xf32>, vector<20x640xf32>, vector<20x640xf32>, vector<20x640xf32>, vector<20x640xf32>, vector<20x640xf32>, vector<20x640xf32>, vector<20x640xf32>, vector<20x640xf32>, vector<20x640xf32>, vector<20x640xf32>, vector<20x640xf32>, vector<20x640xf32> -> vector<640x640xf32>
    %dot_general3A_1815 = arith.constant dense<0.000000e+00> : vector<640x64xf32>
    %dot_general3A_1816 = tpu.matmul %concatenate3A_1814, %slice3A, %dot_general3A_1815 {dimension_numbers = #tpu.dot_dimension_numbers<[1], [0], [0], [1], [0, 0, 1, 1], [], []>, transpose_lhs_hint = false} : vector<640x640xf32>, vector<640x64xf32>, vector<640x64xf32> -> vector<640x64xf32>
    %get3A_1817 = arith.constant 0 : index
    %get3A_1818 = arith.constant 0 : index
    %get3A_1819 = arith.constant 0 : index
    %get3A_1820 = vector.load %arg6[%get3A_1817, %get3A_1818, %get3A_1819] : memref<32x1x20xf32, #tpu.memory_space<vmem>>, vector<32x1x20xf32>
    %get3A_1821 = arith.constant 0 : index
    %get3A_1822 = arith.constant 0 : index
    %get3A_1823 = vector.load %arg2[%get3A_1821, %get3A_1822] : memref<640x128xf32, #tpu.memory_space<vmem>>, vector<640x128xf32>
    %slice3A_1824 = vector.extract_strided_slice %get3A_1823 {offsets = [0, 0], sizes = [640, 64], strides = [1, 1]} : vector<640x128xf32> to vector<640x64xf32>
    %reshape3A_1825 = vector.shape_cast %slice3A_1824 : vector<640x64xf32> to vector<32x20x64xf32>
    %reshape3A_1826 = vector.shape_cast %get3A_1820 : vector<32x1x20xf32> to vector<32x20x1xf32>
    %mul3A_1827 = vector.broadcast %reshape3A_1826 : vector<32x20x1xf32> to vector<32x20x64xf32>
    %mul3A_1828 = arith.mulf %mul3A_1827, %reshape3A_1825 : vector<32x20x64xf32>
    %reduce_sum3A_1829 = arith.constant dense<0.000000e+00> : vector<32x64xf32>
    %reduce_sum3A_1830 = vector.multi_reduction <add>, %mul3A_1828, %reduce_sum3A_1829 [1] : vector<32x20x64xf32> to vector<32x64xf32>
    %reduce_sum3A_1831 = arith.constant dense<0.000000e+00> : vector<32x1xf32>
    %reduce_sum3A_1832 = vector.multi_reduction <add>, %get3A_1820, %reduce_sum3A_1831 [2] : vector<32x1x20xf32> to vector<32x1xf32>
    %div3A_1833 = vector.broadcast %reduce_sum3A_1832 : vector<32x1xf32> to vector<32x64xf32>
    %div3A_1834 = arith.divf %reduce_sum3A_1830, %div3A_1833 : vector<32x64xf32>
    %get3A_1835 = arith.constant 0 : index
    %get3A_1836 = arith.constant 0 : index
    %get3A_1837 = vector.load %arg3[%get3A_1835, %get3A_1836] : memref<7680x128xf32, #tpu.memory_space<vmem>>, vector<7680x128xf32>
    %slice3A_1838 = vector.extract_strided_slice %get3A_1837 {offsets = [0, 0], sizes = [7680, 64], strides = [1, 1]} : vector<7680x128xf32> to vector<7680x64xf32>
    %reshape3A_1839 = vector.shape_cast %slice3A_1838 : vector<7680x64xf32> to vector<32x240x64xf32>
    %broadcast_in_dim3A_1840 = vector.shape_cast %div3A_1834 : vector<32x64xf32> to vector<32x1x64xf32>
    %mul3A_1841 = vector.broadcast %broadcast_in_dim3A_1840 : vector<32x1x64xf32> to vector<32x240x64xf32>
    %mul3A_1842 = arith.mulf %reshape3A_1839, %mul3A_1841 : vector<32x240x64xf32>
    %reshape3A_1843 = vector.shape_cast %mul3A_1842 : vector<32x240x64xf32> to vector<7680x64xf32>
    %get3A_1844 = arith.constant 0 : index
    %get3A_1845 = arith.constant 0 : index
    %get3A_1846 = arith.constant 0 : index
    %get3A_1847 = vector.load %arg4[%get3A_1844, %get3A_1845, %get3A_1846] : memref<32x240x1xf32, #tpu.memory_space<vmem>>, vector<32x240x1xf32>
    %reshape3A_1848 = vector.shape_cast %get3A_1847 : vector<32x240x1xf32> to vector<7680x1xf32>
    %get3A_1849 = arith.constant 0 : index
    %get3A_1850 = arith.constant 0 : index
    %get3A_1851 = vector.load %arg9[%get3A_1849, %get3A_1850] : memref<64x64xf32, #tpu.memory_space<vmem>>, vector<64x64xf32>
    %dot_general3A_1852 = arith.constant dense<0.000000e+00> : vector<7680x64xf32>
    %dot_general3A_1853 = tpu.matmul %reshape3A_1843, %get3A_1851, %dot_general3A_1852 {dimension_numbers = #tpu.dot_dimension_numbers<[1], [0], [0], [1], [0, 0, 1, 1], [], []>, transpose_lhs_hint = false} : vector<7680x64xf32>, vector<64x64xf32>, vector<7680x64xf32> -> vector<7680x64xf32>
    %get3A_1854 = arith.constant 0 : index
    %get3A_1855 = arith.constant 0 : index
    %get3A_1856 = vector.load %arg10[%get3A_1854, %get3A_1855] : memref<1x64xf32, #tpu.memory_space<vmem>>, vector<1x64xf32>
    %mul3A_1857 = vector.broadcast %reshape3A_1848 : vector<7680x1xf32> to vector<7680x64xf32>
    %mul3A_1858 = vector.broadcast %get3A_1856 : vector<1x64xf32> to vector<7680x64xf32>
    %mul3A_1859 = arith.mulf %mul3A_1857, %mul3A_1858 : vector<7680x64xf32>
    %add3A = arith.addf %dot_general3A_1853, %mul3A_1859 : vector<7680x64xf32>
    %ge3A_1860 = arith.constant 0.000000e+00 : f32
    %ge3A_1861 = vector.broadcast %ge3A_1860 : f32 to vector<7680x64xf32>
    %ge3A_1862 = arith.cmpf oge, %add3A, %ge3A_1861 : vector<7680x64xf32>
    %mul3A_1863 = arith.constant 2.000000e-01 : f32
    %mul3A_1864 = vector.broadcast %mul3A_1863 : f32 to vector<7680x64xf32>
    %mul3A_1865 = arith.mulf %mul3A_1864, %add3A : vector<7680x64xf32>
    %select_n3A_1866 = arith.select %ge3A_1862, %add3A, %mul3A_1865 : vector<7680x64xi1>, vector<7680x64xf32>
    %reshape3A_1867 = vector.shape_cast %select_n3A_1866 : vector<7680x64xf32> to vector<640x12x64xf32>
    %reshape3A_1868 = vector.shape_cast %slice3A_1838 : vector<7680x64xf32> to vector<640x12x64xf32>
    %get3A_1869 = arith.constant 0 : index
    %get3A_1870 = arith.constant 0 : index
    %get3A_1871 = vector.load %arg11[%get3A_1869, %get3A_1870] : memref<1x64xf32, #tpu.memory_space<vmem>>, vector<1x64xf32>
    %slice3A_1872 = vector.extract_strided_slice %reshape3A_1867 {offsets = [0, 0, 0], sizes = [640, 1, 64], strides = [1, 1, 1]} : vector<640x12x64xf32> to vector<640x1x64xf32>
    %squeeze3A = vector.shape_cast %slice3A_1872 : vector<640x1x64xf32> to vector<640x64xf32>
    %mul3A_1873 = vector.broadcast %get3A_1871 : vector<1x64xf32> to vector<640x64xf32>
    %mul3A_1874 = arith.mulf %squeeze3A, %mul3A_1873 : vector<640x64xf32>
    %reduce_sum3A_1875 = arith.constant dense<0.000000e+00> : vector<640xf32>
    %reduce_sum3A_1876 = vector.multi_reduction <add>, %mul3A_1874, %reduce_sum3A_1875 [1] : vector<640x64xf32> to vector<640xf32>
    %broadcast_in_dim3A_1877 = vector.shape_cast %reduce_sum3A_1876 : vector<640xf32> to vector<640x1xf32>
    %slice3A_1878 = vector.extract_strided_slice %reshape3A_1867 {offsets = [0, 1, 0], sizes = [640, 1, 64], strides = [1, 1, 1]} : vector<640x12x64xf32> to vector<640x1x64xf32>
    %squeeze3A_1879 = vector.shape_cast %slice3A_1878 : vector<640x1x64xf32> to vector<640x64xf32>
    %mul3A_1880 = vector.broadcast %get3A_1871 : vector<1x64xf32> to vector<640x64xf32>
    %mul3A_1881 = arith.mulf %squeeze3A_1879, %mul3A_1880 : vector<640x64xf32>
    %reduce_sum3A_1882 = arith.constant dense<0.000000e+00> : vector<640xf32>
    %reduce_sum3A_1883 = vector.multi_reduction <add>, %mul3A_1881, %reduce_sum3A_1882 [1] : vector<640x64xf32> to vector<640xf32>
    %broadcast_in_dim3A_1884 = vector.shape_cast %reduce_sum3A_1883 : vector<640xf32> to vector<640x1xf32>
    %slice3A_1885 = vector.extract_strided_slice %reshape3A_1867 {offsets = [0, 2, 0], sizes = [640, 1, 64], strides = [1, 1, 1]} : vector<640x12x64xf32> to vector<640x1x64xf32>
    %squeeze3A_1886 = vector.shape_cast %slice3A_1885 : vector<640x1x64xf32> to vector<640x64xf32>
    %mul3A_1887 = vector.broadcast %get3A_1871 : vector<1x64xf32> to vector<640x64xf32>
    %mul3A_1888 = arith.mulf %squeeze3A_1886, %mul3A_1887 : vector<640x64xf32>
    %reduce_sum3A_1889 = arith.constant dense<0.000000e+00> : vector<640xf32>
    %reduce_sum3A_1890 = vector.multi_reduction <add>, %mul3A_1888, %reduce_sum3A_1889 [1] : vector<640x64xf32> to vector<640xf32>
    %broadcast_in_dim3A_1891 = vector.shape_cast %reduce_sum3A_1890 : vector<640xf32> to vector<640x1xf32>
    %slice3A_1892 = vector.extract_strided_slice %reshape3A_1867 {offsets = [0, 3, 0], sizes = [640, 1, 64], strides = [1, 1, 1]} : vector<640x12x64xf32> to vector<640x1x64xf32>
    %squeeze3A_1893 = vector.shape_cast %slice3A_1892 : vector<640x1x64xf32> to vector<640x64xf32>
    %mul3A_1894 = vector.broadcast %get3A_1871 : vector<1x64xf32> to vector<640x64xf32>
    %mul3A_1895 = arith.mulf %squeeze3A_1893, %mul3A_1894 : vector<640x64xf32>
    %reduce_sum3A_1896 = arith.constant dense<0.000000e+00> : vector<640xf32>
    %reduce_sum3A_1897 = vector.multi_reduction <add>, %mul3A_1895, %reduce_sum3A_1896 [1] : vector<640x64xf32> to vector<640xf32>
    %broadcast_in_dim3A_1898 = vector.shape_cast %reduce_sum3A_1897 : vector<640xf32> to vector<640x1xf32>
    %slice3A_1899 = vector.extract_strided_slice %reshape3A_1867 {offsets = [0, 4, 0], sizes = [640, 1, 64], strides = [1, 1, 1]} : vector<640x12x64xf32> to vector<640x1x64xf32>
    %squeeze3A_1900 = vector.shape_cast %slice3A_1899 : vector<640x1x64xf32> to vector<640x64xf32>
    %mul3A_1901 = vector.broadcast %get3A_1871 : vector<1x64xf32> to vector<640x64xf32>
    %mul3A_1902 = arith.mulf %squeeze3A_1900, %mul3A_1901 : vector<640x64xf32>
    %reduce_sum3A_1903 = arith.constant dense<0.000000e+00> : vector<640xf32>
    %reduce_sum3A_1904 = vector.multi_reduction <add>, %mul3A_1902, %reduce_sum3A_1903 [1] : vector<640x64xf32> to vector<640xf32>
    %broadcast_in_dim3A_1905 = vector.shape_cast %reduce_sum3A_1904 : vector<640xf32> to vector<640x1xf32>
    %slice3A_1906 = vector.extract_strided_slice %reshape3A_1867 {offsets = [0, 5, 0], sizes = [640, 1, 64], strides = [1, 1, 1]} : vector<640x12x64xf32> to vector<640x1x64xf32>
    %squeeze3A_1907 = vector.shape_cast %slice3A_1906 : vector<640x1x64xf32> to vector<640x64xf32>
    %mul3A_1908 = vector.broadcast %get3A_1871 : vector<1x64xf32> to vector<640x64xf32>
    %mul3A_1909 = arith.mulf %squeeze3A_1907, %mul3A_1908 : vector<640x64xf32>
    %reduce_sum3A_1910 = arith.constant dense<0.000000e+00> : vector<640xf32>
    %reduce_sum3A_1911 = vector.multi_reduction <add>, %mul3A_1909, %reduce_sum3A_1910 [1] : vector<640x64xf32> to vector<640xf32>
    %broadcast_in_dim3A_1912 = vector.shape_cast %reduce_sum3A_1911 : vector<640xf32> to vector<640x1xf32>
    %slice3A_1913 = vector.extract_strided_slice %reshape3A_1867 {offsets = [0, 6, 0], sizes = [640, 1, 64], strides = [1, 1, 1]} : vector<640x12x64xf32> to vector<640x1x64xf32>
    %squeeze3A_1914 = vector.shape_cast %slice3A_1913 : vector<640x1x64xf32> to vector<640x64xf32>
    %mul3A_1915 = vector.broadcast %get3A_1871 : vector<1x64xf32> to vector<640x64xf32>
    %mul3A_1916 = arith.mulf %squeeze3A_1914, %mul3A_1915 : vector<640x64xf32>
    %reduce_sum3A_1917 = arith.constant dense<0.000000e+00> : vector<640xf32>
    %reduce_sum3A_1918 = vector.multi_reduction <add>, %mul3A_1916, %reduce_sum3A_1917 [1] : vector<640x64xf32> to vector<640xf32>
    %broadcast_in_dim3A_1919 = vector.shape_cast %reduce_sum3A_1918 : vector<640xf32> to vector<640x1xf32>
    %slice3A_1920 = vector.extract_strided_slice %reshape3A_1867 {offsets = [0, 7, 0], sizes = [640, 1, 64], strides = [1, 1, 1]} : vector<640x12x64xf32> to vector<640x1x64xf32>
    %squeeze3A_1921 = vector.shape_cast %slice3A_1920 : vector<640x1x64xf32> to vector<640x64xf32>
    %mul3A_1922 = vector.broadcast %get3A_1871 : vector<1x64xf32> to vector<640x64xf32>
    %mul3A_1923 = arith.mulf %squeeze3A_1921, %mul3A_1922 : vector<640x64xf32>
    %reduce_sum3A_1924 = arith.constant dense<0.000000e+00> : vector<640xf32>
    %reduce_sum3A_1925 = vector.multi_reduction <add>, %mul3A_1923, %reduce_sum3A_1924 [1] : vector<640x64xf32> to vector<640xf32>
    %broadcast_in_dim3A_1926 = vector.shape_cast %reduce_sum3A_1925 : vector<640xf32> to vector<640x1xf32>
    %slice3A_1927 = vector.extract_strided_slice %reshape3A_1867 {offsets = [0, 8, 0], sizes = [640, 1, 64], strides = [1, 1, 1]} : vector<640x12x64xf32> to vector<640x1x64xf32>
    %squeeze3A_1928 = vector.shape_cast %slice3A_1927 : vector<640x1x64xf32> to vector<640x64xf32>
    %mul3A_1929 = vector.broadcast %get3A_1871 : vector<1x64xf32> to vector<640x64xf32>
    %mul3A_1930 = arith.mulf %squeeze3A_1928, %mul3A_1929 : vector<640x64xf32>
    %reduce_sum3A_1931 = arith.constant dense<0.000000e+00> : vector<640xf32>
    %reduce_sum3A_1932 = vector.multi_reduction <add>, %mul3A_1930, %reduce_sum3A_1931 [1] : vector<640x64xf32> to vector<640xf32>
    %broadcast_in_dim3A_1933 = vector.shape_cast %reduce_sum3A_1932 : vector<640xf32> to vector<640x1xf32>
    %slice3A_1934 = vector.extract_strided_slice %reshape3A_1867 {offsets = [0, 9, 0], sizes = [640, 1, 64], strides = [1, 1, 1]} : vector<640x12x64xf32> to vector<640x1x64xf32>
    %squeeze3A_1935 = vector.shape_cast %slice3A_1934 : vector<640x1x64xf32> to vector<640x64xf32>
    %mul3A_1936 = vector.broadcast %get3A_1871 : vector<1x64xf32> to vector<640x64xf32>
    %mul3A_1937 = arith.mulf %squeeze3A_1935, %mul3A_1936 : vector<640x64xf32>
    %reduce_sum3A_1938 = arith.constant dense<0.000000e+00> : vector<640xf32>
    %reduce_sum3A_1939 = vector.multi_reduction <add>, %mul3A_1937, %reduce_sum3A_1938 [1] : vector<640x64xf32> to vector<640xf32>
    %broadcast_in_dim3A_1940 = vector.shape_cast %reduce_sum3A_1939 : vector<640xf32> to vector<640x1xf32>
    %slice3A_1941 = vector.extract_strided_slice %reshape3A_1867 {offsets = [0, 10, 0], sizes = [640, 1, 64], strides = [1, 1, 1]} : vector<640x12x64xf32> to vector<640x1x64xf32>
    %squeeze3A_1942 = vector.shape_cast %slice3A_1941 : vector<640x1x64xf32> to vector<640x64xf32>
    %mul3A_1943 = vector.broadcast %get3A_1871 : vector<1x64xf32> to vector<640x64xf32>
    %mul3A_1944 = arith.mulf %squeeze3A_1942, %mul3A_1943 : vector<640x64xf32>
    %reduce_sum3A_1945 = arith.constant dense<0.000000e+00> : vector<640xf32>
    %reduce_sum3A_1946 = vector.multi_reduction <add>, %mul3A_1944, %reduce_sum3A_1945 [1] : vector<640x64xf32> to vector<640xf32>
    %broadcast_in_dim3A_1947 = vector.shape_cast %reduce_sum3A_1946 : vector<640xf32> to vector<640x1xf32>
    %slice3A_1948 = vector.extract_strided_slice %reshape3A_1867 {offsets = [0, 11, 0], sizes = [640, 1, 64], strides = [1, 1, 1]} : vector<640x12x64xf32> to vector<640x1x64xf32>
    %squeeze3A_1949 = vector.shape_cast %slice3A_1948 : vector<640x1x64xf32> to vector<640x64xf32>
    %mul3A_1950 = vector.broadcast %get3A_1871 : vector<1x64xf32> to vector<640x64xf32>
    %mul3A_1951 = arith.mulf %squeeze3A_1949, %mul3A_1950 : vector<640x64xf32>
    %reduce_sum3A_1952 = arith.constant dense<0.000000e+00> : vector<640xf32>
    %reduce_sum3A_1953 = vector.multi_reduction <add>, %mul3A_1951, %reduce_sum3A_1952 [1] : vector<640x64xf32> to vector<640xf32>
    %broadcast_in_dim3A_1954 = vector.shape_cast %reduce_sum3A_1953 : vector<640xf32> to vector<640x1xf32>
    %concatenate3A_1955 = tpu.concatenate %broadcast_in_dim3A_1877, %broadcast_in_dim3A_1884, %broadcast_in_dim3A_1891, %broadcast_in_dim3A_1898, %broadcast_in_dim3A_1905, %broadcast_in_dim3A_1912, %broadcast_in_dim3A_1919, %broadcast_in_dim3A_1926, %broadcast_in_dim3A_1933, %broadcast_in_dim3A_1940, %broadcast_in_dim3A_1947, %broadcast_in_dim3A_1954 in 1 : vector<640x1xf32>, vector<640x1xf32>, vector<640x1xf32>, vector<640x1xf32>, vector<640x1xf32>, vector<640x1xf32>, vector<640x1xf32>, vector<640x1xf32>, vector<640x1xf32>, vector<640x1xf32>, vector<640x1xf32>, vector<640x1xf32> -> vector<640x12xf32>
    %reduce_max3A_1956 = arith.constant dense<0xFF800000> : vector<640xf32>
    %reduce_max3A_1957 = vector.multi_reduction <maximumf>, %concatenate3A_1955, %reduce_max3A_1956 [1] : vector<640x12xf32> to vector<640xf32>
    %broadcast_in_dim3A_1958 = vector.shape_cast %reduce_max3A_1957 : vector<640xf32> to vector<640x1xf32>
    %sub3A_1959 = vector.broadcast %broadcast_in_dim3A_1958 : vector<640x1xf32> to vector<640x12xf32>
    %sub3A_1960 = arith.subf %concatenate3A_1955, %sub3A_1959 : vector<640x12xf32>
    %exp3A_1961 = math.exp %sub3A_1960 : vector<640x12xf32>
    %reduce_sum3A_1962 = arith.constant dense<0.000000e+00> : vector<640xf32>
    %reduce_sum3A_1963 = vector.multi_reduction <add>, %exp3A_1961, %reduce_sum3A_1962 [1] : vector<640x12xf32> to vector<640xf32>
    %broadcast_in_dim3A_1964 = vector.shape_cast %reduce_sum3A_1963 : vector<640xf32> to vector<640x1xf32>
    %div3A_1965 = vector.broadcast %broadcast_in_dim3A_1964 : vector<640x1xf32> to vector<640x12xf32>
    %div3A_1966 = arith.divf %exp3A_1961, %div3A_1965 : vector<640x12xf32>
    %slice3A_1967 = vector.extract_strided_slice %div3A_1966 {offsets = [0, 0], sizes = [640, 1], strides = [1, 1]} : vector<640x12xf32> to vector<640x1xf32>
    %slice3A_1968 = vector.extract_strided_slice %reshape3A_1868 {offsets = [0, 0, 0], sizes = [640, 1, 64], strides = [1, 1, 1]} : vector<640x12x64xf32> to vector<640x1x64xf32>
    %squeeze3A_1969 = vector.shape_cast %slice3A_1968 : vector<640x1x64xf32> to vector<640x64xf32>
    %mul3A_1970 = vector.broadcast %slice3A_1967 : vector<640x1xf32> to vector<640x64xf32>
    %mul3A_1971 = arith.mulf %mul3A_1970, %squeeze3A_1969 : vector<640x64xf32>
    %slice3A_1972 = vector.extract_strided_slice %div3A_1966 {offsets = [0, 1], sizes = [640, 1], strides = [1, 1]} : vector<640x12xf32> to vector<640x1xf32>
    %slice3A_1973 = vector.extract_strided_slice %reshape3A_1868 {offsets = [0, 1, 0], sizes = [640, 1, 64], strides = [1, 1, 1]} : vector<640x12x64xf32> to vector<640x1x64xf32>
    %squeeze3A_1974 = vector.shape_cast %slice3A_1973 : vector<640x1x64xf32> to vector<640x64xf32>
    %mul3A_1975 = vector.broadcast %slice3A_1972 : vector<640x1xf32> to vector<640x64xf32>
    %mul3A_1976 = arith.mulf %mul3A_1975, %squeeze3A_1974 : vector<640x64xf32>
    %add3A_1977 = arith.addf %mul3A_1971, %mul3A_1976 : vector<640x64xf32>
    %slice3A_1978 = vector.extract_strided_slice %div3A_1966 {offsets = [0, 2], sizes = [640, 1], strides = [1, 1]} : vector<640x12xf32> to vector<640x1xf32>
    %slice3A_1979 = vector.extract_strided_slice %reshape3A_1868 {offsets = [0, 2, 0], sizes = [640, 1, 64], strides = [1, 1, 1]} : vector<640x12x64xf32> to vector<640x1x64xf32>
    %squeeze3A_1980 = vector.shape_cast %slice3A_1979 : vector<640x1x64xf32> to vector<640x64xf32>
    %mul3A_1981 = vector.broadcast %slice3A_1978 : vector<640x1xf32> to vector<640x64xf32>
    %mul3A_1982 = arith.mulf %mul3A_1981, %squeeze3A_1980 : vector<640x64xf32>
    %add3A_1983 = arith.addf %add3A_1977, %mul3A_1982 : vector<640x64xf32>
    %slice3A_1984 = vector.extract_strided_slice %div3A_1966 {offsets = [0, 3], sizes = [640, 1], strides = [1, 1]} : vector<640x12xf32> to vector<640x1xf32>
    %slice3A_1985 = vector.extract_strided_slice %reshape3A_1868 {offsets = [0, 3, 0], sizes = [640, 1, 64], strides = [1, 1, 1]} : vector<640x12x64xf32> to vector<640x1x64xf32>
    %squeeze3A_1986 = vector.shape_cast %slice3A_1985 : vector<640x1x64xf32> to vector<640x64xf32>
    %mul3A_1987 = vector.broadcast %slice3A_1984 : vector<640x1xf32> to vector<640x64xf32>
    %mul3A_1988 = arith.mulf %mul3A_1987, %squeeze3A_1986 : vector<640x64xf32>
    %add3A_1989 = arith.addf %add3A_1983, %mul3A_1988 : vector<640x64xf32>
    %slice3A_1990 = vector.extract_strided_slice %div3A_1966 {offsets = [0, 4], sizes = [640, 1], strides = [1, 1]} : vector<640x12xf32> to vector<640x1xf32>
    %slice3A_1991 = vector.extract_strided_slice %reshape3A_1868 {offsets = [0, 4, 0], sizes = [640, 1, 64], strides = [1, 1, 1]} : vector<640x12x64xf32> to vector<640x1x64xf32>
    %squeeze3A_1992 = vector.shape_cast %slice3A_1991 : vector<640x1x64xf32> to vector<640x64xf32>
    %mul3A_1993 = vector.broadcast %slice3A_1990 : vector<640x1xf32> to vector<640x64xf32>
    %mul3A_1994 = arith.mulf %mul3A_1993, %squeeze3A_1992 : vector<640x64xf32>
    %add3A_1995 = arith.addf %add3A_1989, %mul3A_1994 : vector<640x64xf32>
    %slice3A_1996 = vector.extract_strided_slice %div3A_1966 {offsets = [0, 5], sizes = [640, 1], strides = [1, 1]} : vector<640x12xf32> to vector<640x1xf32>
    %slice3A_1997 = vector.extract_strided_slice %reshape3A_1868 {offsets = [0, 5, 0], sizes = [640, 1, 64], strides = [1, 1, 1]} : vector<640x12x64xf32> to vector<640x1x64xf32>
    %squeeze3A_1998 = vector.shape_cast %slice3A_1997 : vector<640x1x64xf32> to vector<640x64xf32>
    %mul3A_1999 = vector.broadcast %slice3A_1996 : vector<640x1xf32> to vector<640x64xf32>
    %mul3A_2000 = arith.mulf %mul3A_1999, %squeeze3A_1998 : vector<640x64xf32>
    %add3A_2001 = arith.addf %add3A_1995, %mul3A_2000 : vector<640x64xf32>
    %slice3A_2002 = vector.extract_strided_slice %div3A_1966 {offsets = [0, 6], sizes = [640, 1], strides = [1, 1]} : vector<640x12xf32> to vector<640x1xf32>
    %slice3A_2003 = vector.extract_strided_slice %reshape3A_1868 {offsets = [0, 6, 0], sizes = [640, 1, 64], strides = [1, 1, 1]} : vector<640x12x64xf32> to vector<640x1x64xf32>
    %squeeze3A_2004 = vector.shape_cast %slice3A_2003 : vector<640x1x64xf32> to vector<640x64xf32>
    %mul3A_2005 = vector.broadcast %slice3A_2002 : vector<640x1xf32> to vector<640x64xf32>
    %mul3A_2006 = arith.mulf %mul3A_2005, %squeeze3A_2004 : vector<640x64xf32>
    %add3A_2007 = arith.addf %add3A_2001, %mul3A_2006 : vector<640x64xf32>
    %slice3A_2008 = vector.extract_strided_slice %div3A_1966 {offsets = [0, 7], sizes = [640, 1], strides = [1, 1]} : vector<640x12xf32> to vector<640x1xf32>
    %slice3A_2009 = vector.extract_strided_slice %reshape3A_1868 {offsets = [0, 7, 0], sizes = [640, 1, 64], strides = [1, 1, 1]} : vector<640x12x64xf32> to vector<640x1x64xf32>
    %squeeze3A_2010 = vector.shape_cast %slice3A_2009 : vector<640x1x64xf32> to vector<640x64xf32>
    %mul3A_2011 = vector.broadcast %slice3A_2008 : vector<640x1xf32> to vector<640x64xf32>
    %mul3A_2012 = arith.mulf %mul3A_2011, %squeeze3A_2010 : vector<640x64xf32>
    %add3A_2013 = arith.addf %add3A_2007, %mul3A_2012 : vector<640x64xf32>
    %slice3A_2014 = vector.extract_strided_slice %div3A_1966 {offsets = [0, 8], sizes = [640, 1], strides = [1, 1]} : vector<640x12xf32> to vector<640x1xf32>
    %slice3A_2015 = vector.extract_strided_slice %reshape3A_1868 {offsets = [0, 8, 0], sizes = [640, 1, 64], strides = [1, 1, 1]} : vector<640x12x64xf32> to vector<640x1x64xf32>
    %squeeze3A_2016 = vector.shape_cast %slice3A_2015 : vector<640x1x64xf32> to vector<640x64xf32>
    %mul3A_2017 = vector.broadcast %slice3A_2014 : vector<640x1xf32> to vector<640x64xf32>
    %mul3A_2018 = arith.mulf %mul3A_2017, %squeeze3A_2016 : vector<640x64xf32>
    %add3A_2019 = arith.addf %add3A_2013, %mul3A_2018 : vector<640x64xf32>
    %slice3A_2020 = vector.extract_strided_slice %div3A_1966 {offsets = [0, 9], sizes = [640, 1], strides = [1, 1]} : vector<640x12xf32> to vector<640x1xf32>
    %slice3A_2021 = vector.extract_strided_slice %reshape3A_1868 {offsets = [0, 9, 0], sizes = [640, 1, 64], strides = [1, 1, 1]} : vector<640x12x64xf32> to vector<640x1x64xf32>
    %squeeze3A_2022 = vector.shape_cast %slice3A_2021 : vector<640x1x64xf32> to vector<640x64xf32>
    %mul3A_2023 = vector.broadcast %slice3A_2020 : vector<640x1xf32> to vector<640x64xf32>
    %mul3A_2024 = arith.mulf %mul3A_2023, %squeeze3A_2022 : vector<640x64xf32>
    %add3A_2025 = arith.addf %add3A_2019, %mul3A_2024 : vector<640x64xf32>
    %slice3A_2026 = vector.extract_strided_slice %div3A_1966 {offsets = [0, 10], sizes = [640, 1], strides = [1, 1]} : vector<640x12xf32> to vector<640x1xf32>
    %slice3A_2027 = vector.extract_strided_slice %reshape3A_1868 {offsets = [0, 10, 0], sizes = [640, 1, 64], strides = [1, 1, 1]} : vector<640x12x64xf32> to vector<640x1x64xf32>
    %squeeze3A_2028 = vector.shape_cast %slice3A_2027 : vector<640x1x64xf32> to vector<640x64xf32>
    %mul3A_2029 = vector.broadcast %slice3A_2026 : vector<640x1xf32> to vector<640x64xf32>
    %mul3A_2030 = arith.mulf %mul3A_2029, %squeeze3A_2028 : vector<640x64xf32>
    %add3A_2031 = arith.addf %add3A_2025, %mul3A_2030 : vector<640x64xf32>
    %slice3A_2032 = vector.extract_strided_slice %div3A_1966 {offsets = [0, 11], sizes = [640, 1], strides = [1, 1]} : vector<640x12xf32> to vector<640x1xf32>
    %slice3A_2033 = vector.extract_strided_slice %reshape3A_1868 {offsets = [0, 11, 0], sizes = [640, 1, 64], strides = [1, 1, 1]} : vector<640x12x64xf32> to vector<640x1x64xf32>
    %squeeze3A_2034 = vector.shape_cast %slice3A_2033 : vector<640x1x64xf32> to vector<640x64xf32>
    %mul3A_2035 = vector.broadcast %slice3A_2032 : vector<640x1xf32> to vector<640x64xf32>
    %mul3A_2036 = arith.mulf %mul3A_2035, %squeeze3A_2034 : vector<640x64xf32>
    %add3A_2037 = arith.addf %add3A_2031, %mul3A_2036 : vector<640x64xf32>
    %get3A_2038 = arith.constant 0 : index
    %get3A_2039 = arith.constant 0 : index
    %get3A_2040 = vector.load %arg12[%get3A_2038, %get3A_2039] : memref<64x64xf32, #tpu.memory_space<vmem>>, vector<64x64xf32>
    %dot_general3A_2041 = arith.constant dense<0.000000e+00> : vector<640x64xf32>
    %dot_general3A_2042 = tpu.matmul %slice3A, %get3A_2040, %dot_general3A_2041 {dimension_numbers = #tpu.dot_dimension_numbers<[1], [0], [0], [1], [0, 0, 1, 1], [], []>, transpose_lhs_hint = false} : vector<640x64xf32>, vector<64x64xf32>, vector<640x64xf32> -> vector<640x64xf32>
    %get3A_2043 = arith.constant 0 : index
    %get3A_2044 = arith.constant 0 : index
    %get3A_2045 = vector.load %arg13[%get3A_2043, %get3A_2044] : memref<64x64xf32, #tpu.memory_space<vmem>>, vector<64x64xf32>
    %dot_general3A_2046 = arith.constant dense<0.000000e+00> : vector<640x64xf32>
    %dot_general3A_2047 = tpu.matmul %add3A_2037, %get3A_2045, %dot_general3A_2046 {dimension_numbers = #tpu.dot_dimension_numbers<[1], [0], [0], [1], [0, 0, 1, 1], [], []>, transpose_lhs_hint = false} : vector<640x64xf32>, vector<64x64xf32>, vector<640x64xf32> -> vector<640x64xf32>
    %add3A_2048 = arith.addf %dot_general3A_2042, %dot_general3A_2047 : vector<640x64xf32>
    %get3A_2049 = arith.constant 0 : index
    %get3A_2050 = arith.constant 0 : index
    %get3A_2051 = vector.load %arg14[%get3A_2049, %get3A_2050] : memref<1x64xf32, #tpu.memory_space<vmem>>, vector<1x64xf32>
    %add3A_2052 = vector.broadcast %get3A_2051 : vector<1x64xf32> to vector<640x64xf32>
    %add3A_2053 = arith.addf %add3A_2048, %add3A_2052 : vector<640x64xf32>
    %max3A = arith.constant 0.000000e+00 : f32
    %max3A_2054 = vector.broadcast %max3A : f32 to vector<640x64xf32>
    %max3A_2055 = arith.maximumf %add3A_2053, %max3A_2054 : vector<640x64xf32>
    %add3A_2056 = arith.addf %dot_general3A_1816, %max3A_2055 : vector<640x64xf32>
    %get3A_2057 = arith.constant 0 : index
    %get3A_2058 = arith.constant 0 : index
    %get3A_2059 = arith.constant 0 : index
    %get3A_2060 = vector.load %arg7[%get3A_2057, %get3A_2058, %get3A_2059] : memref<32x20x1xi32, #tpu.memory_space<vmem>>, vector<32x20x1xi32>
    %reshape3A_2061 = vector.shape_cast %get3A_2060 : vector<32x20x1xi32> to vector<640x1xi32>
    %iota3A = tpu.iota {dimensions = array<i32: 0>} : vector<640x1xi32>
    %jit3A = arith.constant 20 : i32
    %div3A_2062 = vector.broadcast %jit3A : i32 to vector<640x1xi32>
    %div3A_2063 = arith.divsi %iota3A, %div3A_2062 : vector<640x1xi32>
    %sign3A = arith.constant 0 : i32
    %sign3A_2064 = vector.broadcast %sign3A : i32 to vector<640x1xi32>
    %sign3A_2065 = arith.cmpi sgt, %iota3A, %sign3A_2064 : vector<640x1xi32>
    %sign3A_2066 = arith.extui %sign3A_2065 : vector<640x1xi1> to vector<640x1xi32>
    %sign3A_2067 = arith.constant 0 : i32
    %sign3A_2068 = vector.broadcast %sign3A_2067 : i32 to vector<640x1xi32>
    %sign3A_2069 = arith.cmpi slt, %iota3A, %sign3A_2068 : vector<640x1xi32>
    %sign3A_2070 = arith.extui %sign3A_2069 : vector<640x1xi1> to vector<640x1xi32>
    %sign3A_2071 = arith.subi %sign3A_2066, %sign3A_2070 : vector<640x1xi32>
    %sign3A_2072 = arith.constant 0 : i32
    %sign3A_2073 = arith.cmpi sgt, %jit3A, %sign3A_2072 : i32
    %sign3A_2074 = arith.extui %sign3A_2073 : i1 to i32
    %sign3A_2075 = arith.constant 0 : i32
    %sign3A_2076 = arith.cmpi slt, %jit3A, %sign3A_2075 : i32
    %sign3A_2077 = arith.extui %sign3A_2076 : i1 to i32
    %sign3A_2078 = arith.subi %sign3A_2074, %sign3A_2077 : i32
    %ne3A = vector.broadcast %sign3A_2078 : i32 to vector<640x1xi32>
    %ne3A_2079 = arith.cmpi ne, %sign3A_2071, %ne3A : vector<640x1xi32>
    %rem3A = vector.broadcast %jit3A : i32 to vector<640x1xi32>
    %rem3A_2080 = arith.remsi %iota3A, %rem3A : vector<640x1xi32>
    %ne3A_2081 = arith.constant 0 : i32
    %ne3A_2082 = vector.broadcast %ne3A_2081 : i32 to vector<640x1xi32>
    %ne3A_2083 = arith.cmpi ne, %rem3A_2080, %ne3A_2082 : vector<640x1xi32>
    %and3A = arith.andi %ne3A_2079, %ne3A_2083 : vector<640x1xi1>
    %sub3A_2084 = arith.constant 1 : i32
    %sub3A_2085 = vector.broadcast %sub3A_2084 : i32 to vector<640x1xi32>
    %sub3A_2086 = arith.subi %div3A_2063, %sub3A_2085 : vector<640x1xi32>
    %select_n3A_2087 = arith.select %and3A, %sub3A_2086, %div3A_2063 : vector<640x1xi1>, vector<640x1xi32>
    %mul3A_2088 = arith.constant 20 : i32
    %mul3A_2089 = vector.broadcast %mul3A_2088 : i32 to vector<640x1xi32>
    %mul3A_2090 = arith.muli %select_n3A_2087, %mul3A_2089 : vector<640x1xi32>
    %add3A_2091 = arith.addi %reshape3A_2061, %mul3A_2090 : vector<640x1xi32>
    %iota3A_2092 = tpu.iota {dimensions = array<i32: 1>} : vector<640x640xi32>
    %eq3A_2093 = vector.broadcast %add3A_2091 : vector<640x1xi32> to vector<640x640xi32>
    %eq3A_2094 = arith.cmpi eq, %eq3A_2093, %iota3A_2092 : vector<640x640xi32>
    %convert_element_type3A = arith.extui %eq3A_2094 : vector<640x640xi1> to vector<640x640xi32>
    %convert_element_type3A_2095 = arith.sitofp %convert_element_type3A : vector<640x640xi32> to vector<640x640xf32>
    %dot_general3A_2096 = arith.constant dense<0.000000e+00> : vector<640x64xf32>
    %dot_general3A_2097 = tpu.matmul %convert_element_type3A_2095, %add3A_2056, %dot_general3A_2096 {dimension_numbers = #tpu.dot_dimension_numbers<[1], [0], [0], [1], [0, 0, 1, 1], [], []>, transpose_lhs_hint = false} : vector<640x640xf32>, vector<640x64xf32>, vector<640x64xf32> -> vector<640x64xf32>
    %reshape3A_2098 = vector.shape_cast %dot_general3A_2097 : vector<640x64xf32> to vector<32x20x64xf32>
    %swap3A = arith.constant 0 : index
    %swap3A_2099 = arith.constant 0 : index
    %swap3A_2100 = arith.constant 0 : index
    %swap3A_2101 = vector.load %arg15[%swap3A, %swap3A_2099, %swap3A_2100] : memref<32x20x64xf32, #tpu.memory_space<vmem>>, vector<32x20x64xf32>
    tpu.vector_store %arg15[%swap3A, %swap3A_2099, %swap3A_2100], %reshape3A_2098 {strides = array<i32>} : memref<32x20x64xf32, #tpu.memory_space<vmem>>, vector<32x20x64xf32>,
    return
  }
  func.func @transform_0(%arg0: i32) -> (i32, i32) {
    %c0_i32 = arith.constant 0 : i32
    %c0_i32_0 = arith.constant 0 : i32
    return %arg0, %c0_i32 : i32, i32
  }
  func.func @transform_1(%arg0: i32) -> (i32, i32) {
    %c0_i32 = arith.constant 0 : i32
    %c0_i32_0 = arith.constant 0 : i32
    return %arg0, %c0_i32 : i32, i32
  }
  func.func @transform_2(%arg0: i32) -> (i32, i32) {
    %c0_i32 = arith.constant 0 : i32
    %c0_i32_0 = arith.constant 0 : i32
    return %arg0, %c0_i32 : i32, i32
  }
  func.func @transform_3(%arg0: i32) -> (i32, i32, i32) {
    %c0_i32 = arith.constant 0 : i32
    %c0_i32_0 = arith.constant 0 : i32
    %c0_i32_1 = arith.constant 0 : i32
    return %arg0, %c0_i32, %c0_i32_0 : i32, i32, i32
  }
  func.func @transform_4(%arg0: i32) -> (i32, i32, i32) {
    %c0_i32 = arith.constant 0 : i32
    %c0_i32_0 = arith.constant 0 : i32
    %c0_i32_1 = arith.constant 0 : i32
    return %arg0, %c0_i32, %c0_i32_0 : i32, i32, i32
  }
  func.func @transform_5(%arg0: i32) -> (i32, i32, i32) {
    %c0_i32 = arith.constant 0 : i32
    %c0_i32_0 = arith.constant 0 : i32
    %c0_i32_1 = arith.constant 0 : i32
    return %arg0, %c0_i32, %c0_i32_0 : i32, i32, i32
  }
  func.func @transform_6(%arg0: i32) -> (i32, i32, i32) {
    %c0_i32 = arith.constant 0 : i32
    %c0_i32_0 = arith.constant 0 : i32
    %c0_i32_1 = arith.constant 0 : i32
    return %arg0, %c0_i32, %c0_i32_0 : i32, i32, i32
  }
  func.func @transform_7(%arg0: i32) -> (i32, i32) {
    %c0_i32 = arith.constant 0 : i32
    %c0_i32_0 = arith.constant 0 : i32
    %c0_i32_1 = arith.constant 0 : i32
    return %c0_i32, %c0_i32_0 : i32, i32
  }
  func.func @transform_8(%arg0: i32) -> (i32, i32) {
    %c0_i32 = arith.constant 0 : i32
    %c0_i32_0 = arith.constant 0 : i32
    %c0_i32_1 = arith.constant 0 : i32
    return %c0_i32, %c0_i32_0 : i32, i32
  }
  func.func @transform_9(%arg0: i32) -> (i32, i32) {
    %c0_i32 = arith.constant 0 : i32
    %c0_i32_0 = arith.constant 0 : i32
    %c0_i32_1 = arith.constant 0 : i32
    return %c0_i32, %c0_i32_0 : i32, i32
  }
  func.func @transform_10(%arg0: i32) -> (i32, i32) {
    %c0_i32 = arith.constant 0 : i32
    %c0_i32_0 = arith.constant 0 : i32
    %c0_i32_1 = arith.constant 0 : i32
    return %c0_i32, %c0_i32_0 : i32, i32
  }
  func.func @transform_11(%arg0: i32) -> (i32, i32) {
    %c0_i32 = arith.constant 0 : i32
    %c0_i32_0 = arith.constant 0 : i32
    %c0_i32_1 = arith.constant 0 : i32
    return %c0_i32, %c0_i32_0 : i32, i32
  }
  func.func @transform_12(%arg0: i32) -> (i32, i32) {
    %c0_i32 = arith.constant 0 : i32
    %c0_i32_0 = arith.constant 0 : i32
    %c0_i32_1 = arith.constant 0 : i32
    return %c0_i32, %c0_i32_0 : i32, i32
  }
  func.func @transform_13(%arg0: i32) -> (i32, i32) {
    %c0_i32 = arith.constant 0 : i32
    %c0_i32_0 = arith.constant 0 : i32
    %c0_i32_1 = arith.constant 0 : i32
    return %c0_i32, %c0_i32_0 : i32, i32
  }
  func.func @transform_14(%arg0: i32) -> (i32, i32, i32) {
    %c0_i32 = arith.constant 0 : i32
    %c0_i32_0 = arith.constant 0 : i32
    %c0_i32_1 = arith.constant 0 : i32
    return %arg0, %c0_i32, %c0_i32_0 : i32, i32, i32
  }
}

</mosaic_0001>

<sc_bundles>
// kernel: gather_offload_async_start.1
scs
__scs_entry_jumppad:
0x0: {  	(pc) =	sbr.rel $0x88, $3  }
0x1: {  	(tag) =	ssettag $0x0;
	lr =	simm.s32 $0x1  }
0x2: {  	[smem:$0x3F91] =	sst lr;
	_ =	strace $0xD0000000  }
0x3: {  	_ = 	snop  }
0x4: {  	_ = 	snop  }
0x5: {  	_ = 	snop  }
0x6: {  	_ = 	snop  }
0x7: {  	_ = 	snop  }
__scs_overlays_trampoline_lowered:
0x8: {  	[smem:$0x3FA0] =	sst s0  }
0x9: {  	[smem:$0x3FA1] =	sst s1  }
0xa: {  	[smem:$0x3FA2] =	sst s2  }
0xb: {  	[smem:$0x3FA3] =	sst s3  }
0xc: {  	[smem:$0x3FA4] =	sst s4  }
0xd: {  	[smem:$0x3FA5] =	sst s5  }
0xe: {  	[smem:$0x3FA6] =	sst s6  }
0xf: {  	[smem:$0x3FA7] =	sst s7  }
0x10: {  	[smem:$0x3FA8] =	sst s8  }
0x11: {  	[smem:$0x3FA9] =	sst s9;
	s0 =	simm.s32 @!p0 $0x0  }
0x12: {  	s1 =	sld [smem:$0x3F8F];
	s0 =	simm.s32 @p0 $0x1  }
0x13: {  	[smem:$0x3FAA] =	sst s0;
	s0 =	simm.s32 @!p1 $0x0  }
0x14: {  	s2 =	sld [smem:$0x3F8E];
	s0 =	simm.s32 @p1 $0x1  }
0x15: {  	[smem:$0x3FAB] =	sst s0;
	s0 =	simm.s32 @!p2 $0x0  }
0x16: {  	s3 =	sld [smem:$0x3FDB];
	s0 =	simm.s32 @p2 $0x1  }
0x17: {  	s4 =	simm.s32 $0x1BF5;
	[smem:$0x3FAD] =	sst s0  }
0x18: {  	s0 =	sld [smem:$0x3F90];
	_ =	swait.ge [sflag:s4], $0x0  }
0x19: {  	s7 =	sld [smem:$0x3F91]  }
0x1a: {  	s8 =	sadd.s32 $0xFFFFE003, lr  }
0x1b: {  	s9 =	sadd.s32 $0xFFFFFEF7, lr;
	s5 =	simm.s32 $0xFFFFFFFF;
	p2 =	slt.u32 s8, $0xFFFFF086  }
0x1c: {  	p1 =	slt.u32 s9, $0xF7A;
	s5 =	simm.s32 @!p2 $0x0  }
0x1d: {  	s5 =	simm.s32 @p1 $0x1;
	p0 =	seq.s32 s7, s2  }
0x1e: {  	s7 =	smul.u32 @!p0 $0xF7A, s2;
	p2 =	seq.s32 @!p0 s5, $0x0  }
0x1f: {  	s9 =	smul.u32 $0xF7A, s1;
	s8 =	simm.s32 @!p0 $0x1BF5;
	p2 =	por !p2, p0  }
0x20: {  	[sflag:s8] =	ssyncset.s32 @!p0 $0xFFFFF086;
	s6 =	sadd.s32 @!p0 s3, s7;
	s7 =	simm.s32 @!p0 $0x108  }
0x21: {  	s3 =	sadd.s32 s3, s9;
	s6 =	sadd.s32 @!p0 $0x88, s6;
	s7 =	simm.s32 @p2 $0x1082  }
0x22: {  	[simem:s7], [sflag:s8] =	dma.local @!p0 [hbm:s6], $0xF7A  }
0x23: {  	s9 =	sor.u32 $0xD0000000, s2;
	s6 =	simm.s32 $0x108;
	_ =	swait.ge @!p0 [sflag:s8], $0x0  }
0x24: {  	s3 =	sadd.s32 $0x88, s3;
	s6 =	simm.s32 @!p1 $0x1082;
	[sflag:s4] =	ssyncset.s32 $0xFFFFF086  }
0x25: {  	[simem:s6], [sflag:s4] =	dma.local [hbm:s3], $0xF7A  }
0x26: {  	[smem:$0x3F91] =	sst s1;
	(tag) =	ssettag s2;
	_ =	strace s9  }
0x27: {  	s1 =	sld [smem:$0x3FA1]  }
0x28: {  	s2 =	sld [smem:$0x3FA2]  }
0x29: {  	s4 =	sld [smem:$0x3FA4]  }
0x2a: {  	p0 =	seq.s32 s5, $0x0;
	s5 =	sld [smem:$0x3FA5]  }
0x2b: {  	s6 =	sld [smem:$0x3FA6]  }
0x2c: {  	s7 =	sld [smem:$0x3FA7]  }
0x2d: {  	s3 =	simm.s32 $0x108;
	s8 =	sld [smem:$0x3FA8]  }
0x2e: {  	s3 =	simm.s32 @!p0 $0x1082;
	s9 =	sld [smem:$0x3FA9]  }
0x2f: {  	lr =	sadd.s32 s0, s3;
	s0 =	sld [smem:$0x3FA0]  }
0x30: {  	s3 =	sld [smem:$0x3FA3]  }
0x31: {  	[smem:$0x3FAC] =	sst s10  }
0x32: {  	s10 =	sld [smem:$0x3FAA];
	_ =	sdelay $0x3  }
0x33: {  	p0 =	seq.s32 s10, $0x1;
	s10 =	sld [smem:$0x3FAC];
	_ =	sdelay $0x3  }
0x34: {  	[smem:$0x3FAC] =	sst s10  }
0x35: {  	s10 =	sld [smem:$0x3FAB];
	_ =	sdelay $0x3  }
0x36: {  	p1 =	seq.s32 s10, $0x1;
	s10 =	sld [smem:$0x3FAC];
	_ =	sdelay $0x3  }
0x37: {  	[smem:$0x3FAC] =	sst s10  }
0x38: {  	s10 =	sld [smem:$0x3FAD]  }
0x39: {  	_ = 	snop;
	(pc) =	sbr.ind lr, $3  }
0x3a: {  	_ = 	snop  }
0x3b: {  	_ = 	snop  }
0x3c: {  	p2 =	seq.s32 s10, $0x1;
	s10 =	sld [smem:$0x3FAC]  }
0x3d: {  	_ =	shalt  }
0x3e: {  	_ =	shalt  }
0x3f: {  	_ =	shalt  }
0x40: {  	_ =	shalt  }
0x41: {  	_ =	shalt  }
0x42: {  	_ =	shalt  }
0x43: {  	_ =	shalt  }
0x44: {  	_ =	shalt  }
0x45: {  	_ =	shalt  }
0x46: {  	_ =	shalt  }
0x47: {  	_ =	shalt  }
0x48: {  	_ =	shalt  }
0x49: {  	_ =	shalt  }
0x4a: {  	_ =	shalt  }
0x4b: {  	_ =	shalt  }
0x4c: {  	_ =	shalt  }
0x4d: {  	_ =	shalt  }
0x4e: {  	_ =	shalt  }
0x4f: {  	_ =	shalt  }
0x50: {  	_ =	shalt  }
0x51: {  	_ =	shalt  }
0x52: {  	_ =	shalt  }
0x53: {  	_ =	shalt  }
0x54: {  	_ =	shalt  }
0x55: {  	_ =	shalt  }
0x56: {  	_ =	shalt  }
0x57: {  	_ =	shalt  }
0x58: {  	_ =	shalt  }
0x59: {  	_ =	shalt  }
0x5a: {  	_ =	shalt  }
0x5b: {  	_ =	shalt  }
0x5c: {  	_ =	shalt  }
0x5d: {  	_ =	shalt  }
0x5e: {  	_ =	shalt  }
0x5f: {  	_ =	shalt  }
0x60: {  	_ =	shalt  }
0x61: {  	_ =	shalt  }
0x62: {  	_ =	shalt  }
0x63: {  	_ =	shalt  }
0x64: {  	_ =	shalt  }
0x65: {  	_ =	shalt  }
0x66: {  	_ =	shalt  }
0x67: {  	_ =	shalt  }
0x68: {  	_ =	shalt  }
0x69: {  	_ =	shalt  }
0x6a: {  	_ =	shalt  }
0x6b: {  	_ =	shalt  }
0x6c: {  	_ =	shalt  }
0x6d: {  	_ =	shalt  }
0x6e: {  	_ =	shalt  }
0x6f: {  	_ =	shalt  }
0x70: {  	_ =	shalt  }
0x71: {  	_ =	shalt  }
0x72: {  	_ =	shalt  }
0x73: {  	_ =	shalt  }
0x74: {  	_ =	shalt  }
0x75: {  	_ =	shalt  }
0x76: {  	_ =	shalt  }
0x77: {  	_ =	shalt  }
0x78: {  	_ =	shalt  }
0x79: {  	_ =	shalt  }
0x7a: {  	_ =	shalt  }
0x7b: {  	_ =	shalt  }
0x7c: {  	_ =	shalt  }
0x7d: {  	_ =	shalt  }
0x7e: {  	_ =	shalt  }
0x7f: {  	_ =	shalt  }
0x80: {  	_ =	shalt  }
0x81: {  	_ =	shalt  }
0x82: {  	_ =	shalt  }
0x83: {  	_ =	shalt  }
0x84: {  	_ =	shalt  }
0x85: {  	_ =	shalt  }
0x86: {  	_ =	shalt  }
0x87: {  	_ =	shalt  }
.Lfunc_end0:
.L_simem_size_0:
called_computation.1_lowered:
.L_overlay_start_0:
0x88: {  	s2 =	sld [smem:$0x3FD9]  }
0x89: {  	s3 =	sld [smem:$0x3FFE];
	_ =	sdelay $0x1  }
0x8a: {  	s1 =	srdreg.scid  }
0x8b: {  	s0 =	sand.u32 $0x1, s1  }
0x8c: {  	s17 =	sshll.u32 s0, $0xA;
	s2 =	sadd.s32 s3, s2  }
0x8d: {  	s2 =	sadd.s32 s2, s17  }
0x8e: {  	[smem:$0x3FB8] =	sst s2  }
0x8f: {  	_ = 	snop  }
0x90: {  	s18 =	sld [smem:$0x3FC2];
	(tm) =	ssettm $0x1  }
0x91: {  	s19 =	sld [smem:$0x3FFB];
	_ =	sdelay $0x3  }
0x92: {  	_ =	strace s19  }
0x93: {  	s2 =	sld [smem:$0x3FFC];
	_ =	sdelay $0x3  }
0x94: {  	_ =	strace s2  }
0x95: {  	s2 =	sld [smem:$0x3FFD];
	_ =	sdelay $0x3  }
0x96: {  	_ =	strace s2  }
0x97: {  	_ =	strace $0x8FFFFFFF  }
0x98: {  	s20 =	sld [smem:$0x3FDB];
	_ =	sdelay $0x1  }
0x99: {  	s4 =	simm.s32 $_scs_section_size  }
0x9a: {  	s5 =	simm.s32 $_size__tile_overlayer_lowered;
	s6 =	simm.s32 $_tile_overlayer_lowered  }
0x9b: {  	s7 =	simm.s32 $0x1BFF;
	s21 =	sshll.u32 s6, $0x1;
	s4 =	sadd.s32 s4, s20  }
0x9c: {  	s22 =	simm.s32 $0x0;
	s5 =	sshll.u32 s5, $0x1;
	s6 =	sadd.s32 s21, s4  }
0x9d: {  	[timem:s22], [sflag:s7] =	dma.local [hbm:s6], s5  }
0x9e: {  	_ =	swait.ge [sflag:s7], s5  }
0x9f: {  	s5 =	ssub.s32 $0x0, s5;
	[sflag:s7] =	ssyncset.done $0x0  }
0xa0: {  	[sflag:s7] =	ssyncadd.s32 s5;
	_ =	sdelay $0x1  }
0xa1: {  	s23 =	simm.s32 $0x1B8B  }
0xa2: {  	_ =	swait.ge [sflag:s23], $0x1  }
0xa3: {  	[sflag:s23] =	ssyncset.done $0x0  }
0xa4: {  	[sflag:s23] =	ssyncadd.s32 $0xFFFFFFFF  }
0xa5: {  	s5 =	sld [smem:$0x0]  }
0xa6: {  	s6 =	sand.u32 $0xFFFFFFFE, s1  }
0xa7: {  	p0 =	sne.s32 s1, s6  }
0xa8: {  	s6 =	sshll.u32 @p0 s6, $0xE  }
0xa9: {  	s6 =	sadd.s32 @p0 $0x11B8D, s6;
	s7 =	sshll.u32 @p0 s5, $0x11  }
0xaa: {  	s6 =	sor.u32 @p0 s7, s6  }
0xab: {  	[sflag:s6] =	ssyncadd.remote.s32 @p0 $0x1;
	_ =	sdelay $0x1  }
0xac: {  	s6 =	simm.s32 @p0 $0x1B8D  }
0xad: {  	_ =	swait.eq @p0 [sflag:s6], $0x1  }
0xae: {  	[sflag:s6] =	ssyncadd.s32 @p0 $0xFFFFFFFF  }
0xaf: {  	s7 =	sshll.u32 @!p0 s1, $0xE  }
0xb0: {  	s7 =	sor.u32 @!p0 $0x4000, s7;
	s6 =	simm.s32 @!p0 $0x1B8D  }
0xb1: {  	s5 =	sshll.u32 @!p0 s5, $0x11;
	s7 =	sadd.s32 @!p0 $0x11B8D, s7;
	_ =	swait.eq @!p0 [sflag:s6], $0x1  }
0xb2: {  	s5 =	sor.u32 @!p0 s5, s7;
	[sflag:s6] =	ssyncadd.s32 @!p0 $0xFFFFFFFF  }
0xb3: {  	s25 =	simm.s32 $0x1B8E;
	s24 =	sld [smem:$0x3FFE];
	[sflag:s5] =	ssyncadd.remote.s32 @!p0 $0x1  }
0xb4: {  	s26 =	simm.s32 $execute0_lowered;
	[smem:$0x3FD2] =	sst s25  }
0xb5: {  	s6 =	sshll.u32 s26, $0x1;
	_ =	strace $0x80000049;
	[dreg:$0x1] =	wrdreg $0xFFFFFFFF  }
0xb6: {  	s28 =	simm.s32 $_size_execute0_lowered;
	s4 =	sadd.s32 s4, s6;
	[dreg:$0x0] =	wrdreg $0x0  }
0xb7: {  	s6 =	sshll.u32 s28, $0x1;
	[dreg:$0x2] =	wrdreg s4  }
0xb8: {  	[dreg:$0x3] =	wrdreg s6  }
0xb9: {  	[dreg:$0x4] =	wrdreg $0xC0  }
0xba: {  	_ =	task [dreg:s22], $0x5FFFF  }
0xbb: {  	[dreg:$0x1] =	wrdreg $0xFFFFFFFF  }
0xbc: {  	[dreg:$0x0] =	wrdreg $0x60  }
0xbd: {  	[dreg:$0x2] =	wrdreg s18  }
0xbe: {  	[dreg:$0x3] =	wrdreg s24  }
0xbf: {  	[dreg:$0x4] =	wrdreg $0x9  }
0xc0: {  	_ =	task.clear_ibuf [dreg:s22], $0x5FFFF;
	_ =	strace $0x90000049  }
0xc1: {  	s29 =	simm.s32 $0x9;
	_ =	strace $0x8000004B  }
0xc2: {  	_ =	swait.ge [sflag:s29], $0x1  }
0xc3: {  	[sflag:s29] =	ssyncadd.s32 $0xFFFFFFFF  }
0xc4: {  	_ =	strace $0x9000004B  }
0xc5: {  	_ =	sfence  }
0xc6: {  	s30 =	sld [smem:$0x0];
	_ =	sdelay $0x2  }
0xc7: {  	s31 =	sshll.u32 s1, $0xD;
	s1 =	sshrl.u32 s1, $0x2  }
0xc8: {  	s4 =	sand.u32 $0x4000, s31;
	s1 =	sadd.s32 s1, s30  }
0xc9: {  	s0 =	sor.u32 s4, s0;
	s1 =	sshll.u32 s1, $0x11  }
0xca: {  	s0 =	sor.u32 s1, s0  }
0xcb: {  	s0 =	sadd.s32 $0x8F2B, s0  }
0xcc: {  	[sflag:s0] =	ssyncadd.remote.s32 $0x1  }
0xcd: {  	_ =	sfence.sel $0xFFFF  }
0xce: {  	[dreg:$0x0] =	wrdreg $0xFFFFFFFF;
	(pc) =	sbr.abs _section_cstart, $3  }
0xcf: {  	[dreg:$0x1] =	wrdreg $0xFFFFFFFF  }
0xd0: {  	_ =	task.clear_ibuf [dreg:s22], $0x2FFFF;
	_ =	strace $0x9FFFFFFF  }
0xd1: {  	(tm) =	ssettm $0x7FFFFFFF  }
tec
execute0_lowered:
.L_overlay_start_1:
0x0: {  	(tag) =	ssettag $0x1  }
0x1: {  	s0 =	stileid.u32;
	s2 =	rddreg [dreg:$0x0]  }
0x2: {  	s1 =	srdreg.scid;
	s9 =	rddreg [dreg:$0x1]  }
0x3: {  	s4 =	simm.s32 $0x1;
	s6 =	simm.s32 $0x2;
	s11 =	simm.s32 $0x1  }
0x4: {  	s31 =	simm.s32 $0x3;
	s1 =	sand.u32 $0x1, s1;
	s3 =	sshll.u32 s0, $0x1  }
0x5: {  	s13 =	simm.s32 $0x0;
	s12 =	simm.s32 $0x0;
	s7 =	sor.u32 s3, s1  }
0x6: {  	s1 =	rddreg [dreg:$0x2];
	_ =	strace $0x8000004A;
	s3 =	smul.u32 $0x280, s7  }
0x7: {  	[sflag:s4] =	ssyncpa.u1 $0x0;
	p0 =	seq.s32 s7, $0x0;
	s7 =	simm.s32 $0x5000  }
0x8: {  	s7 =	simm.s32 @!p0 $0x0;
	s11 =	simm.s32 @!p0 $0x0;
	[sflag:s6] =	ssyncpa.u1 $0x0  }
.Ltmp0:
0x9: {  	s5 =	sshrl.u32 s3, $0x3;
	s10 =	ssub.s32 $0x5000, s3;
	(pc) =	sbr.rel .LBB2_1-.Ltmp0, $4  }
0xa: {  	[sflag:s31] =	ssyncpa.u1 $0x0;
	p0 =	sne.s32 s10, s7;
	s7 =	simm.s32 $0x1  }
0xb: {  	s8 =	sadd.s32 s5, s9;
	s5 =	sadd.s32 $0x4800, s9;
	s7 =	simm.s32 @!p0 $0x0  }
0xc: {  	s9 =	sadd.s32 $0x9800, s9;
	s8 =	sadd.s32 $0x3E00, s8;
	s7 =	sadd.s32 s11, s7  }
0xd: {  	vm0 =	vmmov $0xffff;
	p0 =	por $0x0, $0x0;
	s11 =	simm.s32 $0x0;
	s10 =	sadd.s32 $0x1, s7  }
.LBB2_4:
0xe: {  	_ =	sdelay $0x3  }
0xf: {  	[tilespmem:s19], [sflag:$0x1] =	stream.indirect_vreg.gather [hbm4b:s2+s11], $0x1, v0, vm0, $0x4038;
	[tilespmem:$0x5500] =	vst v63  }
0x10: {  	_ =	swait.ge [sflag:s4], $0x2800  }
0x11: {  	[sflag:s4] =	ssyncset.done $0x0  }
0x12: {  	s16 =	sadd.s32 s5, s13;
	[sflag:s4] =	ssyncadd.s32 $0xFFFFD800  }
0x13: {  	[hbm:s16] =	stream.linear.scatter [tilespmem:s15], [sflag:$0x3], $0x1400, $0x38;
	[tilespmem:$0x5500] =	vst v63  }
0x14: {  	s14 =	sadd.s32 $0x1900, s14;
	s31 =	sadd.s32 s13, s9  }
0x15: {  	[hbm:s31] =	stream.linear.scatter [tilespmem:s14], [sflag:$0x3], $0x1400, $0x38;
	[tilespmem:$0x5500] =	vst v63  }
.LBB2_5:
0x16: {  	p2 =	sne.s32 s12, s10  }
.Ltmp1:
0x17: {  	p1 =	slt.u32 s12, $0x2;
	(pc) =	sbr.rel @!p2 .LBB2_6-.Ltmp1, $4  }
0x18: {  	s13 =	simm.s32 @!p1 $0x3  }
0x19: {  	_ =	swait.ge @!p1 [sflag:s13], $0x2800  }
0x1a: {  	s14 =	sadd.s32 $0x1, s12;
	p0 =	por !p0, !p0;
	[sflag:s13] =	ssyncset.done @!p1 $0x0  }
0x1b: {  	s12 =	smov.u32 s14;
	[sflag:s13] =	ssyncadd.s32 @!p1 $0xFFFFD800;
	s13 =	smov.u32 s3  }
.LBB2_1:
0x1c: {  	p1 =	sge.u32 s12, s7  }
0x1d: {  	s14 =	sxor.u32 @!p1 $0x1, s12  }
0x1e: {  	s14 =	smul.u32 @!p1 $0xA00, s14;
	_ =	sdelay $0x1  }
0x1f: {  	s31 =	sadd.s32 $0xFFFFFFFF, s12;
	s15 =	simm.s32 @!p1 $0x0;
	s14 =	sshra.s32 @!p1 s14, $0x2  }
0x20: {  	[tilespmem:s14], [sflag:$0x2] =	stream.linear.gather @!p1 [hbm4b:s8+s15], $0x280, $0x38;
	[tilespmem:$0x5500] =	vst v63  }
0x21: {  	p1 =	sge.u32 s31, s7  }
.Ltmp2:
0x22: {  	_ = 	snop;
	(pc) =	sbr.rel @p1 .LBB2_5-.Ltmp2, $1  }
0x23: {  	_ =	sdelay $0x3  }
0x24: {  	s14 =	simm.s32 $0x1  }
0x25: {  	s14 =	simm.s32 @!p0 $0x0  }
0x26: {  	_ =	swait.ge [sflag:s6], $0x280;
	s14 =	smul.u32 $0xA00, s14  }
0x27: {  	[sflag:s6] =	ssyncset.done $0x0  }
0x28: {  	[sflag:s6] =	ssyncadd.s32 $0xFFFFFD80;
	s17 =	sshrl.u32 s14, $0x2  }
0x29: {  	v0 =	vld.msk [tilespmem:s17+$0x0 ss:$0x1], $0xffff;
	_ =	sdelay $0x4  }
0x2a: {  	vm1 =	vgt.s32 v0, $0x0  }
0x2b: {  	v0 =	vnsel vm1, $0x0, v0  }
0x2c: {  	v0 =	vmin.u32 v0, $0xF423F  }
0x2d: {  	s30 =	sand.u32 $0x1, s12;
	v1 =	vshll.u32 v0, $0x3  }
0x2e: {  	s14 =	smul.u32 $0xA000, s30;
	v0 =	vand.u32 $0x7F, v0;
	v1 =	vand.u32 $0x7FFC00, v1  }
0x2f: {  	v0 =	vor.u32 v0, v1  }
0x30: {  	s16 =	simm.s32 $0x0;
	s14 =	sshrl.u32 s14, $0x2  }
0x31: {  	s18 =	sand.u32 $0x1C00, s16;
	s15 =	sor.u32 $0x500, s14  }
0x32: {  	s19 =	sand.u32 $0x70, s16;
	(ifvalue) =	ssetifvalue $0x7FFFFFFF;
	s18 =	sadd.s32 s18, s15;
	v1 =	vor.u32 $0x80, v0  }
0x33: {  	(ifvalue) =	ssetifvalue $0x7FFFFFFF;
	s18 =	sadd.s32 s19, s18  }
0x34: {  	[tilespmem:s18], [sflag:$0x1] =	stream.indirect_vreg.gather [hbm4b:s2+s11], $0x1, v0, vm0, $0x4038;
	[tilespmem:$0x5500] =	vst v63  }
0x35: {  	v2 =	vor.u32 $0x100, v0;
	(ifvalue) =	ssetifvalue $0x7FFFFFFF  }
0x36: {  	s19 =	sadd.s32 $0x80, s18;
	(ifvalue) =	ssetifvalue $0x7FFFFFFF  }
0x37: {  	[tilespmem:s19], [sflag:$0x1] =	stream.indirect_vreg.gather [hbm4b:s2+s11], $0x1, v1, vm0, $0x4038;
	[tilespmem:$0x5500] =	vst v63  }
0x38: {  	v1 =	vor.u32 $0x180, v0;
	(ifvalue) =	ssetifvalue $0x7FFFFFFF  }
0x39: {  	s31 =	sadd.s32 $0x100, s18;
	(ifvalue) =	ssetifvalue $0x7FFFFFFF  }
0x3a: {  	[tilespmem:s31], [sflag:$0x1] =	stream.indirect_vreg.gather [hbm4b:s2+s11], $0x1, v2, vm0, $0x4038;
	[tilespmem:$0x5500] =	vst v63  }
0x3b: {  	v2 =	vor.u32 $0x200, v0;
	(ifvalue) =	ssetifvalue $0x7FFFFFFF  }
0x3c: {  	s20 =	sadd.s32 $0x180, s18;
	(ifvalue) =	ssetifvalue $0x7FFFFFFF  }
0x3d: {  	[tilespmem:s20], [sflag:$0x1] =	stream.indirect_vreg.gather [hbm4b:s2+s11], $0x1, v1, vm0, $0x4038;
	[tilespmem:$0x5500] =	vst v63  }
0x3e: {  	(ifvalue) =	ssetifvalue $0x7FFFFFFF;
	v1 =	vor.u32 $0x280, v0  }
0x3f: {  	s21 =	sadd.s32 $0x200, s18;
	(ifvalue) =	ssetifvalue $0x7FFFFFFF  }
0x40: {  	[tilespmem:s21], [sflag:$0x1] =	stream.indirect_vreg.gather [hbm4b:s2+s11], $0x1, v2, vm0, $0x4038;
	[tilespmem:$0x5500] =	vst v63  }
0x41: {  	(ifvalue) =	ssetifvalue $0x7FFFFFFF;
	v2 =	vor.u32 $0x300, v0  }
0x42: {  	s22 =	sadd.s32 $0x280, s18;
	(ifvalue) =	ssetifvalue $0x7FFFFFFF  }
0x43: {  	[tilespmem:s22], [sflag:$0x1] =	stream.indirect_vreg.gather [hbm4b:s2+s11], $0x1, v1, vm0, $0x4038;
	[tilespmem:$0x5500] =	vst v63  }
0x44: {  	(ifvalue) =	ssetifvalue $0x7FFFFFFF;
	v1 =	vor.u32 $0x380, v0  }
0x45: {  	s16 =	sor.u32 s16, s16;
	s23 =	sadd.s32 $0x300, s18;
	(ifvalue) =	ssetifvalue $0x7FFFFFFF  }
0x46: {  	[tilespmem:s23], [sflag:$0x1] =	stream.indirect_vreg.gather [hbm4b:s2+s11], $0x1, v2, vm0, $0x4038;
	[tilespmem:$0x5500] =	vst v63  }
0x47: {  	s16 =	sor.u32 $0x380, s16;
	(ifvalue) =	ssetifvalue $0x7FFFFFFF;
	v2 =	vadd.s32 $0x7A1400, v0  }
0x48: {  	s16 =	sadd.s32 s16, s15;
	(ifvalue) =	ssetifvalue $0x7FFFFFFF  }
0x49: {  	[tilespmem:s16], [sflag:$0x1] =	stream.indirect_vreg.gather [hbm4b:s2+s11], $0x1, v1, vm0, $0x4038;
	[tilespmem:$0x5500] =	vst v63  }
0x4a: {  	(ifvalue) =	ssetifvalue $0x7FFFFFFF;
	v1 =	vadd.s32 $0x7A1480, v0  }
0x4b: {  	s24 =	sadd.s32 $0x1400, s18;
	(ifvalue) =	ssetifvalue $0x7FFFFFFF  }
0x4c: {  	[tilespmem:s24], [sflag:$0x1] =	stream.indirect_vreg.gather [hbm4b:s2+s11], $0x1, v2, vm0, $0x4038;
	[tilespmem:$0x5500] =	vst v63  }
0x4d: {  	(ifvalue) =	ssetifvalue $0x7FFFFFFF;
	v2 =	vadd.s32 $0x7A1500, v0  }
0x4e: {  	s25 =	sadd.s32 $0x1480, s18;
	(ifvalue) =	ssetifvalue $0x7FFFFFFF  }
0x4f: {  	[tilespmem:s25], [sflag:$0x1] =	stream.indirect_vreg.gather [hbm4b:s2+s11], $0x1, v1, vm0, $0x4038;
	[tilespmem:$0x5500] =	vst v63  }
0x50: {  	(ifvalue) =	ssetifvalue $0x7FFFFFFF;
	v1 =	vadd.s32 $0x7A1580, v0  }
0x51: {  	s26 =	sadd.s32 $0x1500, s18;
	(ifvalue) =	ssetifvalue $0x7FFFFFFF  }
0x52: {  	[tilespmem:s26], [sflag:$0x1] =	stream.indirect_vreg.gather [hbm4b:s2+s11], $0x1, v2, vm0, $0x4038;
	[tilespmem:$0x5500] =	vst v63  }
0x53: {  	(ifvalue) =	ssetifvalue $0x7FFFFFFF;
	v2 =	vadd.s32 $0x7A1600, v0  }
0x54: {  	s28 =	sadd.s32 $0x1580, s18;
	(ifvalue) =	ssetifvalue $0x7FFFFFFF  }
0x55: {  	[tilespmem:s28], [sflag:$0x1] =	stream.indirect_vreg.gather [hbm4b:s2+s11], $0x1, v1, vm0, $0x4038;
	[tilespmem:$0x5500] =	vst v63  }
0x56: {  	(ifvalue) =	ssetifvalue $0x7FFFFFFF;
	v1 =	vadd.s32 $0x7A1680, v0  }
0x57: {  	s29 =	sadd.s32 $0x1600, s18;
	(ifvalue) =	ssetifvalue $0x7FFFFFFF  }
0x58: {  	[tilespmem:s29], [sflag:$0x1] =	stream.indirect_vreg.gather [hbm4b:s2+s11], $0x1, v2, vm0, $0x4038;
	[tilespmem:$0x5500] =	vst v63  }
0x59: {  	(ifvalue) =	ssetifvalue $0x7FFFFFFF;
	v2 =	vadd.s32 $0x7A1700, v0  }
0x5a: {  	s30 =	sadd.s32 $0x1680, s18;
	(ifvalue) =	ssetifvalue $0x7FFFFFFF  }
0x5b: {  	[tilespmem:s30], [sflag:$0x1] =	stream.indirect_vreg.gather [hbm4b:s2+s11], $0x1, v1, vm0, $0x4038;
	[tilespmem:$0x5500] =	vst v63  }
0x5c: {  	v0 =	vadd.s32 $0x7A1780, v0;
	(ifvalue) =	ssetifvalue $0x7FFFFFFF  }
0x5d: {  	s31 =	sadd.s32 $0x1700, s18;
	(ifvalue) =	ssetifvalue $0x7FFFFFFF  }
0x5e: {  	[tilespmem:s31], [sflag:$0x1] =	stream.indirect_vreg.gather [hbm4b:s2+s11], $0x1, v2, vm0, $0x4038;
	[tilespmem:$0x5500] =	vst v63  }
0x5f: {  	s17 =	sadd.s32 $0x10, s17;
	s19 =	sadd.s32 $0x1780, s18;
	(ifvalue) =	ssetifvalue $0x7FFFFFFF  }
0x60: {  	s18 =	simm.s32 $0x80;
	s16 =	simm.s32 $0x10;
	(ifvalue) =	ssetifvalue $0x7FFFFFFF  }
.LBB2_3:
0x61: {  	[tilespmem:s19], [sflag:$0x1] =	stream.indirect_vreg.gather [hbm4b:s2+s11], $0x1, v0, vm0, $0x4038;
	[tilespmem:$0x5500] =	vst v63  }
0x62: {  	p1 =	sne.s32 s16, $0x270;
	s20 =	smov.u32 s16;
	s16 =	sadd.s32 $0x10, s16;
	v0 =	vld.msk [tilespmem:s17+$0x0 ss:$0x1], $0xffff  }
0x63: {  	(ifvalue) =	ssetifvalue $0x7FFFFFFF;
	_ =	sdelay $0x4  }
0x64: {  	vm1 =	vgt.s32 v0, $0x0  }
0x65: {  	v0 =	vnsel vm1, $0x0, v0  }
0x66: {  	v0 =	vmin.u32 v0, $0xF423F  }
0x67: {  	v1 =	vshll.u32 v0, $0x3  }
0x68: {  	v0 =	vand.u32 $0x7F, v0;
	v1 =	vand.u32 $0x7FFC00, v1  }
0x69: {  	v0 =	vor.u32 v0, v1;
	_ =	sdelay $0x1  }
0x6a: {  	s19 =	sand.u32 $0x1C00, s18  }
0x6b: {  	s21 =	sand.u32 $0x70, s20;
	s19 =	sadd.s32 s19, s15;
	v1 =	vor.u32 $0x80, v0  }
0x6c: {  	s19 =	sadd.s32 s21, s19;
	(ifvalue) =	ssetifvalue $0x7FFFFFFF  }
0x6d: {  	[tilespmem:s19], [sflag:$0x1] =	stream.indirect_vreg.gather [hbm4b:s2+s11], $0x1, v0, vm0, $0x4038;
	[tilespmem:$0x5500] =	vst v63  }
0x6e: {  	v2 =	vor.u32 $0x100, v0;
	(ifvalue) =	ssetifvalue $0x7FFFFFFF  }
0x6f: {  	s21 =	sadd.s32 $0x80, s19;
	(ifvalue) =	ssetifvalue $0x7FFFFFFF  }
0x70: {  	[tilespmem:s21], [sflag:$0x1] =	stream.indirect_vreg.gather [hbm4b:s2+s11], $0x1, v1, vm0, $0x4038;
	[tilespmem:$0x5500] =	vst v63  }
0x71: {  	v1 =	vor.u32 $0x180, v0;
	(ifvalue) =	ssetifvalue $0x7FFFFFFF  }
0x72: {  	s21 =	sadd.s32 $0x100, s19;
	(ifvalue) =	ssetifvalue $0x7FFFFFFF  }
0x73: {  	[tilespmem:s21], [sflag:$0x1] =	stream.indirect_vreg.gather [hbm4b:s2+s11], $0x1, v2, vm0, $0x4038;
	[tilespmem:$0x5500] =	vst v63  }
0x74: {  	v2 =	vor.u32 $0x200, v0;
	(ifvalue) =	ssetifvalue $0x7FFFFFFF  }
0x75: {  	s21 =	sadd.s32 $0x180, s19;
	(ifvalue) =	ssetifvalue $0x7FFFFFFF  }
0x76: {  	[tilespmem:s21], [sflag:$0x1] =	stream.indirect_vreg.gather [hbm4b:s2+s11], $0x1, v1, vm0, $0x4038;
	[tilespmem:$0x5500] =	vst v63  }
0x77: {  	v1 =	vor.u32 $0x280, v0;
	(ifvalue) =	ssetifvalue $0x7FFFFFFF  }
0x78: {  	s21 =	sadd.s32 $0x200, s19;
	(ifvalue) =	ssetifvalue $0x7FFFFFFF  }
0x79: {  	[tilespmem:s21], [sflag:$0x1] =	stream.indirect_vreg.gather [hbm4b:s2+s11], $0x1, v2, vm0, $0x4038;
	[tilespmem:$0x5500] =	vst v63  }
0x7a: {  	v2 =	vor.u32 $0x300, v0;
	(ifvalue) =	ssetifvalue $0x7FFFFFFF  }
0x7b: {  	s21 =	sadd.s32 $0x280, s19;
	(ifvalue) =	ssetifvalue $0x7FFFFFFF  }
0x7c: {  	[tilespmem:s21], [sflag:$0x1] =	stream.indirect_vreg.gather [hbm4b:s2+s11], $0x1, v1, vm0, $0x4038;
	[tilespmem:$0x5500] =	vst v63  }
0x7d: {  	v1 =	vor.u32 $0x380, v0;
	(ifvalue) =	ssetifvalue $0x7FFFFFFF  }
0x7e: {  	s20 =	sor.u32 s18, s20;
	s21 =	sadd.s32 $0x300, s19;
	(ifvalue) =	ssetifvalue $0x7FFFFFFF  }
0x7f: {  	[tilespmem:s21], [sflag:$0x1] =	stream.indirect_vreg.gather [hbm4b:s2+s11], $0x1, v2, vm0, $0x4038;
	[tilespmem:$0x5500] =	vst v63  }
0x80: {  	s20 =	sor.u32 $0x380, s20;
	v2 =	vadd.s32 $0x7A1400, v0;
	(ifvalue) =	ssetifvalue $0x7FFFFFFF  }
0x81: {  	s20 =	sadd.s32 s20, s15;
	(ifvalue) =	ssetifvalue $0x7FFFFFFF  }
0x82: {  	[tilespmem:s20], [sflag:$0x1] =	stream.indirect_vreg.gather [hbm4b:s2+s11], $0x1, v1, vm0, $0x4038;
	[tilespmem:$0x5500] =	vst v63  }
0x83: {  	v1 =	vadd.s32 $0x7A1480, v0;
	(ifvalue) =	ssetifvalue $0x7FFFFFFF  }
0x84: {  	s20 =	sadd.s32 $0x1400, s19;
	(ifvalue) =	ssetifvalue $0x7FFFFFFF  }
0x85: {  	[tilespmem:s20], [sflag:$0x1] =	stream.indirect_vreg.gather [hbm4b:s2+s11], $0x1, v2, vm0, $0x4038;
	[tilespmem:$0x5500] =	vst v63  }
0x86: {  	v2 =	vadd.s32 $0x7A1500, v0;
	(ifvalue) =	ssetifvalue $0x7FFFFFFF  }
0x87: {  	s20 =	sadd.s32 $0x1480, s19;
	(ifvalue) =	ssetifvalue $0x7FFFFFFF  }
0x88: {  	[tilespmem:s20], [sflag:$0x1] =	stream.indirect_vreg.gather [hbm4b:s2+s11], $0x1, v1, vm0, $0x4038;
	[tilespmem:$0x5500] =	vst v63  }
0x89: {  	v1 =	vadd.s32 $0x7A1580, v0;
	(ifvalue) =	ssetifvalue $0x7FFFFFFF  }
0x8a: {  	s20 =	sadd.s32 $0x1500, s19;
	(ifvalue) =	ssetifvalue $0x7FFFFFFF  }
0x8b: {  	[tilespmem:s20], [sflag:$0x1] =	stream.indirect_vreg.gather [hbm4b:s2+s11], $0x1, v2, vm0, $0x4038;
	[tilespmem:$0x5500] =	vst v63  }
0x8c: {  	v2 =	vadd.s32 $0x7A1600, v0;
	(ifvalue) =	ssetifvalue $0x7FFFFFFF  }
0x8d: {  	s20 =	sadd.s32 $0x1580, s19;
	(ifvalue) =	ssetifvalue $0x7FFFFFFF  }
0x8e: {  	[tilespmem:s20], [sflag:$0x1] =	stream.indirect_vreg.gather [hbm4b:s2+s11], $0x1, v1, vm0, $0x4038;
	[tilespmem:$0x5500] =	vst v63  }
0x8f: {  	v1 =	vadd.s32 $0x7A1680, v0;
	(ifvalue) =	ssetifvalue $0x7FFFFFFF  }
0x90: {  	s20 =	sadd.s32 $0x1600, s19;
	(ifvalue) =	ssetifvalue $0x7FFFFFFF  }
0x91: {  	[tilespmem:s20], [sflag:$0x1] =	stream.indirect_vreg.gather [hbm4b:s2+s11], $0x1, v2, vm0, $0x4038;
	[tilespmem:$0x5500] =	vst v63  }
0x92: {  	v2 =	vadd.s32 $0x7A1700, v0;
	(ifvalue) =	ssetifvalue $0x7FFFFFFF  }
0x93: {  	s20 =	sadd.s32 $0x1680, s19;
	(ifvalue) =	ssetifvalue $0x7FFFFFFF  }
0x94: {  	[tilespmem:s20], [sflag:$0x1] =	stream.indirect_vreg.gather [hbm4b:s2+s11], $0x1, v1, vm0, $0x4038;
	[tilespmem:$0x5500] =	vst v63  }
.Ltmp3:
0x95: {  	v0 =	vadd.s32 $0x7A1780, v0;
	(ifvalue) =	ssetifvalue $0x7FFFFFFF;
	(pc) =	sbr.rel @p1 .LBB2_3-.Ltmp3, $4  }
0x96: {  	s20 =	sadd.s32 $0x1700, s19;
	(ifvalue) =	ssetifvalue $0x7FFFFFFF  }
0x97: {  	[tilespmem:s20], [sflag:$0x1] =	stream.indirect_vreg.gather [hbm4b:s2+s11], $0x1, v2, vm0, $0x4038;
	[tilespmem:$0x5500] =	vst v63  }
0x98: {  	s17 =	sadd.s32 $0x10, s17;
	(ifvalue) =	ssetifvalue $0x7FFFFFFF  }
0x99: {  	s18 =	sadd.s32 $0x80, s18;
	s19 =	sadd.s32 $0x1780, s19;
	(ifvalue) =	ssetifvalue $0x7FFFFFFF  }
.Ltmp4:
0x9a: {  	_ = 	snop;
	(pc) =	sbr.rel .LBB2_4-.Ltmp4, $1  }
0x9b: {  	_ =	sdelay $0x3  }
.LBB2_6:
0x9c: {  	_ =	sfence.sel $0x180000  }
0x9d: {  	s2 =	simm.s32 $0x2;
	[bflag:$0x0] =	sbarrier.arrive $0xFFFF  }
0x9e: {  	s30 =	simm.s32 $0x3;
	[sflag:s2] =	ssyncpa.u1 $0x1  }
0x9f: {  	s31 =	simm.s32 $0x1;
	[sflag:s30] =	ssyncpa.u1 $0x1  }
0xa0: {  	[sflag:s31] =	ssyncpa.u1 $0x1  }
0xa1: {  	p0 =	sne.s32 s0, $0x0;
	_ =	strace $0x9000004A  }
0xa2: {  	s0 =	sadd.s32 @!p0 $0x100000, s1;
	[bflag:$0x2] =	sbarrier.arrive $0xFFFF  }
0xa3: {  	[sflag:s0] =	ssyncadd.tile.s32 @!p0 $0x1;
	_ =	shalt  }
.Lfunc_end2:
_tile_overlayer_lowered:
.L_overlay_start_2:
0xa4: {  	(tag) =	ssettag $0x2  }
0xa5: {  	s0 =	rddreg [dreg:$0x0];
	s2 =	stileid.u32  }
0xa6: {  	s1 =	rddreg [dreg:$0x1];
	p0 =	sne.s32 s2, $0x0  }
0xa7: {  	s3 =	rddreg [dreg:$0x2];
	[bflag:$0x3] =	sbarrier.arrive $0xFFFF;
	s2 =	simm.s32 @!p0 $0x1C01  }
0xa8: {  	[timem:s3], [sflag:s2] =	dma.local @!p0 [hbm:s0], s1  }
0xa9: {  	s0 =	simm.s32 @!p0 $0x1  }
0xaa: {  	_ =	swait.ge @!p0 [sflag:s0], s1  }
0xab: {  	s1 =	ssub.s32 @!p0 $0x0, s1;
	[sflag:s0] =	ssyncset.done @!p0 $0x0  }
0xac: {  	[sflag:s0] =	ssyncadd.s32 @!p0 s1  }
0xad: {  	[bflag:$0x3] =	sbarrier.arrive $0xFFFF  }
0xae: {  	_ =	shalt  }

// kernel: gather_offload_async_start
scs
__scs_entry_jumppad:
0x0: {  	(pc) =	sbr.rel $0x88, $3  }
0x1: {  	(tag) =	ssettag $0x0;
	lr =	simm.s32 $0x1  }
0x2: {  	[smem:$0x3F91] =	sst lr;
	_ =	strace $0xD0000000  }
0x3: {  	_ = 	snop  }
0x4: {  	_ = 	snop  }
0x5: {  	_ = 	snop  }
0x6: {  	_ = 	snop  }
0x7: {  	_ = 	snop  }
__scs_overlays_trampoline_lowered:
0x8: {  	[smem:$0x3FA0] =	sst s0  }
0x9: {  	[smem:$0x3FA1] =	sst s1  }
0xa: {  	[smem:$0x3FA2] =	sst s2  }
0xb: {  	[smem:$0x3FA3] =	sst s3  }
0xc: {  	[smem:$0x3FA4] =	sst s4  }
0xd: {  	[smem:$0x3FA5] =	sst s5  }
0xe: {  	[smem:$0x3FA6] =	sst s6  }
0xf: {  	[smem:$0x3FA7] =	sst s7  }
0x10: {  	[smem:$0x3FA8] =	sst s8  }
0x11: {  	[smem:$0x3FA9] =	sst s9;
	s0 =	simm.s32 @!p0 $0x0  }
0x12: {  	s1 =	sld [smem:$0x3F8F];
	s0 =	simm.s32 @p0 $0x1  }
0x13: {  	[smem:$0x3FAA] =	sst s0;
	s0 =	simm.s32 @!p1 $0x0  }
0x14: {  	s2 =	sld [smem:$0x3F8E];
	s0 =	simm.s32 @p1 $0x1  }
0x15: {  	[smem:$0x3FAB] =	sst s0;
	s0 =	simm.s32 @!p2 $0x0  }
0x16: {  	s3 =	sld [smem:$0x3FDB];
	s0 =	simm.s32 @p2 $0x1  }
0x17: {  	s4 =	simm.s32 $0x1BF5;
	[smem:$0x3FAD] =	sst s0  }
0x18: {  	s0 =	sld [smem:$0x3F90];
	_ =	swait.ge [sflag:s4], $0x0  }
0x19: {  	s7 =	sld [smem:$0x3F91]  }
0x1a: {  	s8 =	sadd.s32 $0xFFFFE003, lr  }
0x1b: {  	s9 =	sadd.s32 $0xFFFFFEF7, lr;
	s5 =	simm.s32 $0xFFFFFFFF;
	p2 =	slt.u32 s8, $0xFFFFF086  }
0x1c: {  	p1 =	slt.u32 s9, $0xF7A;
	s5 =	simm.s32 @!p2 $0x0  }
0x1d: {  	s5 =	simm.s32 @p1 $0x1;
	p0 =	seq.s32 s7, s2  }
0x1e: {  	s7 =	smul.u32 @!p0 $0xF7A, s2;
	p2 =	seq.s32 @!p0 s5, $0x0  }
0x1f: {  	s9 =	smul.u32 $0xF7A, s1;
	s8 =	simm.s32 @!p0 $0x1BF5;
	p2 =	por !p2, p0  }
0x20: {  	[sflag:s8] =	ssyncset.s32 @!p0 $0xFFFFF086;
	s6 =	sadd.s32 @!p0 s3, s7;
	s7 =	simm.s32 @!p0 $0x108  }
0x21: {  	s3 =	sadd.s32 s3, s9;
	s6 =	sadd.s32 @!p0 $0x88, s6;
	s7 =	simm.s32 @p2 $0x1082  }
0x22: {  	[simem:s7], [sflag:s8] =	dma.local @!p0 [hbm:s6], $0xF7A  }
0x23: {  	s9 =	sor.u32 $0xD0000000, s2;
	s6 =	simm.s32 $0x108;
	_ =	swait.ge @!p0 [sflag:s8], $0x0  }
0x24: {  	s3 =	sadd.s32 $0x88, s3;
	s6 =	simm.s32 @!p1 $0x1082;
	[sflag:s4] =	ssyncset.s32 $0xFFFFF086  }
0x25: {  	[simem:s6], [sflag:s4] =	dma.local [hbm:s3], $0xF7A  }
0x26: {  	[smem:$0x3F91] =	sst s1;
	(tag) =	ssettag s2;
	_ =	strace s9  }
0x27: {  	s1 =	sld [smem:$0x3FA1]  }
0x28: {  	s2 =	sld [smem:$0x3FA2]  }
0x29: {  	s4 =	sld [smem:$0x3FA4]  }
0x2a: {  	p0 =	seq.s32 s5, $0x0;
	s5 =	sld [smem:$0x3FA5]  }
0x2b: {  	s6 =	sld [smem:$0x3FA6]  }
0x2c: {  	s7 =	sld [smem:$0x3FA7]  }
0x2d: {  	s3 =	simm.s32 $0x108;
	s8 =	sld [smem:$0x3FA8]  }
0x2e: {  	s3 =	simm.s32 @!p0 $0x1082;
	s9 =	sld [smem:$0x3FA9]  }
0x2f: {  	lr =	sadd.s32 s0, s3;
	s0 =	sld [smem:$0x3FA0]  }
0x30: {  	s3 =	sld [smem:$0x3FA3]  }
0x31: {  	[smem:$0x3FAC] =	sst s10  }
0x32: {  	s10 =	sld [smem:$0x3FAA];
	_ =	sdelay $0x3  }
0x33: {  	p0 =	seq.s32 s10, $0x1;
	s10 =	sld [smem:$0x3FAC];
	_ =	sdelay $0x3  }
0x34: {  	[smem:$0x3FAC] =	sst s10  }
0x35: {  	s10 =	sld [smem:$0x3FAB];
	_ =	sdelay $0x3  }
0x36: {  	p1 =	seq.s32 s10, $0x1;
	s10 =	sld [smem:$0x3FAC];
	_ =	sdelay $0x3  }
0x37: {  	[smem:$0x3FAC] =	sst s10  }
0x38: {  	s10 =	sld [smem:$0x3FAD]  }
0x39: {  	_ = 	snop;
	(pc) =	sbr.ind lr, $3  }
0x3a: {  	_ = 	snop  }
0x3b: {  	_ = 	snop  }
0x3c: {  	p2 =	seq.s32 s10, $0x1;
	s10 =	sld [smem:$0x3FAC]  }
0x3d: {  	_ =	shalt  }
0x3e: {  	_ =	shalt  }
0x3f: {  	_ =	shalt  }
0x40: {  	_ =	shalt  }
0x41: {  	_ =	shalt  }
0x42: {  	_ =	shalt  }
0x43: {  	_ =	shalt  }
0x44: {  	_ =	shalt  }
0x45: {  	_ =	shalt  }
0x46: {  	_ =	shalt  }
0x47: {  	_ =	shalt  }
0x48: {  	_ =	shalt  }
0x49: {  	_ =	shalt  }
0x4a: {  	_ =	shalt  }
0x4b: {  	_ =	shalt  }
0x4c: {  	_ =	shalt  }
0x4d: {  	_ =	shalt  }
0x4e: {  	_ =	shalt  }
0x4f: {  	_ =	shalt  }
0x50: {  	_ =	shalt  }
0x51: {  	_ =	shalt  }
0x52: {  	_ =	shalt  }
0x53: {  	_ =	shalt  }
0x54: {  	_ =	shalt  }
0x55: {  	_ =	shalt  }
0x56: {  	_ =	shalt  }
0x57: {  	_ =	shalt  }
0x58: {  	_ =	shalt  }
0x59: {  	_ =	shalt  }
0x5a: {  	_ =	shalt  }
0x5b: {  	_ =	shalt  }
0x5c: {  	_ =	shalt  }
0x5d: {  	_ =	shalt  }
0x5e: {  	_ =	shalt  }
0x5f: {  	_ =	shalt  }
0x60: {  	_ =	shalt  }
0x61: {  	_ =	shalt  }
0x62: {  	_ =	shalt  }
0x63: {  	_ =	shalt  }
0x64: {  	_ =	shalt  }
0x65: {  	_ =	shalt  }
0x66: {  	_ =	shalt  }
0x67: {  	_ =	shalt  }
0x68: {  	_ =	shalt  }
0x69: {  	_ =	shalt  }
0x6a: {  	_ =	shalt  }
0x6b: {  	_ =	shalt  }
0x6c: {  	_ =	shalt  }
0x6d: {  	_ =	shalt  }
0x6e: {  	_ =	shalt  }
0x6f: {  	_ =	shalt  }
0x70: {  	_ =	shalt  }
0x71: {  	_ =	shalt  }
0x72: {  	_ =	shalt  }
0x73: {  	_ =	shalt  }
0x74: {  	_ =	shalt  }
0x75: {  	_ =	shalt  }
0x76: {  	_ =	shalt  }
0x77: {  	_ =	shalt  }
0x78: {  	_ =	shalt  }
0x79: {  	_ =	shalt  }
0x7a: {  	_ =	shalt  }
0x7b: {  	_ =	shalt  }
0x7c: {  	_ =	shalt  }
0x7d: {  	_ =	shalt  }
0x7e: {  	_ =	shalt  }
0x7f: {  	_ =	shalt  }
0x80: {  	_ =	shalt  }
0x81: {  	_ =	shalt  }
0x82: {  	_ =	shalt  }
0x83: {  	_ =	shalt  }
0x84: {  	_ =	shalt  }
0x85: {  	_ =	shalt  }
0x86: {  	_ =	shalt  }
0x87: {  	_ =	shalt  }
.Lfunc_end0:
.L_simem_size_0:
called_computation_lowered:
.L_overlay_start_0:
0x88: {  	s2 =	sld [smem:$0x3FD9]  }
0x89: {  	s3 =	sld [smem:$0x3FFE];
	_ =	sdelay $0x1  }
0x8a: {  	s1 =	srdreg.scid  }
0x8b: {  	s0 =	sand.u32 $0x1, s1  }
0x8c: {  	s17 =	sshll.u32 s0, $0xA;
	s2 =	sadd.s32 s3, s2  }
0x8d: {  	s2 =	sadd.s32 s2, s17  }
0x8e: {  	[smem:$0x3FB8] =	sst s2  }
0x8f: {  	_ = 	snop  }
0x90: {  	s2 =	sld [smem:$0x3FC3]  }
0x91: {  	s18 =	sld [smem:$0x3FD0];
	(tm) =	ssettm $0x1  }
0x92: {  	s4 =	sld [smem:$0x3FFB];
	_ =	sdelay $0x3  }
0x93: {  	_ =	strace s4  }
0x94: {  	s4 =	sld [smem:$0x3FFC];
	_ =	sdelay $0x3  }
0x95: {  	_ =	strace s4  }
0x96: {  	s4 =	sld [smem:$0x3FFD];
	_ =	sdelay $0x3  }
0x97: {  	_ =	strace s4  }
0x98: {  	_ =	strace $0x8FFFFFFF  }
0x99: {  	s19 =	sld [smem:$0x3FDB];
	_ =	sdelay $0x1  }
0x9a: {  	s5 =	simm.s32 $_scs_section_size  }
0x9b: {  	s6 =	simm.s32 $_size__tile_overlayer_lowered;
	s7 =	simm.s32 $_tile_overlayer_lowered  }
0x9c: {  	s22 =	simm.s32 $0x1BFF;
	s21 =	sshll.u32 s7, $0x1;
	s4 =	sadd.s32 s5, s19  }
0x9d: {  	s8 =	simm.s32 $0x0;
	s20 =	sshll.u32 s6, $0x1;
	s6 =	sadd.s32 s21, s4  }
0x9e: {  	[timem:s8], [sflag:s22] =	dma.local [hbm:s6], s20  }
0x9f: {  	_ =	swait.ge [sflag:s22], s20  }
0xa0: {  	s5 =	ssub.s32 $0x0, s20;
	[sflag:s22] =	ssyncset.done $0x0  }
0xa1: {  	[sflag:s22] =	ssyncadd.s32 s5;
	_ =	sdelay $0x1  }
0xa2: {  	s23 =	simm.s32 $0x1B8B  }
0xa3: {  	_ =	swait.ge [sflag:s23], $0x1  }
0xa4: {  	[sflag:s23] =	ssyncset.done $0x0  }
0xa5: {  	s25 =	simm.s32 $0x1B8E;
	s24 =	sld [smem:$0x3FFE];
	[sflag:s23] =	ssyncadd.s32 $0xFFFFFFFF  }
0xa6: {  	s26 =	simm.s32 $execute0_lowered;
	[smem:$0x3FD2] =	sst s25  }
0xa7: {  	s6 =	sshll.u32 s26, $0x1;
	_ =	strace $0x80000046;
	[dreg:$0x1] =	wrdreg $0xFFFFFFFF  }
0xa8: {  	s28 =	simm.s32 $_size_execute0_lowered;
	s4 =	sadd.s32 s4, s6;
	[dreg:$0x0] =	wrdreg $0x0  }
0xa9: {  	s6 =	sshll.u32 s28, $0x1;
	[dreg:$0x2] =	wrdreg s4  }
0xaa: {  	[dreg:$0x3] =	wrdreg s6  }
0xab: {  	[dreg:$0x4] =	wrdreg $0xC0  }
0xac: {  	_ =	task [dreg:s8], $0x5FFFF  }
0xad: {  	[dreg:$0x1] =	wrdreg $0xFFFFFFFF  }
0xae: {  	[dreg:$0x0] =	wrdreg $0x60  }
0xaf: {  	[dreg:$0x2] =	wrdreg s2  }
0xb0: {  	[dreg:$0x3] =	wrdreg s24  }
0xb1: {  	[dreg:$0x4] =	wrdreg s18  }
0xb2: {  	[dreg:$0x5] =	wrdreg $0xB  }
0xb3: {  	_ =	task.clear_ibuf [dreg:s8], $0x6FFFF;
	_ =	strace $0x90000046  }
0xb4: {  	s29 =	simm.s32 $0xB;
	_ =	strace $0x80000048  }
0xb5: {  	_ =	swait.ge [sflag:s29], $0x1  }
0xb6: {  	[sflag:s29] =	ssyncadd.s32 $0xFFFFFFFF  }
0xb7: {  	_ =	strace $0x90000048  }
0xb8: {  	_ =	sfence  }
0xb9: {  	s30 =	sld [smem:$0x0];
	_ =	sdelay $0x2  }
0xba: {  	s31 =	sshll.u32 s1, $0xD;
	s1 =	sshrl.u32 s1, $0x2  }
0xbb: {  	s3 =	sand.u32 $0x4000, s31;
	s1 =	sadd.s32 s1, s30  }
0xbc: {  	s0 =	sor.u32 s3, s0;
	s1 =	sshll.u32 s1, $0x11  }
0xbd: {  	s0 =	sor.u32 s1, s0  }
0xbe: {  	s0 =	sadd.s32 $0x8F2B, s0  }
0xbf: {  	[sflag:s0] =	ssyncadd.remote.s32 $0x1  }
0xc0: {  	_ =	sfence.sel $0xFFFF  }
0xc1: {  	[dreg:$0x0] =	wrdreg $0xFFFFFFFF;
	(pc) =	sbr.abs _section_cstart, $3  }
0xc2: {  	[dreg:$0x1] =	wrdreg $0xFFFFFFFF  }
0xc3: {  	_ =	task.clear_ibuf [dreg:s8], $0x2FFFF;
	_ =	strace $0x9FFFFFFF  }
0xc4: {  	(tm) =	ssettm $0x7FFFFFFF  }
0xc5: {  	_ =	shalt  }
tec
execute0_lowered:
.L_overlay_start_1:
0x0: {  	(tag) =	ssettag $0x1  }
0x1: {  	s0 =	stileid.u32;
	s2 =	rddreg [dreg:$0x0]  }
0x2: {  	s1 =	srdreg.scid;
	s6 =	rddreg [dreg:$0x1]  }
0x3: {  	s5 =	simm.s32 $0x1;
	s10 =	simm.s32 $0x1;
	s31 =	simm.s32 $0x3  }
0x4: {  	s11 =	simm.s32 $0x0;
	s1 =	sand.u32 $0x1, s1;
	s3 =	sshll.u32 s0, $0x1  }
0x5: {  	s13 =	simm.s32 $0x0;
	s7 =	sor.u32 s3, s1;
	s3 =	rddreg [dreg:$0x2]  }
0x6: {  	s12 =	simm.s32 $0x0;
	s1 =	rddreg [dreg:$0x3];
	_ =	strace $0x80000047  }
0x7: {  	s4 =	smul.u32 $0x280, s7;
	p0 =	seq.s32 s7, $0x0;
	s7 =	simm.s32 $0x5000  }
0x8: {  	[sflag:s5] =	ssyncpa.u1 $0x0;
	s7 =	simm.s32 @!p0 $0x0;
	s10 =	simm.s32 @!p0 $0x0  }
.Ltmp0:
0x9: {  	s8 =	sshrl.u32 s4, $0x3;
	s9 =	ssub.s32 $0x5000, s4;
	(pc) =	sbr.rel .LBB2_1-.Ltmp0, $4  }
0xa: {  	s8 =	sadd.s32 s8, s6;
	p0 =	sne.s32 s9, s7;
	s7 =	simm.s32 $0x1  }
0xb: {  	s6 =	simm.s32 $0x2;
	s9 =	sadd.s32 $0x5000, s3;
	s7 =	simm.s32 @!p0 $0x0  }
0xc: {  	[sflag:s6] =	ssyncpa.u1 $0x0;
	s8 =	sadd.s32 $0x3E00, s8;
	s7 =	sadd.s32 s10, s7  }
0xd: {  	vm0 =	vmmov $0xffff;
	p0 =	por $0x0, $0x0;
	[sflag:s31] =	ssyncpa.u1 $0x0;
	s10 =	sadd.s32 $0x1, s7  }
.LBB2_4:
0xe: {  	_ =	sdelay $0x3  }
0xf: {  	[tilespmem:s19], [sflag:$0x1] =	stream.indirect_vreg.gather [hbm4b:s2+s11], $0x1, v0, vm0, $0x4038;
	[tilespmem:$0x5500] =	vst v63  }
0x10: {  	_ =	swait.ge [sflag:s5], $0x2800  }
0x11: {  	[sflag:s5] =	ssyncset.done $0x0  }
0x12: {  	s16 =	sadd.s32 s3, s13;
	[sflag:s5] =	ssyncadd.s32 $0xFFFFD800  }
0x13: {  	[hbm:s16] =	stream.linear.scatter [tilespmem:s15], [sflag:$0x3], $0x1400, $0x38;
	[tilespmem:$0x5500] =	vst v63  }
0x14: {  	s14 =	sadd.s32 $0x1900, s14;
	s31 =	sadd.s32 s13, s9  }
0x15: {  	[hbm:s31] =	stream.linear.scatter [tilespmem:s14], [sflag:$0x3], $0x1400, $0x38;
	[tilespmem:$0x5500] =	vst v63  }
.LBB2_5:
0x16: {  	p2 =	sne.s32 s12, s10  }
.Ltmp1:
0x17: {  	p1 =	slt.u32 s12, $0x2;
	(pc) =	sbr.rel @!p2 .LBB2_6-.Ltmp1, $4  }
0x18: {  	s13 =	simm.s32 @!p1 $0x3  }
0x19: {  	_ =	swait.ge @!p1 [sflag:s13], $0x2800  }
0x1a: {  	s14 =	sadd.s32 $0x1, s12;
	p0 =	por !p0, !p0;
	[sflag:s13] =	ssyncset.done @!p1 $0x0  }
0x1b: {  	s12 =	smov.u32 s14;
	[sflag:s13] =	ssyncadd.s32 @!p1 $0xFFFFD800;
	s13 =	smov.u32 s4  }
.LBB2_1:
0x1c: {  	p1 =	sge.u32 s12, s7  }
0x1d: {  	s14 =	sxor.u32 @!p1 $0x1, s12  }
0x1e: {  	s14 =	smul.u32 @!p1 $0xA00, s14;
	_ =	sdelay $0x1  }
0x1f: {  	s31 =	sadd.s32 $0xFFFFFFFF, s12;
	s15 =	simm.s32 @!p1 $0x0;
	s14 =	sshra.s32 @!p1 s14, $0x2  }
0x20: {  	[tilespmem:s14], [sflag:$0x2] =	stream.linear.gather @!p1 [hbm4b:s8+s15], $0x280, $0x38;
	[tilespmem:$0x5500] =	vst v63  }
0x21: {  	p1 =	sge.u32 s31, s7  }
.Ltmp2:
0x22: {  	_ = 	snop;
	(pc) =	sbr.rel @p1 .LBB2_5-.Ltmp2, $1  }
0x23: {  	_ =	sdelay $0x3  }
0x24: {  	s14 =	simm.s32 $0x1  }
0x25: {  	s14 =	simm.s32 @!p0 $0x0  }
0x26: {  	_ =	swait.ge [sflag:s6], $0x280;
	s14 =	smul.u32 $0xA00, s14  }
0x27: {  	[sflag:s6] =	ssyncset.done $0x0  }
0x28: {  	[sflag:s6] =	ssyncadd.s32 $0xFFFFFD80;
	s17 =	sshrl.u32 s14, $0x2  }
0x29: {  	v0 =	vld.msk [tilespmem:s17+$0x0 ss:$0x1], $0xffff;
	_ =	sdelay $0x4  }
0x2a: {  	vm1 =	vgt.s32 v0, $0x0  }
0x2b: {  	v0 =	vnsel vm1, $0x0, v0  }
0x2c: {  	v0 =	vmin.u32 v0, $0xF423F  }
0x2d: {  	s30 =	sand.u32 $0x1, s12;
	v1 =	vshll.u32 v0, $0x3  }
0x2e: {  	s14 =	smul.u32 $0xA000, s30;
	v0 =	vand.u32 $0x7F, v0;
	v1 =	vand.u32 $0x7FFC00, v1  }
0x2f: {  	v0 =	vor.u32 v0, v1  }
0x30: {  	s16 =	simm.s32 $0x0;
	s14 =	sshrl.u32 s14, $0x2  }
0x31: {  	s18 =	sand.u32 $0x1C00, s16;
	s15 =	sor.u32 $0x500, s14  }
0x32: {  	s19 =	sand.u32 $0x70, s16;
	(ifvalue) =	ssetifvalue $0x7FFFFFFF;
	s18 =	sadd.s32 s18, s15;
	v1 =	vor.u32 $0x80, v0  }
0x33: {  	(ifvalue) =	ssetifvalue $0x7FFFFFFF;
	s18 =	sadd.s32 s19, s18  }
0x34: {  	[tilespmem:s18], [sflag:$0x1] =	stream.indirect_vreg.gather [hbm4b:s2+s11], $0x1, v0, vm0, $0x4038;
	[tilespmem:$0x5500] =	vst v63  }
0x35: {  	v2 =	vor.u32 $0x100, v0;
	(ifvalue) =	ssetifvalue $0x7FFFFFFF  }
0x36: {  	s19 =	sadd.s32 $0x80, s18;
	(ifvalue) =	ssetifvalue $0x7FFFFFFF  }
0x37: {  	[tilespmem:s19], [sflag:$0x1] =	stream.indirect_vreg.gather [hbm4b:s2+s11], $0x1, v1, vm0, $0x4038;
	[tilespmem:$0x5500] =	vst v63  }
0x38: {  	v1 =	vor.u32 $0x180, v0;
	(ifvalue) =	ssetifvalue $0x7FFFFFFF  }
0x39: {  	s31 =	sadd.s32 $0x100, s18;
	(ifvalue) =	ssetifvalue $0x7FFFFFFF  }
0x3a: {  	[tilespmem:s31], [sflag:$0x1] =	stream.indirect_vreg.gather [hbm4b:s2+s11], $0x1, v2, vm0, $0x4038;
	[tilespmem:$0x5500] =	vst v63  }
0x3b: {  	v2 =	vor.u32 $0x200, v0;
	(ifvalue) =	ssetifvalue $0x7FFFFFFF  }
0x3c: {  	s20 =	sadd.s32 $0x180, s18;
	(ifvalue) =	ssetifvalue $0x7FFFFFFF  }
0x3d: {  	[tilespmem:s20], [sflag:$0x1] =	stream.indirect_vreg.gather [hbm4b:s2+s11], $0x1, v1, vm0, $0x4038;
	[tilespmem:$0x5500] =	vst v63  }
0x3e: {  	(ifvalue) =	ssetifvalue $0x7FFFFFFF;
	v1 =	vor.u32 $0x280, v0  }
0x3f: {  	s21 =	sadd.s32 $0x200, s18;
	(ifvalue) =	ssetifvalue $0x7FFFFFFF  }
0x40: {  	[tilespmem:s21], [sflag:$0x1] =	stream.indirect_vreg.gather [hbm4b:s2+s11], $0x1, v2, vm0, $0x4038;
	[tilespmem:$0x5500] =	vst v63  }
0x41: {  	(ifvalue) =	ssetifvalue $0x7FFFFFFF;
	v2 =	vor.u32 $0x300, v0  }
0x42: {  	s22 =	sadd.s32 $0x280, s18;
	(ifvalue) =	ssetifvalue $0x7FFFFFFF  }
0x43: {  	[tilespmem:s22], [sflag:$0x1] =	stream.indirect_vreg.gather [hbm4b:s2+s11], $0x1, v1, vm0, $0x4038;
	[tilespmem:$0x5500] =	vst v63  }
0x44: {  	(ifvalue) =	ssetifvalue $0x7FFFFFFF;
	v1 =	vor.u32 $0x380, v0  }
0x45: {  	s16 =	sor.u32 s16, s16;
	s23 =	sadd.s32 $0x300, s18;
	(ifvalue) =	ssetifvalue $0x7FFFFFFF  }
0x46: {  	[tilespmem:s23], [sflag:$0x1] =	stream.indirect_vreg.gather [hbm4b:s2+s11], $0x1, v2, vm0, $0x4038;
	[tilespmem:$0x5500] =	vst v63  }
0x47: {  	s16 =	sor.u32 $0x380, s16;
	(ifvalue) =	ssetifvalue $0x7FFFFFFF;
	v2 =	vadd.s32 $0x7A1400, v0  }
0x48: {  	s16 =	sadd.s32 s16, s15;
	(ifvalue) =	ssetifvalue $0x7FFFFFFF  }
0x49: {  	[tilespmem:s16], [sflag:$0x1] =	stream.indirect_vreg.gather [hbm4b:s2+s11], $0x1, v1, vm0, $0x4038;
	[tilespmem:$0x5500] =	vst v63  }
0x4a: {  	(ifvalue) =	ssetifvalue $0x7FFFFFFF;
	v1 =	vadd.s32 $0x7A1480, v0  }
0x4b: {  	s24 =	sadd.s32 $0x1400, s18;
	(ifvalue) =	ssetifvalue $0x7FFFFFFF  }
0x4c: {  	[tilespmem:s24], [sflag:$0x1] =	stream.indirect_vreg.gather [hbm4b:s2+s11], $0x1, v2, vm0, $0x4038;
	[tilespmem:$0x5500] =	vst v63  }
0x4d: {  	(ifvalue) =	ssetifvalue $0x7FFFFFFF;
	v2 =	vadd.s32 $0x7A1500, v0  }
0x4e: {  	s25 =	sadd.s32 $0x1480, s18;
	(ifvalue) =	ssetifvalue $0x7FFFFFFF  }
0x4f: {  	[tilespmem:s25], [sflag:$0x1] =	stream.indirect_vreg.gather [hbm4b:s2+s11], $0x1, v1, vm0, $0x4038;
	[tilespmem:$0x5500] =	vst v63  }
0x50: {  	(ifvalue) =	ssetifvalue $0x7FFFFFFF;
	v1 =	vadd.s32 $0x7A1580, v0  }
0x51: {  	s26 =	sadd.s32 $0x1500, s18;
	(ifvalue) =	ssetifvalue $0x7FFFFFFF  }
0x52: {  	[tilespmem:s26], [sflag:$0x1] =	stream.indirect_vreg.gather [hbm4b:s2+s11], $0x1, v2, vm0, $0x4038;
	[tilespmem:$0x5500] =	vst v63  }
0x53: {  	(ifvalue) =	ssetifvalue $0x7FFFFFFF;
	v2 =	vadd.s32 $0x7A1600, v0  }
0x54: {  	s28 =	sadd.s32 $0x1580, s18;
	(ifvalue) =	ssetifvalue $0x7FFFFFFF  }
0x55: {  	[tilespmem:s28], [sflag:$0x1] =	stream.indirect_vreg.gather [hbm4b:s2+s11], $0x1, v1, vm0, $0x4038;
	[tilespmem:$0x5500] =	vst v63  }
0x56: {  	(ifvalue) =	ssetifvalue $0x7FFFFFFF;
	v1 =	vadd.s32 $0x7A1680, v0  }
0x57: {  	s29 =	sadd.s32 $0x1600, s18;
	(ifvalue) =	ssetifvalue $0x7FFFFFFF  }
0x58: {  	[tilespmem:s29], [sflag:$0x1] =	stream.indirect_vreg.gather [hbm4b:s2+s11], $0x1, v2, vm0, $0x4038;
	[tilespmem:$0x5500] =	vst v63  }
0x59: {  	(ifvalue) =	ssetifvalue $0x7FFFFFFF;
	v2 =	vadd.s32 $0x7A1700, v0  }
0x5a: {  	s30 =	sadd.s32 $0x1680, s18;
	(ifvalue) =	ssetifvalue $0x7FFFFFFF  }
0x5b: {  	[tilespmem:s30], [sflag:$0x1] =	stream.indirect_vreg.gather [hbm4b:s2+s11], $0x1, v1, vm0, $0x4038;
	[tilespmem:$0x5500] =	vst v63  }
0x5c: {  	v0 =	vadd.s32 $0x7A1780, v0;
	(ifvalue) =	ssetifvalue $0x7FFFFFFF  }
0x5d: {  	s31 =	sadd.s32 $0x1700, s18;
	(ifvalue) =	ssetifvalue $0x7FFFFFFF  }
0x5e: {  	[tilespmem:s31], [sflag:$0x1] =	stream.indirect_vreg.gather [hbm4b:s2+s11], $0x1, v2, vm0, $0x4038;
	[tilespmem:$0x5500] =	vst v63  }
0x5f: {  	s17 =	sadd.s32 $0x10, s17;
	s19 =	sadd.s32 $0x1780, s18;
	(ifvalue) =	ssetifvalue $0x7FFFFFFF  }
0x60: {  	s18 =	simm.s32 $0x80;
	s16 =	simm.s32 $0x10;
	(ifvalue) =	ssetifvalue $0x7FFFFFFF  }
.LBB2_3:
0x61: {  	[tilespmem:s19], [sflag:$0x1] =	stream.indirect_vreg.gather [hbm4b:s2+s11], $0x1, v0, vm0, $0x4038;
	[tilespmem:$0x5500] =	vst v63  }
0x62: {  	p1 =	sne.s32 s16, $0x270;
	s20 =	smov.u32 s16;
	s16 =	sadd.s32 $0x10, s16;
	v0 =	vld.msk [tilespmem:s17+$0x0 ss:$0x1], $0xffff  }
0x63: {  	(ifvalue) =	ssetifvalue $0x7FFFFFFF;
	_ =	sdelay $0x4  }
0x64: {  	vm1 =	vgt.s32 v0, $0x0  }
0x65: {  	v0 =	vnsel vm1, $0x0, v0  }
0x66: {  	v0 =	vmin.u32 v0, $0xF423F  }
0x67: {  	v1 =	vshll.u32 v0, $0x3  }
0x68: {  	v0 =	vand.u32 $0x7F, v0;
	v1 =	vand.u32 $0x7FFC00, v1  }
0x69: {  	v0 =	vor.u32 v0, v1;
	_ =	sdelay $0x1  }
0x6a: {  	s19 =	sand.u32 $0x1C00, s18  }
0x6b: {  	s21 =	sand.u32 $0x70, s20;
	s19 =	sadd.s32 s19, s15;
	v1 =	vor.u32 $0x80, v0  }
0x6c: {  	s19 =	sadd.s32 s21, s19;
	(ifvalue) =	ssetifvalue $0x7FFFFFFF  }
0x6d: {  	[tilespmem:s19], [sflag:$0x1] =	stream.indirect_vreg.gather [hbm4b:s2+s11], $0x1, v0, vm0, $0x4038;
	[tilespmem:$0x5500] =	vst v63  }
0x6e: {  	v2 =	vor.u32 $0x100, v0;
	(ifvalue) =	ssetifvalue $0x7FFFFFFF  }
0x6f: {  	s21 =	sadd.s32 $0x80, s19;
	(ifvalue) =	ssetifvalue $0x7FFFFFFF  }
0x70: {  	[tilespmem:s21], [sflag:$0x1] =	stream.indirect_vreg.gather [hbm4b:s2+s11], $0x1, v1, vm0, $0x4038;
	[tilespmem:$0x5500] =	vst v63  }
0x71: {  	v1 =	vor.u32 $0x180, v0;
	(ifvalue) =	ssetifvalue $0x7FFFFFFF  }
0x72: {  	s21 =	sadd.s32 $0x100, s19;
	(ifvalue) =	ssetifvalue $0x7FFFFFFF  }
0x73: {  	[tilespmem:s21], [sflag:$0x1] =	stream.indirect_vreg.gather [hbm4b:s2+s11], $0x1, v2, vm0, $0x4038;
	[tilespmem:$0x5500] =	vst v63  }
0x74: {  	v2 =	vor.u32 $0x200, v0;
	(ifvalue) =	ssetifvalue $0x7FFFFFFF  }
0x75: {  	s21 =	sadd.s32 $0x180, s19;
	(ifvalue) =	ssetifvalue $0x7FFFFFFF  }
0x76: {  	[tilespmem:s21], [sflag:$0x1] =	stream.indirect_vreg.gather [hbm4b:s2+s11], $0x1, v1, vm0, $0x4038;
	[tilespmem:$0x5500] =	vst v63  }
0x77: {  	v1 =	vor.u32 $0x280, v0;
	(ifvalue) =	ssetifvalue $0x7FFFFFFF  }
0x78: {  	s21 =	sadd.s32 $0x200, s19;
	(ifvalue) =	ssetifvalue $0x7FFFFFFF  }
0x79: {  	[tilespmem:s21], [sflag:$0x1] =	stream.indirect_vreg.gather [hbm4b:s2+s11], $0x1, v2, vm0, $0x4038;
	[tilespmem:$0x5500] =	vst v63  }
0x7a: {  	v2 =	vor.u32 $0x300, v0;
	(ifvalue) =	ssetifvalue $0x7FFFFFFF  }
0x7b: {  	s21 =	sadd.s32 $0x280, s19;
	(ifvalue) =	ssetifvalue $0x7FFFFFFF  }
0x7c: {  	[tilespmem:s21], [sflag:$0x1] =	stream.indirect_vreg.gather [hbm4b:s2+s11], $0x1, v1, vm0, $0x4038;
	[tilespmem:$0x5500] =	vst v63  }
0x7d: {  	v1 =	vor.u32 $0x380, v0;
	(ifvalue) =	ssetifvalue $0x7FFFFFFF  }
0x7e: {  	s20 =	sor.u32 s18, s20;
	s21 =	sadd.s32 $0x300, s19;
	(ifvalue) =	ssetifvalue $0x7FFFFFFF  }
0x7f: {  	[tilespmem:s21], [sflag:$0x1] =	stream.indirect_vreg.gather [hbm4b:s2+s11], $0x1, v2, vm0, $0x4038;
	[tilespmem:$0x5500] =	vst v63  }
0x80: {  	s20 =	sor.u32 $0x380, s20;
	v2 =	vadd.s32 $0x7A1400, v0;
	(ifvalue) =	ssetifvalue $0x7FFFFFFF  }
0x81: {  	s20 =	sadd.s32 s20, s15;
	(ifvalue) =	ssetifvalue $0x7FFFFFFF  }
0x82: {  	[tilespmem:s20], [sflag:$0x1] =	stream.indirect_vreg.gather [hbm4b:s2+s11], $0x1, v1, vm0, $0x4038;
	[tilespmem:$0x5500] =	vst v63  }
0x83: {  	v1 =	vadd.s32 $0x7A1480, v0;
	(ifvalue) =	ssetifvalue $0x7FFFFFFF  }
0x84: {  	s20 =	sadd.s32 $0x1400, s19;
	(ifvalue) =	ssetifvalue $0x7FFFFFFF  }
0x85: {  	[tilespmem:s20], [sflag:$0x1] =	stream.indirect_vreg.gather [hbm4b:s2+s11], $0x1, v2, vm0, $0x4038;
	[tilespmem:$0x5500] =	vst v63  }
0x86: {  	v2 =	vadd.s32 $0x7A1500, v0;
	(ifvalue) =	ssetifvalue $0x7FFFFFFF  }
0x87: {  	s20 =	sadd.s32 $0x1480, s19;
	(ifvalue) =	ssetifvalue $0x7FFFFFFF  }
0x88: {  	[tilespmem:s20], [sflag:$0x1] =	stream.indirect_vreg.gather [hbm4b:s2+s11], $0x1, v1, vm0, $0x4038;
	[tilespmem:$0x5500] =	vst v63  }
0x89: {  	v1 =	vadd.s32 $0x7A1580, v0;
	(ifvalue) =	ssetifvalue $0x7FFFFFFF  }
0x8a: {  	s20 =	sadd.s32 $0x1500, s19;
	(ifvalue) =	ssetifvalue $0x7FFFFFFF  }
0x8b: {  	[tilespmem:s20], [sflag:$0x1] =	stream.indirect_vreg.gather [hbm4b:s2+s11], $0x1, v2, vm0, $0x4038;
	[tilespmem:$0x5500] =	vst v63  }
0x8c: {  	v2 =	vadd.s32 $0x7A1600, v0;
	(ifvalue) =	ssetifvalue $0x7FFFFFFF  }
0x8d: {  	s20 =	sadd.s32 $0x1580, s19;
	(ifvalue) =	ssetifvalue $0x7FFFFFFF  }
0x8e: {  	[tilespmem:s20], [sflag:$0x1] =	stream.indirect_vreg.gather [hbm4b:s2+s11], $0x1, v1, vm0, $0x4038;
	[tilespmem:$0x5500] =	vst v63  }
0x8f: {  	v1 =	vadd.s32 $0x7A1680, v0;
	(ifvalue) =	ssetifvalue $0x7FFFFFFF  }
0x90: {  	s20 =	sadd.s32 $0x1600, s19;
	(ifvalue) =	ssetifvalue $0x7FFFFFFF  }
0x91: {  	[tilespmem:s20], [sflag:$0x1] =	stream.indirect_vreg.gather [hbm4b:s2+s11], $0x1, v2, vm0, $0x4038;
	[tilespmem:$0x5500] =	vst v63  }
0x92: {  	v2 =	vadd.s32 $0x7A1700, v0;
	(ifvalue) =	ssetifvalue $0x7FFFFFFF  }
0x93: {  	s20 =	sadd.s32 $0x1680, s19;
	(ifvalue) =	ssetifvalue $0x7FFFFFFF  }
0x94: {  	[tilespmem:s20], [sflag:$0x1] =	stream.indirect_vreg.gather [hbm4b:s2+s11], $0x1, v1, vm0, $0x4038;
	[tilespmem:$0x5500] =	vst v63  }
.Ltmp3:
0x95: {  	v0 =	vadd.s32 $0x7A1780, v0;
	(ifvalue) =	ssetifvalue $0x7FFFFFFF;
	(pc) =	sbr.rel @p1 .LBB2_3-.Ltmp3, $4  }
0x96: {  	s20 =	sadd.s32 $0x1700, s19;
	(ifvalue) =	ssetifvalue $0x7FFFFFFF  }
0x97: {  	[tilespmem:s20], [sflag:$0x1] =	stream.indirect_vreg.gather [hbm4b:s2+s11], $0x1, v2, vm0, $0x4038;
	[tilespmem:$0x5500] =	vst v63  }
0x98: {  	s17 =	sadd.s32 $0x10, s17;
	(ifvalue) =	ssetifvalue $0x7FFFFFFF  }
0x99: {  	s18 =	sadd.s32 $0x80, s18;
	s19 =	sadd.s32 $0x1780, s19;
	(ifvalue) =	ssetifvalue $0x7FFFFFFF  }
.Ltmp4:
0x9a: {  	_ = 	snop;
	(pc) =	sbr.rel .LBB2_4-.Ltmp4, $1  }
0x9b: {  	_ =	sdelay $0x3  }
.LBB2_6:
0x9c: {  	_ =	sfence.sel $0x180000  }
0x9d: {  	s2 =	simm.s32 $0x2;
	[bflag:$0x0] =	sbarrier.arrive $0xFFFF  }
0x9e: {  	s30 =	simm.s32 $0x3;
	[sflag:s2] =	ssyncpa.u1 $0x1  }
0x9f: {  	s31 =	simm.s32 $0x1;
	[sflag:s30] =	ssyncpa.u1 $0x1  }
0xa0: {  	[sflag:s31] =	ssyncpa.u1 $0x1  }
0xa1: {  	p0 =	sne.s32 s0, $0x0;
	_ =	strace $0x90000047  }
0xa2: {  	s0 =	sadd.s32 @!p0 $0x100000, s1;
	[bflag:$0x2] =	sbarrier.arrive $0xFFFF  }
0xa3: {  	[sflag:s0] =	ssyncadd.tile.s32 @!p0 $0x1;
	_ =	shalt  }
.Lfunc_end2:
_tile_overlayer_lowered:
.L_overlay_start_2:
0xa4: {  	(tag) =	ssettag $0x2  }
0xa5: {  	s0 =	rddreg [dreg:$0x0];
	s2 =	stileid.u32  }
0xa6: {  	s1 =	rddreg [dreg:$0x1];
	p0 =	sne.s32 s2, $0x0  }
0xa7: {  	s3 =	rddreg [dreg:$0x2];
	[bflag:$0x3] =	sbarrier.arrive $0xFFFF;
	s2 =	simm.s32 @!p0 $0x1C01  }
0xa8: {  	[timem:s3], [sflag:s2] =	dma.local @!p0 [hbm:s0], s1  }
0xa9: {  	s0 =	simm.s32 @!p0 $0x1  }
0xaa: {  	_ =	swait.ge @!p0 [sflag:s0], s1  }
0xab: {  	s1 =	ssub.s32 @!p0 $0x0, s1;
	[sflag:s0] =	ssyncset.done @!p0 $0x0  }
0xac: {  	[sflag:s0] =	ssyncadd.s32 @!p0 s1  }
0xad: {  	[bflag:$0x3] =	sbarrier.arrive $0xFFFF  }
0xae: {  	_ =	shalt  }

// kernel: kernel.6.cloned.1.call-start
scs
__scs_entry_jumppad:
0x0: {  	(pc) =	sbr.rel $0x88, $3  }
0x1: {  	(tag) =	ssettag $0x0;
	lr =	simm.s32 $0x1  }
0x2: {  	[smem:$0x3F91] =	sst lr;
	_ =	strace $0xD0000000  }
0x3: {  	_ = 	snop  }
0x4: {  	_ = 	snop  }
0x5: {  	_ = 	snop  }
0x6: {  	_ = 	snop  }
0x7: {  	_ = 	snop  }
__scs_overlays_trampoline_lowered:
0x8: {  	[smem:$0x3FA0] =	sst s0  }
0x9: {  	[smem:$0x3FA1] =	sst s1  }
0xa: {  	[smem:$0x3FA2] =	sst s2  }
0xb: {  	[smem:$0x3FA3] =	sst s3  }
0xc: {  	[smem:$0x3FA4] =	sst s4  }
0xd: {  	[smem:$0x3FA5] =	sst s5  }
0xe: {  	[smem:$0x3FA6] =	sst s6  }
0xf: {  	[smem:$0x3FA7] =	sst s7  }
0x10: {  	[smem:$0x3FA8] =	sst s8  }
0x11: {  	[smem:$0x3FA9] =	sst s9;
	s0 =	simm.s32 @!p0 $0x0  }
0x12: {  	s1 =	sld [smem:$0x3F8F];
	s0 =	simm.s32 @p0 $0x1  }
0x13: {  	[smem:$0x3FAA] =	sst s0;
	s0 =	simm.s32 @!p1 $0x0  }
0x14: {  	s2 =	sld [smem:$0x3F8E];
	s0 =	simm.s32 @p1 $0x1  }
0x15: {  	[smem:$0x3FAB] =	sst s0;
	s0 =	simm.s32 @!p2 $0x0  }
0x16: {  	s3 =	sld [smem:$0x3FDB];
	s0 =	simm.s32 @p2 $0x1  }
0x17: {  	s4 =	simm.s32 $0x1BF5;
	[smem:$0x3FAD] =	sst s0  }
0x18: {  	s0 =	sld [smem:$0x3F90];
	_ =	swait.ge [sflag:s4], $0x0  }
0x19: {  	s7 =	sld [smem:$0x3F91]  }
0x1a: {  	s8 =	sadd.s32 $0xFFFFE003, lr  }
0x1b: {  	s9 =	sadd.s32 $0xFFFFFEF7, lr;
	s5 =	simm.s32 $0xFFFFFFFF;
	p2 =	slt.u32 s8, $0xFFFFF086  }
0x1c: {  	p1 =	slt.u32 s9, $0xF7A;
	s5 =	simm.s32 @!p2 $0x0  }
0x1d: {  	s5 =	simm.s32 @p1 $0x1;
	p0 =	seq.s32 s7, s2  }
0x1e: {  	s7 =	smul.u32 @!p0 $0xF7A, s2;
	p2 =	seq.s32 @!p0 s5, $0x0  }
0x1f: {  	s9 =	smul.u32 $0xF7A, s1;
	s8 =	simm.s32 @!p0 $0x1BF5;
	p2 =	por !p2, p0  }
0x20: {  	[sflag:s8] =	ssyncset.s32 @!p0 $0xFFFFF086;
	s6 =	sadd.s32 @!p0 s3, s7;
	s7 =	simm.s32 @!p0 $0x108  }
0x21: {  	s3 =	sadd.s32 s3, s9;
	s6 =	sadd.s32 @!p0 $0x88, s6;
	s7 =	simm.s32 @p2 $0x1082  }
0x22: {  	[simem:s7], [sflag:s8] =	dma.local @!p0 [hbm:s6], $0xF7A  }
0x23: {  	s9 =	sor.u32 $0xD0000000, s2;
	s6 =	simm.s32 $0x108;
	_ =	swait.ge @!p0 [sflag:s8], $0x0  }
0x24: {  	s3 =	sadd.s32 $0x88, s3;
	s6 =	simm.s32 @!p1 $0x1082;
	[sflag:s4] =	ssyncset.s32 $0xFFFFF086  }
0x25: {  	[simem:s6], [sflag:s4] =	dma.local [hbm:s3], $0xF7A  }
0x26: {  	[smem:$0x3F91] =	sst s1;
	(tag) =	ssettag s2;
	_ =	strace s9  }
0x27: {  	s1 =	sld [smem:$0x3FA1]  }
0x28: {  	s2 =	sld [smem:$0x3FA2]  }
0x29: {  	s4 =	sld [smem:$0x3FA4]  }
0x2a: {  	p0 =	seq.s32 s5, $0x0;
	s5 =	sld [smem:$0x3FA5]  }
0x2b: {  	s6 =	sld [smem:$0x3FA6]  }
0x2c: {  	s7 =	sld [smem:$0x3FA7]  }
0x2d: {  	s3 =	simm.s32 $0x108;
	s8 =	sld [smem:$0x3FA8]  }
0x2e: {  	s3 =	simm.s32 @!p0 $0x1082;
	s9 =	sld [smem:$0x3FA9]  }
0x2f: {  	lr =	sadd.s32 s0, s3;
	s0 =	sld [smem:$0x3FA0]  }
0x30: {  	s3 =	sld [smem:$0x3FA3]  }
0x31: {  	[smem:$0x3FAC] =	sst s10  }
0x32: {  	s10 =	sld [smem:$0x3FAA];
	_ =	sdelay $0x3  }
0x33: {  	p0 =	seq.s32 s10, $0x1;
	s10 =	sld [smem:$0x3FAC];
	_ =	sdelay $0x3  }
0x34: {  	[smem:$0x3FAC] =	sst s10  }
0x35: {  	s10 =	sld [smem:$0x3FAB];
	_ =	sdelay $0x3  }
0x36: {  	p1 =	seq.s32 s10, $0x1;
	s10 =	sld [smem:$0x3FAC];
	_ =	sdelay $0x3  }
0x37: {  	[smem:$0x3FAC] =	sst s10  }
0x38: {  	s10 =	sld [smem:$0x3FAD]  }
0x39: {  	_ = 	snop;
	(pc) =	sbr.ind lr, $3  }
0x3a: {  	_ = 	snop  }
0x3b: {  	_ = 	snop  }
0x3c: {  	p2 =	seq.s32 s10, $0x1;
	s10 =	sld [smem:$0x3FAC]  }
0x3d: {  	_ =	shalt  }
0x3e: {  	_ =	shalt  }
0x3f: {  	_ =	shalt  }
0x40: {  	_ =	shalt  }
0x41: {  	_ =	shalt  }
0x42: {  	_ =	shalt  }
0x43: {  	_ =	shalt  }
0x44: {  	_ =	shalt  }
0x45: {  	_ =	shalt  }
0x46: {  	_ =	shalt  }
0x47: {  	_ =	shalt  }
0x48: {  	_ =	shalt  }
0x49: {  	_ =	shalt  }
0x4a: {  	_ =	shalt  }
0x4b: {  	_ =	shalt  }
0x4c: {  	_ =	shalt  }
0x4d: {  	_ =	shalt  }
0x4e: {  	_ =	shalt  }
0x4f: {  	_ =	shalt  }
0x50: {  	_ =	shalt  }
0x51: {  	_ =	shalt  }
0x52: {  	_ =	shalt  }
0x53: {  	_ =	shalt  }
0x54: {  	_ =	shalt  }
0x55: {  	_ =	shalt  }
0x56: {  	_ =	shalt  }
0x57: {  	_ =	shalt  }
0x58: {  	_ =	shalt  }
0x59: {  	_ =	shalt  }
0x5a: {  	_ =	shalt  }
0x5b: {  	_ =	shalt  }
0x5c: {  	_ =	shalt  }
0x5d: {  	_ =	shalt  }
0x5e: {  	_ =	shalt  }
0x5f: {  	_ =	shalt  }
0x60: {  	_ =	shalt  }
0x61: {  	_ =	shalt  }
0x62: {  	_ =	shalt  }
0x63: {  	_ =	shalt  }
0x64: {  	_ =	shalt  }
0x65: {  	_ =	shalt  }
0x66: {  	_ =	shalt  }
0x67: {  	_ =	shalt  }
0x68: {  	_ =	shalt  }
0x69: {  	_ =	shalt  }
0x6a: {  	_ =	shalt  }
0x6b: {  	_ =	shalt  }
0x6c: {  	_ =	shalt  }
0x6d: {  	_ =	shalt  }
0x6e: {  	_ =	shalt  }
0x6f: {  	_ =	shalt  }
0x70: {  	_ =	shalt  }
0x71: {  	_ =	shalt  }
0x72: {  	_ =	shalt  }
0x73: {  	_ =	shalt  }
0x74: {  	_ =	shalt  }
0x75: {  	_ =	shalt  }
0x76: {  	_ =	shalt  }
0x77: {  	_ =	shalt  }
0x78: {  	_ =	shalt  }
0x79: {  	_ =	shalt  }
0x7a: {  	_ =	shalt  }
0x7b: {  	_ =	shalt  }
0x7c: {  	_ =	shalt  }
0x7d: {  	_ =	shalt  }
0x7e: {  	_ =	shalt  }
0x7f: {  	_ =	shalt  }
0x80: {  	_ =	shalt  }
0x81: {  	_ =	shalt  }
0x82: {  	_ =	shalt  }
0x83: {  	_ =	shalt  }
0x84: {  	_ =	shalt  }
0x85: {  	_ =	shalt  }
0x86: {  	_ =	shalt  }
0x87: {  	_ =	shalt  }
.Lfunc_end0:
.L_simem_size_0:
called_computation.2_lowered:
.L_overlay_start_0:
0x88: {  	s2 =	sld [smem:$0x3FD9]  }
0x89: {  	s3 =	sld [smem:$0x3FFE];
	_ =	sdelay $0x1  }
0x8a: {  	s1 =	srdreg.scid  }
0x8b: {  	s0 =	sand.u32 $0x1, s1  }
0x8c: {  	s17 =	sshll.u32 s0, $0xA;
	s2 =	sadd.s32 s3, s2  }
0x8d: {  	s2 =	sadd.s32 s2, s17  }
0x8e: {  	[smem:$0x3FB8] =	sst s2  }
0x8f: {  	_ = 	snop  }
0x90: {  	(tm) =	ssettm $0x1  }
0x91: {  	s18 =	sld [smem:$0x3FFB];
	_ =	sdelay $0x3  }
0x92: {  	_ =	strace s18  }
0x93: {  	s2 =	sld [smem:$0x3FFC];
	_ =	sdelay $0x3  }
0x94: {  	_ =	strace s2  }
0x95: {  	s2 =	sld [smem:$0x3FFD];
	_ =	sdelay $0x3  }
0x96: {  	_ =	strace s2  }
0x97: {  	_ =	strace $0x8FFFFFFF  }
0x98: {  	s19 =	sld [smem:$0x3FDB];
	_ =	sdelay $0x1  }
0x99: {  	s20 =	simm.s32 $_scs_section_size  }
0x9a: {  	s4 =	simm.s32 $_size__tile_overlayer_lowered;
	s5 =	simm.s32 $_tile_overlayer_lowered  }
0x9b: {  	s6 =	simm.s32 $0x1BFF;
	s21 =	sshll.u32 s5, $0x1;
	s3 =	sadd.s32 s20, s19  }
0x9c: {  	s22 =	simm.s32 $0x0;
	s4 =	sshll.u32 s4, $0x1;
	s5 =	sadd.s32 s21, s3  }
0x9d: {  	[timem:s22], [sflag:s6] =	dma.local [hbm:s5], s4  }
0x9e: {  	_ =	swait.ge [sflag:s6], s4  }
0x9f: {  	s4 =	ssub.s32 $0x0, s4;
	[sflag:s6] =	ssyncset.done $0x0  }
0xa0: {  	[sflag:s6] =	ssyncadd.s32 s4;
	_ =	sdelay $0x1  }
0xa1: {  	s23 =	simm.s32 $0x1B8B  }
0xa2: {  	_ =	swait.ge [sflag:s23], $0x1  }
0xa3: {  	[sflag:s23] =	ssyncset.done $0x0  }
0xa4: {  	[sflag:s23] =	ssyncadd.s32 $0xFFFFFFFF  }
0xa5: {  	s4 =	sld [smem:$0x0]  }
0xa6: {  	s5 =	sand.u32 $0xFFFFFFFE, s1  }
0xa7: {  	p0 =	sne.s32 s1, s5  }
0xa8: {  	s5 =	sshll.u32 @p0 s5, $0xE  }
0xa9: {  	s5 =	sadd.s32 @p0 $0x11B8D, s5;
	s6 =	sshll.u32 @p0 s4, $0x11  }
0xaa: {  	s5 =	sor.u32 @p0 s6, s5  }
0xab: {  	[sflag:s5] =	ssyncadd.remote.s32 @p0 $0x1;
	_ =	sdelay $0x1  }
0xac: {  	s5 =	simm.s32 @p0 $0x1B8D  }
0xad: {  	_ =	swait.eq @p0 [sflag:s5], $0x1  }
0xae: {  	[sflag:s5] =	ssyncadd.s32 @p0 $0xFFFFFFFF  }
0xaf: {  	s6 =	sshll.u32 @!p0 s1, $0xE  }
0xb0: {  	s6 =	sor.u32 @!p0 $0x4000, s6;
	s5 =	simm.s32 @!p0 $0x1B8D  }
0xb1: {  	s4 =	sshll.u32 @!p0 s4, $0x11;
	s6 =	sadd.s32 @!p0 $0x11B8D, s6;
	_ =	swait.eq @!p0 [sflag:s5], $0x1  }
0xb2: {  	s4 =	sor.u32 @!p0 s4, s6;
	[sflag:s5] =	ssyncadd.s32 @!p0 $0xFFFFFFFF  }
0xb3: {  	s25 =	simm.s32 $0x1B8E;
	s24 =	sld [smem:$0x3FFE];
	[sflag:s4] =	ssyncadd.remote.s32 @!p0 $0x1  }
0xb4: {  	s26 =	simm.s32 $execute0_lowered;
	[smem:$0x3FD2] =	sst s25  }
0xb5: {  	s5 =	sshll.u32 s26, $0x1;
	_ =	strace $0x8000004C;
	[dreg:$0x1] =	wrdreg $0xFFFFFFFF  }
0xb6: {  	s28 =	simm.s32 $_size_execute0_lowered;
	s3 =	sadd.s32 s3, s5;
	[dreg:$0x0] =	wrdreg $0x0  }
0xb7: {  	s5 =	sshll.u32 s28, $0x1;
	[dreg:$0x2] =	wrdreg s3  }
0xb8: {  	[dreg:$0x3] =	wrdreg s5  }
0xb9: {  	[dreg:$0x4] =	wrdreg $0xC0  }
0xba: {  	_ =	task [dreg:s22], $0x5FFFF  }
0xbb: {  	[dreg:$0x1] =	wrdreg $0xFFFFFFFF  }
0xbc: {  	[dreg:$0x0] =	wrdreg $0x60  }
0xbd: {  	[dreg:$0x2] =	wrdreg s24  }
0xbe: {  	[dreg:$0x3] =	wrdreg $0xA  }
0xbf: {  	_ =	task.clear_ibuf [dreg:s22], $0x4FFFF;
	_ =	strace $0x9000004C  }
0xc0: {  	s29 =	simm.s32 $0xA;
	_ =	strace $0x8000004E  }
0xc1: {  	_ =	swait.ge [sflag:s29], $0x1  }
0xc2: {  	[sflag:s29] =	ssyncadd.s32 $0xFFFFFFFF  }
0xc3: {  	_ =	strace $0x9000004E  }
0xc4: {  	_ =	sfence  }
0xc5: {  	s30 =	sld [smem:$0x0];
	_ =	sdelay $0x2  }
0xc6: {  	s31 =	sshll.u32 s1, $0xD;
	s1 =	sshrl.u32 s1, $0x2  }
0xc7: {  	s4 =	sand.u32 $0x4000, s31;
	s1 =	sadd.s32 s1, s30  }
0xc8: {  	s0 =	sor.u32 s4, s0;
	s1 =	sshll.u32 s1, $0x11  }
0xc9: {  	s0 =	sor.u32 s1, s0  }
0xca: {  	s0 =	sadd.s32 $0x8F2B, s0  }
0xcb: {  	[sflag:s0] =	ssyncadd.remote.s32 $0x1  }
0xcc: {  	_ =	sfence.sel $0xFFFF  }
0xcd: {  	[dreg:$0x0] =	wrdreg $0xFFFFFFFF;
	(pc) =	sbr.abs _section_cstart, $3  }
0xce: {  	[dreg:$0x1] =	wrdreg $0xFFFFFFFF  }
0xcf: {  	_ =	task.clear_ibuf [dreg:s22], $0x2FFFF;
	_ =	strace $0x9FFFFFFF  }
0xd0: {  	(tm) =	ssettm $0x7FFFFFFF  }
0xd1: {  	_ =	shalt  }
tec
execute0_lowered:
.L_overlay_start_1:
0x0: {  	(tag) =	ssettag $0x1  }
0x1: {  	s1 =	srdreg.scid;
	s0 =	stileid.u32  }
0x2: {  	s28 =	sand.u32 $0x1, s1;
	s26 =	sshll.u32 s0, $0x1  }
0x3: {  	s30 =	sor.u32 s28, s26  }
0x4: {  	s3 =	smul.u32 $0x50, s30  }
0x5: {  	s29 =	rddreg [dreg:$0x0];
	s2 =	simm.s32 $0x0  }
0x6: {  	[smem:$0x7FF] =	sst s2;
	s5 =	sadd.s32 s3, s29  }
0x7: {  	_ =	strace $0x8000004D;
	s3 =	simm.s32 $0x2;
	s4 =	sadd.s32 $0x3400, s5  }
0x8: {  	[tilespmem:s2], [sflag:$0x2] =	stream.linear.gather [hbm4b:s4+s2], $0x280, $0x38;
	[tilespmem:$0x14500] =	vst v63  }
0x9: {  	_ =	swait.ge [sflag:s3], $0x280  }
0xa: {  	[sflag:s3] =	ssyncset.done $0x0  }
0xb: {  	s6 =	simm.s32 $0x280;
	s5 =	sadd.s32 $0x7AFA00, s5;
	[sflag:s3] =	ssyncadd.s32 $0xFFFFFD80  }
0xc: {  	[tilespmem:s6], [sflag:$0x2] =	stream.linear.gather [hbm4b:s5+s2], $0x280, $0x38;
	[tilespmem:$0x14500] =	vst v63  }
0xd: {  	_ =	swait.ge [sflag:s3], $0x280  }
0xe: {  	s8 =	simm.s32 $0x80;
	[sflag:s3] =	ssyncset.done $0x0  }
0xf: {  	s9 =	simm.s32 $0x500;
	s7 =	sadd.s32 $0xE800, s29;
	[sflag:s3] =	ssyncadd.s32 $0xFFFFFD80  }
0x10: {  	[tilespmem:s9], [sflag:$0x1] =	stream.indirect.gather [hbm4b:s7+s8], $0x40, s2, s8, $0xb8;
	[tilespmem:$0x14500] =	vst v63  }
0x11: {  	s10 =	simm.s32 $0xA500  }
0x12: {  	[tilespmem:s10], [sflag:$0x1] =	stream.indirect.gather [hbm4b:s7+s8], $0x40, s6, s8, $0xb8;
	[tilespmem:$0x14500] =	vst v63  }
0x13: {  	s11 =	simm.s32 $0x2500  }
0x14: {  	[tilespmem:s11], [sflag:$0x1] =	stream.indirect.gather [hbm4b:s7+s8], $0x40, s8, s8, $0xb8;
	[tilespmem:$0x14500] =	vst v63  }
0x15: {  	s12 =	simm.s32 $0x300;
	s13 =	simm.s32 $0xC500  }
0x16: {  	[tilespmem:s13], [sflag:$0x1] =	stream.indirect.gather [hbm4b:s7+s8], $0x40, s12, s8, $0xb8;
	[tilespmem:$0x14500] =	vst v63  }
0x17: {  	s14 =	simm.s32 $0x100;
	s15 =	simm.s32 $0x4500  }
0x18: {  	[tilespmem:s15], [sflag:$0x1] =	stream.indirect.gather [hbm4b:s7+s8], $0x40, s14, s8, $0xb8;
	[tilespmem:$0x14500] =	vst v63  }
0x19: {  	s16 =	simm.s32 $0x380;
	s17 =	simm.s32 $0xE500  }
0x1a: {  	[tilespmem:s17], [sflag:$0x1] =	stream.indirect.gather [hbm4b:s7+s8], $0x40, s16, s8, $0xb8;
	[tilespmem:$0x14500] =	vst v63  }
0x1b: {  	s18 =	simm.s32 $0x180;
	s19 =	simm.s32 $0x6500  }
0x1c: {  	[tilespmem:s19], [sflag:$0x1] =	stream.indirect.gather [hbm4b:s7+s8], $0x40, s18, s8, $0xb8;
	[tilespmem:$0x14500] =	vst v63  }
0x1d: {  	s20 =	simm.s32 $0x400;
	s21 =	simm.s32 $0x10500  }
0x1e: {  	[tilespmem:s21], [sflag:$0x1] =	stream.indirect.gather [hbm4b:s7+s8], $0x40, s20, s8, $0xb8;
	[tilespmem:$0x14500] =	vst v63  }
0x1f: {  	s22 =	simm.s32 $0x200;
	s23 =	simm.s32 $0x8500  }
0x20: {  	[tilespmem:s23], [sflag:$0x1] =	stream.indirect.gather [hbm4b:s7+s8], $0x40, s22, s8, $0xb8;
	[tilespmem:$0x14500] =	vst v63  }
0x21: {  	s24 =	simm.s32 $0x480;
	s25 =	simm.s32 $0x12500;
	s26 =	simm.s32 $0x1  }
0x22: {  	[tilespmem:s25], [sflag:$0x1] =	stream.indirect.gather [hbm4b:s7+s8], $0x40, s24, s8, $0xb8;
	[tilespmem:$0x14500] =	vst v63  }
0x23: {  	_ =	swait.ge [sflag:s26], $0x2000  }
0x24: {  	[sflag:s26] =	ssyncset.done $0x0  }
0x25: {  	[sflag:s26] =	ssyncadd.s32 $0xFFFFE000  }
0x26: {  	_ =	swait.ge [sflag:s26], $0x2000  }
0x27: {  	[sflag:s26] =	ssyncset.done $0x0  }
0x28: {  	[sflag:s26] =	ssyncadd.s32 $0xFFFFE000  }
0x29: {  	_ =	swait.ge [sflag:s26], $0x2000  }
0x2a: {  	[sflag:s26] =	ssyncset.done $0x0  }
0x2b: {  	[sflag:s26] =	ssyncadd.s32 $0xFFFFE000  }
0x2c: {  	_ =	swait.ge [sflag:s26], $0x2000  }
0x2d: {  	[sflag:s26] =	ssyncset.done $0x0  }
0x2e: {  	[sflag:s26] =	ssyncadd.s32 $0xFFFFE000  }
0x2f: {  	_ =	swait.ge [sflag:s26], $0x2000  }
0x30: {  	[sflag:s26] =	ssyncset.done $0x0  }
0x31: {  	[sflag:s26] =	ssyncadd.s32 $0xFFFFE000  }
0x32: {  	_ =	swait.ge [sflag:s26], $0x2000  }
0x33: {  	[sflag:s26] =	ssyncset.done $0x0  }
0x34: {  	[sflag:s26] =	ssyncadd.s32 $0xFFFFE000  }
0x35: {  	_ =	swait.ge [sflag:s26], $0x2000  }
0x36: {  	[sflag:s26] =	ssyncset.done $0x0  }
0x37: {  	[sflag:s26] =	ssyncadd.s32 $0xFFFFE000  }
0x38: {  	_ =	swait.ge [sflag:s26], $0x2000  }
0x39: {  	[sflag:s26] =	ssyncset.done $0x0  }
0x3a: {  	[sflag:s26] =	ssyncadd.s32 $0xFFFFE000  }
0x3b: {  	_ =	swait.ge [sflag:s26], $0x2000  }
0x3c: {  	s31 =	ssub.s32 $0x2, s28;
	[sflag:s26] =	ssyncset.done $0x0  }
0x3d: {  	s30 =	smul.u32 $0x2800, s30;
	s1 =	sshrl.u32 s31, $0x1;
	[sflag:s26] =	ssyncadd.s32 $0xFFFFE000  }
0x3e: {  	s1 =	ssub.s32 s31, s1;
	_ =	swait.ge [sflag:s26], $0x2000  }
0x3f: {  	s30 =	sadd.s32 s30, s29;
	s29 =	simm.s32 $0x40;
	[sflag:s26] =	ssyncset.done $0x0  }
0x40: {  	s1 =	smax.u32 s1, $0x1;
	s28 =	sadd.s32 $0x7B0400, s30;
	[sflag:s26] =	ssyncadd.s32 $0xFFFFE000  }
0x41: {  	[hbm4b:s28+s29] =	stream.strided.scatter [tilespmem:s9], [sflag:$0x2], $0xA000, s8, s29, $0x38;
	[tilespmem:$0x14500] =	vst v63  }
0x42: {  	p0 =	sne.s32 s1, $0x1;
	_ =	swait.ge [sflag:s3], $0xA000  }
.Ltmp0:
0x43: {  	[sflag:s3] =	ssyncset.done $0x0;
	(pc) =	sbr.rel @!p0 .LBB2_2-.Ltmp0, $4  }
0x44: {  	s30 =	sadd.s32 $0x800400, s30;
	[sflag:s3] =	ssyncadd.s32 $0xFFFF6000  }
0x45: {  	[hbm4b:s30+s29] =	stream.strided.scatter [tilespmem:s10], [sflag:$0x2], $0xA000, s8, s29, $0x38;
	[tilespmem:$0x14500] =	vst v63  }
0x46: {  	_ =	swait.ge [sflag:s3], $0xA000  }
0x47: {  	s31 =	sadd.s32 $0xFFFFFFFF, s1;
	[sflag:s3] =	ssyncset.done $0x0  }
.LBB2_1:
0x48: {  	p0 =	sne.s32 s31, $0x1;
	s31 =	sadd.s32 $0xFFFFFFFF, s31;
	[sflag:s3] =	ssyncadd.s32 $0xFFFF6000  }
0x49: {  	[tilespmem:s2], [sflag:$0x2] =	stream.linear.gather [hbm4b:s4+s2], $0x280, $0x38;
	[tilespmem:$0x14500] =	vst v63  }
0x4a: {  	_ =	swait.ge [sflag:s3], $0x280  }
0x4b: {  	[sflag:s3] =	ssyncset.done $0x0  }
0x4c: {  	[sflag:s3] =	ssyncadd.s32 $0xFFFFFD80  }
0x4d: {  	[tilespmem:s6], [sflag:$0x2] =	stream.linear.gather [hbm4b:s5+s2], $0x280, $0x38;
	[tilespmem:$0x14500] =	vst v63  }
0x4e: {  	_ =	swait.ge [sflag:s3], $0x280  }
0x4f: {  	[sflag:s3] =	ssyncset.done $0x0  }
0x50: {  	[sflag:s3] =	ssyncadd.s32 $0xFFFFFD80  }
0x51: {  	[tilespmem:s9], [sflag:$0x1] =	stream.indirect.gather [hbm4b:s7+s8], $0x40, s2, s8, $0xb8;
	[tilespmem:$0x14500] =	vst v63  }
0x52: {  	_ = 	snop  }
0x53: {  	[tilespmem:s10], [sflag:$0x1] =	stream.indirect.gather [hbm4b:s7+s8], $0x40, s6, s8, $0xb8;
	[tilespmem:$0x14500] =	vst v63  }
0x54: {  	_ = 	snop  }
0x55: {  	[tilespmem:s11], [sflag:$0x1] =	stream.indirect.gather [hbm4b:s7+s8], $0x40, s8, s8, $0xb8;
	[tilespmem:$0x14500] =	vst v63  }
0x56: {  	_ = 	snop  }
0x57: {  	[tilespmem:s13], [sflag:$0x1] =	stream.indirect.gather [hbm4b:s7+s8], $0x40, s12, s8, $0xb8;
	[tilespmem:$0x14500] =	vst v63  }
0x58: {  	_ = 	snop  }
0x59: {  	[tilespmem:s15], [sflag:$0x1] =	stream.indirect.gather [hbm4b:s7+s8], $0x40, s14, s8, $0xb8;
	[tilespmem:$0x14500] =	vst v63  }
0x5a: {  	_ = 	snop  }
0x5b: {  	[tilespmem:s17], [sflag:$0x1] =	stream.indirect.gather [hbm4b:s7+s8], $0x40, s16, s8, $0xb8;
	[tilespmem:$0x14500] =	vst v63  }
0x5c: {  	_ = 	snop  }
0x5d: {  	[tilespmem:s19], [sflag:$0x1] =	stream.indirect.gather [hbm4b:s7+s8], $0x40, s18, s8, $0xb8;
	[tilespmem:$0x14500] =	vst v63  }
0x5e: {  	_ = 	snop  }
0x5f: {  	[tilespmem:s21], [sflag:$0x1] =	stream.indirect.gather [hbm4b:s7+s8], $0x40, s20, s8, $0xb8;
	[tilespmem:$0x14500] =	vst v63  }
0x60: {  	_ = 	snop  }
0x61: {  	[tilespmem:s23], [sflag:$0x1] =	stream.indirect.gather [hbm4b:s7+s8], $0x40, s22, s8, $0xb8;
	[tilespmem:$0x14500] =	vst v63  }
0x62: {  	_ = 	snop  }
0x63: {  	[tilespmem:s25], [sflag:$0x1] =	stream.indirect.gather [hbm4b:s7+s8], $0x40, s24, s8, $0xb8;
	[tilespmem:$0x14500] =	vst v63  }
0x64: {  	_ =	swait.ge [sflag:s26], $0x2000  }
0x65: {  	[sflag:s26] =	ssyncset.done $0x0  }
0x66: {  	[sflag:s26] =	ssyncadd.s32 $0xFFFFE000  }
0x67: {  	_ =	swait.ge [sflag:s26], $0x2000  }
0x68: {  	[sflag:s26] =	ssyncset.done $0x0  }
0x69: {  	[sflag:s26] =	ssyncadd.s32 $0xFFFFE000  }
0x6a: {  	_ =	swait.ge [sflag:s26], $0x2000  }
0x6b: {  	[sflag:s26] =	ssyncset.done $0x0  }
0x6c: {  	[sflag:s26] =	ssyncadd.s32 $0xFFFFE000  }
0x6d: {  	_ =	swait.ge [sflag:s26], $0x2000  }
0x6e: {  	[sflag:s26] =	ssyncset.done $0x0  }
0x6f: {  	[sflag:s26] =	ssyncadd.s32 $0xFFFFE000  }
0x70: {  	_ =	swait.ge [sflag:s26], $0x2000  }
0x71: {  	[sflag:s26] =	ssyncset.done $0x0  }
0x72: {  	[sflag:s26] =	ssyncadd.s32 $0xFFFFE000  }
0x73: {  	_ =	swait.ge [sflag:s26], $0x2000  }
0x74: {  	[sflag:s26] =	ssyncset.done $0x0  }
0x75: {  	[sflag:s26] =	ssyncadd.s32 $0xFFFFE000  }
0x76: {  	_ =	swait.ge [sflag:s26], $0x2000  }
0x77: {  	[sflag:s26] =	ssyncset.done $0x0  }
0x78: {  	[sflag:s26] =	ssyncadd.s32 $0xFFFFE000  }
0x79: {  	_ =	swait.ge [sflag:s26], $0x2000  }
0x7a: {  	[sflag:s26] =	ssyncset.done $0x0  }
0x7b: {  	[sflag:s26] =	ssyncadd.s32 $0xFFFFE000  }
0x7c: {  	_ =	swait.ge [sflag:s26], $0x2000  }
0x7d: {  	[sflag:s26] =	ssyncset.done $0x0  }
0x7e: {  	[sflag:s26] =	ssyncadd.s32 $0xFFFFE000  }
0x7f: {  	_ =	swait.ge [sflag:s26], $0x2000  }
0x80: {  	[sflag:s26] =	ssyncset.done $0x0  }
0x81: {  	[sflag:s26] =	ssyncadd.s32 $0xFFFFE000  }
0x82: {  	[hbm4b:s28+s29] =	stream.strided.scatter [tilespmem:s9], [sflag:$0x2], $0xA000, s8, s29, $0x38;
	[tilespmem:$0x14500] =	vst v63  }
0x83: {  	_ =	swait.ge [sflag:s3], $0xA000  }
.Ltmp1:
0x84: {  	[sflag:s3] =	ssyncset.done $0x0;
	(pc) =	sbr.rel @p0 .LBB2_1-.Ltmp1, $4  }
0x85: {  	[sflag:s3] =	ssyncadd.s32 $0xFFFF6000  }
0x86: {  	[hbm4b:s30+s29] =	stream.strided.scatter [tilespmem:s10], [sflag:$0x2], $0xA000, s8, s29, $0x38;
	[tilespmem:$0x14500] =	vst v63  }
0x87: {  	_ =	swait.ge [sflag:s3], $0xA000  }
0x88: {  	[sflag:s3] =	ssyncset.done $0x0  }
.LBB2_2:
0x89: {  	[sflag:s3] =	ssyncadd.s32 $0xFFFF6000  }
0x8a: {  	_ =	sfence.sel $0x180000  }
0x8b: {  	[bflag:$0x0] =	sbarrier.arrive $0xFFFF  }
0x8c: {  	_ =	strace $0x9000004D  }
0x8d: {  	[bflag:$0x2] =	sbarrier.arrive $0xFFFF  }
0x8e: {  	p0 =	sne.s32 s0, $0x0;
	s0 =	rddreg [dreg:$0x1]  }
0x8f: {  	s0 =	sadd.s32 @!p0 $0x100000, s0  }
0x90: {  	[sflag:s0] =	ssyncadd.tile.s32 @!p0 $0x1;
	_ =	shalt  }
.Lfunc_end2:
_tile_overlayer_lowered:
.L_overlay_start_2:
0x91: {  	(tag) =	ssettag $0x2  }
0x92: {  	s0 =	rddreg [dreg:$0x0];
	s2 =	stileid.u32  }
0x93: {  	s1 =	rddreg [dreg:$0x1];
	p0 =	sne.s32 s2, $0x0  }
0x94: {  	s3 =	rddreg [dreg:$0x2];
	[bflag:$0x3] =	sbarrier.arrive $0xFFFF;
	s2 =	simm.s32 @!p0 $0x1C02  }
0x95: {  	[timem:s3], [sflag:s2] =	dma.local @!p0 [hbm:s0], s1  }
0x96: {  	s0 =	simm.s32 @!p0 $0x2  }
0x97: {  	_ =	swait.ge @!p0 [sflag:s0], s1  }
0x98: {  	s1 =	ssub.s32 @!p0 $0x0, s1;
	[sflag:s0] =	ssyncset.done @!p0 $0x0  }
0x99: {  	[sflag:s0] =	ssyncadd.s32 @!p0 s1  }
0x9a: {  	[bflag:$0x3] =	sbarrier.arrive $0xFFFF  }
0x9b: {  	_ =	shalt  }

// kernel: kernel.9.cloned.1.call-start
scs
__scs_entry_jumppad:
0x0: {  	(pc) =	sbr.rel $0x88, $3  }
0x1: {  	(tag) =	ssettag $0x0;
	lr =	simm.s32 $0x1  }
0x2: {  	[smem:$0x3F91] =	sst lr;
	_ =	strace $0xD0000000  }
0x3: {  	_ = 	snop  }
0x4: {  	_ = 	snop  }
0x5: {  	_ = 	snop  }
0x6: {  	_ = 	snop  }
0x7: {  	_ = 	snop  }
__scs_overlays_trampoline_lowered:
0x8: {  	[smem:$0x3FA0] =	sst s0  }
0x9: {  	[smem:$0x3FA1] =	sst s1  }
0xa: {  	[smem:$0x3FA2] =	sst s2  }
0xb: {  	[smem:$0x3FA3] =	sst s3  }
0xc: {  	[smem:$0x3FA4] =	sst s4  }
0xd: {  	[smem:$0x3FA5] =	sst s5  }
0xe: {  	[smem:$0x3FA6] =	sst s6  }
0xf: {  	[smem:$0x3FA7] =	sst s7  }
0x10: {  	[smem:$0x3FA8] =	sst s8  }
0x11: {  	[smem:$0x3FA9] =	sst s9;
	s0 =	simm.s32 @!p0 $0x0  }
0x12: {  	s1 =	sld [smem:$0x3F8F];
	s0 =	simm.s32 @p0 $0x1  }
0x13: {  	[smem:$0x3FAA] =	sst s0;
	s0 =	simm.s32 @!p1 $0x0  }
0x14: {  	s2 =	sld [smem:$0x3F8E];
	s0 =	simm.s32 @p1 $0x1  }
0x15: {  	[smem:$0x3FAB] =	sst s0;
	s0 =	simm.s32 @!p2 $0x0  }
0x16: {  	s3 =	sld [smem:$0x3FDB];
	s0 =	simm.s32 @p2 $0x1  }
0x17: {  	s4 =	simm.s32 $0x1BF5;
	[smem:$0x3FAD] =	sst s0  }
0x18: {  	s0 =	sld [smem:$0x3F90];
	_ =	swait.ge [sflag:s4], $0x0  }
0x19: {  	s7 =	sld [smem:$0x3F91]  }
0x1a: {  	s8 =	sadd.s32 $0xFFFFE003, lr  }
0x1b: {  	s9 =	sadd.s32 $0xFFFFFEF7, lr;
	s5 =	simm.s32 $0xFFFFFFFF;
	p2 =	slt.u32 s8, $0xFFFFF086  }
0x1c: {  	p1 =	slt.u32 s9, $0xF7A;
	s5 =	simm.s32 @!p2 $0x0  }
0x1d: {  	s5 =	simm.s32 @p1 $0x1;
	p0 =	seq.s32 s7, s2  }
0x1e: {  	s7 =	smul.u32 @!p0 $0xF7A, s2;
	p2 =	seq.s32 @!p0 s5, $0x0  }
0x1f: {  	s9 =	smul.u32 $0xF7A, s1;
	s8 =	simm.s32 @!p0 $0x1BF5;
	p2 =	por !p2, p0  }
0x20: {  	[sflag:s8] =	ssyncset.s32 @!p0 $0xFFFFF086;
	s6 =	sadd.s32 @!p0 s3, s7;
	s7 =	simm.s32 @!p0 $0x108  }
0x21: {  	s3 =	sadd.s32 s3, s9;
	s6 =	sadd.s32 @!p0 $0x88, s6;
	s7 =	simm.s32 @p2 $0x1082  }
0x22: {  	[simem:s7], [sflag:s8] =	dma.local @!p0 [hbm:s6], $0xF7A  }
0x23: {  	s9 =	sor.u32 $0xD0000000, s2;
	s6 =	simm.s32 $0x108;
	_ =	swait.ge @!p0 [sflag:s8], $0x0  }
0x24: {  	s3 =	sadd.s32 $0x88, s3;
	s6 =	simm.s32 @!p1 $0x1082;
	[sflag:s4] =	ssyncset.s32 $0xFFFFF086  }
0x25: {  	[simem:s6], [sflag:s4] =	dma.local [hbm:s3], $0xF7A  }
0x26: {  	[smem:$0x3F91] =	sst s1;
	(tag) =	ssettag s2;
	_ =	strace s9  }
0x27: {  	s1 =	sld [smem:$0x3FA1]  }
0x28: {  	s2 =	sld [smem:$0x3FA2]  }
0x29: {  	s4 =	sld [smem:$0x3FA4]  }
0x2a: {  	p0 =	seq.s32 s5, $0x0;
	s5 =	sld [smem:$0x3FA5]  }
0x2b: {  	s6 =	sld [smem:$0x3FA6]  }
0x2c: {  	s7 =	sld [smem:$0x3FA7]  }
0x2d: {  	s3 =	simm.s32 $0x108;
	s8 =	sld [smem:$0x3FA8]  }
0x2e: {  	s3 =	simm.s32 @!p0 $0x1082;
	s9 =	sld [smem:$0x3FA9]  }
0x2f: {  	lr =	sadd.s32 s0, s3;
	s0 =	sld [smem:$0x3FA0]  }
0x30: {  	s3 =	sld [smem:$0x3FA3]  }
0x31: {  	[smem:$0x3FAC] =	sst s10  }
0x32: {  	s10 =	sld [smem:$0x3FAA];
	_ =	sdelay $0x3  }
0x33: {  	p0 =	seq.s32 s10, $0x1;
	s10 =	sld [smem:$0x3FAC];
	_ =	sdelay $0x3  }
0x34: {  	[smem:$0x3FAC] =	sst s10  }
0x35: {  	s10 =	sld [smem:$0x3FAB];
	_ =	sdelay $0x3  }
0x36: {  	p1 =	seq.s32 s10, $0x1;
	s10 =	sld [smem:$0x3FAC];
	_ =	sdelay $0x3  }
0x37: {  	[smem:$0x3FAC] =	sst s10  }
0x38: {  	s10 =	sld [smem:$0x3FAD]  }
0x39: {  	_ = 	snop;
	(pc) =	sbr.ind lr, $3  }
0x3a: {  	_ = 	snop  }
0x3b: {  	_ = 	snop  }
0x3c: {  	p2 =	seq.s32 s10, $0x1;
	s10 =	sld [smem:$0x3FAC]  }
0x3d: {  	_ =	shalt  }
0x3e: {  	_ =	shalt  }
0x3f: {  	_ =	shalt  }
0x40: {  	_ =	shalt  }
0x41: {  	_ =	shalt  }
0x42: {  	_ =	shalt  }
0x43: {  	_ =	shalt  }
0x44: {  	_ =	shalt  }
0x45: {  	_ =	shalt  }
0x46: {  	_ =	shalt  }
0x47: {  	_ =	shalt  }
0x48: {  	_ =	shalt  }
0x49: {  	_ =	shalt  }
0x4a: {  	_ =	shalt  }
0x4b: {  	_ =	shalt  }
0x4c: {  	_ =	shalt  }
0x4d: {  	_ =	shalt  }
0x4e: {  	_ =	shalt  }
0x4f: {  	_ =	shalt  }
0x50: {  	_ =	shalt  }
0x51: {  	_ =	shalt  }
0x52: {  	_ =	shalt  }
0x53: {  	_ =	shalt  }
0x54: {  	_ =	shalt  }
0x55: {  	_ =	shalt  }
0x56: {  	_ =	shalt  }
0x57: {  	_ =	shalt  }
0x58: {  	_ =	shalt  }
0x59: {  	_ =	shalt  }
0x5a: {  	_ =	shalt  }
0x5b: {  	_ =	shalt  }
0x5c: {  	_ =	shalt  }
0x5d: {  	_ =	shalt  }
0x5e: {  	_ =	shalt  }
0x5f: {  	_ =	shalt  }
0x60: {  	_ =	shalt  }
0x61: {  	_ =	shalt  }
0x62: {  	_ =	shalt  }
0x63: {  	_ =	shalt  }
0x64: {  	_ =	shalt  }
0x65: {  	_ =	shalt  }
0x66: {  	_ =	shalt  }
0x67: {  	_ =	shalt  }
0x68: {  	_ =	shalt  }
0x69: {  	_ =	shalt  }
0x6a: {  	_ =	shalt  }
0x6b: {  	_ =	shalt  }
0x6c: {  	_ =	shalt  }
0x6d: {  	_ =	shalt  }
0x6e: {  	_ =	shalt  }
0x6f: {  	_ =	shalt  }
0x70: {  	_ =	shalt  }
0x71: {  	_ =	shalt  }
0x72: {  	_ =	shalt  }
0x73: {  	_ =	shalt  }
0x74: {  	_ =	shalt  }
0x75: {  	_ =	shalt  }
0x76: {  	_ =	shalt  }
0x77: {  	_ =	shalt  }
0x78: {  	_ =	shalt  }
0x79: {  	_ =	shalt  }
0x7a: {  	_ =	shalt  }
0x7b: {  	_ =	shalt  }
0x7c: {  	_ =	shalt  }
0x7d: {  	_ =	shalt  }
0x7e: {  	_ =	shalt  }
0x7f: {  	_ =	shalt  }
0x80: {  	_ =	shalt  }
0x81: {  	_ =	shalt  }
0x82: {  	_ =	shalt  }
0x83: {  	_ =	shalt  }
0x84: {  	_ =	shalt  }
0x85: {  	_ =	shalt  }
0x86: {  	_ =	shalt  }
0x87: {  	_ =	shalt  }
.Lfunc_end0:
.L_simem_size_0:
called_computation.3_lowered:
.L_overlay_start_0:
0x88: {  	s2 =	sld [smem:$0x3FD9]  }
0x89: {  	s3 =	sld [smem:$0x3FFE];
	_ =	sdelay $0x1  }
0x8a: {  	s1 =	srdreg.scid  }
0x8b: {  	s0 =	sand.u32 $0x1, s1  }
0x8c: {  	s17 =	sshll.u32 s0, $0xA;
	s2 =	sadd.s32 s3, s2  }
0x8d: {  	s2 =	sadd.s32 s2, s17  }
0x8e: {  	[smem:$0x3FB8] =	sst s2  }
0x8f: {  	_ = 	snop  }
0x90: {  	s18 =	sld [smem:$0x3FD0];
	(tm) =	ssettm $0x1  }
0x91: {  	s19 =	sld [smem:$0x3FFB];
	_ =	sdelay $0x3  }
0x92: {  	_ =	strace s19  }
0x93: {  	s2 =	sld [smem:$0x3FFC];
	_ =	sdelay $0x3  }
0x94: {  	_ =	strace s2  }
0x95: {  	s2 =	sld [smem:$0x3FFD];
	_ =	sdelay $0x3  }
0x96: {  	_ =	strace s2  }
0x97: {  	_ =	strace $0x8FFFFFFF  }
0x98: {  	s20 =	sld [smem:$0x3FDB];
	_ =	sdelay $0x1  }
0x99: {  	s4 =	simm.s32 $_scs_section_size  }
0x9a: {  	s5 =	simm.s32 $_size__tile_overlayer_lowered;
	s6 =	simm.s32 $_tile_overlayer_lowered  }
0x9b: {  	s7 =	simm.s32 $0x1BFF;
	s21 =	sshll.u32 s6, $0x1;
	s4 =	sadd.s32 s4, s20  }
0x9c: {  	s22 =	simm.s32 $0x0;
	s5 =	sshll.u32 s5, $0x1;
	s6 =	sadd.s32 s21, s4  }
0x9d: {  	[timem:s22], [sflag:s7] =	dma.local [hbm:s6], s5  }
0x9e: {  	_ =	swait.ge [sflag:s7], s5  }
0x9f: {  	s5 =	ssub.s32 $0x0, s5;
	[sflag:s7] =	ssyncset.done $0x0  }
0xa0: {  	[sflag:s7] =	ssyncadd.s32 s5;
	_ =	sdelay $0x1  }
0xa1: {  	s23 =	simm.s32 $0x1B8B  }
0xa2: {  	_ =	swait.ge [sflag:s23], $0x1  }
0xa3: {  	[sflag:s23] =	ssyncset.done $0x0  }
0xa4: {  	[sflag:s23] =	ssyncadd.s32 $0xFFFFFFFF  }
0xa5: {  	s5 =	sld [smem:$0x0]  }
0xa6: {  	s6 =	sand.u32 $0xFFFFFFFE, s1  }
0xa7: {  	p0 =	sne.s32 s1, s6  }
0xa8: {  	s6 =	sshll.u32 @p0 s6, $0xE  }
0xa9: {  	s6 =	sadd.s32 @p0 $0x11B8D, s6;
	s7 =	sshll.u32 @p0 s5, $0x11  }
0xaa: {  	s6 =	sor.u32 @p0 s7, s6  }
0xab: {  	[sflag:s6] =	ssyncadd.remote.s32 @p0 $0x1;
	_ =	sdelay $0x1  }
0xac: {  	s6 =	simm.s32 @p0 $0x1B8D  }
0xad: {  	_ =	swait.eq @p0 [sflag:s6], $0x1  }
0xae: {  	[sflag:s6] =	ssyncadd.s32 @p0 $0xFFFFFFFF  }
0xaf: {  	s7 =	sshll.u32 @!p0 s1, $0xE  }
0xb0: {  	s7 =	sor.u32 @!p0 $0x4000, s7;
	s6 =	simm.s32 @!p0 $0x1B8D  }
0xb1: {  	s5 =	sshll.u32 @!p0 s5, $0x11;
	s7 =	sadd.s32 @!p0 $0x11B8D, s7;
	_ =	swait.eq @!p0 [sflag:s6], $0x1  }
0xb2: {  	s5 =	sor.u32 @!p0 s5, s7;
	[sflag:s6] =	ssyncadd.s32 @!p0 $0xFFFFFFFF  }
0xb3: {  	s25 =	simm.s32 $0x1B8E;
	s24 =	sld [smem:$0x3FFE];
	[sflag:s5] =	ssyncadd.remote.s32 @!p0 $0x1  }
0xb4: {  	s26 =	simm.s32 $execute0_lowered;
	[smem:$0x3FD2] =	sst s25  }
0xb5: {  	s6 =	sshll.u32 s26, $0x1;
	_ =	strace $0x8000004F;
	[dreg:$0x1] =	wrdreg $0xFFFFFFFF  }
0xb6: {  	s28 =	simm.s32 $_size_execute0_lowered;
	s4 =	sadd.s32 s4, s6;
	[dreg:$0x0] =	wrdreg $0x0  }
0xb7: {  	s6 =	sshll.u32 s28, $0x1;
	[dreg:$0x2] =	wrdreg s4  }
0xb8: {  	[dreg:$0x3] =	wrdreg s6  }
0xb9: {  	[dreg:$0x4] =	wrdreg $0xC0  }
0xba: {  	_ =	task [dreg:s22], $0x5FFFF  }
0xbb: {  	[dreg:$0x1] =	wrdreg $0xFFFFFFFF  }
0xbc: {  	[dreg:$0x0] =	wrdreg $0x60  }
0xbd: {  	[dreg:$0x2] =	wrdreg s18  }
0xbe: {  	[dreg:$0x3] =	wrdreg s24  }
0xbf: {  	[dreg:$0x4] =	wrdreg $0xB  }
0xc0: {  	_ =	task.clear_ibuf [dreg:s22], $0x5FFFF;
	_ =	strace $0x9000004F  }
0xc1: {  	s29 =	simm.s32 $0xB;
	_ =	strace $0x80000051  }
0xc2: {  	_ =	swait.ge [sflag:s29], $0x1  }
0xc3: {  	[sflag:s29] =	ssyncadd.s32 $0xFFFFFFFF  }
0xc4: {  	_ =	strace $0x90000051  }
0xc5: {  	_ =	sfence  }
0xc6: {  	s30 =	sld [smem:$0x0];
	_ =	sdelay $0x2  }
0xc7: {  	s31 =	sshll.u32 s1, $0xD;
	s1 =	sshrl.u32 s1, $0x2  }
0xc8: {  	s4 =	sand.u32 $0x4000, s31;
	s1 =	sadd.s32 s1, s30  }
0xc9: {  	s0 =	sor.u32 s4, s0;
	s1 =	sshll.u32 s1, $0x11  }
0xca: {  	s0 =	sor.u32 s1, s0  }
0xcb: {  	s0 =	sadd.s32 $0x8F2B, s0  }
0xcc: {  	[sflag:s0] =	ssyncadd.remote.s32 $0x1  }
0xcd: {  	_ =	sfence.sel $0xFFFF  }
0xce: {  	[dreg:$0x0] =	wrdreg $0xFFFFFFFF;
	(pc) =	sbr.abs _section_cstart, $3  }
0xcf: {  	[dreg:$0x1] =	wrdreg $0xFFFFFFFF  }
0xd0: {  	_ =	task.clear_ibuf [dreg:s22], $0x2FFFF;
	_ =	strace $0x9FFFFFFF  }
0xd1: {  	(tm) =	ssettm $0x7FFFFFFF  }
tec
execute0_lowered:
.L_overlay_start_1:
0x0: {  	(tag) =	ssettag $0x1  }
0x1: {  	s4 =	rddreg [dreg:$0x0]  }
0x2: {  	s5 =	rddreg [dreg:$0x1];
	s2 =	simm.s32 $0x0;
	s3 =	srdreg.scid  }
0x3: {  	s1 =	stileid.u32;
	s12 =	simm.s32 $0x6600;
	s13 =	simm.s32 $0xA600  }
0x4: {  	s14 =	simm.s32 $0xC600;
	s15 =	simm.s32 $0xE600;
	s16 =	simm.s32 $0x10600  }
0x5: {  	s17 =	simm.s32 $0x12600;
	s18 =	simm.s32 $0x14600;
	s19 =	simm.s32 $0x16600  }
0x6: {  	s20 =	simm.s32 $0x1;
	s21 =	simm.s32 $0x40;
	s22 =	simm.s32 $0x2  }
0x7: {  	s23 =	simm.s32 $0x0;
	[smem:$0x7FF] =	sst s2;
	s6 =	sand.u32 $0x1, s3  }
0x8: {  	s8 =	smul.u32 $0x3C00, s1;
	s3 =	sadd.s32 $0xE800, s5;
	s5 =	sadd.s32 $0x850400, s5  }
0x9: {  	s7 =	sshll.u32 s1, $0x1;
	s28 =	smul.u32 $0x3C000, s1;
	_ =	strace $0x80000050  }
0xa: {  	s7 =	sor.u32 s6, s7;
	s9 =	smul.u32 $0x1E00, s6;
	s10 =	ssub.s32 $0x2, s6  }
0xb: {  	s29 =	smul.u32 $0x1E000, s6;
	[dreg:$0x3] =	wrdreg s12;
	s12 =	simm.s32 $0x8600  }
0xc: {  	s7 =	smul.u32 $0x500, s7;
	s11 =	sshrl.u32 s10, $0x1;
	s31 =	sadd.s32 s28, s5  }
0xd: {  	s8 =	sadd.s32 s9, s8;
	s10 =	ssub.s32 s10, s11;
	s9 =	simm.s32 $0x2800  }
0xe: {  	s11 =	simm.s32 $0x4600;
	s8 =	sshll.u32 s8, $0x4;
	s4 =	sadd.s32 s4, s7  }
0xf: {  	v0 =	vlaneseq.u32;
	s7 =	sadd.s32 s29, s31;
	s30 =	sadd.s32 s5, s8;
	s5 =	smax.u32 s10, $0x1  }
0x10: {  	v1 =	vor.u32 $0xFFFFFFF8, v0;
	s8 =	simm.s32 $0x3;
	s10 =	simm.s32 $0x80;
	s6 =	sadd.s32 $0x2800, s30  }
.LBB2_1:
0x11: {  	v5 =	vor.u32 s2, v0  }
0x12: {  	v2 =	vmul.u32 $0xAAB, v5;
	_ =	sdelay $0x1  }
0x13: {  	v3 =	vshrl.u32 v2, $0xF  }
0x14: {  	v2 =	vmul.u32 $0xFFFFFFF4, v3;
	_ =	sdelay $0x1  }
0x15: {  	s24 =	simm.s32 $0x10;
	v4 =	vadd.s32 v5, v2  }
0x16: {  	v3 =	vshll.u32 v3, $0x4;
	v2 =	vor.u32 s24, v0;
	v6 =	vand.u32 $0xFFFFFFF8, v4  }
0x17: {  	v7 =	vmul.u32 $0xAAB, v2;
	v4 =	vand.u32 $0x7, v4;
	v3 =	vadd.s32 v3, v6  }
0x18: {  	v4 =	vor.u32 v4, v3  }
0x19: {  	[tilespmem:s2], [sflag:$0x3] =	stream.linear.gather [hbm4b:s4+s2], $0x2800, $0x38;
	v8 =	vshrl.u32 v7, $0xF;
	[tilespmem:$0x18600] =	vst v63  }
0x1a: {  	_ =	swait.ge [sflag:s8], $0x2800;
	v6 =	vmul.u32 $0xFFFFFFF4, v8  }
0x1b: {  	[sflag:s8] =	ssyncset.done $0x0  }
0x1c: {  	s31 =	simm.s32 $0x20;
	[sflag:s8] =	ssyncadd.s32 $0xFFFFD800;
	v5 =	vand.u32 v1, v5;
	v6 =	vadd.s32 v2, v6  }
0x1d: {  	s24 =	simm.s32 $0x30;
	v3 =	vor.u32 s31, v0;
	v8 =	vshll.u32 v8, $0x4;
	v7 =	vand.u32 $0xFFFFFFF8, v6;
	v4 =	vld.idx.msk [tilespmem:v4+s2+$0x0], $0xffff  }
.LBB2_2:
0x1e: {  	p0 =	sne.s32 s24, $0x1DF0;
	v9 =	vmul.u32 $0xAAB, v3;
	v6 =	vand.u32 $0x7, v6;
	v7 =	vadd.s32 v8, v7  }
0x1f: {  	v10 =	vor.u32 v6, v7  }
.Ltmp0:
0x20: {  	v8 =	vshrl.u32 v9, $0xF;
	(pc) =	sbr.rel @p0 .LBB2_2-.Ltmp0, $3  }
0x21: {  	v6 =	vmul.u32 $0xFFFFFFF4, v8;
	_ =	sdelay $0x1  }
0x22: {  	s25 =	simm.s32 $0x0;
	v9 =	vor.u32 s24, v0;
	v6 =	vadd.s32 v3, v6;
	[tilespmem:v5+s9+$0x0] =	vst.idx.msk $0xffff, v4  }
0x23: {  	s24 =	sadd.s32 $0x10, s24;
	v8 =	vshll.u32 v8, $0x4;
	v5 =	vand.u32 v1, v2;
	v2 =	vmovc v3;
	v3 =	vmovc v9;
	v7 =	vand.u32 $0xFFFFFFF8, v6;
	v4 =	vld.idx.msk [tilespmem:v10+s25+$0x0], $0xffff  }
0x24: {  	v9 =	vmul.u32 $0xAAB, v3  }
0x25: {  	v6 =	vand.u32 $0x7, v6;
	v7 =	vadd.s32 v8, v7  }
0x26: {  	v6 =	vor.u32 v6, v7;
	v59 =	vshrl.u32 v9, $0xF  }
0x27: {  	v60 =	vmul.u32 $0xFFFFFFF4, v59;
	_ =	sdelay $0x1  }
0x28: {  	v8 =	vadd.s32 v3, v60  }
0x29: {  	v62 =	vshll.u32 v59, $0x4;
	[tilespmem:v5+s9+$0x0] =	vst.idx.msk $0xffff, v4;
	v61 =	vand.u32 $0xFFFFFFF8, v8  }
0x2a: {  	v2 =	vand.u32 v1, v2;
	v6 =	vld.idx.msk [tilespmem:v6+s25+$0x0], $0xffff;
	v63 =	vand.u32 $0x7, v8;
	v4 =	vadd.s32 v62, v61  }
0x2b: {  	v4 =	vor.u32 v63, v4;
	_ =	sdelay $0x3  }
0x2c: {  	[tilespmem:v2+s9+$0x0] =	vst.idx.msk $0xffff, v6  }
0x2d: {  	p1 =	por $0x1, $0x1;
	v3 =	vand.u32 v1, v3;
	v2 =	vld.idx.msk [tilespmem:v4+s25+$0x0], $0xffff  }
.Ltmp1:
0x2e: {  	_ = 	snop;
	(pc) =	sbr.rel @!p1 .LBB2_4-.Ltmp1, $2  }
0x2f: {  	_ =	sdelay $0x2  }
0x30: {  	s29 =	simm.s32 $0x0;
	s30 =	rddreg [dreg:$0x3];
	p0 =	por $0x0, $0x0;
	[tilespmem:v3+s9+$0x0] =	vst.idx.msk $0xffff, v2  }
0x31: {  	s24 =	simm.s32 $0x2800  }
0x32: {  	[tilespmem:s11], [sflag:$0x1] =	stream.indirect.gather [hbm4b:s3+s10], $0x40, s24, s10, $0xb8;
	[tilespmem:$0x18600] =	vst v63  }
0x33: {  	s28 =	simm.s32 $0x2880  }
0x34: {  	[tilespmem:s30], [sflag:$0x1] =	stream.indirect.gather [hbm4b:s3+s10], $0x40, s28, s10, $0xb8;
	[tilespmem:$0x18600] =	vst v63  }
0x35: {  	s0 =	simm.s32 $0x2900  }
0x36: {  	[tilespmem:s12], [sflag:$0x1] =	stream.indirect.gather [hbm4b:s3+s10], $0x40, s0, s10, $0xb8;
	[tilespmem:$0x18600] =	vst v63  }
0x37: {  	s25 =	simm.s32 $0x2980  }
0x38: {  	[tilespmem:s13], [sflag:$0x1] =	stream.indirect.gather [hbm4b:s3+s10], $0x40, s25, s10, $0xb8;
	[tilespmem:$0x18600] =	vst v63  }
0x39: {  	s26 =	simm.s32 $0x2A00  }
0x3a: {  	[tilespmem:s14], [sflag:$0x1] =	stream.indirect.gather [hbm4b:s3+s10], $0x40, s26, s10, $0xb8;
	[tilespmem:$0x18600] =	vst v63  }
0x3b: {  	s28 =	simm.s32 $0x2A80  }
0x3c: {  	[tilespmem:s15], [sflag:$0x2] =	stream.indirect.gather [hbm4b:s3+s10], $0x40, s28, s10, $0xb8;
	[tilespmem:$0x18600] =	vst v63  }
0x3d: {  	s0 =	simm.s32 $0x2B00  }
0x3e: {  	[tilespmem:s16], [sflag:$0x2] =	stream.indirect.gather [hbm4b:s3+s10], $0x40, s0, s10, $0xb8;
	[tilespmem:$0x18600] =	vst v63  }
0x3f: {  	s25 =	simm.s32 $0x2B80  }
0x40: {  	[tilespmem:s17], [sflag:$0x2] =	stream.indirect.gather [hbm4b:s3+s10], $0x40, s25, s10, $0xb8;
	[tilespmem:$0x18600] =	vst v63  }
0x41: {  	s26 =	simm.s32 $0x2C00  }
0x42: {  	[tilespmem:s18], [sflag:$0x2] =	stream.indirect.gather [hbm4b:s3+s10], $0x40, s26, s10, $0xb8;
	[tilespmem:$0x18600] =	vst v63  }
0x43: {  	s28 =	simm.s32 $0x2C80  }
0x44: {  	[tilespmem:s19], [sflag:$0x2] =	stream.indirect.gather [hbm4b:s3+s10], $0x40, s28, s10, $0xb8;
	[tilespmem:$0x18600] =	vst v63  }
0x45: {  	_ =	swait.ge [sflag:s20], $0x2000  }
0x46: {  	[sflag:s20] =	ssyncset.done $0x0  }
0x47: {  	[sflag:s20] =	ssyncadd.s32 $0xFFFFE000  }
0x48: {  	_ =	swait.ge [sflag:s20], $0x2000  }
0x49: {  	[sflag:s20] =	ssyncset.done $0x0  }
0x4a: {  	[sflag:s20] =	ssyncadd.s32 $0xFFFFE000  }
0x4b: {  	_ =	swait.ge [sflag:s20], $0x2000  }
0x4c: {  	[sflag:s20] =	ssyncset.done $0x0  }
0x4d: {  	[sflag:s20] =	ssyncadd.s32 $0xFFFFE000  }
0x4e: {  	_ =	swait.ge [sflag:s20], $0x2000  }
0x4f: {  	[sflag:s20] =	ssyncset.done $0x0  }
0x50: {  	[sflag:s20] =	ssyncadd.s32 $0xFFFFE000  }
0x51: {  	_ =	swait.ge [sflag:s20], $0x2000  }
0x52: {  	[sflag:s20] =	ssyncset.done $0x0  }
0x53: {  	[sflag:s20] =	ssyncadd.s32 $0xFFFFE000  }
0x54: {  	[hbm4b:s7+s21] =	stream.strided.scatter [tilespmem:s11], [sflag:$0x3], $0xA000, s10, s21, $0x38;
	[tilespmem:$0x18600] =	vst v63  }
0x55: {  	_ =	swait.ge [sflag:s8], $0xA000  }
0x56: {  	[sflag:s8] =	ssyncset.done $0x0  }
0x57: {  	[sflag:s8] =	ssyncadd.s32 $0xFFFF6000  }
0x58: {  	_ =	swait.ge [sflag:s22], $0x2000  }
0x59: {  	[sflag:s22] =	ssyncset.done $0x0  }
0x5a: {  	[sflag:s22] =	ssyncadd.s32 $0xFFFFE000  }
0x5b: {  	_ =	swait.ge [sflag:s22], $0x2000  }
0x5c: {  	[sflag:s22] =	ssyncset.done $0x0  }
0x5d: {  	[sflag:s22] =	ssyncadd.s32 $0xFFFFE000  }
0x5e: {  	_ =	swait.ge [sflag:s22], $0x2000  }
0x5f: {  	[sflag:s22] =	ssyncset.done $0x0  }
0x60: {  	[sflag:s22] =	ssyncadd.s32 $0xFFFFE000  }
0x61: {  	_ =	swait.ge [sflag:s22], $0x2000  }
0x62: {  	[sflag:s22] =	ssyncset.done $0x0  }
0x63: {  	[sflag:s22] =	ssyncadd.s32 $0xFFFFE000  }
0x64: {  	p1 =	por $0x1, $0x1;
	_ =	swait.ge [sflag:s22], $0x2000  }
.Ltmp2:
0x65: {  	[sflag:s22] =	ssyncset.done $0x0;
	(pc) =	sbr.rel @!p1 .LBB2_7-.Ltmp2, $4  }
0x66: {  	s31 =	simm.s32 $0x2800;
	s29 =	simm.s32 $0x500;
	[sflag:s22] =	ssyncadd.s32 $0xFFFFE000  }
0x67: {  	[hbm4b:s6+s21] =	stream.strided.scatter [tilespmem:s15], [sflag:$0x3], $0xA000, s10, s21, $0x38;
	[tilespmem:$0x18600] =	vst v63  }
0x68: {  	p0 =	por $0x1, $0x1;
	s24 =	sadd.s32 $0x5000, s6;
	_ =	swait.ge [sflag:s8], $0xA000  }
0x69: {  	s25 =	sadd.s32 $0x5000, s7;
	s30 =	rddreg [dreg:$0x3];
	[sflag:s8] =	ssyncset.done $0x0  }
.LBB2_6:
0x6a: {  	s0 =	sadd.s32 $0x2800, s29;
	[sflag:s8] =	ssyncadd.s32 $0xFFFF6000  }
0x6b: {  	[tilespmem:s11], [sflag:$0x1] =	stream.indirect.gather [hbm4b:s3+s10], $0x40, s0, s10, $0xb8;
	[tilespmem:$0x18600] =	vst v63  }
0x6c: {  	s0 =	sadd.s32 $0x2880, s29  }
0x6d: {  	[tilespmem:s30], [sflag:$0x1] =	stream.indirect.gather [hbm4b:s3+s10], $0x40, s0, s10, $0xb8;
	[tilespmem:$0x18600] =	vst v63  }
0x6e: {  	s0 =	sadd.s32 $0x2900, s29  }
0x6f: {  	[tilespmem:s12], [sflag:$0x1] =	stream.indirect.gather [hbm4b:s3+s10], $0x40, s0, s10, $0xb8;
	[tilespmem:$0x18600] =	vst v63  }
0x70: {  	s0 =	sadd.s32 $0x2980, s29  }
0x71: {  	[tilespmem:s13], [sflag:$0x1] =	stream.indirect.gather [hbm4b:s3+s10], $0x40, s0, s10, $0xb8;
	[tilespmem:$0x18600] =	vst v63  }
0x72: {  	s0 =	sadd.s32 $0x2A00, s29  }
0x73: {  	[tilespmem:s14], [sflag:$0x1] =	stream.indirect.gather [hbm4b:s3+s10], $0x40, s0, s10, $0xb8;
	[tilespmem:$0x18600] =	vst v63  }
0x74: {  	s0 =	sadd.s32 $0x2A80, s29  }
0x75: {  	[tilespmem:s15], [sflag:$0x2] =	stream.indirect.gather [hbm4b:s3+s10], $0x40, s0, s10, $0xb8;
	[tilespmem:$0x18600] =	vst v63  }
0x76: {  	s0 =	sadd.s32 $0x2B00, s29  }
0x77: {  	[tilespmem:s16], [sflag:$0x2] =	stream.indirect.gather [hbm4b:s3+s10], $0x40, s0, s10, $0xb8;
	[tilespmem:$0x18600] =	vst v63  }
0x78: {  	s0 =	sadd.s32 $0x2B80, s29  }
0x79: {  	[tilespmem:s17], [sflag:$0x2] =	stream.indirect.gather [hbm4b:s3+s10], $0x40, s0, s10, $0xb8;
	[tilespmem:$0x18600] =	vst v63  }
0x7a: {  	s0 =	sadd.s32 $0x2C00, s29  }
0x7b: {  	[tilespmem:s18], [sflag:$0x2] =	stream.indirect.gather [hbm4b:s3+s10], $0x40, s0, s10, $0xb8;
	[tilespmem:$0x18600] =	vst v63  }
0x7c: {  	s0 =	sadd.s32 $0x2C80, s29  }
0x7d: {  	[tilespmem:s19], [sflag:$0x2] =	stream.indirect.gather [hbm4b:s3+s10], $0x40, s0, s10, $0xb8;
	[tilespmem:$0x18600] =	vst v63  }
0x7e: {  	_ =	swait.ge [sflag:s20], $0x2000  }
0x7f: {  	[sflag:s20] =	ssyncset.done $0x0  }
0x80: {  	[sflag:s20] =	ssyncadd.s32 $0xFFFFE000  }
0x81: {  	_ =	swait.ge [sflag:s20], $0x2000  }
0x82: {  	[sflag:s20] =	ssyncset.done $0x0  }
0x83: {  	[sflag:s20] =	ssyncadd.s32 $0xFFFFE000  }
0x84: {  	_ =	swait.ge [sflag:s20], $0x2000  }
0x85: {  	[sflag:s20] =	ssyncset.done $0x0  }
0x86: {  	[sflag:s20] =	ssyncadd.s32 $0xFFFFE000  }
0x87: {  	_ =	swait.ge [sflag:s20], $0x2000  }
0x88: {  	[sflag:s20] =	ssyncset.done $0x0  }
0x89: {  	[sflag:s20] =	ssyncadd.s32 $0xFFFFE000  }
0x8a: {  	_ =	swait.ge [sflag:s20], $0x2000  }
0x8b: {  	[sflag:s20] =	ssyncset.done $0x0  }
0x8c: {  	[sflag:s20] =	ssyncadd.s32 $0xFFFFE000  }
0x8d: {  	[hbm4b:s25+s21] =	stream.strided.scatter [tilespmem:s11], [sflag:$0x3], $0xA000, s10, s21, $0x38;
	[tilespmem:$0x18600] =	vst v63  }
0x8e: {  	_ =	swait.ge [sflag:s8], $0xA000  }
0x8f: {  	[sflag:s8] =	ssyncset.done $0x0  }
0x90: {  	[sflag:s8] =	ssyncadd.s32 $0xFFFF6000  }
0x91: {  	_ =	swait.ge [sflag:s22], $0x2000  }
0x92: {  	[sflag:s22] =	ssyncset.done $0x0  }
0x93: {  	[sflag:s22] =	ssyncadd.s32 $0xFFFFE000  }
0x94: {  	_ =	swait.ge [sflag:s22], $0x2000  }
0x95: {  	[sflag:s22] =	ssyncset.done $0x0  }
0x96: {  	[sflag:s22] =	ssyncadd.s32 $0xFFFFE000  }
0x97: {  	_ =	swait.ge [sflag:s22], $0x2000  }
0x98: {  	[sflag:s22] =	ssyncset.done $0x0  }
0x99: {  	[sflag:s22] =	ssyncadd.s32 $0xFFFFE000  }
0x9a: {  	_ =	swait.ge [sflag:s22], $0x2000  }
0x9b: {  	[sflag:s22] =	ssyncset.done $0x0  }
0x9c: {  	[sflag:s22] =	ssyncadd.s32 $0xFFFFE000  }
0x9d: {  	p1 =	sne.s32 s31, $0x6400;
	_ =	swait.ge [sflag:s22], $0x2000  }
.Ltmp3:
0x9e: {  	s26 =	sadd.s32 $0x1400, s31;
	[sflag:s22] =	ssyncset.done $0x0;
	(pc) =	sbr.rel @p1 .LBB2_6-.Ltmp3, $4  }
0x9f: {  	s28 =	smov.u32 s31;
	s31 =	smov.u32 s26;
	[sflag:s22] =	ssyncadd.s32 $0xFFFFE000  }
0xa0: {  	[hbm4b:s24+s21] =	stream.strided.scatter [tilespmem:s15], [sflag:$0x3], $0xA000, s10, s21, $0x38;
	[tilespmem:$0x18600] =	vst v63  }
0xa1: {  	s29 =	sshra.s32 s28, $0x2;
	s25 =	sadd.s32 $0x5000, s25;
	_ =	swait.ge [sflag:s8], $0xA000  }
0xa2: {  	s24 =	sadd.s32 $0x5000, s24;
	s30 =	rddreg [dreg:$0x3];
	[sflag:s8] =	ssyncset.done $0x0  }
.LBB2_7:
0xa3: {  	s0 =	sadd.s32 $0x2800, s29;
	[sflag:s8] =	ssyncadd.s32 @p0 $0xFFFF6000  }
0xa4: {  	[tilespmem:s11], [sflag:$0x1] =	stream.indirect.gather [hbm4b:s3+s10], $0x40, s0, s10, $0xb8;
	[tilespmem:$0x18600] =	vst v63  }
0xa5: {  	s31 =	sadd.s32 $0x2880, s29  }
0xa6: {  	[tilespmem:s30], [sflag:$0x1] =	stream.indirect.gather [hbm4b:s3+s10], $0x40, s31, s10, $0xb8;
	[tilespmem:$0x18600] =	vst v63  }
0xa7: {  	s26 =	sadd.s32 $0x2900, s29  }
0xa8: {  	[tilespmem:s12], [sflag:$0x1] =	stream.indirect.gather [hbm4b:s3+s10], $0x40, s26, s10, $0xb8;
	[tilespmem:$0x18600] =	vst v63  }
0xa9: {  	s28 =	sadd.s32 $0x2980, s29  }
0xaa: {  	[tilespmem:s13], [sflag:$0x1] =	stream.indirect.gather [hbm4b:s3+s10], $0x40, s28, s10, $0xb8;
	[tilespmem:$0x18600] =	vst v63  }
0xab: {  	s30 =	sadd.s32 $0x2A00, s29  }
0xac: {  	[tilespmem:s14], [sflag:$0x1] =	stream.indirect.gather [hbm4b:s3+s10], $0x40, s30, s10, $0xb8;
	[tilespmem:$0x18600] =	vst v63  }
0xad: {  	s31 =	sadd.s32 $0x2A80, s29  }
0xae: {  	[tilespmem:s15], [sflag:$0x2] =	stream.indirect.gather [hbm4b:s3+s10], $0x40, s31, s10, $0xb8;
	[tilespmem:$0x18600] =	vst v63  }
0xaf: {  	s26 =	sadd.s32 $0x2B00, s29  }
0xb0: {  	[tilespmem:s16], [sflag:$0x2] =	stream.indirect.gather [hbm4b:s3+s10], $0x40, s26, s10, $0xb8;
	[tilespmem:$0x18600] =	vst v63  }
0xb1: {  	s28 =	sadd.s32 $0x2B80, s29  }
0xb2: {  	[tilespmem:s17], [sflag:$0x2] =	stream.indirect.gather [hbm4b:s3+s10], $0x40, s28, s10, $0xb8;
	[tilespmem:$0x18600] =	vst v63  }
0xb3: {  	s30 =	sadd.s32 $0x2C00, s29  }
0xb4: {  	[tilespmem:s18], [sflag:$0x2] =	stream.indirect.gather [hbm4b:s3+s10], $0x40, s30, s10, $0xb8;
	[tilespmem:$0x18600] =	vst v63  }
0xb5: {  	s31 =	sadd.s32 $0x2C80, s29  }
0xb6: {  	[tilespmem:s19], [sflag:$0x2] =	stream.indirect.gather [hbm4b:s3+s10], $0x40, s31, s10, $0xb8;
	[tilespmem:$0x18600] =	vst v63  }
0xb7: {  	_ =	swait.ge [sflag:s20], $0x2000  }
0xb8: {  	[sflag:s20] =	ssyncset.done $0x0  }
0xb9: {  	[sflag:s20] =	ssyncadd.s32 $0xFFFFE000  }
0xba: {  	_ =	swait.ge [sflag:s20], $0x2000  }
0xbb: {  	[sflag:s20] =	ssyncset.done $0x0  }
0xbc: {  	[sflag:s20] =	ssyncadd.s32 $0xFFFFE000  }
0xbd: {  	_ =	swait.ge [sflag:s20], $0x2000  }
0xbe: {  	[sflag:s20] =	ssyncset.done $0x0  }
0xbf: {  	[sflag:s20] =	ssyncadd.s32 $0xFFFFE000  }
0xc0: {  	_ =	swait.ge [sflag:s20], $0x2000  }
0xc1: {  	[sflag:s20] =	ssyncset.done $0x0  }
0xc2: {  	[sflag:s20] =	ssyncadd.s32 $0xFFFFE000  }
0xc3: {  	_ =	swait.ge [sflag:s20], $0x2000  }
0xc4: {  	[sflag:s20] =	ssyncset.done $0x0  }
0xc5: {  	[sflag:s20] =	ssyncadd.s32 $0xFFFFE000  }
0xc6: {  	[hbm4b:s25+s21] =	stream.strided.scatter [tilespmem:s11], [sflag:$0x3], $0xA000, s10, s21, $0x38;
	[tilespmem:$0x18600] =	vst v63  }
0xc7: {  	_ =	swait.ge [sflag:s8], $0xA000  }
0xc8: {  	[sflag:s8] =	ssyncset.done $0x0  }
0xc9: {  	[sflag:s8] =	ssyncadd.s32 $0xFFFF6000  }
0xca: {  	_ =	swait.ge [sflag:s22], $0x2000  }
0xcb: {  	[sflag:s22] =	ssyncset.done $0x0  }
0xcc: {  	[sflag:s22] =	ssyncadd.s32 $0xFFFFE000  }
0xcd: {  	_ =	swait.ge [sflag:s22], $0x2000  }
0xce: {  	[sflag:s22] =	ssyncset.done $0x0  }
0xcf: {  	[sflag:s22] =	ssyncadd.s32 $0xFFFFE000  }
0xd0: {  	_ =	swait.ge [sflag:s22], $0x2000  }
0xd1: {  	[sflag:s22] =	ssyncset.done $0x0  }
0xd2: {  	[sflag:s22] =	ssyncadd.s32 $0xFFFFE000  }
0xd3: {  	_ =	swait.ge [sflag:s22], $0x2000  }
0xd4: {  	[sflag:s22] =	ssyncset.done $0x0  }
0xd5: {  	[sflag:s22] =	ssyncadd.s32 $0xFFFFE000  }
0xd6: {  	_ =	swait.ge [sflag:s22], $0x2000  }
0xd7: {  	s23 =	sadd.s32 $0x1, s23;
	[sflag:s22] =	ssyncset.done $0x0  }
0xd8: {  	p0 =	sne.s32 s23, s5;
	[sflag:s22] =	ssyncadd.s32 $0xFFFFE000  }
0xd9: {  	[hbm4b:s24+s21] =	stream.strided.scatter [tilespmem:s15], [sflag:$0x3], $0xA000, s10, s21, $0x38;
	[tilespmem:$0x18600] =	vst v63  }
.Ltmp4:
0xda: {  	_ = 	snop;
	(pc) =	sbr.rel @p0 .LBB2_1-.Ltmp4, $4  }
.Ltmp5:
0xdb: {  	_ = 	snop;
	(pc) =	sbr.rel @!p0 .LBB2_8-.Ltmp5, $4  }
0xdc: {  	_ =	swait.ge [sflag:s8], $0xA000  }
0xdd: {  	[sflag:s8] =	ssyncset.done $0x0  }
0xde: {  	[sflag:s8] =	ssyncadd.s32 $0xFFFF6000  }
0xdf: {  	_ = 	snop  }
.LBB2_4:
.Ltmp6:
0xe0: {  	(pc) =	sbr.rel .LBB2_7-.Ltmp6, $2  }
0xe1: {  	_ =	sdelay $0x2  }
0xe2: {  	s25 =	smov.u32 s7;
	s24 =	smov.u32 s6  }
.LBB2_8:
0xe3: {  	_ =	sfence.sel $0x180000  }
0xe4: {  	[bflag:$0x0] =	sbarrier.arrive $0xFFFF  }
0xe5: {  	_ =	strace $0x90000050  }
0xe6: {  	[bflag:$0x2] =	sbarrier.arrive $0xFFFF  }
0xe7: {  	p0 =	sne.s32 s1, $0x0;
	s0 =	rddreg [dreg:$0x2]  }
0xe8: {  	s0 =	sadd.s32 @!p0 $0x100000, s0  }
0xe9: {  	[sflag:s0] =	ssyncadd.tile.s32 @!p0 $0x1;
	_ =	shalt  }
.Lfunc_end2:
_tile_overlayer_lowered:
.L_overlay_start_2:
0xea: {  	(tag) =	ssettag $0x2  }
0xeb: {  	s0 =	rddreg [dreg:$0x0];
	s2 =	stileid.u32  }
0xec: {  	s1 =	rddreg [dreg:$0x1];
	p0 =	sne.s32 s2, $0x0  }
0xed: {  	s3 =	rddreg [dreg:$0x2];
	[bflag:$0x3] =	sbarrier.arrive $0xFFFF;
	s2 =	simm.s32 @!p0 $0x1C03  }
0xee: {  	[timem:s3], [sflag:s2] =	dma.local @!p0 [hbm:s0], s1  }
0xef: {  	s0 =	simm.s32 @!p0 $0x3  }
0xf0: {  	_ =	swait.ge @!p0 [sflag:s0], s1  }
0xf1: {  	s1 =	ssub.s32 @!p0 $0x0, s1;
	[sflag:s0] =	ssyncset.done @!p0 $0x0  }
0xf2: {  	[sflag:s0] =	ssyncadd.s32 @!p0 s1  }
0xf3: {  	[bflag:$0x3] =	sbarrier.arrive $0xFFFF  }
0xf4: {  	_ =	shalt  }

</sc_bundles>
